<compile_context>
chip_gen: v7x
topology: tpu7x:2x2x1
jax: 0.10.2.dev20260603
libtpu: 0.0.44.dev20260713+nightly
codegen_flags: <defaults>
</compile_context>

<pallas_src>
import functools

import jax
import jax.numpy as jnp
from jax import lax
from jax.experimental import pallas as pl
from jax.experimental.pallas import tpu as pltpu
from jax.experimental.pallas import tpu_sc as plsc

N = 10000
NPAD = 10240
E = 160000
EPAD = 163840
NW = 32
EPW = EPAD // NW
CH = 1024
NCH = EPW // CH
BE = 2048
BN = 2048
f32 = jnp.float32


def _sc_gather2_body(src_hbm, tgt_hbm, p_hbm, q_hbm, po_hbm, qo_hbm,
                     idx_s, idx_t, pb, qb, sem1, sem2):
    wid = lax.axis_index("s") * 2 + lax.axis_index("c")

    def body(ch, carry):
        base = pl.multiple_of(wid * EPW + ch * CH, CH)
        pltpu.sync_copy(src_hbm.at[pl.ds(base, CH)], idx_s)
        pltpu.sync_copy(tgt_hbm.at[pl.ds(base, CH)], idx_t)
        c1 = pltpu.async_copy(p_hbm.at[idx_s], pb, sem1)
        c2 = pltpu.async_copy(q_hbm.at[idx_t], qb, sem2)
        c1.wait()
        c2.wait()
        pltpu.sync_copy(pb, po_hbm.at[pl.ds(base, CH)])
        pltpu.sync_copy(qb, qo_hbm.at[pl.ds(base, CH)])
        return carry

    lax.fori_loop(0, NCH, body, 0)


@functools.lru_cache(maxsize=None)
def _sc_mesh():
    return plsc.VectorSubcoreMesh(core_axis_name="c", subcore_axis_name="s")


@functools.lru_cache(maxsize=None)
def _sc_gather2():
    return pl.kernel(
        _sc_gather2_body,
        out_type=[jax.ShapeDtypeStruct((EPAD, 32), f32),
                  jax.ShapeDtypeStruct((EPAD, 32), f32)],
        mesh=_sc_mesh(),
        scratch_types=[pltpu.VMEM((CH,), jnp.int32),
                       pltpu.VMEM((CH,), jnp.int32),
                       pltpu.VMEM((CH, 32), f32),
                       pltpu.VMEM((CH, 32), f32),
                       pltpu.SemaphoreType.DMA,
                       pltpu.SemaphoreType.DMA],
        compiler_params=pltpu.CompilerParams(use_tc_tiling_on_sc=False),
    )


def _sc_gather1_body(src_hbm, t_hbm, out_hbm, idx_s, rb, sem1):
    wid = lax.axis_index("s") * 2 + lax.axis_index("c")

    def body(ch, carry):
        base = pl.multiple_of(wid * EPW + ch * CH, CH)
        pltpu.sync_copy(src_hbm.at[pl.ds(base, CH)], idx_s)
        pltpu.async_copy(t_hbm.at[idx_s], rb, sem1).wait()
        pltpu.sync_copy(rb, out_hbm.at[pl.ds(base, CH)])
        return carry

    lax.fori_loop(0, NCH, body, 0)


@functools.lru_cache(maxsize=None)
def _sc_gather1():
    return pl.kernel(
        _sc_gather1_body,
        out_type=jax.ShapeDtypeStruct((EPAD, 16), f32),
        mesh=_sc_mesh(),
        scratch_types=[pltpu.VMEM((CH,), jnp.int32),
                       pltpu.VMEM((CH, 16), f32),
                       pltpu.SemaphoreType.DMA],
        compiler_params=pltpu.CompilerParams(use_tc_tiling_on_sc=False),
    )


def _sc_scatter_body(src_hbm, tgt_hbm, pos_hbm, zeros_hbm, out_hbm,
                     idx_s, idx_t, vp, acc_t, acc_s):
    cid = lax.axis_index("c")
    sid = lax.axis_index("s")
    wid = sid * 2 + cid

    @pl.when(sid == 0)
    def _():
        pltpu.sync_copy(zeros_hbm, acc_t)
        pltpu.sync_copy(zeros_hbm, acc_s)

    plsc.subcore_barrier()

    def body(ch, carry):
        base = pl.multiple_of(wid * EPW + ch * CH, CH)
        pltpu.sync_copy(tgt_hbm.at[pl.ds(base, CH)], idx_t)
        pltpu.sync_copy(src_hbm.at[pl.ds(base, CH)], idx_s)
        pltpu.sync_copy(pos_hbm.at[pl.ds(base, CH)], vp)
        pltpu.sync_copy(vp, acc_t.at[idx_t], add=True)
        pltpu.sync_copy(vp, acc_s.at[idx_s], add=True)
        return carry

    lax.fori_loop(0, NCH, body, 0)
    plsc.subcore_barrier()
    rows = NPAD // 16
    pltpu.sync_copy(acc_t.at[pl.ds(sid * rows, rows)],
                    out_hbm.at[cid, 0, pl.ds(sid * rows, rows)])
    pltpu.sync_copy(acc_s.at[pl.ds(sid * rows, rows)],
                    out_hbm.at[cid, 1, pl.ds(sid * rows, rows)])


@functools.lru_cache(maxsize=None)
def _sc_scatter():
    return pl.kernel(
        _sc_scatter_body,
        out_type=jax.ShapeDtypeStruct((2, 2, NPAD, 32), f32),
        mesh=_sc_mesh(),
        scratch_types=[pltpu.VMEM((CH,), jnp.int32),
                       pltpu.VMEM((CH,), jnp.int32),
                       pltpu.VMEM((CH, 32), f32),
                       pltpu.VMEM_SHARED((NPAD, 32), f32),
                       pltpu.VMEM_SHARED((NPAD, 32), f32)],
        compiler_params=pltpu.CompilerParams(use_tc_tiling_on_sc=False),
    )



def _pre_body(f_ref, x0_ref, wa_ref, wb_ref, wm_ref, ap_ref,
              pa_ref, qa_ref, mf_ref):
    i = pl.program_id(0)
    f = f_ref[0]
    x0 = x0_ref[:, 0:1]
    s = jnp.where(i == 0, 1.0, 0.0)
    pa_ref[0] = (jnp.dot(f, wa_ref[...], preferred_element_type=f32)
                 + s * x0 * ap_ref[0:1])
    qa_ref[0] = (jnp.dot(f, wb_ref[...], preferred_element_type=f32)
                 + s * x0 * ap_ref[1:2])
    mf_ref[0] = jnp.dot(f, wm_ref[...], preferred_element_type=f32)


def _scal_body(wt_ref, at_ref, sc_ref, s_ref):
    dist = at_ref[0:1]
    de = at_ref[1:2]
    for i in range(4):
        sp = wt_ref[2 * i:2 * i + 1] * sc_ref[2, 0] + sc_ref[0, 0]
        dcn = wt_ref[2 * i + 1:2 * i + 2] * sc_ref[3, 0] + sc_ref[1, 0]
        theta = jnp.abs(de - dcn)
        s_ref[i:i + 1] = jnp.maximum(3.0 * sp * jnp.cos(theta) / dist, 0.0)
    s_ref[4:5] = (dist - sc_ref[4, 0]) / sc_ref[6, 0]
    s_ref[5:6] = (de - sc_ref[5, 0]) / sc_ref[7, 0]
    s_ref[6:7] = jnp.ones_like(dist)
    s_ref[7:8] = jnp.zeros_like(dist)


def _edge_body(po_ref, qo_ref, s_ref, wi_ref, wp_ref, we2_ref, pos_ref):
    hp = dict(preferred_element_type=f32, precision=lax.Precision.HIGHEST)
    z = po_ref[...] + qo_ref[...] + jnp.concatenate(
        [jnp.dot(s_ref[:, 8 * a:8 * a + 8], wi_ref[...], **hp)
         for a in range(4)], axis=1)
    e1 = jax.nn.sigmoid(z)
    e2 = jax.nn.sigmoid(jnp.concatenate(
        [jnp.dot(e1[:, 32 * a:32 * a + 32], we2_ref[...], **hp)
         for a in range(4)], axis=1) + wp_ref[4:5])
    pos_ref[...] = e2


EPAD4 = EPAD // 4
BE4 = 2048


def _node_body(np_ref, xn_ref, mf_ref, pf_ref, qf_ref,
               wn_ref, wm1_ref, wm2_ref, wm3_ref, wo_ref, bp_ref,
               xo_ref, po_ref, qo_ref):
    sig = jax.nn.sigmoid
    n = (np_ref[0, 0] + np_ref[1, 0]) - (np_ref[0, 1] + np_ref[1, 1])
    g = sig(jnp.dot(n, wn_ref[...], preferred_element_type=f32) + bp_ref[0:1])
    xn = xn_ref[:, 0:1]
    h = sig(jnp.dot(g, wm1_ref[...], preferred_element_type=f32)
            + xn * bp_ref[5:6] + mf_ref[...] + bp_ref[1:2])
    h = sig(jnp.dot(h, wm2_ref[...], preferred_element_type=f32) + bp_ref[2:3])
    h = sig(jnp.dot(h, wm3_ref[...], preferred_element_type=f32) + bp_ref[3:4])
    xnn = jnp.dot(h, wo_ref[...], preferred_element_type=f32) + bp_ref[4:5, 0:8]
    xo_ref[...] = xnn
    x1 = xnn[:, 0:1]
    po_ref[...] = pf_ref[...] + x1 * bp_ref[6:7, 0:32]
    qo_ref[...] = qf_ref[...] + x1 * bp_ref[7:8, 0:32]


def _full(shape):
    return pl.BlockSpec(shape, lambda *a: tuple(0 for _ in shape))


_pre_call = pl.pallas_call(
    _pre_body,
    grid=(4, NPAD // BN),
    in_specs=[
        pl.BlockSpec((1, BN, 128), lambda i, j: (i, j, 0)),
        pl.BlockSpec((BN, 8), lambda i, j: (j, 0)),
        _full((128, 32)),
        _full((128, 32)),
        _full((128, 128)),
        _full((8, 32)),
    ],
    out_specs=[
        pl.BlockSpec((1, BN, 32), lambda i, j: (i, j, 0)),
        pl.BlockSpec((1, BN, 32), lambda i, j: (i, j, 0)),
        pl.BlockSpec((1, BN, 128), lambda i, j: (i, j, 0)),
    ],
    out_shape=[
        jax.ShapeDtypeStruct((4, NPAD, 32), f32),
        jax.ShapeDtypeStruct((4, NPAD, 32), f32),
        jax.ShapeDtypeStruct((4, NPAD, 128), f32),
    ],
)


BS2 = 16384

_scal_call = pl.pallas_call(
    _scal_body,
    grid=(EPAD // BS2,),
    in_specs=[
        pl.BlockSpec((16, BS2), lambda e: (0, e)),
        pl.BlockSpec((8, BS2), lambda e: (0, e)),
        _full((8, 8)),
    ],
    out_specs=pl.BlockSpec((8, BS2), lambda e: (0, e)),
    out_shape=jax.ShapeDtypeStruct((8, EPAD), f32),
)


_edge_call = pl.pallas_call(
    _edge_body,
    grid=(EPAD4 // BE4,),
    in_specs=[
        pl.BlockSpec((BE4, 128), lambda e: (e, 0)),
        pl.BlockSpec((BE4, 128), lambda e: (e, 0)),
        pl.BlockSpec((BE4, 32), lambda e: (e, 0)),
        _full((8, 32)),
        _full((8, 128)),
        _full((32, 32)),
    ],
    out_specs=pl.BlockSpec((BE4, 128), lambda e: (e, 0)),
    out_shape=jax.ShapeDtypeStruct((EPAD4, 128), f32),
)


_node_call = pl.pallas_call(
    _node_body,
    grid=(NPAD // BN,),
    in_specs=[
        pl.BlockSpec((2, 2, BN, 32), lambda j: (0, 0, j, 0)),
        pl.BlockSpec((BN, 8), lambda j: (j, 0)),
        pl.BlockSpec((BN, 128), lambda j: (j, 0)),
        pl.BlockSpec((BN, 32), lambda j: (j, 0)),
        pl.BlockSpec((BN, 32), lambda j: (j, 0)),
        _full((32, 128)),
        _full((128, 128)),
        _full((128, 128)),
        _full((128, 128)),
        _full((128, 8)),
        _full((8, 128)),
    ],
    out_specs=[
        pl.BlockSpec((BN, 8), lambda j: (j, 0)),
        pl.BlockSpec((BN, 32), lambda j: (j, 0)),
        pl.BlockSpec((BN, 32), lambda j: (j, 0)),
    ],
    out_shape=[
        jax.ShapeDtypeStruct((NPAD, 8), f32),
        jax.ShapeDtypeStruct((NPAD, 32), f32),
        jax.ShapeDtypeStruct((NPAD, 32), f32),
    ],
)


def kernel(pm25_hist, feature, edge_index, edge_attr, wind_mean, wind_std,
           W_e1, b_e1, W_e2, b_e2, W_n, b_n, W_m1, b_m1, W_m2, b_m2,
           W_m3, b_m3, W_o, b_o):
    F4 = feature[0, 8:12]
    Fp = jnp.pad(F4, ((0, 0), (0, NPAD - N), (0, 1)))
    x0p = jnp.pad(pm25_hist[0, -1], ((0, NPAD - N), (0, 7)))
    wt = jnp.transpose(F4[:, :, 125:127], (1, 0, 2)).reshape(N, 8)
    wt = jnp.pad(wt, ((0, NPAD - N), (0, 8)))

    src = jnp.concatenate([edge_index[0],
                           jnp.full((EPAD - E,), N, jnp.int32)])
    tgt = jnp.concatenate([edge_index[1],
                           jnp.full((EPAD - E,), N, jnp.int32)])
    attr_p = jnp.pad(jnp.concatenate(
        [edge_attr, jnp.ones((EPAD - E, 2), f32)], axis=0), ((0, 0), (0, 6)))

    am = jnp.mean(edge_attr, axis=0)
    asd = jnp.std(edge_attr, axis=0, ddof=1)
    sc8 = jnp.broadcast_to(
        jnp.stack([wind_mean[0], wind_mean[1], wind_std[0], wind_std[1],
                   am[0], am[1], asd[0], asd[1]])[:, None], (8, 8))

    wa = jnp.concatenate([W_e1[1:128], jnp.zeros((1, 32), f32)], axis=0)
    wb = jnp.concatenate([W_e1[129:256], jnp.zeros((1, 32), f32)], axis=0)
    wm = jnp.pad(W_m1[14:141], ((0, 1), (0, 64)))
    apack = jnp.pad(jnp.stack([W_e1[0], W_e1[128]]), ((0, 6), (0, 0)))
    wp = jnp.stack([W_e1[256], W_e1[257], W_e1[258],
                    b_e1, jnp.pad(b_e2, (0, 2)),
                    jnp.zeros((32,), f32), jnp.zeros((32,), f32),
                    jnp.zeros((32,), f32)])
    we2 = jnp.pad(W_e2, ((0, 0), (0, 2)))
    z832 = jnp.zeros((8, 32), f32)
    w4 = jnp.stack([
        z832.at[i].set(W_e1[258]).at[4].set(W_e1[256])
            .at[5].set(W_e1[257]).at[6].set(b_e1)
        for i in range(4)])
    wp4 = jnp.tile(wp, (1, 4))

    wn = jnp.pad(W_n, ((0, 2), (0, 115)))
    wm1 = jnp.pad(W_m1[0:13], ((0, 115), (0, 64)))
    wm2 = jnp.pad(W_m2, ((0, 64), (0, 64)))
    wm3 = jnp.pad(W_m3, ((0, 64), (0, 64)))
    wo = jnp.pad(jnp.tile(W_o, (1, 8)), ((0, 64), (0, 0)))
    bp = jnp.stack([
        jnp.pad(b_n, (0, 115)),
        jnp.pad(b_m1, (0, 64)),
        jnp.pad(b_m2, (0, 64)),
        jnp.pad(b_m3, (0, 64)),
        jnp.full((128,), b_o[0], f32),
        jnp.pad(W_m1[13], (0, 64)),
        jnp.pad(W_e1[0], (0, 96)),
        jnp.pad(W_e1[128], (0, 96)),
    ])
    zeros_acc = jnp.zeros((NPAD, 32), f32)

    pa, qa, mfa = _pre_call(Fp, x0p, wa, wb, wm, apack)
    gwind = _sc_gather1()(src, wt)
    s_t = _scal_call(gwind.T, attr_p.T, sc8)
    s4 = s_t.T.reshape(EPAD4, 32)

    xn8 = x0p
    p_tab, q_tab = pa[0], qa[0]
    preds = []
    for i in range(4):
        po, qo = _sc_gather2()(src, tgt, p_tab, q_tab)
        epos = _edge_call(po.reshape(EPAD4, 128), qo.reshape(EPAD4, 128),
                          s4, w4[i], wp4, we2)
        nparts = _sc_scatter()(src, tgt, epos.reshape(EPAD, 32), zeros_acc)
        nxt = (i + 1) % 4
        xn8, p_tab, q_tab = _node_call(
            nparts, xn8, mfa[i], pa[nxt], qa[nxt],
            wn, wm1, wm2, wm3, wo, bp)
        preds.append(xn8[:N, 0:1])
    return jnp.stack(preds, axis=0)[None]

# --- scband reference (transcript-rebuilt; emitter-appended) ---
"""Pipeline reference for scband-pm25-gnn-mlp-87299505259220 (READ-ONLY COPY).

The authoritative reference and input builder live on the scoring server;
editing this copy changes nothing except your own understanding.
"""

import jax, jax.numpy as jnp
import numpy as np

HIST_LEN = 8
PRED_LEN = 4
IN_DIM = 128
CITY_NUM = 10000
BATCH = 1
N_EDGES = 160000
HID = 64
GNN_OUT = 13
E_H = 32
E_OUT = 30

def _glorot(key, shape):
    lim = (6.0 / (shape[0] + shape[1])) ** 0.5
    return jax.random.uniform(key, shape, jnp.float32, -lim, lim)

def setup_inputs(seed: int = 0):
    key = jax.random.key(seed)
    ks = jax.random.split(key, 16)
    inp = {}
    inp["pm25_hist"] = jax.random.normal(ks[0], (BATCH, HIST_LEN, CITY_NUM, 1), jnp.float32)
    inp["feature"] = jax.random.normal(ks[1], (BATCH, HIST_LEN + PRED_LEN, CITY_NUM, IN_DIM - 1), jnp.float32)
    inp["edge_index"] = jax.random.randint(ks[2], (2, N_EDGES), 0, CITY_NUM, jnp.int32)
    inp["edge_attr"] = jax.random.uniform(ks[3], (N_EDGES, 2), jnp.float32) + 0.5
    inp["wind_mean"] = jnp.array([3.0, 180.0], jnp.float32)
    inp["wind_std"] = jnp.array([2.0, 90.0], jnp.float32)
    inp["W_e1"] = _glorot(ks[4], (2 * IN_DIM + 3, E_H)); inp["b_e1"] = jnp.zeros((E_H,), jnp.float32)
    inp["W_e2"] = _glorot(ks[5], (E_H, E_OUT)); inp["b_e2"] = jnp.zeros((E_OUT,), jnp.float32)
    inp["W_n"] = _glorot(ks[6], (E_OUT, GNN_OUT)); inp["b_n"] = jnp.zeros((GNN_OUT,), jnp.float32)
    inp["W_m1"] = _glorot(ks[7], (IN_DIM + GNN_OUT, HID)); inp["b_m1"] = jnp.zeros((HID,), jnp.float32)
    inp["W_m2"] = _glorot(ks[8], (HID, HID)); inp["b_m2"] = jnp.zeros((HID,), jnp.float32)
    inp["W_m3"] = _glorot(ks[9], (HID, HID)); inp["b_m3"] = jnp.zeros((HID,), jnp.float32)
    inp["W_o"] = _glorot(ks[10], (HID, 1)); inp["b_o"] = jnp.zeros((1,), jnp.float32)
    return inp

def reference(pm25_hist, feature, edge_index, edge_attr, wind_mean, wind_std, W_e1, b_e1, W_e2, b_e2, W_n, b_n, W_m1, b_m1, W_m2, b_m2, W_m3, b_m3, W_o, b_o):
    sig = jax.nn.sigmoid
    edge_src = edge_index[0]
    edge_tgt = edge_index[1]
    attr_norm = (edge_attr - jnp.mean(edge_attr, axis=0)) / jnp.std(edge_attr, axis=0, ddof=1)

    def graph_gnn(x):
        node_src = jnp.take(x, edge_src, axis=1)
        node_tgt = jnp.take(x, edge_tgt, axis=1)
        src_wind = node_src[:, :, -2:] * wind_std[None, None, :] + wind_mean[None, None, :]
        speed = src_wind[:, :, 0]
        direc = src_wind[:, :, 1]
        city_dist = edge_attr[None, :, 0]
        city_direc = edge_attr[None, :, 1]
        theta = jnp.abs(city_direc - direc)
        edge_weight = jax.nn.relu(3.0 * speed * jnp.cos(theta) / city_dist)
        an = jnp.broadcast_to(attr_norm[None, :, :], (x.shape[0],) + attr_norm.shape)
        e = jnp.concatenate([node_src, node_tgt, an, edge_weight[:, :, None]], axis=-1)
        e = sig(e @ W_e1 + b_e1)
        e = sig(e @ W_e2 + b_e2)
        out_add = jnp.zeros((x.shape[0], x.shape[1], e.shape[-1]), e.dtype).at[:, edge_tgt].add(e)
        out_sub = jnp.zeros((x.shape[0], x.shape[1], e.shape[-1]), e.dtype).at[:, edge_src].add(-e)
        n = out_add + out_sub
        return sig(n @ W_n + b_n)

    preds = []
    xn = pm25_hist[:, -1]
    for i in range(PRED_LEN):
        x = jnp.concatenate([xn, feature[:, HIST_LEN + i]], axis=-1)
        g = graph_gnn(x)
        h = jnp.concatenate([g, x], axis=-1).reshape(BATCH * CITY_NUM, -1)
        h = sig(h @ W_m1 + b_m1)
        h = sig(h @ W_m2 + b_m2)
        h = sig(h @ W_m3 + b_m3)
        xn = h.reshape(BATCH, CITY_NUM, HID) @ W_o + b_o
        preds.append(xn)
    return jnp.stack(preds, axis=1)

if __name__ == "__main__":
    import jax
    _d = setup_inputs()
    print(jax.jit(kernel)(*tuple(_d.values())))

</pallas_src>

<mosaic_0001>
#map = affine_map<(d0, d1) -> (0)>
#map1 = affine_map<(d0, d1) -> (0, 0)>
module attributes {stable_mosaic.version = 14 : i64} {
  func.func @_sc_gather2_body(%arg0: i32, %arg1: i32, %arg2: memref<163840xi32, #tpu.memory_space<hbm>>, %arg3: memref<163840xi32, #tpu.memory_space<hbm>>, %arg4: memref<10240x32xf32, #tpu.memory_space<hbm>>, %arg5: memref<10240x32xf32, #tpu.memory_space<hbm>>, %arg6: memref<163840x32xf32, #tpu.memory_space<hbm>>, %arg7: memref<163840x32xf32, #tpu.memory_space<hbm>>, %arg8: memref<1024xi32, #tpu.memory_space<vmem>>, %arg9: memref<1024xi32, #tpu.memory_space<vmem>>, %arg10: memref<1024x32xf32, #tpu.memory_space<vmem>>, %arg11: memref<1024x32xf32, #tpu.memory_space<vmem>>, %arg12: memref<!tpu.dma_semaphore, #tpu.memory_space<semaphore_mem>>, %arg13: memref<!tpu.dma_semaphore, #tpu.memory_space<semaphore_mem>>) attributes {dimension_semantics = [#tpu.dimension_semantics<core_parallel>, #tpu.dimension_semantics<subcore_parallel>], iteration_bounds = array<i64: 2, 16>, scalar_prefetch = 0 : i64, scratch_operands = 6 : i64, tpu.core_type = #tpu.core_type<sc_vector_subcore>, window_params = [{transform_indices = #map}, {transform_indices = #map}, {transform_indices = #map1}, {transform_indices = #map1}, {transform_indices = #map1}, {transform_indices = #map1}]} {
    %mul3A = arith.constant 2 : i32
    %mul3A_0 = arith.muli %arg1, %mul3A : i32
    %add3A = arith.addi %mul3A_0, %arg0 : i32
    %scan3A = arith.constant 0 : i32
    %scan3A_1 = arith.constant 0 : i32
    %scan3A_2 = arith.constant 5 : i32
    %scan3A_3 = arith.addi %scan3A_1, %scan3A_2 : i32
    %scan3A_4 = arith.constant 1 : i32
    scf.for %scan3A_6 = %scan3A_1 to %scan3A_3 step %scan3A_4  : i32 {
      %mul3A_7 = arith.constant 5120 : i32
      %mul3A_8 = arith.muli %add3A, %mul3A_7 : i32
      %mul3A_9 = arith.constant 1024 : i32
      %mul3A_10 = arith.muli %scan3A_6, %mul3A_9 : i32
      %add3A_11 = arith.addi %mul3A_8, %mul3A_10 : i32
      %multiple_of3A = tpu.assume_multiple %add3A_11, 1024 : i32
      "tpu.region"() ({
        %run_scoped3A = tpu.sem_alloc : memref<!tpu.dma_semaphore, #tpu.memory_space<semaphore_mem>>
        %dma_start3A_22 = tpu.memref_slice %arg2[%multiple_of3A] : memref<163840xi32, #tpu.memory_space<hbm>> -> memref<1024xi32, #tpu.memory_space<hbm>>
        %dma_start3A_23 = tpu.memref_slice %arg2[%multiple_of3A] : memref<163840xi32, #tpu.memory_space<hbm>> -> memref<1024xi32, #tpu.memory_space<hbm>>
        tpu.enqueue_dma source(%dma_start3A_23 : memref<1024xi32, #tpu.memory_space<hbm>>) target(%arg8 : memref<1024xi32, #tpu.memory_space<vmem>>) target_semaphore(%run_scoped3A : memref<!tpu.dma_semaphore, #tpu.memory_space<semaphore_mem>>)
        %dma_wait3A_24 = tpu.memref_slice %arg2[%multiple_of3A] : memref<163840xi32, #tpu.memory_space<hbm>> -> memref<1024xi32, #tpu.memory_space<hbm>>
        %dma_wait3A_25 = tpu.memref_slice %arg2[%multiple_of3A] : memref<163840xi32, #tpu.memory_space<hbm>> -> memref<1024xi32, #tpu.memory_space<hbm>>
        tpu.wait_dma2 semaphore(%run_scoped3A : memref<!tpu.dma_semaphore, #tpu.memory_space<semaphore_mem>>) src(%dma_wait3A_25 : memref<1024xi32, #tpu.memory_space<hbm>>) dst(%arg8 : memref<1024xi32, #tpu.memory_space<vmem>>)
        tpu.yield
      }) : () -> ()
      "tpu.region"() ({
        %run_scoped3A = tpu.sem_alloc : memref<!tpu.dma_semaphore, #tpu.memory_space<semaphore_mem>>
        %dma_start3A_22 = tpu.memref_slice %arg3[%multiple_of3A] : memref<163840xi32, #tpu.memory_space<hbm>> -> memref<1024xi32, #tpu.memory_space<hbm>>
        %dma_start3A_23 = tpu.memref_slice %arg3[%multiple_of3A] : memref<163840xi32, #tpu.memory_space<hbm>> -> memref<1024xi32, #tpu.memory_space<hbm>>
        tpu.enqueue_dma source(%dma_start3A_23 : memref<1024xi32, #tpu.memory_space<hbm>>) target(%arg9 : memref<1024xi32, #tpu.memory_space<vmem>>) target_semaphore(%run_scoped3A : memref<!tpu.dma_semaphore, #tpu.memory_space<semaphore_mem>>)
        %dma_wait3A_24 = tpu.memref_slice %arg3[%multiple_of3A] : memref<163840xi32, #tpu.memory_space<hbm>> -> memref<1024xi32, #tpu.memory_space<hbm>>
        %dma_wait3A_25 = tpu.memref_slice %arg3[%multiple_of3A] : memref<163840xi32, #tpu.memory_space<hbm>> -> memref<1024xi32, #tpu.memory_space<hbm>>
        tpu.wait_dma2 semaphore(%run_scoped3A : memref<!tpu.dma_semaphore, #tpu.memory_space<semaphore_mem>>) src(%dma_wait3A_25 : memref<1024xi32, #tpu.memory_space<hbm>>) dst(%arg9 : memref<1024xi32, #tpu.memory_space<vmem>>)
        tpu.yield
      }) : () -> ()
      %dma_start3A = arith.constant 0 : i32
      %dma_start3A_12 = arith.constant 0 : i32
      %dma_start3A_13 = tpu.memref_slice %arg4[%dma_start3A, %dma_start3A_12] : memref<10240x32xf32, #tpu.memory_space<hbm>> -> memref<10240x32xf32, #tpu.memory_space<hbm>>
      tpu.enqueue_indirect_dma source(%dma_start3A_13 : memref<10240x32xf32, #tpu.memory_space<hbm>>) target(%arg10 : memref<1024x32xf32, #tpu.memory_space<vmem>>) offsets(%arg8 : memref<1024xi32, #tpu.memory_space<vmem>>) semaphore(%arg12 : memref<!tpu.dma_semaphore, #tpu.memory_space<semaphore_mem>>)
      %dma_start3A_14 = arith.constant 0 : i32
      %dma_start3A_15 = arith.constant 0 : i32
      %dma_start3A_16 = tpu.memref_slice %arg5[%dma_start3A_14, %dma_start3A_15] : memref<10240x32xf32, #tpu.memory_space<hbm>> -> memref<10240x32xf32, #tpu.memory_space<hbm>>
      tpu.enqueue_indirect_dma source(%dma_start3A_16 : memref<10240x32xf32, #tpu.memory_space<hbm>>) target(%arg11 : memref<1024x32xf32, #tpu.memory_space<vmem>>) offsets(%arg9 : memref<1024xi32, #tpu.memory_space<vmem>>) semaphore(%arg13 : memref<!tpu.dma_semaphore, #tpu.memory_space<semaphore_mem>>)
      %dma_wait3A = arith.constant 0 : i32
      %dma_wait3A_17 = arith.constant 0 : i32
      %dma_wait3A_18 = tpu.memref_slice %arg4[%dma_wait3A, %dma_wait3A_17] : memref<10240x32xf32, #tpu.memory_space<hbm>> -> memref<10240x32xf32, #tpu.memory_space<hbm>>
      tpu.wait_indirect_dma semaphore(%arg12 : memref<!tpu.dma_semaphore, #tpu.memory_space<semaphore_mem>>) src(%dma_wait3A_18 : memref<10240x32xf32, #tpu.memory_space<hbm>>) dst(%arg10 : memref<1024x32xf32, #tpu.memory_space<vmem>>)
      %dma_wait3A_19 = arith.constant 0 : i32
      %dma_wait3A_20 = arith.constant 0 : i32
      %dma_wait3A_21 = tpu.memref_slice %arg5[%dma_wait3A_19, %dma_wait3A_20] : memref<10240x32xf32, #tpu.memory_space<hbm>> -> memref<10240x32xf32, #tpu.memory_space<hbm>>
      tpu.wait_indirect_dma semaphore(%arg13 : memref<!tpu.dma_semaphore, #tpu.memory_space<semaphore_mem>>) src(%dma_wait3A_21 : memref<10240x32xf32, #tpu.memory_space<hbm>>) dst(%arg11 : memref<1024x32xf32, #tpu.memory_space<vmem>>)
      "tpu.region"() ({
        %run_scoped3A = tpu.sem_alloc : memref<!tpu.dma_semaphore, #tpu.memory_space<semaphore_mem>>
        %dma_start3A_22 = arith.constant 0 : i32
        %dma_start3A_23 = tpu.memref_slice %arg6[%multiple_of3A, %dma_start3A_22] : memref<163840x32xf32, #tpu.memory_space<hbm>> -> memref<1024x32xf32, #tpu.memory_space<hbm>>
        %dma_start3A_24 = arith.constant 0 : i32
        %dma_start3A_25 = tpu.memref_slice %arg6[%multiple_of3A, %dma_start3A_24] : memref<163840x32xf32, #tpu.memory_space<hbm>> -> memref<1024x32xf32, #tpu.memory_space<hbm>>
        tpu.enqueue_dma source(%arg10 : memref<1024x32xf32, #tpu.memory_space<vmem>>) target(%dma_start3A_25 : memref<1024x32xf32, #tpu.memory_space<hbm>>) target_semaphore(%run_scoped3A : memref<!tpu.dma_semaphore, #tpu.memory_space<semaphore_mem>>)
        %dma_wait3A_26 = arith.constant 0 : i32
        %dma_wait3A_27 = tpu.memref_slice %arg6[%multiple_of3A, %dma_wait3A_26] : memref<163840x32xf32, #tpu.memory_space<hbm>> -> memref<1024x32xf32, #tpu.memory_space<hbm>>
        %dma_wait3A_28 = arith.constant 0 : i32
        %dma_wait3A_29 = tpu.memref_slice %arg6[%multiple_of3A, %dma_wait3A_28] : memref<163840x32xf32, #tpu.memory_space<hbm>> -> memref<1024x32xf32, #tpu.memory_space<hbm>>
        tpu.wait_dma2 semaphore(%run_scoped3A : memref<!tpu.dma_semaphore, #tpu.memory_space<semaphore_mem>>) src(%arg10 : memref<1024x32xf32, #tpu.memory_space<vmem>>) dst(%dma_wait3A_29 : memref<1024x32xf32, #tpu.memory_space<hbm>>)
        tpu.yield
      }) : () -> ()
      "tpu.region"() ({
        %run_scoped3A = tpu.sem_alloc : memref<!tpu.dma_semaphore, #tpu.memory_space<semaphore_mem>>
        %dma_start3A_22 = arith.constant 0 : i32
        %dma_start3A_23 = tpu.memref_slice %arg7[%multiple_of3A, %dma_start3A_22] : memref<163840x32xf32, #tpu.memory_space<hbm>> -> memref<1024x32xf32, #tpu.memory_space<hbm>>
        %dma_start3A_24 = arith.constant 0 : i32
        %dma_start3A_25 = tpu.memref_slice %arg7[%multiple_of3A, %dma_start3A_24] : memref<163840x32xf32, #tpu.memory_space<hbm>> -> memref<1024x32xf32, #tpu.memory_space<hbm>>
        tpu.enqueue_dma source(%arg11 : memref<1024x32xf32, #tpu.memory_space<vmem>>) target(%dma_start3A_25 : memref<1024x32xf32, #tpu.memory_space<hbm>>) target_semaphore(%run_scoped3A : memref<!tpu.dma_semaphore, #tpu.memory_space<semaphore_mem>>)
        %dma_wait3A_26 = arith.constant 0 : i32
        %dma_wait3A_27 = tpu.memref_slice %arg7[%multiple_of3A, %dma_wait3A_26] : memref<163840x32xf32, #tpu.memory_space<hbm>> -> memref<1024x32xf32, #tpu.memory_space<hbm>>
        %dma_wait3A_28 = arith.constant 0 : i32
        %dma_wait3A_29 = tpu.memref_slice %arg7[%multiple_of3A, %dma_wait3A_28] : memref<163840x32xf32, #tpu.memory_space<hbm>> -> memref<1024x32xf32, #tpu.memory_space<hbm>>
        tpu.wait_dma2 semaphore(%run_scoped3A : memref<!tpu.dma_semaphore, #tpu.memory_space<semaphore_mem>>) src(%arg11 : memref<1024x32xf32, #tpu.memory_space<vmem>>) dst(%dma_wait3A_29 : memref<1024x32xf32, #tpu.memory_space<hbm>>)
        tpu.yield
      }) : () -> ()
    }
    %scan3A_5 = arith.constant 5 : i32
    return
  }
}

#map = affine_map<(d0, d1) -> (0)>
#map1 = affine_map<(d0, d1) -> (0, 0)>
module attributes {stable_mosaic.version = 14 : i64} {
  func.func @_sc_gather2_body(%arg0: i32, %arg1: i32, %arg2: memref<163840xi32, #tpu.memory_space<hbm>>, %arg3: memref<163840xi32, #tpu.memory_space<hbm>>, %arg4: memref<10240x32xf32, #tpu.memory_space<hbm>>, %arg5: memref<10240x32xf32, #tpu.memory_space<hbm>>, %arg6: memref<163840x32xf32, #tpu.memory_space<hbm>>, %arg7: memref<163840x32xf32, #tpu.memory_space<hbm>>, %arg8: memref<1024xi32, #tpu.memory_space<vmem>>, %arg9: memref<1024xi32, #tpu.memory_space<vmem>>, %arg10: memref<1024x32xf32, #tpu.memory_space<vmem>>, %arg11: memref<1024x32xf32, #tpu.memory_space<vmem>>, %arg12: memref<!tpu.dma_semaphore, #tpu.memory_space<semaphore_mem>>, %arg13: memref<!tpu.dma_semaphore, #tpu.memory_space<semaphore_mem>>) attributes {dimension_semantics = [#tpu.dimension_semantics<core_parallel>, #tpu.dimension_semantics<subcore_parallel>], iteration_bounds = array<i64: 2, 16>, scalar_prefetch = 0 : i64, scratch_operands = 6 : i64, tpu.core_type = #tpu.core_type<sc_vector_subcore>, window_params = [{transform_indices = #map}, {transform_indices = #map}, {transform_indices = #map1}, {transform_indices = #map1}, {transform_indices = #map1}, {transform_indices = #map1}]} {
    %mul3A = arith.constant 2 : i32
    %mul3A_0 = arith.muli %arg1, %mul3A : i32
    %add3A = arith.addi %mul3A_0, %arg0 : i32
    %scan3A = arith.constant 0 : i32
    %scan3A_1 = arith.constant 0 : i32
    %scan3A_2 = arith.constant 5 : i32
    %scan3A_3 = arith.addi %scan3A_1, %scan3A_2 : i32
    %scan3A_4 = arith.constant 1 : i32
    scf.for %scan3A_6 = %scan3A_1 to %scan3A_3 step %scan3A_4  : i32 {
      %mul3A_7 = arith.constant 5120 : i32
      %mul3A_8 = arith.muli %add3A, %mul3A_7 : i32
      %mul3A_9 = arith.constant 1024 : i32
      %mul3A_10 = arith.muli %scan3A_6, %mul3A_9 : i32
      %add3A_11 = arith.addi %mul3A_8, %mul3A_10 : i32
      %multiple_of3A = tpu.assume_multiple %add3A_11, 1024 : i32
      "tpu.region"() ({
        %run_scoped3A = tpu.sem_alloc : memref<!tpu.dma_semaphore, #tpu.memory_space<semaphore_mem>>
        %dma_start3A_22 = tpu.memref_slice %arg2[%multiple_of3A] : memref<163840xi32, #tpu.memory_space<hbm>> -> memref<1024xi32, #tpu.memory_space<hbm>>
        %dma_start3A_23 = tpu.memref_slice %arg2[%multiple_of3A] : memref<163840xi32, #tpu.memory_space<hbm>> -> memref<1024xi32, #tpu.memory_space<hbm>>
        tpu.enqueue_dma source(%dma_start3A_23 : memref<1024xi32, #tpu.memory_space<hbm>>) target(%arg8 : memref<1024xi32, #tpu.memory_space<vmem>>) target_semaphore(%run_scoped3A : memref<!tpu.dma_semaphore, #tpu.memory_space<semaphore_mem>>)
        %dma_wait3A_24 = tpu.memref_slice %arg2[%multiple_of3A] : memref<163840xi32, #tpu.memory_space<hbm>> -> memref<1024xi32, #tpu.memory_space<hbm>>
        %dma_wait3A_25 = tpu.memref_slice %arg2[%multiple_of3A] : memref<163840xi32, #tpu.memory_space<hbm>> -> memref<1024xi32, #tpu.memory_space<hbm>>
        tpu.wait_dma2 semaphore(%run_scoped3A : memref<!tpu.dma_semaphore, #tpu.memory_space<semaphore_mem>>) src(%dma_wait3A_25 : memref<1024xi32, #tpu.memory_space<hbm>>) dst(%arg8 : memref<1024xi32, #tpu.memory_space<vmem>>)
        tpu.yield
      }) : () -> ()
      "tpu.region"() ({
        %run_scoped3A = tpu.sem_alloc : memref<!tpu.dma_semaphore, #tpu.memory_space<semaphore_mem>>
        %dma_start3A_22 = tpu.memref_slice %arg3[%multiple_of3A] : memref<163840xi32, #tpu.memory_space<hbm>> -> memref<1024xi32, #tpu.memory_space<hbm>>
        %dma_start3A_23 = tpu.memref_slice %arg3[%multiple_of3A] : memref<163840xi32, #tpu.memory_space<hbm>> -> memref<1024xi32, #tpu.memory_space<hbm>>
        tpu.enqueue_dma source(%dma_start3A_23 : memref<1024xi32, #tpu.memory_space<hbm>>) target(%arg9 : memref<1024xi32, #tpu.memory_space<vmem>>) target_semaphore(%run_scoped3A : memref<!tpu.dma_semaphore, #tpu.memory_space<semaphore_mem>>)
        %dma_wait3A_24 = tpu.memref_slice %arg3[%multiple_of3A] : memref<163840xi32, #tpu.memory_space<hbm>> -> memref<1024xi32, #tpu.memory_space<hbm>>
        %dma_wait3A_25 = tpu.memref_slice %arg3[%multiple_of3A] : memref<163840xi32, #tpu.memory_space<hbm>> -> memref<1024xi32, #tpu.memory_space<hbm>>
        tpu.wait_dma2 semaphore(%run_scoped3A : memref<!tpu.dma_semaphore, #tpu.memory_space<semaphore_mem>>) src(%dma_wait3A_25 : memref<1024xi32, #tpu.memory_space<hbm>>) dst(%arg9 : memref<1024xi32, #tpu.memory_space<vmem>>)
        tpu.yield
      }) : () -> ()
      %dma_start3A = arith.constant 0 : i32
      %dma_start3A_12 = arith.constant 0 : i32
      %dma_start3A_13 = tpu.memref_slice %arg4[%dma_start3A, %dma_start3A_12] : memref<10240x32xf32, #tpu.memory_space<hbm>> -> memref<10240x32xf32, #tpu.memory_space<hbm>>
      tpu.enqueue_indirect_dma source(%dma_start3A_13 : memref<10240x32xf32, #tpu.memory_space<hbm>>) target(%arg10 : memref<1024x32xf32, #tpu.memory_space<vmem>>) offsets(%arg8 : memref<1024xi32, #tpu.memory_space<vmem>>) semaphore(%arg12 : memref<!tpu.dma_semaphore, #tpu.memory_space<semaphore_mem>>)
      %dma_start3A_14 = arith.constant 0 : i32
      %dma_start3A_15 = arith.constant 0 : i32
      %dma_start3A_16 = tpu.memref_slice %arg5[%dma_start3A_14, %dma_start3A_15] : memref<10240x32xf32, #tpu.memory_space<hbm>> -> memref<10240x32xf32, #tpu.memory_space<hbm>>
      tpu.enqueue_indirect_dma source(%dma_start3A_16 : memref<10240x32xf32, #tpu.memory_space<hbm>>) target(%arg11 : memref<1024x32xf32, #tpu.memory_space<vmem>>) offsets(%arg9 : memref<1024xi32, #tpu.memory_space<vmem>>) semaphore(%arg13 : memref<!tpu.dma_semaphore, #tpu.memory_space<semaphore_mem>>)
      %dma_wait3A = arith.constant 0 : i32
      %dma_wait3A_17 = arith.constant 0 : i32
      %dma_wait3A_18 = tpu.memref_slice %arg4[%dma_wait3A, %dma_wait3A_17] : memref<10240x32xf32, #tpu.memory_space<hbm>> -> memref<10240x32xf32, #tpu.memory_space<hbm>>
      tpu.wait_indirect_dma semaphore(%arg12 : memref<!tpu.dma_semaphore, #tpu.memory_space<semaphore_mem>>) src(%dma_wait3A_18 : memref<10240x32xf32, #tpu.memory_space<hbm>>) dst(%arg10 : memref<1024x32xf32, #tpu.memory_space<vmem>>)
      %dma_wait3A_19 = arith.constant 0 : i32
      %dma_wait3A_20 = arith.constant 0 : i32
      %dma_wait3A_21 = tpu.memref_slice %arg5[%dma_wait3A_19, %dma_wait3A_20] : memref<10240x32xf32, #tpu.memory_space<hbm>> -> memref<10240x32xf32, #tpu.memory_space<hbm>>
      tpu.wait_indirect_dma semaphore(%arg13 : memref<!tpu.dma_semaphore, #tpu.memory_space<semaphore_mem>>) src(%dma_wait3A_21 : memref<10240x32xf32, #tpu.memory_space<hbm>>) dst(%arg11 : memref<1024x32xf32, #tpu.memory_space<vmem>>)
      "tpu.region"() ({
        %run_scoped3A = tpu.sem_alloc : memref<!tpu.dma_semaphore, #tpu.memory_space<semaphore_mem>>
        %dma_start3A_22 = arith.constant 0 : i32
        %dma_start3A_23 = tpu.memref_slice %arg6[%multiple_of3A, %dma_start3A_22] : memref<163840x32xf32, #tpu.memory_space<hbm>> -> memref<1024x32xf32, #tpu.memory_space<hbm>>
        %dma_start3A_24 = arith.constant 0 : i32
        %dma_start3A_25 = tpu.memref_slice %arg6[%multiple_of3A, %dma_start3A_24] : memref<163840x32xf32, #tpu.memory_space<hbm>> -> memref<1024x32xf32, #tpu.memory_space<hbm>>
        tpu.enqueue_dma source(%arg10 : memref<1024x32xf32, #tpu.memory_space<vmem>>) target(%dma_start3A_25 : memref<1024x32xf32, #tpu.memory_space<hbm>>) target_semaphore(%run_scoped3A : memref<!tpu.dma_semaphore, #tpu.memory_space<semaphore_mem>>)
        %dma_wait3A_26 = arith.constant 0 : i32
        %dma_wait3A_27 = tpu.memref_slice %arg6[%multiple_of3A, %dma_wait3A_26] : memref<163840x32xf32, #tpu.memory_space<hbm>> -> memref<1024x32xf32, #tpu.memory_space<hbm>>
        %dma_wait3A_28 = arith.constant 0 : i32
        %dma_wait3A_29 = tpu.memref_slice %arg6[%multiple_of3A, %dma_wait3A_28] : memref<163840x32xf32, #tpu.memory_space<hbm>> -> memref<1024x32xf32, #tpu.memory_space<hbm>>
        tpu.wait_dma2 semaphore(%run_scoped3A : memref<!tpu.dma_semaphore, #tpu.memory_space<semaphore_mem>>) src(%arg10 : memref<1024x32xf32, #tpu.memory_space<vmem>>) dst(%dma_wait3A_29 : memref<1024x32xf32, #tpu.memory_space<hbm>>)
        tpu.yield
      }) : () -> ()
      "tpu.region"() ({
        %run_scoped3A = tpu.sem_alloc : memref<!tpu.dma_semaphore, #tpu.memory_space<semaphore_mem>>
        %dma_start3A_22 = arith.constant 0 : i32
        %dma_start3A_23 = tpu.memref_slice %arg7[%multiple_of3A, %dma_start3A_22] : memref<163840x32xf32, #tpu.memory_space<hbm>> -> memref<1024x32xf32, #tpu.memory_space<hbm>>
        %dma_start3A_24 = arith.constant 0 : i32
        %dma_start3A_25 = tpu.memref_slice %arg7[%multiple_of3A, %dma_start3A_24] : memref<163840x32xf32, #tpu.memory_space<hbm>> -> memref<1024x32xf32, #tpu.memory_space<hbm>>
        tpu.enqueue_dma source(%arg11 : memref<1024x32xf32, #tpu.memory_space<vmem>>) target(%dma_start3A_25 : memref<1024x32xf32, #tpu.memory_space<hbm>>) target_semaphore(%run_scoped3A : memref<!tpu.dma_semaphore, #tpu.memory_space<semaphore_mem>>)
        %dma_wait3A_26 = arith.constant 0 : i32
        %dma_wait3A_27 = tpu.memref_slice %arg7[%multiple_of3A, %dma_wait3A_26] : memref<163840x32xf32, #tpu.memory_space<hbm>> -> memref<1024x32xf32, #tpu.memory_space<hbm>>
        %dma_wait3A_28 = arith.constant 0 : i32
        %dma_wait3A_29 = tpu.memref_slice %arg7[%multiple_of3A, %dma_wait3A_28] : memref<163840x32xf32, #tpu.memory_space<hbm>> -> memref<1024x32xf32, #tpu.memory_space<hbm>>
        tpu.wait_dma2 semaphore(%run_scoped3A : memref<!tpu.dma_semaphore, #tpu.memory_space<semaphore_mem>>) src(%arg11 : memref<1024x32xf32, #tpu.memory_space<vmem>>) dst(%dma_wait3A_29 : memref<1024x32xf32, #tpu.memory_space<hbm>>)
        tpu.yield
      }) : () -> ()
    }
    %scan3A_5 = arith.constant 5 : i32
    return
  }
}

#map = affine_map<(d0, d1) -> (0)>
#map1 = affine_map<(d0, d1) -> (0, 0)>
module attributes {stable_mosaic.version = 14 : i64} {
  func.func @_sc_gather1_body(%arg0: i32, %arg1: i32, %arg2: memref<163840xi32, #tpu.memory_space<hbm>>, %arg3: memref<10240x16xf32, #tpu.memory_space<hbm>>, %arg4: memref<163840x16xf32, #tpu.memory_space<hbm>>, %arg5: memref<1024xi32, #tpu.memory_space<vmem>>, %arg6: memref<1024x16xf32, #tpu.memory_space<vmem>>, %arg7: memref<!tpu.dma_semaphore, #tpu.memory_space<semaphore_mem>>) attributes {dimension_semantics = [#tpu.dimension_semantics<core_parallel>, #tpu.dimension_semantics<subcore_parallel>], iteration_bounds = array<i64: 2, 16>, scalar_prefetch = 0 : i64, scratch_operands = 3 : i64, tpu.core_type = #tpu.core_type<sc_vector_subcore>, window_params = [{transform_indices = #map}, {transform_indices = #map1}, {transform_indices = #map1}]} {
    %mul3A = arith.constant 2 : i32
    %mul3A_0 = arith.muli %arg1, %mul3A : i32
    %add3A = arith.addi %mul3A_0, %arg0 : i32
    %scan3A = arith.constant 0 : i32
    %scan3A_1 = arith.constant 0 : i32
    %scan3A_2 = arith.constant 5 : i32
    %scan3A_3 = arith.addi %scan3A_1, %scan3A_2 : i32
    %scan3A_4 = arith.constant 1 : i32
    scf.for %scan3A_6 = %scan3A_1 to %scan3A_3 step %scan3A_4  : i32 {
      %mul3A_7 = arith.constant 5120 : i32
      %mul3A_8 = arith.muli %add3A, %mul3A_7 : i32
      %mul3A_9 = arith.constant 1024 : i32
      %mul3A_10 = arith.muli %scan3A_6, %mul3A_9 : i32
      %add3A_11 = arith.addi %mul3A_8, %mul3A_10 : i32
      %multiple_of3A = tpu.assume_multiple %add3A_11, 1024 : i32
      "tpu.region"() ({
        %run_scoped3A = tpu.sem_alloc : memref<!tpu.dma_semaphore, #tpu.memory_space<semaphore_mem>>
        %dma_start3A_16 = tpu.memref_slice %arg2[%multiple_of3A] : memref<163840xi32, #tpu.memory_space<hbm>> -> memref<1024xi32, #tpu.memory_space<hbm>>
        %dma_start3A_17 = tpu.memref_slice %arg2[%multiple_of3A] : memref<163840xi32, #tpu.memory_space<hbm>> -> memref<1024xi32, #tpu.memory_space<hbm>>
        tpu.enqueue_dma source(%dma_start3A_17 : memref<1024xi32, #tpu.memory_space<hbm>>) target(%arg5 : memref<1024xi32, #tpu.memory_space<vmem>>) target_semaphore(%run_scoped3A : memref<!tpu.dma_semaphore, #tpu.memory_space<semaphore_mem>>)
        %dma_wait3A_18 = tpu.memref_slice %arg2[%multiple_of3A] : memref<163840xi32, #tpu.memory_space<hbm>> -> memref<1024xi32, #tpu.memory_space<hbm>>
        %dma_wait3A_19 = tpu.memref_slice %arg2[%multiple_of3A] : memref<163840xi32, #tpu.memory_space<hbm>> -> memref<1024xi32, #tpu.memory_space<hbm>>
        tpu.wait_dma2 semaphore(%run_scoped3A : memref<!tpu.dma_semaphore, #tpu.memory_space<semaphore_mem>>) src(%dma_wait3A_19 : memref<1024xi32, #tpu.memory_space<hbm>>) dst(%arg5 : memref<1024xi32, #tpu.memory_space<vmem>>)
        tpu.yield
      }) : () -> ()
      %dma_start3A = arith.constant 0 : i32
      %dma_start3A_12 = arith.constant 0 : i32
      %dma_start3A_13 = tpu.memref_slice %arg3[%dma_start3A, %dma_start3A_12] : memref<10240x16xf32, #tpu.memory_space<hbm>> -> memref<10240x16xf32, #tpu.memory_space<hbm>>
      tpu.enqueue_indirect_dma source(%dma_start3A_13 : memref<10240x16xf32, #tpu.memory_space<hbm>>) target(%arg6 : memref<1024x16xf32, #tpu.memory_space<vmem>>) offsets(%arg5 : memref<1024xi32, #tpu.memory_space<vmem>>) semaphore(%arg7 : memref<!tpu.dma_semaphore, #tpu.memory_space<semaphore_mem>>)
      %dma_wait3A = arith.constant 0 : i32
      %dma_wait3A_14 = arith.constant 0 : i32
      %dma_wait3A_15 = tpu.memref_slice %arg3[%dma_wait3A, %dma_wait3A_14] : memref<10240x16xf32, #tpu.memory_space<hbm>> -> memref<10240x16xf32, #tpu.memory_space<hbm>>
      tpu.wait_indirect_dma semaphore(%arg7 : memref<!tpu.dma_semaphore, #tpu.memory_space<semaphore_mem>>) src(%dma_wait3A_15 : memref<10240x16xf32, #tpu.memory_space<hbm>>) dst(%arg6 : memref<1024x16xf32, #tpu.memory_space<vmem>>)
      "tpu.region"() ({
        %run_scoped3A = tpu.sem_alloc : memref<!tpu.dma_semaphore, #tpu.memory_space<semaphore_mem>>
        %dma_start3A_16 = arith.constant 0 : i32
        %dma_start3A_17 = tpu.memref_slice %arg4[%multiple_of3A, %dma_start3A_16] : memref<163840x16xf32, #tpu.memory_space<hbm>> -> memref<1024x16xf32, #tpu.memory_space<hbm>>
        %dma_start3A_18 = arith.constant 0 : i32
        %dma_start3A_19 = tpu.memref_slice %arg4[%multiple_of3A, %dma_start3A_18] : memref<163840x16xf32, #tpu.memory_space<hbm>> -> memref<1024x16xf32, #tpu.memory_space<hbm>>
        tpu.enqueue_dma source(%arg6 : memref<1024x16xf32, #tpu.memory_space<vmem>>) target(%dma_start3A_19 : memref<1024x16xf32, #tpu.memory_space<hbm>>) target_semaphore(%run_scoped3A : memref<!tpu.dma_semaphore, #tpu.memory_space<semaphore_mem>>)
        %dma_wait3A_20 = arith.constant 0 : i32
        %dma_wait3A_21 = tpu.memref_slice %arg4[%multiple_of3A, %dma_wait3A_20] : memref<163840x16xf32, #tpu.memory_space<hbm>> -> memref<1024x16xf32, #tpu.memory_space<hbm>>
        %dma_wait3A_22 = arith.constant 0 : i32
        %dma_wait3A_23 = tpu.memref_slice %arg4[%multiple_of3A, %dma_wait3A_22] : memref<163840x16xf32, #tpu.memory_space<hbm>> -> memref<1024x16xf32, #tpu.memory_space<hbm>>
        tpu.wait_dma2 semaphore(%run_scoped3A : memref<!tpu.dma_semaphore, #tpu.memory_space<semaphore_mem>>) src(%arg6 : memref<1024x16xf32, #tpu.memory_space<vmem>>) dst(%dma_wait3A_23 : memref<1024x16xf32, #tpu.memory_space<hbm>>)
        tpu.yield
      }) : () -> ()
    }
    %scan3A_5 = arith.constant 5 : i32
    return
  }
}

#map = affine_map<(d0, d1) -> (0)>
#map1 = affine_map<(d0, d1) -> (0, 0)>
#map2 = affine_map<(d0, d1) -> (0, 0, 0, 0)>
module attributes {stable_mosaic.version = 14 : i64} {
  func.func @_sc_scatter_body(%arg0: i32, %arg1: i32, %arg2: memref<163840xi32, #tpu.memory_space<hbm>>, %arg3: memref<163840xi32, #tpu.memory_space<hbm>>, %arg4: memref<163840x32xf32, #tpu.memory_space<hbm>>, %arg5: memref<10240x32xf32, #tpu.memory_space<hbm>>, %arg6: memref<2x2x10240x32xf32, #tpu.memory_space<hbm>>, %arg7: memref<1024xi32, #tpu.memory_space<vmem>>, %arg8: memref<1024xi32, #tpu.memory_space<vmem>>, %arg9: memref<1024x32xf32, #tpu.memory_space<vmem>>, %arg10: memref<10240x32xf32, #tpu.memory_space<vmem_shared>>, %arg11: memref<10240x32xf32, #tpu.memory_space<vmem_shared>>) attributes {dimension_semantics = [#tpu.dimension_semantics<core_parallel>, #tpu.dimension_semantics<subcore_parallel>], iteration_bounds = array<i64: 2, 16>, scalar_prefetch = 0 : i64, scratch_operands = 5 : i64, tpu.core_type = #tpu.core_type<sc_vector_subcore>, window_params = [{transform_indices = #map}, {transform_indices = #map}, {transform_indices = #map1}, {transform_indices = #map1}, {transform_indices = #map2}]} {
    %mul3A = arith.constant 2 : i32
    %mul3A_0 = arith.muli %arg1, %mul3A : i32
    %add3A = arith.addi %mul3A_0, %arg0 : i32
    %eq3A = arith.constant 0 : i32
    %eq3A_1 = arith.cmpi eq, %arg1, %eq3A : i32
    %convert_element_type3A = arith.extui %eq3A_1 : i1 to i32
    %cond3A = arith.constant 0 : i32
    %cond3A_2 = arith.cmpi ne, %convert_element_type3A, %cond3A : i32
    scf.if %cond3A_2 {
      "tpu.region"() ({
        %run_scoped3A_18 = tpu.sem_alloc : memref<!tpu.dma_semaphore, #tpu.memory_space<semaphore_mem>>
        tpu.enqueue_dma source(%arg5 : memref<10240x32xf32, #tpu.memory_space<hbm>>) target(%arg10 : memref<10240x32xf32, #tpu.memory_space<vmem_shared>>) target_semaphore(%run_scoped3A_18 : memref<!tpu.dma_semaphore, #tpu.memory_space<semaphore_mem>>)
        tpu.wait_dma2 semaphore(%run_scoped3A_18 : memref<!tpu.dma_semaphore, #tpu.memory_space<semaphore_mem>>) src(%arg5 : memref<10240x32xf32, #tpu.memory_space<hbm>>) dst(%arg10 : memref<10240x32xf32, #tpu.memory_space<vmem_shared>>)
        tpu.yield
      }) : () -> ()
      "tpu.region"() ({
        %run_scoped3A_18 = tpu.sem_alloc : memref<!tpu.dma_semaphore, #tpu.memory_space<semaphore_mem>>
        tpu.enqueue_dma source(%arg5 : memref<10240x32xf32, #tpu.memory_space<hbm>>) target(%arg11 : memref<10240x32xf32, #tpu.memory_space<vmem_shared>>) target_semaphore(%run_scoped3A_18 : memref<!tpu.dma_semaphore, #tpu.memory_space<semaphore_mem>>)
        tpu.wait_dma2 semaphore(%run_scoped3A_18 : memref<!tpu.dma_semaphore, #tpu.memory_space<semaphore_mem>>) src(%arg5 : memref<10240x32xf32, #tpu.memory_space<hbm>>) dst(%arg11 : memref<10240x32xf32, #tpu.memory_space<vmem_shared>>)
        tpu.yield
      }) : () -> ()
    } else {
    }
    %barrier3A = arith.constant 0 : index
    tpu.barrier barrier_id(%barrier3A)
    %scan3A = arith.constant 0 : i32
    %scan3A_3 = arith.constant 0 : i32
    %scan3A_4 = arith.constant 5 : i32
    %scan3A_5 = arith.addi %scan3A_3, %scan3A_4 : i32
    %scan3A_6 = arith.constant 1 : i32
    scf.for %scan3A_18 = %scan3A_3 to %scan3A_5 step %scan3A_6  : i32 {
      %mul3A_19 = arith.constant 5120 : i32
      %mul3A_20 = arith.muli %add3A, %mul3A_19 : i32
      %mul3A_21 = arith.constant 1024 : i32
      %mul3A_22 = arith.muli %scan3A_18, %mul3A_21 : i32
      %add3A_23 = arith.addi %mul3A_20, %mul3A_22 : i32
      %multiple_of3A = tpu.assume_multiple %add3A_23, 1024 : i32
      "tpu.region"() ({
        %run_scoped3A_24 = tpu.sem_alloc : memref<!tpu.dma_semaphore, #tpu.memory_space<semaphore_mem>>
        %dma_start3A = tpu.memref_slice %arg3[%multiple_of3A] : memref<163840xi32, #tpu.memory_space<hbm>> -> memref<1024xi32, #tpu.memory_space<hbm>>
        %dma_start3A_25 = tpu.memref_slice %arg3[%multiple_of3A] : memref<163840xi32, #tpu.memory_space<hbm>> -> memref<1024xi32, #tpu.memory_space<hbm>>
        tpu.enqueue_dma source(%dma_start3A_25 : memref<1024xi32, #tpu.memory_space<hbm>>) target(%arg8 : memref<1024xi32, #tpu.memory_space<vmem>>) target_semaphore(%run_scoped3A_24 : memref<!tpu.dma_semaphore, #tpu.memory_space<semaphore_mem>>)
        %dma_wait3A = tpu.memref_slice %arg3[%multiple_of3A] : memref<163840xi32, #tpu.memory_space<hbm>> -> memref<1024xi32, #tpu.memory_space<hbm>>
        %dma_wait3A_26 = tpu.memref_slice %arg3[%multiple_of3A] : memref<163840xi32, #tpu.memory_space<hbm>> -> memref<1024xi32, #tpu.memory_space<hbm>>
        tpu.wait_dma2 semaphore(%run_scoped3A_24 : memref<!tpu.dma_semaphore, #tpu.memory_space<semaphore_mem>>) src(%dma_wait3A_26 : memref<1024xi32, #tpu.memory_space<hbm>>) dst(%arg8 : memref<1024xi32, #tpu.memory_space<vmem>>)
        tpu.yield
      }) : () -> ()
      "tpu.region"() ({
        %run_scoped3A_24 = tpu.sem_alloc : memref<!tpu.dma_semaphore, #tpu.memory_space<semaphore_mem>>
        %dma_start3A = tpu.memref_slice %arg2[%multiple_of3A] : memref<163840xi32, #tpu.memory_space<hbm>> -> memref<1024xi32, #tpu.memory_space<hbm>>
        %dma_start3A_25 = tpu.memref_slice %arg2[%multiple_of3A] : memref<163840xi32, #tpu.memory_space<hbm>> -> memref<1024xi32, #tpu.memory_space<hbm>>
        tpu.enqueue_dma source(%dma_start3A_25 : memref<1024xi32, #tpu.memory_space<hbm>>) target(%arg7 : memref<1024xi32, #tpu.memory_space<vmem>>) target_semaphore(%run_scoped3A_24 : memref<!tpu.dma_semaphore, #tpu.memory_space<semaphore_mem>>)
        %dma_wait3A = tpu.memref_slice %arg2[%multiple_of3A] : memref<163840xi32, #tpu.memory_space<hbm>> -> memref<1024xi32, #tpu.memory_space<hbm>>
        %dma_wait3A_26 = tpu.memref_slice %arg2[%multiple_of3A] : memref<163840xi32, #tpu.memory_space<hbm>> -> memref<1024xi32, #tpu.memory_space<hbm>>
        tpu.wait_dma2 semaphore(%run_scoped3A_24 : memref<!tpu.dma_semaphore, #tpu.memory_space<semaphore_mem>>) src(%dma_wait3A_26 : memref<1024xi32, #tpu.memory_space<hbm>>) dst(%arg7 : memref<1024xi32, #tpu.memory_space<vmem>>)
        tpu.yield
      }) : () -> ()
      "tpu.region"() ({
        %run_scoped3A_24 = tpu.sem_alloc : memref<!tpu.dma_semaphore, #tpu.memory_space<semaphore_mem>>
        %dma_start3A = arith.constant 0 : i32
        %dma_start3A_25 = tpu.memref_slice %arg4[%multiple_of3A, %dma_start3A] : memref<163840x32xf32, #tpu.memory_space<hbm>> -> memref<1024x32xf32, #tpu.memory_space<hbm>>
        %dma_start3A_26 = arith.constant 0 : i32
        %dma_start3A_27 = tpu.memref_slice %arg4[%multiple_of3A, %dma_start3A_26] : memref<163840x32xf32, #tpu.memory_space<hbm>> -> memref<1024x32xf32, #tpu.memory_space<hbm>>
        tpu.enqueue_dma source(%dma_start3A_27 : memref<1024x32xf32, #tpu.memory_space<hbm>>) target(%arg9 : memref<1024x32xf32, #tpu.memory_space<vmem>>) target_semaphore(%run_scoped3A_24 : memref<!tpu.dma_semaphore, #tpu.memory_space<semaphore_mem>>)
        %dma_wait3A = arith.constant 0 : i32
        %dma_wait3A_28 = tpu.memref_slice %arg4[%multiple_of3A, %dma_wait3A] : memref<163840x32xf32, #tpu.memory_space<hbm>> -> memref<1024x32xf32, #tpu.memory_space<hbm>>
        %dma_wait3A_29 = arith.constant 0 : i32
        %dma_wait3A_30 = tpu.memref_slice %arg4[%multiple_of3A, %dma_wait3A_29] : memref<163840x32xf32, #tpu.memory_space<hbm>> -> memref<1024x32xf32, #tpu.memory_space<hbm>>
        tpu.wait_dma2 semaphore(%run_scoped3A_24 : memref<!tpu.dma_semaphore, #tpu.memory_space<semaphore_mem>>) src(%dma_wait3A_30 : memref<1024x32xf32, #tpu.memory_space<hbm>>) dst(%arg9 : memref<1024x32xf32, #tpu.memory_space<vmem>>)
        tpu.yield
      }) : () -> ()
      "tpu.region"() ({
        %run_scoped3A_24 = tpu.sem_alloc : memref<!tpu.dma_semaphore, #tpu.memory_space<semaphore_mem>>
        %dma_start3A = arith.constant 0 : i32
        %dma_start3A_25 = arith.constant 0 : i32
        %dma_start3A_26 = tpu.memref_slice %arg10[%dma_start3A, %dma_start3A_25] : memref<10240x32xf32, #tpu.memory_space<vmem_shared>> -> memref<10240x32xf32, #tpu.memory_space<vmem_shared>>
        tpu.enqueue_indirect_dma source(%arg9 : memref<1024x32xf32, #tpu.memory_space<vmem>>) target(%dma_start3A_26 : memref<10240x32xf32, #tpu.memory_space<vmem_shared>>) offsets(%arg8 : memref<1024xi32, #tpu.memory_space<vmem>>) semaphore(%run_scoped3A_24 : memref<!tpu.dma_semaphore, #tpu.memory_space<semaphore_mem>>) {add = true}
        %dma_wait3A = arith.constant 0 : i32
        %dma_wait3A_27 = arith.constant 0 : i32
        %dma_wait3A_28 = tpu.memref_slice %arg10[%dma_wait3A, %dma_wait3A_27] : memref<10240x32xf32, #tpu.memory_space<vmem_shared>> -> memref<10240x32xf32, #tpu.memory_space<vmem_shared>>
        tpu.wait_indirect_dma semaphore(%run_scoped3A_24 : memref<!tpu.dma_semaphore, #tpu.memory_space<semaphore_mem>>) src(%arg9 : memref<1024x32xf32, #tpu.memory_space<vmem>>) dst(%dma_wait3A_28 : memref<10240x32xf32, #tpu.memory_space<vmem_shared>>)
        tpu.yield
      }) : () -> ()
      "tpu.region"() ({
        %run_scoped3A_24 = tpu.sem_alloc : memref<!tpu.dma_semaphore, #tpu.memory_space<semaphore_mem>>
        %dma_start3A = arith.constant 0 : i32
        %dma_start3A_25 = arith.constant 0 : i32
        %dma_start3A_26 = tpu.memref_slice %arg11[%dma_start3A, %dma_start3A_25] : memref<10240x32xf32, #tpu.memory_space<vmem_shared>> -> memref<10240x32xf32, #tpu.memory_space<vmem_shared>>
        tpu.enqueue_indirect_dma source(%arg9 : memref<1024x32xf32, #tpu.memory_space<vmem>>) target(%dma_start3A_26 : memref<10240x32xf32, #tpu.memory_space<vmem_shared>>) offsets(%arg7 : memref<1024xi32, #tpu.memory_space<vmem>>) semaphore(%run_scoped3A_24 : memref<!tpu.dma_semaphore, #tpu.memory_space<semaphore_mem>>) {add = true}
        %dma_wait3A = arith.constant 0 : i32
        %dma_wait3A_27 = arith.constant 0 : i32
        %dma_wait3A_28 = tpu.memref_slice %arg11[%dma_wait3A, %dma_wait3A_27] : memref<10240x32xf32, #tpu.memory_space<vmem_shared>> -> memref<10240x32xf32, #tpu.memory_space<vmem_shared>>
        tpu.wait_indirect_dma semaphore(%run_scoped3A_24 : memref<!tpu.dma_semaphore, #tpu.memory_space<semaphore_mem>>) src(%arg9 : memref<1024x32xf32, #tpu.memory_space<vmem>>) dst(%dma_wait3A_28 : memref<10240x32xf32, #tpu.memory_space<vmem_shared>>)
        tpu.yield
      }) : () -> ()
    }
    %scan3A_7 = arith.constant 5 : i32
    %barrier3A_8 = arith.constant 0 : index
    tpu.barrier barrier_id(%barrier3A_8)
    %mul3A_9 = arith.constant 640 : i32
    %mul3A_10 = arith.muli %arg1, %mul3A_9 : i32
    %mul3A_11 = arith.constant 640 : i32
    %mul3A_12 = arith.muli %arg1, %mul3A_11 : i32
    %run_scoped3A = arith.constant 0 : i32
    "tpu.region"() ({
      %run_scoped3A_18 = tpu.sem_alloc : memref<!tpu.dma_semaphore, #tpu.memory_space<semaphore_mem>>
      %dma_start3A = arith.constant 0 : i32
      %dma_start3A_19 = tpu.memref_slice %arg6[%arg0, %run_scoped3A, %mul3A_12, %dma_start3A] : memref<2x2x10240x32xf32, #tpu.memory_space<hbm>> -> memref<1x1x640x32xf32, #tpu.memory_space<hbm>>
      %dma_start3A_20 = tpu.memref_squeeze %dma_start3A_19 : memref<1x1x640x32xf32, #tpu.memory_space<hbm>> -> memref<640x32xf32, #tpu.memory_space<hbm>>
      %dma_start3A_21 = arith.constant 0 : i32
      %dma_start3A_22 = tpu.memref_slice %arg10[%mul3A_10, %dma_start3A_21] : memref<10240x32xf32, #tpu.memory_space<vmem_shared>> -> memref<640x32xf32, #tpu.memory_space<vmem_shared>>
      tpu.enqueue_dma source(%dma_start3A_22 : memref<640x32xf32, #tpu.memory_space<vmem_shared>>) target(%dma_start3A_20 : memref<640x32xf32, #tpu.memory_space<hbm>>) target_semaphore(%run_scoped3A_18 : memref<!tpu.dma_semaphore, #tpu.memory_space<semaphore_mem>>)
      %dma_wait3A = arith.constant 0 : i32
      %dma_wait3A_23 = tpu.memref_slice %arg6[%arg0, %run_scoped3A, %mul3A_12, %dma_wait3A] : memref<2x2x10240x32xf32, #tpu.memory_space<hbm>> -> memref<1x1x640x32xf32, #tpu.memory_space<hbm>>
      %dma_wait3A_24 = tpu.memref_squeeze %dma_wait3A_23 : memref<1x1x640x32xf32, #tpu.memory_space<hbm>> -> memref<640x32xf32, #tpu.memory_space<hbm>>
      %dma_wait3A_25 = arith.constant 0 : i32
      %dma_wait3A_26 = tpu.memref_slice %arg10[%mul3A_10, %dma_wait3A_25] : memref<10240x32xf32, #tpu.memory_space<vmem_shared>> -> memref<640x32xf32, #tpu.memory_space<vmem_shared>>
      tpu.wait_dma2 semaphore(%run_scoped3A_18 : memref<!tpu.dma_semaphore, #tpu.memory_space<semaphore_mem>>) src(%dma_wait3A_26 : memref<640x32xf32, #tpu.memory_space<vmem_shared>>) dst(%dma_wait3A_24 : memref<640x32xf32, #tpu.memory_space<hbm>>)
      tpu.yield
    }) : () -> ()
    %mul3A_13 = arith.constant 640 : i32
    %mul3A_14 = arith.muli %arg1, %mul3A_13 : i32
    %mul3A_15 = arith.constant 640 : i32
    %mul3A_16 = arith.muli %arg1, %mul3A_15 : i32
    %run_scoped3A_17 = arith.constant 1 : i32
    "tpu.region"() ({
      %run_scoped3A_18 = tpu.sem_alloc : memref<!tpu.dma_semaphore, #tpu.memory_space<semaphore_mem>>
      %dma_start3A = arith.constant 0 : i32
      %dma_start3A_19 = tpu.memref_slice %arg6[%arg0, %run_scoped3A_17, %mul3A_16, %dma_start3A] : memref<2x2x10240x32xf32, #tpu.memory_space<hbm>> -> memref<1x1x640x32xf32, #tpu.memory_space<hbm>>
      %dma_start3A_20 = tpu.memref_squeeze %dma_start3A_19 : memref<1x1x640x32xf32, #tpu.memory_space<hbm>> -> memref<640x32xf32, #tpu.memory_space<hbm>>
      %dma_start3A_21 = arith.constant 0 : i32
      %dma_start3A_22 = tpu.memref_slice %arg11[%mul3A_14, %dma_start3A_21] : memref<10240x32xf32, #tpu.memory_space<vmem_shared>> -> memref<640x32xf32, #tpu.memory_space<vmem_shared>>
      tpu.enqueue_dma source(%dma_start3A_22 : memref<640x32xf32, #tpu.memory_space<vmem_shared>>) target(%dma_start3A_20 : memref<640x32xf32, #tpu.memory_space<hbm>>) target_semaphore(%run_scoped3A_18 : memref<!tpu.dma_semaphore, #tpu.memory_space<semaphore_mem>>)
      %dma_wait3A = arith.constant 0 : i32
      %dma_wait3A_23 = tpu.memref_slice %arg6[%arg0, %run_scoped3A_17, %mul3A_16, %dma_wait3A] : memref<2x2x10240x32xf32, #tpu.memory_space<hbm>> -> memref<1x1x640x32xf32, #tpu.memory_space<hbm>>
      %dma_wait3A_24 = tpu.memref_squeeze %dma_wait3A_23 : memref<1x1x640x32xf32, #tpu.memory_space<hbm>> -> memref<640x32xf32, #tpu.memory_space<hbm>>
      %dma_wait3A_25 = arith.constant 0 : i32
      %dma_wait3A_26 = tpu.memref_slice %arg11[%mul3A_14, %dma_wait3A_25] : memref<10240x32xf32, #tpu.memory_space<vmem_shared>> -> memref<640x32xf32, #tpu.memory_space<vmem_shared>>
      tpu.wait_dma2 semaphore(%run_scoped3A_18 : memref<!tpu.dma_semaphore, #tpu.memory_space<semaphore_mem>>) src(%dma_wait3A_26 : memref<640x32xf32, #tpu.memory_space<vmem_shared>>) dst(%dma_wait3A_24 : memref<640x32xf32, #tpu.memory_space<hbm>>)
      tpu.yield
    }) : () -> ()
    return
  }
}

#map = affine_map<(d0, d1) -> (0)>
#map1 = affine_map<(d0, d1) -> (0, 0)>
#map2 = affine_map<(d0, d1) -> (0, 0, 0, 0)>
module attributes {stable_mosaic.version = 14 : i64} {
  func.func @_sc_scatter_body(%arg0: i32, %arg1: i32, %arg2: memref<163840xi32, #tpu.memory_space<hbm>>, %arg3: memref<163840xi32, #tpu.memory_space<hbm>>, %arg4: memref<163840x32xf32, #tpu.memory_space<hbm>>, %arg5: memref<10240x32xf32, #tpu.memory_space<hbm>>, %arg6: memref<2x2x10240x32xf32, #tpu.memory_space<hbm>>, %arg7: memref<1024xi32, #tpu.memory_space<vmem>>, %arg8: memref<1024xi32, #tpu.memory_space<vmem>>, %arg9: memref<1024x32xf32, #tpu.memory_space<vmem>>, %arg10: memref<10240x32xf32, #tpu.memory_space<vmem_shared>>, %arg11: memref<10240x32xf32, #tpu.memory_space<vmem_shared>>) attributes {dimension_semantics = [#tpu.dimension_semantics<core_parallel>, #tpu.dimension_semantics<subcore_parallel>], iteration_bounds = array<i64: 2, 16>, scalar_prefetch = 0 : i64, scratch_operands = 5 : i64, tpu.core_type = #tpu.core_type<sc_vector_subcore>, window_params = [{transform_indices = #map}, {transform_indices = #map}, {transform_indices = #map1}, {transform_indices = #map1}, {transform_indices = #map2}]} {
    %mul3A = arith.constant 2 : i32
    %mul3A_0 = arith.muli %arg1, %mul3A : i32
    %add3A = arith.addi %mul3A_0, %arg0 : i32
    %eq3A = arith.constant 0 : i32
    %eq3A_1 = arith.cmpi eq, %arg1, %eq3A : i32
    %convert_element_type3A = arith.extui %eq3A_1 : i1 to i32
    %cond3A = arith.constant 0 : i32
    %cond3A_2 = arith.cmpi ne, %convert_element_type3A, %cond3A : i32
    scf.if %cond3A_2 {
      "tpu.region"() ({
        %run_scoped3A_18 = tpu.sem_alloc : memref<!tpu.dma_semaphore, #tpu.memory_space<semaphore_mem>>
        tpu.enqueue_dma source(%arg5 : memref<10240x32xf32, #tpu.memory_space<hbm>>) target(%arg10 : memref<10240x32xf32, #tpu.memory_space<vmem_shared>>) target_semaphore(%run_scoped3A_18 : memref<!tpu.dma_semaphore, #tpu.memory_space<semaphore_mem>>)
        tpu.wait_dma2 semaphore(%run_scoped3A_18 : memref<!tpu.dma_semaphore, #tpu.memory_space<semaphore_mem>>) src(%arg5 : memref<10240x32xf32, #tpu.memory_space<hbm>>) dst(%arg10 : memref<10240x32xf32, #tpu.memory_space<vmem_shared>>)
        tpu.yield
      }) : () -> ()
      "tpu.region"() ({
        %run_scoped3A_18 = tpu.sem_alloc : memref<!tpu.dma_semaphore, #tpu.memory_space<semaphore_mem>>
        tpu.enqueue_dma source(%arg5 : memref<10240x32xf32, #tpu.memory_space<hbm>>) target(%arg11 : memref<10240x32xf32, #tpu.memory_space<vmem_shared>>) target_semaphore(%run_scoped3A_18 : memref<!tpu.dma_semaphore, #tpu.memory_space<semaphore_mem>>)
        tpu.wait_dma2 semaphore(%run_scoped3A_18 : memref<!tpu.dma_semaphore, #tpu.memory_space<semaphore_mem>>) src(%arg5 : memref<10240x32xf32, #tpu.memory_space<hbm>>) dst(%arg11 : memref<10240x32xf32, #tpu.memory_space<vmem_shared>>)
        tpu.yield
      }) : () -> ()
    } else {
    }
    %barrier3A = arith.constant 0 : index
    tpu.barrier barrier_id(%barrier3A)
    %scan3A = arith.constant 0 : i32
    %scan3A_3 = arith.constant 0 : i32
    %scan3A_4 = arith.constant 5 : i32
    %scan3A_5 = arith.addi %scan3A_3, %scan3A_4 : i32
    %scan3A_6 = arith.constant 1 : i32
    scf.for %scan3A_18 = %scan3A_3 to %scan3A_5 step %scan3A_6  : i32 {
      %mul3A_19 = arith.constant 5120 : i32
      %mul3A_20 = arith.muli %add3A, %mul3A_19 : i32
      %mul3A_21 = arith.constant 1024 : i32
      %mul3A_22 = arith.muli %scan3A_18, %mul3A_21 : i32
      %add3A_23 = arith.addi %mul3A_20, %mul3A_22 : i32
      %multiple_of3A = tpu.assume_multiple %add3A_23, 1024 : i32
      "tpu.region"() ({
        %run_scoped3A_24 = tpu.sem_alloc : memref<!tpu.dma_semaphore, #tpu.memory_space<semaphore_mem>>
        %dma_start3A = tpu.memref_slice %arg3[%multiple_of3A] : memref<163840xi32, #tpu.memory_space<hbm>> -> memref<1024xi32, #tpu.memory_space<hbm>>
        %dma_start3A_25 = tpu.memref_slice %arg3[%multiple_of3A] : memref<163840xi32, #tpu.memory_space<hbm>> -> memref<1024xi32, #tpu.memory_space<hbm>>
        tpu.enqueue_dma source(%dma_start3A_25 : memref<1024xi32, #tpu.memory_space<hbm>>) target(%arg8 : memref<1024xi32, #tpu.memory_space<vmem>>) target_semaphore(%run_scoped3A_24 : memref<!tpu.dma_semaphore, #tpu.memory_space<semaphore_mem>>)
        %dma_wait3A = tpu.memref_slice %arg3[%multiple_of3A] : memref<163840xi32, #tpu.memory_space<hbm>> -> memref<1024xi32, #tpu.memory_space<hbm>>
        %dma_wait3A_26 = tpu.memref_slice %arg3[%multiple_of3A] : memref<163840xi32, #tpu.memory_space<hbm>> -> memref<1024xi32, #tpu.memory_space<hbm>>
        tpu.wait_dma2 semaphore(%run_scoped3A_24 : memref<!tpu.dma_semaphore, #tpu.memory_space<semaphore_mem>>) src(%dma_wait3A_26 : memref<1024xi32, #tpu.memory_space<hbm>>) dst(%arg8 : memref<1024xi32, #tpu.memory_space<vmem>>)
        tpu.yield
      }) : () -> ()
      "tpu.region"() ({
        %run_scoped3A_24 = tpu.sem_alloc : memref<!tpu.dma_semaphore, #tpu.memory_space<semaphore_mem>>
        %dma_start3A = tpu.memref_slice %arg2[%multiple_of3A] : memref<163840xi32, #tpu.memory_space<hbm>> -> memref<1024xi32, #tpu.memory_space<hbm>>
        %dma_start3A_25 = tpu.memref_slice %arg2[%multiple_of3A] : memref<163840xi32, #tpu.memory_space<hbm>> -> memref<1024xi32, #tpu.memory_space<hbm>>
        tpu.enqueue_dma source(%dma_start3A_25 : memref<1024xi32, #tpu.memory_space<hbm>>) target(%arg7 : memref<1024xi32, #tpu.memory_space<vmem>>) target_semaphore(%run_scoped3A_24 : memref<!tpu.dma_semaphore, #tpu.memory_space<semaphore_mem>>)
        %dma_wait3A = tpu.memref_slice %arg2[%multiple_of3A] : memref<163840xi32, #tpu.memory_space<hbm>> -> memref<1024xi32, #tpu.memory_space<hbm>>
        %dma_wait3A_26 = tpu.memref_slice %arg2[%multiple_of3A] : memref<163840xi32, #tpu.memory_space<hbm>> -> memref<1024xi32, #tpu.memory_space<hbm>>
        tpu.wait_dma2 semaphore(%run_scoped3A_24 : memref<!tpu.dma_semaphore, #tpu.memory_space<semaphore_mem>>) src(%dma_wait3A_26 : memref<1024xi32, #tpu.memory_space<hbm>>) dst(%arg7 : memref<1024xi32, #tpu.memory_space<vmem>>)
        tpu.yield
      }) : () -> ()
      "tpu.region"() ({
        %run_scoped3A_24 = tpu.sem_alloc : memref<!tpu.dma_semaphore, #tpu.memory_space<semaphore_mem>>
        %dma_start3A = arith.constant 0 : i32
        %dma_start3A_25 = tpu.memref_slice %arg4[%multiple_of3A, %dma_start3A] : memref<163840x32xf32, #tpu.memory_space<hbm>> -> memref<1024x32xf32, #tpu.memory_space<hbm>>
        %dma_start3A_26 = arith.constant 0 : i32
        %dma_start3A_27 = tpu.memref_slice %arg4[%multiple_of3A, %dma_start3A_26] : memref<163840x32xf32, #tpu.memory_space<hbm>> -> memref<1024x32xf32, #tpu.memory_space<hbm>>
        tpu.enqueue_dma source(%dma_start3A_27 : memref<1024x32xf32, #tpu.memory_space<hbm>>) target(%arg9 : memref<1024x32xf32, #tpu.memory_space<vmem>>) target_semaphore(%run_scoped3A_24 : memref<!tpu.dma_semaphore, #tpu.memory_space<semaphore_mem>>)
        %dma_wait3A = arith.constant 0 : i32
        %dma_wait3A_28 = tpu.memref_slice %arg4[%multiple_of3A, %dma_wait3A] : memref<163840x32xf32, #tpu.memory_space<hbm>> -> memref<1024x32xf32, #tpu.memory_space<hbm>>
        %dma_wait3A_29 = arith.constant 0 : i32
        %dma_wait3A_30 = tpu.memref_slice %arg4[%multiple_of3A, %dma_wait3A_29] : memref<163840x32xf32, #tpu.memory_space<hbm>> -> memref<1024x32xf32, #tpu.memory_space<hbm>>
        tpu.wait_dma2 semaphore(%run_scoped3A_24 : memref<!tpu.dma_semaphore, #tpu.memory_space<semaphore_mem>>) src(%dma_wait3A_30 : memref<1024x32xf32, #tpu.memory_space<hbm>>) dst(%arg9 : memref<1024x32xf32, #tpu.memory_space<vmem>>)
        tpu.yield
      }) : () -> ()
      "tpu.region"() ({
        %run_scoped3A_24 = tpu.sem_alloc : memref<!tpu.dma_semaphore, #tpu.memory_space<semaphore_mem>>
        %dma_start3A = arith.constant 0 : i32
        %dma_start3A_25 = arith.constant 0 : i32
        %dma_start3A_26 = tpu.memref_slice %arg10[%dma_start3A, %dma_start3A_25] : memref<10240x32xf32, #tpu.memory_space<vmem_shared>> -> memref<10240x32xf32, #tpu.memory_space<vmem_shared>>
        tpu.enqueue_indirect_dma source(%arg9 : memref<1024x32xf32, #tpu.memory_space<vmem>>) target(%dma_start3A_26 : memref<10240x32xf32, #tpu.memory_space<vmem_shared>>) offsets(%arg8 : memref<1024xi32, #tpu.memory_space<vmem>>) semaphore(%run_scoped3A_24 : memref<!tpu.dma_semaphore, #tpu.memory_space<semaphore_mem>>) {add = true}
        %dma_wait3A = arith.constant 0 : i32
        %dma_wait3A_27 = arith.constant 0 : i32
        %dma_wait3A_28 = tpu.memref_slice %arg10[%dma_wait3A, %dma_wait3A_27] : memref<10240x32xf32, #tpu.memory_space<vmem_shared>> -> memref<10240x32xf32, #tpu.memory_space<vmem_shared>>
        tpu.wait_indirect_dma semaphore(%run_scoped3A_24 : memref<!tpu.dma_semaphore, #tpu.memory_space<semaphore_mem>>) src(%arg9 : memref<1024x32xf32, #tpu.memory_space<vmem>>) dst(%dma_wait3A_28 : memref<10240x32xf32, #tpu.memory_space<vmem_shared>>)
        tpu.yield
      }) : () -> ()
      "tpu.region"() ({
        %run_scoped3A_24 = tpu.sem_alloc : memref<!tpu.dma_semaphore, #tpu.memory_space<semaphore_mem>>
        %dma_start3A = arith.constant 0 : i32
        %dma_start3A_25 = arith.constant 0 : i32
        %dma_start3A_26 = tpu.memref_slice %arg11[%dma_start3A, %dma_start3A_25] : memref<10240x32xf32, #tpu.memory_space<vmem_shared>> -> memref<10240x32xf32, #tpu.memory_space<vmem_shared>>
        tpu.enqueue_indirect_dma source(%arg9 : memref<1024x32xf32, #tpu.memory_space<vmem>>) target(%dma_start3A_26 : memref<10240x32xf32, #tpu.memory_space<vmem_shared>>) offsets(%arg7 : memref<1024xi32, #tpu.memory_space<vmem>>) semaphore(%run_scoped3A_24 : memref<!tpu.dma_semaphore, #tpu.memory_space<semaphore_mem>>) {add = true}
        %dma_wait3A = arith.constant 0 : i32
        %dma_wait3A_27 = arith.constant 0 : i32
        %dma_wait3A_28 = tpu.memref_slice %arg11[%dma_wait3A, %dma_wait3A_27] : memref<10240x32xf32, #tpu.memory_space<vmem_shared>> -> memref<10240x32xf32, #tpu.memory_space<vmem_shared>>
        tpu.wait_indirect_dma semaphore(%run_scoped3A_24 : memref<!tpu.dma_semaphore, #tpu.memory_space<semaphore_mem>>) src(%arg9 : memref<1024x32xf32, #tpu.memory_space<vmem>>) dst(%dma_wait3A_28 : memref<10240x32xf32, #tpu.memory_space<vmem_shared>>)
        tpu.yield
      }) : () -> ()
    }
    %scan3A_7 = arith.constant 5 : i32
    %barrier3A_8 = arith.constant 0 : index
    tpu.barrier barrier_id(%barrier3A_8)
    %mul3A_9 = arith.constant 640 : i32
    %mul3A_10 = arith.muli %arg1, %mul3A_9 : i32
    %mul3A_11 = arith.constant 640 : i32
    %mul3A_12 = arith.muli %arg1, %mul3A_11 : i32
    %run_scoped3A = arith.constant 0 : i32
    "tpu.region"() ({
      %run_scoped3A_18 = tpu.sem_alloc : memref<!tpu.dma_semaphore, #tpu.memory_space<semaphore_mem>>
      %dma_start3A = arith.constant 0 : i32
      %dma_start3A_19 = tpu.memref_slice %arg6[%arg0, %run_scoped3A, %mul3A_12, %dma_start3A] : memref<2x2x10240x32xf32, #tpu.memory_space<hbm>> -> memref<1x1x640x32xf32, #tpu.memory_space<hbm>>
      %dma_start3A_20 = tpu.memref_squeeze %dma_start3A_19 : memref<1x1x640x32xf32, #tpu.memory_space<hbm>> -> memref<640x32xf32, #tpu.memory_space<hbm>>
      %dma_start3A_21 = arith.constant 0 : i32
      %dma_start3A_22 = tpu.memref_slice %arg10[%mul3A_10, %dma_start3A_21] : memref<10240x32xf32, #tpu.memory_space<vmem_shared>> -> memref<640x32xf32, #tpu.memory_space<vmem_shared>>
      tpu.enqueue_dma source(%dma_start3A_22 : memref<640x32xf32, #tpu.memory_space<vmem_shared>>) target(%dma_start3A_20 : memref<640x32xf32, #tpu.memory_space<hbm>>) target_semaphore(%run_scoped3A_18 : memref<!tpu.dma_semaphore, #tpu.memory_space<semaphore_mem>>)
      %dma_wait3A = arith.constant 0 : i32
      %dma_wait3A_23 = tpu.memref_slice %arg6[%arg0, %run_scoped3A, %mul3A_12, %dma_wait3A] : memref<2x2x10240x32xf32, #tpu.memory_space<hbm>> -> memref<1x1x640x32xf32, #tpu.memory_space<hbm>>
      %dma_wait3A_24 = tpu.memref_squeeze %dma_wait3A_23 : memref<1x1x640x32xf32, #tpu.memory_space<hbm>> -> memref<640x32xf32, #tpu.memory_space<hbm>>
      %dma_wait3A_25 = arith.constant 0 : i32
      %dma_wait3A_26 = tpu.memref_slice %arg10[%mul3A_10, %dma_wait3A_25] : memref<10240x32xf32, #tpu.memory_space<vmem_shared>> -> memref<640x32xf32, #tpu.memory_space<vmem_shared>>
      tpu.wait_dma2 semaphore(%run_scoped3A_18 : memref<!tpu.dma_semaphore, #tpu.memory_space<semaphore_mem>>) src(%dma_wait3A_26 : memref<640x32xf32, #tpu.memory_space<vmem_shared>>) dst(%dma_wait3A_24 : memref<640x32xf32, #tpu.memory_space<hbm>>)
      tpu.yield
    }) : () -> ()
    %mul3A_13 = arith.constant 640 : i32
    %mul3A_14 = arith.muli %arg1, %mul3A_13 : i32
    %mul3A_15 = arith.constant 640 : i32
    %mul3A_16 = arith.muli %arg1, %mul3A_15 : i32
    %run_scoped3A_17 = arith.constant 1 : i32
    "tpu.region"() ({
      %run_scoped3A_18 = tpu.sem_alloc : memref<!tpu.dma_semaphore, #tpu.memory_space<semaphore_mem>>
      %dma_start3A = arith.constant 0 : i32
      %dma_start3A_19 = tpu.memref_slice %arg6[%arg0, %run_scoped3A_17, %mul3A_16, %dma_start3A] : memref<2x2x10240x32xf32, #tpu.memory_space<hbm>> -> memref<1x1x640x32xf32, #tpu.memory_space<hbm>>
      %dma_start3A_20 = tpu.memref_squeeze %dma_start3A_19 : memref<1x1x640x32xf32, #tpu.memory_space<hbm>> -> memref<640x32xf32, #tpu.memory_space<hbm>>
      %dma_start3A_21 = arith.constant 0 : i32
      %dma_start3A_22 = tpu.memref_slice %arg11[%mul3A_14, %dma_start3A_21] : memref<10240x32xf32, #tpu.memory_space<vmem_shared>> -> memref<640x32xf32, #tpu.memory_space<vmem_shared>>
      tpu.enqueue_dma source(%dma_start3A_22 : memref<640x32xf32, #tpu.memory_space<vmem_shared>>) target(%dma_start3A_20 : memref<640x32xf32, #tpu.memory_space<hbm>>) target_semaphore(%run_scoped3A_18 : memref<!tpu.dma_semaphore, #tpu.memory_space<semaphore_mem>>)
      %dma_wait3A = arith.constant 0 : i32
      %dma_wait3A_23 = tpu.memref_slice %arg6[%arg0, %run_scoped3A_17, %mul3A_16, %dma_wait3A] : memref<2x2x10240x32xf32, #tpu.memory_space<hbm>> -> memref<1x1x640x32xf32, #tpu.memory_space<hbm>>
      %dma_wait3A_24 = tpu.memref_squeeze %dma_wait3A_23 : memref<1x1x640x32xf32, #tpu.memory_space<hbm>> -> memref<640x32xf32, #tpu.memory_space<hbm>>
      %dma_wait3A_25 = arith.constant 0 : i32
      %dma_wait3A_26 = tpu.memref_slice %arg11[%mul3A_14, %dma_wait3A_25] : memref<10240x32xf32, #tpu.memory_space<vmem_shared>> -> memref<640x32xf32, #tpu.memory_space<vmem_shared>>
      tpu.wait_dma2 semaphore(%run_scoped3A_18 : memref<!tpu.dma_semaphore, #tpu.memory_space<semaphore_mem>>) src(%dma_wait3A_26 : memref<640x32xf32, #tpu.memory_space<vmem_shared>>) dst(%dma_wait3A_24 : memref<640x32xf32, #tpu.memory_space<hbm>>)
      tpu.yield
    }) : () -> ()
    return
  }
}

#map = affine_map<(d0, d1) -> (0)>
#map1 = affine_map<(d0, d1) -> (0, 0)>
module attributes {stable_mosaic.version = 14 : i64} {
  func.func @_sc_gather2_body(%arg0: i32, %arg1: i32, %arg2: memref<163840xi32, #tpu.memory_space<hbm>>, %arg3: memref<163840xi32, #tpu.memory_space<hbm>>, %arg4: memref<10240x32xf32, #tpu.memory_space<hbm>>, %arg5: memref<10240x32xf32, #tpu.memory_space<hbm>>, %arg6: memref<163840x32xf32, #tpu.memory_space<hbm>>, %arg7: memref<163840x32xf32, #tpu.memory_space<hbm>>, %arg8: memref<1024xi32, #tpu.memory_space<vmem>>, %arg9: memref<1024xi32, #tpu.memory_space<vmem>>, %arg10: memref<1024x32xf32, #tpu.memory_space<vmem>>, %arg11: memref<1024x32xf32, #tpu.memory_space<vmem>>, %arg12: memref<!tpu.dma_semaphore, #tpu.memory_space<semaphore_mem>>, %arg13: memref<!tpu.dma_semaphore, #tpu.memory_space<semaphore_mem>>) attributes {dimension_semantics = [#tpu.dimension_semantics<core_parallel>, #tpu.dimension_semantics<subcore_parallel>], iteration_bounds = array<i64: 2, 16>, scalar_prefetch = 0 : i64, scratch_operands = 6 : i64, tpu.core_type = #tpu.core_type<sc_vector_subcore>, window_params = [{transform_indices = #map}, {transform_indices = #map}, {transform_indices = #map1}, {transform_indices = #map1}, {transform_indices = #map1}, {transform_indices = #map1}]} {
    %mul3A = arith.constant 2 : i32
    %mul3A_0 = arith.muli %arg1, %mul3A : i32
    %add3A = arith.addi %mul3A_0, %arg0 : i32
    %scan3A = arith.constant 0 : i32
    %scan3A_1 = arith.constant 0 : i32
    %scan3A_2 = arith.constant 5 : i32
    %scan3A_3 = arith.addi %scan3A_1, %scan3A_2 : i32
    %scan3A_4 = arith.constant 1 : i32
    scf.for %scan3A_6 = %scan3A_1 to %scan3A_3 step %scan3A_4  : i32 {
      %mul3A_7 = arith.constant 5120 : i32
      %mul3A_8 = arith.muli %add3A, %mul3A_7 : i32
      %mul3A_9 = arith.constant 1024 : i32
      %mul3A_10 = arith.muli %scan3A_6, %mul3A_9 : i32
      %add3A_11 = arith.addi %mul3A_8, %mul3A_10 : i32
      %multiple_of3A = tpu.assume_multiple %add3A_11, 1024 : i32
      "tpu.region"() ({
        %run_scoped3A = tpu.sem_alloc : memref<!tpu.dma_semaphore, #tpu.memory_space<semaphore_mem>>
        %dma_start3A_22 = tpu.memref_slice %arg2[%multiple_of3A] : memref<163840xi32, #tpu.memory_space<hbm>> -> memref<1024xi32, #tpu.memory_space<hbm>>
        %dma_start3A_23 = tpu.memref_slice %arg2[%multiple_of3A] : memref<163840xi32, #tpu.memory_space<hbm>> -> memref<1024xi32, #tpu.memory_space<hbm>>
        tpu.enqueue_dma source(%dma_start3A_23 : memref<1024xi32, #tpu.memory_space<hbm>>) target(%arg8 : memref<1024xi32, #tpu.memory_space<vmem>>) target_semaphore(%run_scoped3A : memref<!tpu.dma_semaphore, #tpu.memory_space<semaphore_mem>>)
        %dma_wait3A_24 = tpu.memref_slice %arg2[%multiple_of3A] : memref<163840xi32, #tpu.memory_space<hbm>> -> memref<1024xi32, #tpu.memory_space<hbm>>
        %dma_wait3A_25 = tpu.memref_slice %arg2[%multiple_of3A] : memref<163840xi32, #tpu.memory_space<hbm>> -> memref<1024xi32, #tpu.memory_space<hbm>>
        tpu.wait_dma2 semaphore(%run_scoped3A : memref<!tpu.dma_semaphore, #tpu.memory_space<semaphore_mem>>) src(%dma_wait3A_25 : memref<1024xi32, #tpu.memory_space<hbm>>) dst(%arg8 : memref<1024xi32, #tpu.memory_space<vmem>>)
        tpu.yield
      }) : () -> ()
      "tpu.region"() ({
        %run_scoped3A = tpu.sem_alloc : memref<!tpu.dma_semaphore, #tpu.memory_space<semaphore_mem>>
        %dma_start3A_22 = tpu.memref_slice %arg3[%multiple_of3A] : memref<163840xi32, #tpu.memory_space<hbm>> -> memref<1024xi32, #tpu.memory_space<hbm>>
        %dma_start3A_23 = tpu.memref_slice %arg3[%multiple_of3A] : memref<163840xi32, #tpu.memory_space<hbm>> -> memref<1024xi32, #tpu.memory_space<hbm>>
        tpu.enqueue_dma source(%dma_start3A_23 : memref<1024xi32, #tpu.memory_space<hbm>>) target(%arg9 : memref<1024xi32, #tpu.memory_space<vmem>>) target_semaphore(%run_scoped3A : memref<!tpu.dma_semaphore, #tpu.memory_space<semaphore_mem>>)
        %dma_wait3A_24 = tpu.memref_slice %arg3[%multiple_of3A] : memref<163840xi32, #tpu.memory_space<hbm>> -> memref<1024xi32, #tpu.memory_space<hbm>>
        %dma_wait3A_25 = tpu.memref_slice %arg3[%multiple_of3A] : memref<163840xi32, #tpu.memory_space<hbm>> -> memref<1024xi32, #tpu.memory_space<hbm>>
        tpu.wait_dma2 semaphore(%run_scoped3A : memref<!tpu.dma_semaphore, #tpu.memory_space<semaphore_mem>>) src(%dma_wait3A_25 : memref<1024xi32, #tpu.memory_space<hbm>>) dst(%arg9 : memref<1024xi32, #tpu.memory_space<vmem>>)
        tpu.yield
      }) : () -> ()
      %dma_start3A = arith.constant 0 : i32
      %dma_start3A_12 = arith.constant 0 : i32
      %dma_start3A_13 = tpu.memref_slice %arg4[%dma_start3A, %dma_start3A_12] : memref<10240x32xf32, #tpu.memory_space<hbm>> -> memref<10240x32xf32, #tpu.memory_space<hbm>>
      tpu.enqueue_indirect_dma source(%dma_start3A_13 : memref<10240x32xf32, #tpu.memory_space<hbm>>) target(%arg10 : memref<1024x32xf32, #tpu.memory_space<vmem>>) offsets(%arg8 : memref<1024xi32, #tpu.memory_space<vmem>>) semaphore(%arg12 : memref<!tpu.dma_semaphore, #tpu.memory_space<semaphore_mem>>)
      %dma_start3A_14 = arith.constant 0 : i32
      %dma_start3A_15 = arith.constant 0 : i32
      %dma_start3A_16 = tpu.memref_slice %arg5[%dma_start3A_14, %dma_start3A_15] : memref<10240x32xf32, #tpu.memory_space<hbm>> -> memref<10240x32xf32, #tpu.memory_space<hbm>>
      tpu.enqueue_indirect_dma source(%dma_start3A_16 : memref<10240x32xf32, #tpu.memory_space<hbm>>) target(%arg11 : memref<1024x32xf32, #tpu.memory_space<vmem>>) offsets(%arg9 : memref<1024xi32, #tpu.memory_space<vmem>>) semaphore(%arg13 : memref<!tpu.dma_semaphore, #tpu.memory_space<semaphore_mem>>)
      %dma_wait3A = arith.constant 0 : i32
      %dma_wait3A_17 = arith.constant 0 : i32
      %dma_wait3A_18 = tpu.memref_slice %arg4[%dma_wait3A, %dma_wait3A_17] : memref<10240x32xf32, #tpu.memory_space<hbm>> -> memref<10240x32xf32, #tpu.memory_space<hbm>>
      tpu.wait_indirect_dma semaphore(%arg12 : memref<!tpu.dma_semaphore, #tpu.memory_space<semaphore_mem>>) src(%dma_wait3A_18 : memref<10240x32xf32, #tpu.memory_space<hbm>>) dst(%arg10 : memref<1024x32xf32, #tpu.memory_space<vmem>>)
      %dma_wait3A_19 = arith.constant 0 : i32
      %dma_wait3A_20 = arith.constant 0 : i32
      %dma_wait3A_21 = tpu.memref_slice %arg5[%dma_wait3A_19, %dma_wait3A_20] : memref<10240x32xf32, #tpu.memory_space<hbm>> -> memref<10240x32xf32, #tpu.memory_space<hbm>>
      tpu.wait_indirect_dma semaphore(%arg13 : memref<!tpu.dma_semaphore, #tpu.memory_space<semaphore_mem>>) src(%dma_wait3A_21 : memref<10240x32xf32, #tpu.memory_space<hbm>>) dst(%arg11 : memref<1024x32xf32, #tpu.memory_space<vmem>>)
      "tpu.region"() ({
        %run_scoped3A = tpu.sem_alloc : memref<!tpu.dma_semaphore, #tpu.memory_space<semaphore_mem>>
        %dma_start3A_22 = arith.constant 0 : i32
        %dma_start3A_23 = tpu.memref_slice %arg6[%multiple_of3A, %dma_start3A_22] : memref<163840x32xf32, #tpu.memory_space<hbm>> -> memref<1024x32xf32, #tpu.memory_space<hbm>>
        %dma_start3A_24 = arith.constant 0 : i32
        %dma_start3A_25 = tpu.memref_slice %arg6[%multiple_of3A, %dma_start3A_24] : memref<163840x32xf32, #tpu.memory_space<hbm>> -> memref<1024x32xf32, #tpu.memory_space<hbm>>
        tpu.enqueue_dma source(%arg10 : memref<1024x32xf32, #tpu.memory_space<vmem>>) target(%dma_start3A_25 : memref<1024x32xf32, #tpu.memory_space<hbm>>) target_semaphore(%run_scoped3A : memref<!tpu.dma_semaphore, #tpu.memory_space<semaphore_mem>>)
        %dma_wait3A_26 = arith.constant 0 : i32
        %dma_wait3A_27 = tpu.memref_slice %arg6[%multiple_of3A, %dma_wait3A_26] : memref<163840x32xf32, #tpu.memory_space<hbm>> -> memref<1024x32xf32, #tpu.memory_space<hbm>>
        %dma_wait3A_28 = arith.constant 0 : i32
        %dma_wait3A_29 = tpu.memref_slice %arg6[%multiple_of3A, %dma_wait3A_28] : memref<163840x32xf32, #tpu.memory_space<hbm>> -> memref<1024x32xf32, #tpu.memory_space<hbm>>
        tpu.wait_dma2 semaphore(%run_scoped3A : memref<!tpu.dma_semaphore, #tpu.memory_space<semaphore_mem>>) src(%arg10 : memref<1024x32xf32, #tpu.memory_space<vmem>>) dst(%dma_wait3A_29 : memref<1024x32xf32, #tpu.memory_space<hbm>>)
        tpu.yield
      }) : () -> ()
      "tpu.region"() ({
        %run_scoped3A = tpu.sem_alloc : memref<!tpu.dma_semaphore, #tpu.memory_space<semaphore_mem>>
        %dma_start3A_22 = arith.constant 0 : i32
        %dma_start3A_23 = tpu.memref_slice %arg7[%multiple_of3A, %dma_start3A_22] : memref<163840x32xf32, #tpu.memory_space<hbm>> -> memref<1024x32xf32, #tpu.memory_space<hbm>>
        %dma_start3A_24 = arith.constant 0 : i32
        %dma_start3A_25 = tpu.memref_slice %arg7[%multiple_of3A, %dma_start3A_24] : memref<163840x32xf32, #tpu.memory_space<hbm>> -> memref<1024x32xf32, #tpu.memory_space<hbm>>
        tpu.enqueue_dma source(%arg11 : memref<1024x32xf32, #tpu.memory_space<vmem>>) target(%dma_start3A_25 : memref<1024x32xf32, #tpu.memory_space<hbm>>) target_semaphore(%run_scoped3A : memref<!tpu.dma_semaphore, #tpu.memory_space<semaphore_mem>>)
        %dma_wait3A_26 = arith.constant 0 : i32
        %dma_wait3A_27 = tpu.memref_slice %arg7[%multiple_of3A, %dma_wait3A_26] : memref<163840x32xf32, #tpu.memory_space<hbm>> -> memref<1024x32xf32, #tpu.memory_space<hbm>>
        %dma_wait3A_28 = arith.constant 0 : i32
        %dma_wait3A_29 = tpu.memref_slice %arg7[%multiple_of3A, %dma_wait3A_28] : memref<163840x32xf32, #tpu.memory_space<hbm>> -> memref<1024x32xf32, #tpu.memory_space<hbm>>
        tpu.wait_dma2 semaphore(%run_scoped3A : memref<!tpu.dma_semaphore, #tpu.memory_space<semaphore_mem>>) src(%arg11 : memref<1024x32xf32, #tpu.memory_space<vmem>>) dst(%dma_wait3A_29 : memref<1024x32xf32, #tpu.memory_space<hbm>>)
        tpu.yield
      }) : () -> ()
    }
    %scan3A_5 = arith.constant 5 : i32
    return
  }
}

#map = affine_map<(d0, d1) -> (0)>
#map1 = affine_map<(d0, d1) -> (0, 0)>
#map2 = affine_map<(d0, d1) -> (0, 0, 0, 0)>
module attributes {stable_mosaic.version = 14 : i64} {
  func.func @_sc_scatter_body(%arg0: i32, %arg1: i32, %arg2: memref<163840xi32, #tpu.memory_space<hbm>>, %arg3: memref<163840xi32, #tpu.memory_space<hbm>>, %arg4: memref<163840x32xf32, #tpu.memory_space<hbm>>, %arg5: memref<10240x32xf32, #tpu.memory_space<hbm>>, %arg6: memref<2x2x10240x32xf32, #tpu.memory_space<hbm>>, %arg7: memref<1024xi32, #tpu.memory_space<vmem>>, %arg8: memref<1024xi32, #tpu.memory_space<vmem>>, %arg9: memref<1024x32xf32, #tpu.memory_space<vmem>>, %arg10: memref<10240x32xf32, #tpu.memory_space<vmem_shared>>, %arg11: memref<10240x32xf32, #tpu.memory_space<vmem_shared>>) attributes {dimension_semantics = [#tpu.dimension_semantics<core_parallel>, #tpu.dimension_semantics<subcore_parallel>], iteration_bounds = array<i64: 2, 16>, scalar_prefetch = 0 : i64, scratch_operands = 5 : i64, tpu.core_type = #tpu.core_type<sc_vector_subcore>, window_params = [{transform_indices = #map}, {transform_indices = #map}, {transform_indices = #map1}, {transform_indices = #map1}, {transform_indices = #map2}]} {
    %mul3A = arith.constant 2 : i32
    %mul3A_0 = arith.muli %arg1, %mul3A : i32
    %add3A = arith.addi %mul3A_0, %arg0 : i32
    %eq3A = arith.constant 0 : i32
    %eq3A_1 = arith.cmpi eq, %arg1, %eq3A : i32
    %convert_element_type3A = arith.extui %eq3A_1 : i1 to i32
    %cond3A = arith.constant 0 : i32
    %cond3A_2 = arith.cmpi ne, %convert_element_type3A, %cond3A : i32
    scf.if %cond3A_2 {
      "tpu.region"() ({
        %run_scoped3A_18 = tpu.sem_alloc : memref<!tpu.dma_semaphore, #tpu.memory_space<semaphore_mem>>
        tpu.enqueue_dma source(%arg5 : memref<10240x32xf32, #tpu.memory_space<hbm>>) target(%arg10 : memref<10240x32xf32, #tpu.memory_space<vmem_shared>>) target_semaphore(%run_scoped3A_18 : memref<!tpu.dma_semaphore, #tpu.memory_space<semaphore_mem>>)
        tpu.wait_dma2 semaphore(%run_scoped3A_18 : memref<!tpu.dma_semaphore, #tpu.memory_space<semaphore_mem>>) src(%arg5 : memref<10240x32xf32, #tpu.memory_space<hbm>>) dst(%arg10 : memref<10240x32xf32, #tpu.memory_space<vmem_shared>>)
        tpu.yield
      }) : () -> ()
      "tpu.region"() ({
        %run_scoped3A_18 = tpu.sem_alloc : memref<!tpu.dma_semaphore, #tpu.memory_space<semaphore_mem>>
        tpu.enqueue_dma source(%arg5 : memref<10240x32xf32, #tpu.memory_space<hbm>>) target(%arg11 : memref<10240x32xf32, #tpu.memory_space<vmem_shared>>) target_semaphore(%run_scoped3A_18 : memref<!tpu.dma_semaphore, #tpu.memory_space<semaphore_mem>>)
        tpu.wait_dma2 semaphore(%run_scoped3A_18 : memref<!tpu.dma_semaphore, #tpu.memory_space<semaphore_mem>>) src(%arg5 : memref<10240x32xf32, #tpu.memory_space<hbm>>) dst(%arg11 : memref<10240x32xf32, #tpu.memory_space<vmem_shared>>)
        tpu.yield
      }) : () -> ()
    } else {
    }
    %barrier3A = arith.constant 0 : index
    tpu.barrier barrier_id(%barrier3A)
    %scan3A = arith.constant 0 : i32
    %scan3A_3 = arith.constant 0 : i32
    %scan3A_4 = arith.constant 5 : i32
    %scan3A_5 = arith.addi %scan3A_3, %scan3A_4 : i32
    %scan3A_6 = arith.constant 1 : i32
    scf.for %scan3A_18 = %scan3A_3 to %scan3A_5 step %scan3A_6  : i32 {
      %mul3A_19 = arith.constant 5120 : i32
      %mul3A_20 = arith.muli %add3A, %mul3A_19 : i32
      %mul3A_21 = arith.constant 1024 : i32
      %mul3A_22 = arith.muli %scan3A_18, %mul3A_21 : i32
      %add3A_23 = arith.addi %mul3A_20, %mul3A_22 : i32
      %multiple_of3A = tpu.assume_multiple %add3A_23, 1024 : i32
      "tpu.region"() ({
        %run_scoped3A_24 = tpu.sem_alloc : memref<!tpu.dma_semaphore, #tpu.memory_space<semaphore_mem>>
        %dma_start3A = tpu.memref_slice %arg3[%multiple_of3A] : memref<163840xi32, #tpu.memory_space<hbm>> -> memref<1024xi32, #tpu.memory_space<hbm>>
        %dma_start3A_25 = tpu.memref_slice %arg3[%multiple_of3A] : memref<163840xi32, #tpu.memory_space<hbm>> -> memref<1024xi32, #tpu.memory_space<hbm>>
        tpu.enqueue_dma source(%dma_start3A_25 : memref<1024xi32, #tpu.memory_space<hbm>>) target(%arg8 : memref<1024xi32, #tpu.memory_space<vmem>>) target_semaphore(%run_scoped3A_24 : memref<!tpu.dma_semaphore, #tpu.memory_space<semaphore_mem>>)
        %dma_wait3A = tpu.memref_slice %arg3[%multiple_of3A] : memref<163840xi32, #tpu.memory_space<hbm>> -> memref<1024xi32, #tpu.memory_space<hbm>>
        %dma_wait3A_26 = tpu.memref_slice %arg3[%multiple_of3A] : memref<163840xi32, #tpu.memory_space<hbm>> -> memref<1024xi32, #tpu.memory_space<hbm>>
        tpu.wait_dma2 semaphore(%run_scoped3A_24 : memref<!tpu.dma_semaphore, #tpu.memory_space<semaphore_mem>>) src(%dma_wait3A_26 : memref<1024xi32, #tpu.memory_space<hbm>>) dst(%arg8 : memref<1024xi32, #tpu.memory_space<vmem>>)
        tpu.yield
      }) : () -> ()
      "tpu.region"() ({
        %run_scoped3A_24 = tpu.sem_alloc : memref<!tpu.dma_semaphore, #tpu.memory_space<semaphore_mem>>
        %dma_start3A = tpu.memref_slice %arg2[%multiple_of3A] : memref<163840xi32, #tpu.memory_space<hbm>> -> memref<1024xi32, #tpu.memory_space<hbm>>
        %dma_start3A_25 = tpu.memref_slice %arg2[%multiple_of3A] : memref<163840xi32, #tpu.memory_space<hbm>> -> memref<1024xi32, #tpu.memory_space<hbm>>
        tpu.enqueue_dma source(%dma_start3A_25 : memref<1024xi32, #tpu.memory_space<hbm>>) target(%arg7 : memref<1024xi32, #tpu.memory_space<vmem>>) target_semaphore(%run_scoped3A_24 : memref<!tpu.dma_semaphore, #tpu.memory_space<semaphore_mem>>)
        %dma_wait3A = tpu.memref_slice %arg2[%multiple_of3A] : memref<163840xi32, #tpu.memory_space<hbm>> -> memref<1024xi32, #tpu.memory_space<hbm>>
        %dma_wait3A_26 = tpu.memref_slice %arg2[%multiple_of3A] : memref<163840xi32, #tpu.memory_space<hbm>> -> memref<1024xi32, #tpu.memory_space<hbm>>
        tpu.wait_dma2 semaphore(%run_scoped3A_24 : memref<!tpu.dma_semaphore, #tpu.memory_space<semaphore_mem>>) src(%dma_wait3A_26 : memref<1024xi32, #tpu.memory_space<hbm>>) dst(%arg7 : memref<1024xi32, #tpu.memory_space<vmem>>)
        tpu.yield
      }) : () -> ()
      "tpu.region"() ({
        %run_scoped3A_24 = tpu.sem_alloc : memref<!tpu.dma_semaphore, #tpu.memory_space<semaphore_mem>>
        %dma_start3A = arith.constant 0 : i32
        %dma_start3A_25 = tpu.memref_slice %arg4[%multiple_of3A, %dma_start3A] : memref<163840x32xf32, #tpu.memory_space<hbm>> -> memref<1024x32xf32, #tpu.memory_space<hbm>>
        %dma_start3A_26 = arith.constant 0 : i32
        %dma_start3A_27 = tpu.memref_slice %arg4[%multiple_of3A, %dma_start3A_26] : memref<163840x32xf32, #tpu.memory_space<hbm>> -> memref<1024x32xf32, #tpu.memory_space<hbm>>
        tpu.enqueue_dma source(%dma_start3A_27 : memref<1024x32xf32, #tpu.memory_space<hbm>>) target(%arg9 : memref<1024x32xf32, #tpu.memory_space<vmem>>) target_semaphore(%run_scoped3A_24 : memref<!tpu.dma_semaphore, #tpu.memory_space<semaphore_mem>>)
        %dma_wait3A = arith.constant 0 : i32
        %dma_wait3A_28 = tpu.memref_slice %arg4[%multiple_of3A, %dma_wait3A] : memref<163840x32xf32, #tpu.memory_space<hbm>> -> memref<1024x32xf32, #tpu.memory_space<hbm>>
        %dma_wait3A_29 = arith.constant 0 : i32
        %dma_wait3A_30 = tpu.memref_slice %arg4[%multiple_of3A, %dma_wait3A_29] : memref<163840x32xf32, #tpu.memory_space<hbm>> -> memref<1024x32xf32, #tpu.memory_space<hbm>>
        tpu.wait_dma2 semaphore(%run_scoped3A_24 : memref<!tpu.dma_semaphore, #tpu.memory_space<semaphore_mem>>) src(%dma_wait3A_30 : memref<1024x32xf32, #tpu.memory_space<hbm>>) dst(%arg9 : memref<1024x32xf32, #tpu.memory_space<vmem>>)
        tpu.yield
      }) : () -> ()
      "tpu.region"() ({
        %run_scoped3A_24 = tpu.sem_alloc : memref<!tpu.dma_semaphore, #tpu.memory_space<semaphore_mem>>
        %dma_start3A = arith.constant 0 : i32
        %dma_start3A_25 = arith.constant 0 : i32
        %dma_start3A_26 = tpu.memref_slice %arg10[%dma_start3A, %dma_start3A_25] : memref<10240x32xf32, #tpu.memory_space<vmem_shared>> -> memref<10240x32xf32, #tpu.memory_space<vmem_shared>>
        tpu.enqueue_indirect_dma source(%arg9 : memref<1024x32xf32, #tpu.memory_space<vmem>>) target(%dma_start3A_26 : memref<10240x32xf32, #tpu.memory_space<vmem_shared>>) offsets(%arg8 : memref<1024xi32, #tpu.memory_space<vmem>>) semaphore(%run_scoped3A_24 : memref<!tpu.dma_semaphore, #tpu.memory_space<semaphore_mem>>) {add = true}
        %dma_wait3A = arith.constant 0 : i32
        %dma_wait3A_27 = arith.constant 0 : i32
        %dma_wait3A_28 = tpu.memref_slice %arg10[%dma_wait3A, %dma_wait3A_27] : memref<10240x32xf32, #tpu.memory_space<vmem_shared>> -> memref<10240x32xf32, #tpu.memory_space<vmem_shared>>
        tpu.wait_indirect_dma semaphore(%run_scoped3A_24 : memref<!tpu.dma_semaphore, #tpu.memory_space<semaphore_mem>>) src(%arg9 : memref<1024x32xf32, #tpu.memory_space<vmem>>) dst(%dma_wait3A_28 : memref<10240x32xf32, #tpu.memory_space<vmem_shared>>)
        tpu.yield
      }) : () -> ()
      "tpu.region"() ({
        %run_scoped3A_24 = tpu.sem_alloc : memref<!tpu.dma_semaphore, #tpu.memory_space<semaphore_mem>>
        %dma_start3A = arith.constant 0 : i32
        %dma_start3A_25 = arith.constant 0 : i32
        %dma_start3A_26 = tpu.memref_slice %arg11[%dma_start3A, %dma_start3A_25] : memref<10240x32xf32, #tpu.memory_space<vmem_shared>> -> memref<10240x32xf32, #tpu.memory_space<vmem_shared>>
        tpu.enqueue_indirect_dma source(%arg9 : memref<1024x32xf32, #tpu.memory_space<vmem>>) target(%dma_start3A_26 : memref<10240x32xf32, #tpu.memory_space<vmem_shared>>) offsets(%arg7 : memref<1024xi32, #tpu.memory_space<vmem>>) semaphore(%run_scoped3A_24 : memref<!tpu.dma_semaphore, #tpu.memory_space<semaphore_mem>>) {add = true}
        %dma_wait3A = arith.constant 0 : i32
        %dma_wait3A_27 = arith.constant 0 : i32
        %dma_wait3A_28 = tpu.memref_slice %arg11[%dma_wait3A, %dma_wait3A_27] : memref<10240x32xf32, #tpu.memory_space<vmem_shared>> -> memref<10240x32xf32, #tpu.memory_space<vmem_shared>>
        tpu.wait_indirect_dma semaphore(%run_scoped3A_24 : memref<!tpu.dma_semaphore, #tpu.memory_space<semaphore_mem>>) src(%arg9 : memref<1024x32xf32, #tpu.memory_space<vmem>>) dst(%dma_wait3A_28 : memref<10240x32xf32, #tpu.memory_space<vmem_shared>>)
        tpu.yield
      }) : () -> ()
    }
    %scan3A_7 = arith.constant 5 : i32
    %barrier3A_8 = arith.constant 0 : index
    tpu.barrier barrier_id(%barrier3A_8)
    %mul3A_9 = arith.constant 640 : i32
    %mul3A_10 = arith.muli %arg1, %mul3A_9 : i32
    %mul3A_11 = arith.constant 640 : i32
    %mul3A_12 = arith.muli %arg1, %mul3A_11 : i32
    %run_scoped3A = arith.constant 0 : i32
    "tpu.region"() ({
      %run_scoped3A_18 = tpu.sem_alloc : memref<!tpu.dma_semaphore, #tpu.memory_space<semaphore_mem>>
      %dma_start3A = arith.constant 0 : i32
      %dma_start3A_19 = tpu.memref_slice %arg6[%arg0, %run_scoped3A, %mul3A_12, %dma_start3A] : memref<2x2x10240x32xf32, #tpu.memory_space<hbm>> -> memref<1x1x640x32xf32, #tpu.memory_space<hbm>>
      %dma_start3A_20 = tpu.memref_squeeze %dma_start3A_19 : memref<1x1x640x32xf32, #tpu.memory_space<hbm>> -> memref<640x32xf32, #tpu.memory_space<hbm>>
      %dma_start3A_21 = arith.constant 0 : i32
      %dma_start3A_22 = tpu.memref_slice %arg10[%mul3A_10, %dma_start3A_21] : memref<10240x32xf32, #tpu.memory_space<vmem_shared>> -> memref<640x32xf32, #tpu.memory_space<vmem_shared>>
      tpu.enqueue_dma source(%dma_start3A_22 : memref<640x32xf32, #tpu.memory_space<vmem_shared>>) target(%dma_start3A_20 : memref<640x32xf32, #tpu.memory_space<hbm>>) target_semaphore(%run_scoped3A_18 : memref<!tpu.dma_semaphore, #tpu.memory_space<semaphore_mem>>)
      %dma_wait3A = arith.constant 0 : i32
      %dma_wait3A_23 = tpu.memref_slice %arg6[%arg0, %run_scoped3A, %mul3A_12, %dma_wait3A] : memref<2x2x10240x32xf32, #tpu.memory_space<hbm>> -> memref<1x1x640x32xf32, #tpu.memory_space<hbm>>
      %dma_wait3A_24 = tpu.memref_squeeze %dma_wait3A_23 : memref<1x1x640x32xf32, #tpu.memory_space<hbm>> -> memref<640x32xf32, #tpu.memory_space<hbm>>
      %dma_wait3A_25 = arith.constant 0 : i32
      %dma_wait3A_26 = tpu.memref_slice %arg10[%mul3A_10, %dma_wait3A_25] : memref<10240x32xf32, #tpu.memory_space<vmem_shared>> -> memref<640x32xf32, #tpu.memory_space<vmem_shared>>
      tpu.wait_dma2 semaphore(%run_scoped3A_18 : memref<!tpu.dma_semaphore, #tpu.memory_space<semaphore_mem>>) src(%dma_wait3A_26 : memref<640x32xf32, #tpu.memory_space<vmem_shared>>) dst(%dma_wait3A_24 : memref<640x32xf32, #tpu.memory_space<hbm>>)
      tpu.yield
    }) : () -> ()
    %mul3A_13 = arith.constant 640 : i32
    %mul3A_14 = arith.muli %arg1, %mul3A_13 : i32
    %mul3A_15 = arith.constant 640 : i32
    %mul3A_16 = arith.muli %arg1, %mul3A_15 : i32
    %run_scoped3A_17 = arith.constant 1 : i32
    "tpu.region"() ({
      %run_scoped3A_18 = tpu.sem_alloc : memref<!tpu.dma_semaphore, #tpu.memory_space<semaphore_mem>>
      %dma_start3A = arith.constant 0 : i32
      %dma_start3A_19 = tpu.memref_slice %arg6[%arg0, %run_scoped3A_17, %mul3A_16, %dma_start3A] : memref<2x2x10240x32xf32, #tpu.memory_space<hbm>> -> memref<1x1x640x32xf32, #tpu.memory_space<hbm>>
      %dma_start3A_20 = tpu.memref_squeeze %dma_start3A_19 : memref<1x1x640x32xf32, #tpu.memory_space<hbm>> -> memref<640x32xf32, #tpu.memory_space<hbm>>
      %dma_start3A_21 = arith.constant 0 : i32
      %dma_start3A_22 = tpu.memref_slice %arg11[%mul3A_14, %dma_start3A_21] : memref<10240x32xf32, #tpu.memory_space<vmem_shared>> -> memref<640x32xf32, #tpu.memory_space<vmem_shared>>
      tpu.enqueue_dma source(%dma_start3A_22 : memref<640x32xf32, #tpu.memory_space<vmem_shared>>) target(%dma_start3A_20 : memref<640x32xf32, #tpu.memory_space<hbm>>) target_semaphore(%run_scoped3A_18 : memref<!tpu.dma_semaphore, #tpu.memory_space<semaphore_mem>>)
      %dma_wait3A = arith.constant 0 : i32
      %dma_wait3A_23 = tpu.memref_slice %arg6[%arg0, %run_scoped3A_17, %mul3A_16, %dma_wait3A] : memref<2x2x10240x32xf32, #tpu.memory_space<hbm>> -> memref<1x1x640x32xf32, #tpu.memory_space<hbm>>
      %dma_wait3A_24 = tpu.memref_squeeze %dma_wait3A_23 : memref<1x1x640x32xf32, #tpu.memory_space<hbm>> -> memref<640x32xf32, #tpu.memory_space<hbm>>
      %dma_wait3A_25 = arith.constant 0 : i32
      %dma_wait3A_26 = tpu.memref_slice %arg11[%mul3A_14, %dma_wait3A_25] : memref<10240x32xf32, #tpu.memory_space<vmem_shared>> -> memref<640x32xf32, #tpu.memory_space<vmem_shared>>
      tpu.wait_dma2 semaphore(%run_scoped3A_18 : memref<!tpu.dma_semaphore, #tpu.memory_space<semaphore_mem>>) src(%dma_wait3A_26 : memref<640x32xf32, #tpu.memory_space<vmem_shared>>) dst(%dma_wait3A_24 : memref<640x32xf32, #tpu.memory_space<hbm>>)
      tpu.yield
    }) : () -> ()
    return
  }
}

#map = affine_map<(d0, d1) -> (0)>
#map1 = affine_map<(d0, d1) -> (0, 0)>
module attributes {stable_mosaic.version = 14 : i64} {
  func.func @_sc_gather2_body(%arg0: i32, %arg1: i32, %arg2: memref<163840xi32, #tpu.memory_space<hbm>>, %arg3: memref<163840xi32, #tpu.memory_space<hbm>>, %arg4: memref<10240x32xf32, #tpu.memory_space<hbm>>, %arg5: memref<10240x32xf32, #tpu.memory_space<hbm>>, %arg6: memref<163840x32xf32, #tpu.memory_space<hbm>>, %arg7: memref<163840x32xf32, #tpu.memory_space<hbm>>, %arg8: memref<1024xi32, #tpu.memory_space<vmem>>, %arg9: memref<1024xi32, #tpu.memory_space<vmem>>, %arg10: memref<1024x32xf32, #tpu.memory_space<vmem>>, %arg11: memref<1024x32xf32, #tpu.memory_space<vmem>>, %arg12: memref<!tpu.dma_semaphore, #tpu.memory_space<semaphore_mem>>, %arg13: memref<!tpu.dma_semaphore, #tpu.memory_space<semaphore_mem>>) attributes {dimension_semantics = [#tpu.dimension_semantics<core_parallel>, #tpu.dimension_semantics<subcore_parallel>], iteration_bounds = array<i64: 2, 16>, scalar_prefetch = 0 : i64, scratch_operands = 6 : i64, tpu.core_type = #tpu.core_type<sc_vector_subcore>, window_params = [{transform_indices = #map}, {transform_indices = #map}, {transform_indices = #map1}, {transform_indices = #map1}, {transform_indices = #map1}, {transform_indices = #map1}]} {
    %mul3A = arith.constant 2 : i32
    %mul3A_0 = arith.muli %arg1, %mul3A : i32
    %add3A = arith.addi %mul3A_0, %arg0 : i32
    %scan3A = arith.constant 0 : i32
    %scan3A_1 = arith.constant 0 : i32
    %scan3A_2 = arith.constant 5 : i32
    %scan3A_3 = arith.addi %scan3A_1, %scan3A_2 : i32
    %scan3A_4 = arith.constant 1 : i32
    scf.for %scan3A_6 = %scan3A_1 to %scan3A_3 step %scan3A_4  : i32 {
      %mul3A_7 = arith.constant 5120 : i32
      %mul3A_8 = arith.muli %add3A, %mul3A_7 : i32
      %mul3A_9 = arith.constant 1024 : i32
      %mul3A_10 = arith.muli %scan3A_6, %mul3A_9 : i32
      %add3A_11 = arith.addi %mul3A_8, %mul3A_10 : i32
      %multiple_of3A = tpu.assume_multiple %add3A_11, 1024 : i32
      "tpu.region"() ({
        %run_scoped3A = tpu.sem_alloc : memref<!tpu.dma_semaphore, #tpu.memory_space<semaphore_mem>>
        %dma_start3A_22 = tpu.memref_slice %arg2[%multiple_of3A] : memref<163840xi32, #tpu.memory_space<hbm>> -> memref<1024xi32, #tpu.memory_space<hbm>>
        %dma_start3A_23 = tpu.memref_slice %arg2[%multiple_of3A] : memref<163840xi32, #tpu.memory_space<hbm>> -> memref<1024xi32, #tpu.memory_space<hbm>>
        tpu.enqueue_dma source(%dma_start3A_23 : memref<1024xi32, #tpu.memory_space<hbm>>) target(%arg8 : memref<1024xi32, #tpu.memory_space<vmem>>) target_semaphore(%run_scoped3A : memref<!tpu.dma_semaphore, #tpu.memory_space<semaphore_mem>>)
        %dma_wait3A_24 = tpu.memref_slice %arg2[%multiple_of3A] : memref<163840xi32, #tpu.memory_space<hbm>> -> memref<1024xi32, #tpu.memory_space<hbm>>
        %dma_wait3A_25 = tpu.memref_slice %arg2[%multiple_of3A] : memref<163840xi32, #tpu.memory_space<hbm>> -> memref<1024xi32, #tpu.memory_space<hbm>>
        tpu.wait_dma2 semaphore(%run_scoped3A : memref<!tpu.dma_semaphore, #tpu.memory_space<semaphore_mem>>) src(%dma_wait3A_25 : memref<1024xi32, #tpu.memory_space<hbm>>) dst(%arg8 : memref<1024xi32, #tpu.memory_space<vmem>>)
        tpu.yield
      }) : () -> ()
      "tpu.region"() ({
        %run_scoped3A = tpu.sem_alloc : memref<!tpu.dma_semaphore, #tpu.memory_space<semaphore_mem>>
        %dma_start3A_22 = tpu.memref_slice %arg3[%multiple_of3A] : memref<163840xi32, #tpu.memory_space<hbm>> -> memref<1024xi32, #tpu.memory_space<hbm>>
        %dma_start3A_23 = tpu.memref_slice %arg3[%multiple_of3A] : memref<163840xi32, #tpu.memory_space<hbm>> -> memref<1024xi32, #tpu.memory_space<hbm>>
        tpu.enqueue_dma source(%dma_start3A_23 : memref<1024xi32, #tpu.memory_space<hbm>>) target(%arg9 : memref<1024xi32, #tpu.memory_space<vmem>>) target_semaphore(%run_scoped3A : memref<!tpu.dma_semaphore, #tpu.memory_space<semaphore_mem>>)
        %dma_wait3A_24 = tpu.memref_slice %arg3[%multiple_of3A] : memref<163840xi32, #tpu.memory_space<hbm>> -> memref<1024xi32, #tpu.memory_space<hbm>>
        %dma_wait3A_25 = tpu.memref_slice %arg3[%multiple_of3A] : memref<163840xi32, #tpu.memory_space<hbm>> -> memref<1024xi32, #tpu.memory_space<hbm>>
        tpu.wait_dma2 semaphore(%run_scoped3A : memref<!tpu.dma_semaphore, #tpu.memory_space<semaphore_mem>>) src(%dma_wait3A_25 : memref<1024xi32, #tpu.memory_space<hbm>>) dst(%arg9 : memref<1024xi32, #tpu.memory_space<vmem>>)
        tpu.yield
      }) : () -> ()
      %dma_start3A = arith.constant 0 : i32
      %dma_start3A_12 = arith.constant 0 : i32
      %dma_start3A_13 = tpu.memref_slice %arg4[%dma_start3A, %dma_start3A_12] : memref<10240x32xf32, #tpu.memory_space<hbm>> -> memref<10240x32xf32, #tpu.memory_space<hbm>>
      tpu.enqueue_indirect_dma source(%dma_start3A_13 : memref<10240x32xf32, #tpu.memory_space<hbm>>) target(%arg10 : memref<1024x32xf32, #tpu.memory_space<vmem>>) offsets(%arg8 : memref<1024xi32, #tpu.memory_space<vmem>>) semaphore(%arg12 : memref<!tpu.dma_semaphore, #tpu.memory_space<semaphore_mem>>)
      %dma_start3A_14 = arith.constant 0 : i32
      %dma_start3A_15 = arith.constant 0 : i32
      %dma_start3A_16 = tpu.memref_slice %arg5[%dma_start3A_14, %dma_start3A_15] : memref<10240x32xf32, #tpu.memory_space<hbm>> -> memref<10240x32xf32, #tpu.memory_space<hbm>>
      tpu.enqueue_indirect_dma source(%dma_start3A_16 : memref<10240x32xf32, #tpu.memory_space<hbm>>) target(%arg11 : memref<1024x32xf32, #tpu.memory_space<vmem>>) offsets(%arg9 : memref<1024xi32, #tpu.memory_space<vmem>>) semaphore(%arg13 : memref<!tpu.dma_semaphore, #tpu.memory_space<semaphore_mem>>)
      %dma_wait3A = arith.constant 0 : i32
      %dma_wait3A_17 = arith.constant 0 : i32
      %dma_wait3A_18 = tpu.memref_slice %arg4[%dma_wait3A, %dma_wait3A_17] : memref<10240x32xf32, #tpu.memory_space<hbm>> -> memref<10240x32xf32, #tpu.memory_space<hbm>>
      tpu.wait_indirect_dma semaphore(%arg12 : memref<!tpu.dma_semaphore, #tpu.memory_space<semaphore_mem>>) src(%dma_wait3A_18 : memref<10240x32xf32, #tpu.memory_space<hbm>>) dst(%arg10 : memref<1024x32xf32, #tpu.memory_space<vmem>>)
      %dma_wait3A_19 = arith.constant 0 : i32
      %dma_wait3A_20 = arith.constant 0 : i32
      %dma_wait3A_21 = tpu.memref_slice %arg5[%dma_wait3A_19, %dma_wait3A_20] : memref<10240x32xf32, #tpu.memory_space<hbm>> -> memref<10240x32xf32, #tpu.memory_space<hbm>>
      tpu.wait_indirect_dma semaphore(%arg13 : memref<!tpu.dma_semaphore, #tpu.memory_space<semaphore_mem>>) src(%dma_wait3A_21 : memref<10240x32xf32, #tpu.memory_space<hbm>>) dst(%arg11 : memref<1024x32xf32, #tpu.memory_space<vmem>>)
      "tpu.region"() ({
        %run_scoped3A = tpu.sem_alloc : memref<!tpu.dma_semaphore, #tpu.memory_space<semaphore_mem>>
        %dma_start3A_22 = arith.constant 0 : i32
        %dma_start3A_23 = tpu.memref_slice %arg6[%multiple_of3A, %dma_start3A_22] : memref<163840x32xf32, #tpu.memory_space<hbm>> -> memref<1024x32xf32, #tpu.memory_space<hbm>>
        %dma_start3A_24 = arith.constant 0 : i32
        %dma_start3A_25 = tpu.memref_slice %arg6[%multiple_of3A, %dma_start3A_24] : memref<163840x32xf32, #tpu.memory_space<hbm>> -> memref<1024x32xf32, #tpu.memory_space<hbm>>
        tpu.enqueue_dma source(%arg10 : memref<1024x32xf32, #tpu.memory_space<vmem>>) target(%dma_start3A_25 : memref<1024x32xf32, #tpu.memory_space<hbm>>) target_semaphore(%run_scoped3A : memref<!tpu.dma_semaphore, #tpu.memory_space<semaphore_mem>>)
        %dma_wait3A_26 = arith.constant 0 : i32
        %dma_wait3A_27 = tpu.memref_slice %arg6[%multiple_of3A, %dma_wait3A_26] : memref<163840x32xf32, #tpu.memory_space<hbm>> -> memref<1024x32xf32, #tpu.memory_space<hbm>>
        %dma_wait3A_28 = arith.constant 0 : i32
        %dma_wait3A_29 = tpu.memref_slice %arg6[%multiple_of3A, %dma_wait3A_28] : memref<163840x32xf32, #tpu.memory_space<hbm>> -> memref<1024x32xf32, #tpu.memory_space<hbm>>
        tpu.wait_dma2 semaphore(%run_scoped3A : memref<!tpu.dma_semaphore, #tpu.memory_space<semaphore_mem>>) src(%arg10 : memref<1024x32xf32, #tpu.memory_space<vmem>>) dst(%dma_wait3A_29 : memref<1024x32xf32, #tpu.memory_space<hbm>>)
        tpu.yield
      }) : () -> ()
      "tpu.region"() ({
        %run_scoped3A = tpu.sem_alloc : memref<!tpu.dma_semaphore, #tpu.memory_space<semaphore_mem>>
        %dma_start3A_22 = arith.constant 0 : i32
        %dma_start3A_23 = tpu.memref_slice %arg7[%multiple_of3A, %dma_start3A_22] : memref<163840x32xf32, #tpu.memory_space<hbm>> -> memref<1024x32xf32, #tpu.memory_space<hbm>>
        %dma_start3A_24 = arith.constant 0 : i32
        %dma_start3A_25 = tpu.memref_slice %arg7[%multiple_of3A, %dma_start3A_24] : memref<163840x32xf32, #tpu.memory_space<hbm>> -> memref<1024x32xf32, #tpu.memory_space<hbm>>
        tpu.enqueue_dma source(%arg11 : memref<1024x32xf32, #tpu.memory_space<vmem>>) target(%dma_start3A_25 : memref<1024x32xf32, #tpu.memory_space<hbm>>) target_semaphore(%run_scoped3A : memref<!tpu.dma_semaphore, #tpu.memory_space<semaphore_mem>>)
        %dma_wait3A_26 = arith.constant 0 : i32
        %dma_wait3A_27 = tpu.memref_slice %arg7[%multiple_of3A, %dma_wait3A_26] : memref<163840x32xf32, #tpu.memory_space<hbm>> -> memref<1024x32xf32, #tpu.memory_space<hbm>>
        %dma_wait3A_28 = arith.constant 0 : i32
        %dma_wait3A_29 = tpu.memref_slice %arg7[%multiple_of3A, %dma_wait3A_28] : memref<163840x32xf32, #tpu.memory_space<hbm>> -> memref<1024x32xf32, #tpu.memory_space<hbm>>
        tpu.wait_dma2 semaphore(%run_scoped3A : memref<!tpu.dma_semaphore, #tpu.memory_space<semaphore_mem>>) src(%arg11 : memref<1024x32xf32, #tpu.memory_space<vmem>>) dst(%dma_wait3A_29 : memref<1024x32xf32, #tpu.memory_space<hbm>>)
        tpu.yield
      }) : () -> ()
    }
    %scan3A_5 = arith.constant 5 : i32
    return
  }
}

#map = affine_map<(d0, d1) -> (0)>
#map1 = affine_map<(d0, d1) -> (0, 0)>
#map2 = affine_map<(d0, d1) -> (0, 0, 0, 0)>
module attributes {stable_mosaic.version = 14 : i64} {
  func.func @_sc_scatter_body(%arg0: i32, %arg1: i32, %arg2: memref<163840xi32, #tpu.memory_space<hbm>>, %arg3: memref<163840xi32, #tpu.memory_space<hbm>>, %arg4: memref<163840x32xf32, #tpu.memory_space<hbm>>, %arg5: memref<10240x32xf32, #tpu.memory_space<hbm>>, %arg6: memref<2x2x10240x32xf32, #tpu.memory_space<hbm>>, %arg7: memref<1024xi32, #tpu.memory_space<vmem>>, %arg8: memref<1024xi32, #tpu.memory_space<vmem>>, %arg9: memref<1024x32xf32, #tpu.memory_space<vmem>>, %arg10: memref<10240x32xf32, #tpu.memory_space<vmem_shared>>, %arg11: memref<10240x32xf32, #tpu.memory_space<vmem_shared>>) attributes {dimension_semantics = [#tpu.dimension_semantics<core_parallel>, #tpu.dimension_semantics<subcore_parallel>], iteration_bounds = array<i64: 2, 16>, scalar_prefetch = 0 : i64, scratch_operands = 5 : i64, tpu.core_type = #tpu.core_type<sc_vector_subcore>, window_params = [{transform_indices = #map}, {transform_indices = #map}, {transform_indices = #map1}, {transform_indices = #map1}, {transform_indices = #map2}]} {
    %mul3A = arith.constant 2 : i32
    %mul3A_0 = arith.muli %arg1, %mul3A : i32
    %add3A = arith.addi %mul3A_0, %arg0 : i32
    %eq3A = arith.constant 0 : i32
    %eq3A_1 = arith.cmpi eq, %arg1, %eq3A : i32
    %convert_element_type3A = arith.extui %eq3A_1 : i1 to i32
    %cond3A = arith.constant 0 : i32
    %cond3A_2 = arith.cmpi ne, %convert_element_type3A, %cond3A : i32
    scf.if %cond3A_2 {
      "tpu.region"() ({
        %run_scoped3A_18 = tpu.sem_alloc : memref<!tpu.dma_semaphore, #tpu.memory_space<semaphore_mem>>
        tpu.enqueue_dma source(%arg5 : memref<10240x32xf32, #tpu.memory_space<hbm>>) target(%arg10 : memref<10240x32xf32, #tpu.memory_space<vmem_shared>>) target_semaphore(%run_scoped3A_18 : memref<!tpu.dma_semaphore, #tpu.memory_space<semaphore_mem>>)
        tpu.wait_dma2 semaphore(%run_scoped3A_18 : memref<!tpu.dma_semaphore, #tpu.memory_space<semaphore_mem>>) src(%arg5 : memref<10240x32xf32, #tpu.memory_space<hbm>>) dst(%arg10 : memref<10240x32xf32, #tpu.memory_space<vmem_shared>>)
        tpu.yield
      }) : () -> ()
      "tpu.region"() ({
        %run_scoped3A_18 = tpu.sem_alloc : memref<!tpu.dma_semaphore, #tpu.memory_space<semaphore_mem>>
        tpu.enqueue_dma source(%arg5 : memref<10240x32xf32, #tpu.memory_space<hbm>>) target(%arg11 : memref<10240x32xf32, #tpu.memory_space<vmem_shared>>) target_semaphore(%run_scoped3A_18 : memref<!tpu.dma_semaphore, #tpu.memory_space<semaphore_mem>>)
        tpu.wait_dma2 semaphore(%run_scoped3A_18 : memref<!tpu.dma_semaphore, #tpu.memory_space<semaphore_mem>>) src(%arg5 : memref<10240x32xf32, #tpu.memory_space<hbm>>) dst(%arg11 : memref<10240x32xf32, #tpu.memory_space<vmem_shared>>)
        tpu.yield
      }) : () -> ()
    } else {
    }
    %barrier3A = arith.constant 0 : index
    tpu.barrier barrier_id(%barrier3A)
    %scan3A = arith.constant 0 : i32
    %scan3A_3 = arith.constant 0 : i32
    %scan3A_4 = arith.constant 5 : i32
    %scan3A_5 = arith.addi %scan3A_3, %scan3A_4 : i32
    %scan3A_6 = arith.constant 1 : i32
    scf.for %scan3A_18 = %scan3A_3 to %scan3A_5 step %scan3A_6  : i32 {
      %mul3A_19 = arith.constant 5120 : i32
      %mul3A_20 = arith.muli %add3A, %mul3A_19 : i32
      %mul3A_21 = arith.constant 1024 : i32
      %mul3A_22 = arith.muli %scan3A_18, %mul3A_21 : i32
      %add3A_23 = arith.addi %mul3A_20, %mul3A_22 : i32
      %multiple_of3A = tpu.assume_multiple %add3A_23, 1024 : i32
      "tpu.region"() ({
        %run_scoped3A_24 = tpu.sem_alloc : memref<!tpu.dma_semaphore, #tpu.memory_space<semaphore_mem>>
        %dma_start3A = tpu.memref_slice %arg3[%multiple_of3A] : memref<163840xi32, #tpu.memory_space<hbm>> -> memref<1024xi32, #tpu.memory_space<hbm>>
        %dma_start3A_25 = tpu.memref_slice %arg3[%multiple_of3A] : memref<163840xi32, #tpu.memory_space<hbm>> -> memref<1024xi32, #tpu.memory_space<hbm>>
        tpu.enqueue_dma source(%dma_start3A_25 : memref<1024xi32, #tpu.memory_space<hbm>>) target(%arg8 : memref<1024xi32, #tpu.memory_space<vmem>>) target_semaphore(%run_scoped3A_24 : memref<!tpu.dma_semaphore, #tpu.memory_space<semaphore_mem>>)
        %dma_wait3A = tpu.memref_slice %arg3[%multiple_of3A] : memref<163840xi32, #tpu.memory_space<hbm>> -> memref<1024xi32, #tpu.memory_space<hbm>>
        %dma_wait3A_26 = tpu.memref_slice %arg3[%multiple_of3A] : memref<163840xi32, #tpu.memory_space<hbm>> -> memref<1024xi32, #tpu.memory_space<hbm>>
        tpu.wait_dma2 semaphore(%run_scoped3A_24 : memref<!tpu.dma_semaphore, #tpu.memory_space<semaphore_mem>>) src(%dma_wait3A_26 : memref<1024xi32, #tpu.memory_space<hbm>>) dst(%arg8 : memref<1024xi32, #tpu.memory_space<vmem>>)
        tpu.yield
      }) : () -> ()
      "tpu.region"() ({
        %run_scoped3A_24 = tpu.sem_alloc : memref<!tpu.dma_semaphore, #tpu.memory_space<semaphore_mem>>
        %dma_start3A = tpu.memref_slice %arg2[%multiple_of3A] : memref<163840xi32, #tpu.memory_space<hbm>> -> memref<1024xi32, #tpu.memory_space<hbm>>
        %dma_start3A_25 = tpu.memref_slice %arg2[%multiple_of3A] : memref<163840xi32, #tpu.memory_space<hbm>> -> memref<1024xi32, #tpu.memory_space<hbm>>
        tpu.enqueue_dma source(%dma_start3A_25 : memref<1024xi32, #tpu.memory_space<hbm>>) target(%arg7 : memref<1024xi32, #tpu.memory_space<vmem>>) target_semaphore(%run_scoped3A_24 : memref<!tpu.dma_semaphore, #tpu.memory_space<semaphore_mem>>)
        %dma_wait3A = tpu.memref_slice %arg2[%multiple_of3A] : memref<163840xi32, #tpu.memory_space<hbm>> -> memref<1024xi32, #tpu.memory_space<hbm>>
        %dma_wait3A_26 = tpu.memref_slice %arg2[%multiple_of3A] : memref<163840xi32, #tpu.memory_space<hbm>> -> memref<1024xi32, #tpu.memory_space<hbm>>
        tpu.wait_dma2 semaphore(%run_scoped3A_24 : memref<!tpu.dma_semaphore, #tpu.memory_space<semaphore_mem>>) src(%dma_wait3A_26 : memref<1024xi32, #tpu.memory_space<hbm>>) dst(%arg7 : memref<1024xi32, #tpu.memory_space<vmem>>)
        tpu.yield
      }) : () -> ()
      "tpu.region"() ({
        %run_scoped3A_24 = tpu.sem_alloc : memref<!tpu.dma_semaphore, #tpu.memory_space<semaphore_mem>>
        %dma_start3A = arith.constant 0 : i32
        %dma_start3A_25 = tpu.memref_slice %arg4[%multiple_of3A, %dma_start3A] : memref<163840x32xf32, #tpu.memory_space<hbm>> -> memref<1024x32xf32, #tpu.memory_space<hbm>>
        %dma_start3A_26 = arith.constant 0 : i32
        %dma_start3A_27 = tpu.memref_slice %arg4[%multiple_of3A, %dma_start3A_26] : memref<163840x32xf32, #tpu.memory_space<hbm>> -> memref<1024x32xf32, #tpu.memory_space<hbm>>
        tpu.enqueue_dma source(%dma_start3A_27 : memref<1024x32xf32, #tpu.memory_space<hbm>>) target(%arg9 : memref<1024x32xf32, #tpu.memory_space<vmem>>) target_semaphore(%run_scoped3A_24 : memref<!tpu.dma_semaphore, #tpu.memory_space<semaphore_mem>>)
        %dma_wait3A = arith.constant 0 : i32
        %dma_wait3A_28 = tpu.memref_slice %arg4[%multiple_of3A, %dma_wait3A] : memref<163840x32xf32, #tpu.memory_space<hbm>> -> memref<1024x32xf32, #tpu.memory_space<hbm>>
        %dma_wait3A_29 = arith.constant 0 : i32
        %dma_wait3A_30 = tpu.memref_slice %arg4[%multiple_of3A, %dma_wait3A_29] : memref<163840x32xf32, #tpu.memory_space<hbm>> -> memref<1024x32xf32, #tpu.memory_space<hbm>>
        tpu.wait_dma2 semaphore(%run_scoped3A_24 : memref<!tpu.dma_semaphore, #tpu.memory_space<semaphore_mem>>) src(%dma_wait3A_30 : memref<1024x32xf32, #tpu.memory_space<hbm>>) dst(%arg9 : memref<1024x32xf32, #tpu.memory_space<vmem>>)
        tpu.yield
      }) : () -> ()
      "tpu.region"() ({
        %run_scoped3A_24 = tpu.sem_alloc : memref<!tpu.dma_semaphore, #tpu.memory_space<semaphore_mem>>
        %dma_start3A = arith.constant 0 : i32
        %dma_start3A_25 = arith.constant 0 : i32
        %dma_start3A_26 = tpu.memref_slice %arg10[%dma_start3A, %dma_start3A_25] : memref<10240x32xf32, #tpu.memory_space<vmem_shared>> -> memref<10240x32xf32, #tpu.memory_space<vmem_shared>>
        tpu.enqueue_indirect_dma source(%arg9 : memref<1024x32xf32, #tpu.memory_space<vmem>>) target(%dma_start3A_26 : memref<10240x32xf32, #tpu.memory_space<vmem_shared>>) offsets(%arg8 : memref<1024xi32, #tpu.memory_space<vmem>>) semaphore(%run_scoped3A_24 : memref<!tpu.dma_semaphore, #tpu.memory_space<semaphore_mem>>) {add = true}
        %dma_wait3A = arith.constant 0 : i32
        %dma_wait3A_27 = arith.constant 0 : i32
        %dma_wait3A_28 = tpu.memref_slice %arg10[%dma_wait3A, %dma_wait3A_27] : memref<10240x32xf32, #tpu.memory_space<vmem_shared>> -> memref<10240x32xf32, #tpu.memory_space<vmem_shared>>
        tpu.wait_indirect_dma semaphore(%run_scoped3A_24 : memref<!tpu.dma_semaphore, #tpu.memory_space<semaphore_mem>>) src(%arg9 : memref<1024x32xf32, #tpu.memory_space<vmem>>) dst(%dma_wait3A_28 : memref<10240x32xf32, #tpu.memory_space<vmem_shared>>)
        tpu.yield
      }) : () -> ()
      "tpu.region"() ({
        %run_scoped3A_24 = tpu.sem_alloc : memref<!tpu.dma_semaphore, #tpu.memory_space<semaphore_mem>>
        %dma_start3A = arith.constant 0 : i32
        %dma_start3A_25 = arith.constant 0 : i32
        %dma_start3A_26 = tpu.memref_slice %arg11[%dma_start3A, %dma_start3A_25] : memref<10240x32xf32, #tpu.memory_space<vmem_shared>> -> memref<10240x32xf32, #tpu.memory_space<vmem_shared>>
        tpu.enqueue_indirect_dma source(%arg9 : memref<1024x32xf32, #tpu.memory_space<vmem>>) target(%dma_start3A_26 : memref<10240x32xf32, #tpu.memory_space<vmem_shared>>) offsets(%arg7 : memref<1024xi32, #tpu.memory_space<vmem>>) semaphore(%run_scoped3A_24 : memref<!tpu.dma_semaphore, #tpu.memory_space<semaphore_mem>>) {add = true}
        %dma_wait3A = arith.constant 0 : i32
        %dma_wait3A_27 = arith.constant 0 : i32
        %dma_wait3A_28 = tpu.memref_slice %arg11[%dma_wait3A, %dma_wait3A_27] : memref<10240x32xf32, #tpu.memory_space<vmem_shared>> -> memref<10240x32xf32, #tpu.memory_space<vmem_shared>>
        tpu.wait_indirect_dma semaphore(%run_scoped3A_24 : memref<!tpu.dma_semaphore, #tpu.memory_space<semaphore_mem>>) src(%arg9 : memref<1024x32xf32, #tpu.memory_space<vmem>>) dst(%dma_wait3A_28 : memref<10240x32xf32, #tpu.memory_space<vmem_shared>>)
        tpu.yield
      }) : () -> ()
    }
    %scan3A_7 = arith.constant 5 : i32
    %barrier3A_8 = arith.constant 0 : index
    tpu.barrier barrier_id(%barrier3A_8)
    %mul3A_9 = arith.constant 640 : i32
    %mul3A_10 = arith.muli %arg1, %mul3A_9 : i32
    %mul3A_11 = arith.constant 640 : i32
    %mul3A_12 = arith.muli %arg1, %mul3A_11 : i32
    %run_scoped3A = arith.constant 0 : i32
    "tpu.region"() ({
      %run_scoped3A_18 = tpu.sem_alloc : memref<!tpu.dma_semaphore, #tpu.memory_space<semaphore_mem>>
      %dma_start3A = arith.constant 0 : i32
      %dma_start3A_19 = tpu.memref_slice %arg6[%arg0, %run_scoped3A, %mul3A_12, %dma_start3A] : memref<2x2x10240x32xf32, #tpu.memory_space<hbm>> -> memref<1x1x640x32xf32, #tpu.memory_space<hbm>>
      %dma_start3A_20 = tpu.memref_squeeze %dma_start3A_19 : memref<1x1x640x32xf32, #tpu.memory_space<hbm>> -> memref<640x32xf32, #tpu.memory_space<hbm>>
      %dma_start3A_21 = arith.constant 0 : i32
      %dma_start3A_22 = tpu.memref_slice %arg10[%mul3A_10, %dma_start3A_21] : memref<10240x32xf32, #tpu.memory_space<vmem_shared>> -> memref<640x32xf32, #tpu.memory_space<vmem_shared>>
      tpu.enqueue_dma source(%dma_start3A_22 : memref<640x32xf32, #tpu.memory_space<vmem_shared>>) target(%dma_start3A_20 : memref<640x32xf32, #tpu.memory_space<hbm>>) target_semaphore(%run_scoped3A_18 : memref<!tpu.dma_semaphore, #tpu.memory_space<semaphore_mem>>)
      %dma_wait3A = arith.constant 0 : i32
      %dma_wait3A_23 = tpu.memref_slice %arg6[%arg0, %run_scoped3A, %mul3A_12, %dma_wait3A] : memref<2x2x10240x32xf32, #tpu.memory_space<hbm>> -> memref<1x1x640x32xf32, #tpu.memory_space<hbm>>
      %dma_wait3A_24 = tpu.memref_squeeze %dma_wait3A_23 : memref<1x1x640x32xf32, #tpu.memory_space<hbm>> -> memref<640x32xf32, #tpu.memory_space<hbm>>
      %dma_wait3A_25 = arith.constant 0 : i32
      %dma_wait3A_26 = tpu.memref_slice %arg10[%mul3A_10, %dma_wait3A_25] : memref<10240x32xf32, #tpu.memory_space<vmem_shared>> -> memref<640x32xf32, #tpu.memory_space<vmem_shared>>
      tpu.wait_dma2 semaphore(%run_scoped3A_18 : memref<!tpu.dma_semaphore, #tpu.memory_space<semaphore_mem>>) src(%dma_wait3A_26 : memref<640x32xf32, #tpu.memory_space<vmem_shared>>) dst(%dma_wait3A_24 : memref<640x32xf32, #tpu.memory_space<hbm>>)
      tpu.yield
    }) : () -> ()
    %mul3A_13 = arith.constant 640 : i32
    %mul3A_14 = arith.muli %arg1, %mul3A_13 : i32
    %mul3A_15 = arith.constant 640 : i32
    %mul3A_16 = arith.muli %arg1, %mul3A_15 : i32
    %run_scoped3A_17 = arith.constant 1 : i32
    "tpu.region"() ({
      %run_scoped3A_18 = tpu.sem_alloc : memref<!tpu.dma_semaphore, #tpu.memory_space<semaphore_mem>>
      %dma_start3A = arith.constant 0 : i32
      %dma_start3A_19 = tpu.memref_slice %arg6[%arg0, %run_scoped3A_17, %mul3A_16, %dma_start3A] : memref<2x2x10240x32xf32, #tpu.memory_space<hbm>> -> memref<1x1x640x32xf32, #tpu.memory_space<hbm>>
      %dma_start3A_20 = tpu.memref_squeeze %dma_start3A_19 : memref<1x1x640x32xf32, #tpu.memory_space<hbm>> -> memref<640x32xf32, #tpu.memory_space<hbm>>
      %dma_start3A_21 = arith.constant 0 : i32
      %dma_start3A_22 = tpu.memref_slice %arg11[%mul3A_14, %dma_start3A_21] : memref<10240x32xf32, #tpu.memory_space<vmem_shared>> -> memref<640x32xf32, #tpu.memory_space<vmem_shared>>
      tpu.enqueue_dma source(%dma_start3A_22 : memref<640x32xf32, #tpu.memory_space<vmem_shared>>) target(%dma_start3A_20 : memref<640x32xf32, #tpu.memory_space<hbm>>) target_semaphore(%run_scoped3A_18 : memref<!tpu.dma_semaphore, #tpu.memory_space<semaphore_mem>>)
      %dma_wait3A = arith.constant 0 : i32
      %dma_wait3A_23 = tpu.memref_slice %arg6[%arg0, %run_scoped3A_17, %mul3A_16, %dma_wait3A] : memref<2x2x10240x32xf32, #tpu.memory_space<hbm>> -> memref<1x1x640x32xf32, #tpu.memory_space<hbm>>
      %dma_wait3A_24 = tpu.memref_squeeze %dma_wait3A_23 : memref<1x1x640x32xf32, #tpu.memory_space<hbm>> -> memref<640x32xf32, #tpu.memory_space<hbm>>
      %dma_wait3A_25 = arith.constant 0 : i32
      %dma_wait3A_26 = tpu.memref_slice %arg11[%mul3A_14, %dma_wait3A_25] : memref<10240x32xf32, #tpu.memory_space<vmem_shared>> -> memref<640x32xf32, #tpu.memory_space<vmem_shared>>
      tpu.wait_dma2 semaphore(%run_scoped3A_18 : memref<!tpu.dma_semaphore, #tpu.memory_space<semaphore_mem>>) src(%dma_wait3A_26 : memref<640x32xf32, #tpu.memory_space<vmem_shared>>) dst(%dma_wait3A_24 : memref<640x32xf32, #tpu.memory_space<hbm>>)
      tpu.yield
    }) : () -> ()
    return
  }
}

module attributes {stable_mosaic.version = 14 : i64} {
  func.func @_pre_body(%arg0: i32, %arg1: i32, %arg2: memref<1x2048x128xf32, #tpu.memory_space<vmem>>, %arg3: memref<2048x8xf32, #tpu.memory_space<vmem>>, %arg4: memref<128x32xf32, #tpu.memory_space<vmem>>, %arg5: memref<128x32xf32, #tpu.memory_space<vmem>>, %arg6: memref<128x128xf32, #tpu.memory_space<vmem>>, %arg7: memref<8x32xf32, #tpu.memory_space<vmem>>, %arg8: memref<1x2048x32xf32, #tpu.memory_space<vmem>>, %arg9: memref<1x2048x32xf32, #tpu.memory_space<vmem>>, %arg10: memref<1x2048x128xf32, #tpu.memory_space<vmem>>) attributes {dimension_semantics = [#tpu.dimension_semantics<arbitrary>, #tpu.dimension_semantics<arbitrary>], iteration_bounds = array<i64: 4, 5>, scalar_prefetch = 0 : i64, scratch_operands = 0 : i64, tpu.core_type = #tpu.core_type<tc>, window_params = [{transform_indices = @transform_0, window_bounds = array<i64: 1, 2048, 128>}, {transform_indices = @transform_1, window_bounds = array<i64: 2048, 8>}, {pipeline_mode = #tpu.pipeline_mode<synchronous>, transform_indices = @transform_2, window_bounds = array<i64: 128, 32>}, {pipeline_mode = #tpu.pipeline_mode<synchronous>, transform_indices = @transform_3, window_bounds = array<i64: 128, 32>}, {pipeline_mode = #tpu.pipeline_mode<synchronous>, transform_indices = @transform_4, window_bounds = array<i64: 128, 128>}, {pipeline_mode = #tpu.pipeline_mode<synchronous>, transform_indices = @transform_5, window_bounds = array<i64: 8, 32>}, {transform_indices = @transform_6, window_bounds = array<i64: 1, 2048, 32>}, {transform_indices = @transform_7, window_bounds = array<i64: 1, 2048, 32>}, {transform_indices = @transform_8, window_bounds = array<i64: 1, 2048, 128>}]} {
    %get3A = arith.constant 0 : index
    %get3A_0 = arith.constant 0 : index
    %get3A_1 = arith.constant 0 : index
    %get3A_2 = vector.load %arg2[%get3A, %get3A_0, %get3A_1] : memref<1x2048x128xf32, #tpu.memory_space<vmem>>, vector<1x2048x128xf32>
    %get3A_3 = vector.shape_cast %get3A_2 : vector<1x2048x128xf32> to vector<2048x128xf32>
    %get3A_4 = arith.constant 0 : index
    %get3A_5 = arith.constant 0 : index
    %get3A_6 = vector.load %arg3[%get3A_4, %get3A_5] : memref<2048x8xf32, #tpu.memory_space<vmem>>, vector<2048x1xf32>
    %eq3A = arith.constant 0 : i32
    %eq3A_7 = arith.cmpi eq, %arg0, %eq3A : i32
    %jit3A = arith.constant 1.000000e+00 : f32
    %jit3A_8 = arith.constant 0.000000e+00 : f32
    %select_n3A = arith.select %eq3A_7, %jit3A, %jit3A_8 : f32
    %get3A_9 = arith.constant 0 : index
    %get3A_10 = arith.constant 0 : index
    %get3A_11 = vector.load %arg4[%get3A_9, %get3A_10] : memref<128x32xf32, #tpu.memory_space<vmem>>, vector<128x32xf32>
    %dot_general3A = arith.constant dense<0.000000e+00> : vector<2048x32xf32>
    %dot_general3A_12 = tpu.matmul %get3A_3, %get3A_11, %dot_general3A {dimension_numbers = #tpu.dot_dimension_numbers<[1], [0], [0], [1], [0, 0, 1, 1], [], []>, transpose_lhs_hint = false} : vector<2048x128xf32>, vector<128x32xf32>, vector<2048x32xf32> -> vector<2048x32xf32>
    %mul3A = vector.broadcast %select_n3A : f32 to vector<2048x1xf32>
    %mul3A_13 = arith.mulf %mul3A, %get3A_6 : vector<2048x1xf32>
    %get3A_14 = arith.constant 0 : index
    %get3A_15 = arith.constant 0 : index
    %get3A_16 = vector.load %arg7[%get3A_14, %get3A_15] : memref<8x32xf32, #tpu.memory_space<vmem>>, vector<1x32xf32>
    %mul3A_17 = vector.broadcast %mul3A_13 : vector<2048x1xf32> to vector<2048x32xf32>
    %mul3A_18 = vector.broadcast %get3A_16 : vector<1x32xf32> to vector<2048x32xf32>
    %mul3A_19 = arith.mulf %mul3A_17, %mul3A_18 : vector<2048x32xf32>
    %add3A = arith.addf %dot_general3A_12, %mul3A_19 : vector<2048x32xf32>
    %swap3A = arith.constant 0 : index
    %swap3A_20 = arith.constant 0 : index
    %swap3A_21 = arith.constant 0 : index
    %swap3A_22 = vector.load %arg8[%swap3A, %swap3A_20, %swap3A_21] : memref<1x2048x32xf32, #tpu.memory_space<vmem>>, vector<1x2048x32xf32>
    %swap3A_23 = vector.shape_cast %swap3A_22 : vector<1x2048x32xf32> to vector<2048x32xf32>
    %swap3A_24 = vector.shape_cast %add3A : vector<2048x32xf32> to vector<1x2048x32xf32>
    tpu.vector_store %arg8[%swap3A, %swap3A_20, %swap3A_21], %swap3A_24 {strides = array<i32>} : memref<1x2048x32xf32, #tpu.memory_space<vmem>>, vector<1x2048x32xf32>,
    %get3A_25 = arith.constant 0 : index
    %get3A_26 = arith.constant 0 : index
    %get3A_27 = vector.load %arg5[%get3A_25, %get3A_26] : memref<128x32xf32, #tpu.memory_space<vmem>>, vector<128x32xf32>
    %dot_general3A_28 = arith.constant dense<0.000000e+00> : vector<2048x32xf32>
    %dot_general3A_29 = tpu.matmul %get3A_3, %get3A_27, %dot_general3A_28 {dimension_numbers = #tpu.dot_dimension_numbers<[1], [0], [0], [1], [0, 0, 1, 1], [], []>, transpose_lhs_hint = false} : vector<2048x128xf32>, vector<128x32xf32>, vector<2048x32xf32> -> vector<2048x32xf32>
    %mul3A_30 = vector.broadcast %select_n3A : f32 to vector<2048x1xf32>
    %mul3A_31 = arith.mulf %mul3A_30, %get3A_6 : vector<2048x1xf32>
    %get3A_32 = arith.constant 1 : index
    %get3A_33 = arith.constant 0 : index
    %get3A_34 = vector.load %arg7[%get3A_32, %get3A_33] : memref<8x32xf32, #tpu.memory_space<vmem>>, vector<1x32xf32>
    %mul3A_35 = vector.broadcast %mul3A_31 : vector<2048x1xf32> to vector<2048x32xf32>
    %mul3A_36 = vector.broadcast %get3A_34 : vector<1x32xf32> to vector<2048x32xf32>
    %mul3A_37 = arith.mulf %mul3A_35, %mul3A_36 : vector<2048x32xf32>
    %add3A_38 = arith.addf %dot_general3A_29, %mul3A_37 : vector<2048x32xf32>
    %swap3A_39 = arith.constant 0 : index
    %swap3A_40 = arith.constant 0 : index
    %swap3A_41 = arith.constant 0 : index
    %swap3A_42 = vector.load %arg9[%swap3A_39, %swap3A_40, %swap3A_41] : memref<1x2048x32xf32, #tpu.memory_space<vmem>>, vector<1x2048x32xf32>
    %swap3A_43 = vector.shape_cast %swap3A_42 : vector<1x2048x32xf32> to vector<2048x32xf32>
    %swap3A_44 = vector.shape_cast %add3A_38 : vector<2048x32xf32> to vector<1x2048x32xf32>
    tpu.vector_store %arg9[%swap3A_39, %swap3A_40, %swap3A_41], %swap3A_44 {strides = array<i32>} : memref<1x2048x32xf32, #tpu.memory_space<vmem>>, vector<1x2048x32xf32>,
    %get3A_45 = arith.constant 0 : index
    %get3A_46 = arith.constant 0 : index
    %get3A_47 = vector.load %arg6[%get3A_45, %get3A_46] : memref<128x128xf32, #tpu.memory_space<vmem>>, vector<128x128xf32>
    %dot_general3A_48 = arith.constant dense<0.000000e+00> : vector<2048x128xf32>
    %dot_general3A_49 = tpu.matmul %get3A_3, %get3A_47, %dot_general3A_48 {dimension_numbers = #tpu.dot_dimension_numbers<[1], [0], [0], [1], [0, 0, 1, 1], [], []>, transpose_lhs_hint = false} : vector<2048x128xf32>, vector<128x128xf32>, vector<2048x128xf32> -> vector<2048x128xf32>
    %swap3A_50 = arith.constant 0 : index
    %swap3A_51 = arith.constant 0 : index
    %swap3A_52 = arith.constant 0 : index
    %swap3A_53 = vector.load %arg10[%swap3A_50, %swap3A_51, %swap3A_52] : memref<1x2048x128xf32, #tpu.memory_space<vmem>>, vector<1x2048x128xf32>
    %swap3A_54 = vector.shape_cast %swap3A_53 : vector<1x2048x128xf32> to vector<2048x128xf32>
    %swap3A_55 = vector.shape_cast %dot_general3A_49 : vector<2048x128xf32> to vector<1x2048x128xf32>
    tpu.vector_store %arg10[%swap3A_50, %swap3A_51, %swap3A_52], %swap3A_55 {strides = array<i32>} : memref<1x2048x128xf32, #tpu.memory_space<vmem>>, vector<1x2048x128xf32>,
    return
  }
  func.func @transform_0(%arg0: i32, %arg1: i32) -> (i32, i32, i32) {
    %c0_i32 = arith.constant 0 : i32
    %c0_i32_0 = arith.constant 0 : i32
    return %arg0, %arg1, %c0_i32 : i32, i32, i32
  }
  func.func @transform_1(%arg0: i32, %arg1: i32) -> (i32, i32) {
    %c0_i32 = arith.constant 0 : i32
    %c0_i32_0 = arith.constant 0 : i32
    return %arg1, %c0_i32 : i32, i32
  }
  func.func @transform_2(%arg0: i32, %arg1: i32) -> (i32, i32) {
    %c0_i32 = arith.constant 0 : i32
    %c0_i32_0 = arith.constant 0 : i32
    %c0_i32_1 = arith.constant 0 : i32
    return %c0_i32, %c0_i32_0 : i32, i32
  }
  func.func @transform_3(%arg0: i32, %arg1: i32) -> (i32, i32) {
    %c0_i32 = arith.constant 0 : i32
    %c0_i32_0 = arith.constant 0 : i32
    %c0_i32_1 = arith.constant 0 : i32
    return %c0_i32, %c0_i32_0 : i32, i32
  }
  func.func @transform_4(%arg0: i32, %arg1: i32) -> (i32, i32) {
    %c0_i32 = arith.constant 0 : i32
    %c0_i32_0 = arith.constant 0 : i32
    %c0_i32_1 = arith.constant 0 : i32
    return %c0_i32, %c0_i32_0 : i32, i32
  }
  func.func @transform_5(%arg0: i32, %arg1: i32) -> (i32, i32) {
    %c0_i32 = arith.constant 0 : i32
    %c0_i32_0 = arith.constant 0 : i32
    %c0_i32_1 = arith.constant 0 : i32
    return %c0_i32, %c0_i32_0 : i32, i32
  }
  func.func @transform_6(%arg0: i32, %arg1: i32) -> (i32, i32, i32) {
    %c0_i32 = arith.constant 0 : i32
    %c0_i32_0 = arith.constant 0 : i32
    return %arg0, %arg1, %c0_i32 : i32, i32, i32
  }
  func.func @transform_7(%arg0: i32, %arg1: i32) -> (i32, i32, i32) {
    %c0_i32 = arith.constant 0 : i32
    %c0_i32_0 = arith.constant 0 : i32
    return %arg0, %arg1, %c0_i32 : i32, i32, i32
  }
  func.func @transform_8(%arg0: i32, %arg1: i32) -> (i32, i32, i32) {
    %c0_i32 = arith.constant 0 : i32
    %c0_i32_0 = arith.constant 0 : i32
    return %arg0, %arg1, %c0_i32 : i32, i32, i32
  }
}

module attributes {stable_mosaic.version = 14 : i64} {
  func.func @_scal_body(%arg0: i32, %arg1: memref<16x16384xf32, #tpu.memory_space<vmem>>, %arg2: memref<8x16384xf32, #tpu.memory_space<vmem>>, %arg3: memref<8x8xf32, #tpu.memory_space<vmem>>, %arg4: memref<8x16384xf32, #tpu.memory_space<vmem>>) attributes {dimension_semantics = [#tpu.dimension_semantics<arbitrary>], iteration_bounds = array<i64: 10>, scalar_prefetch = 0 : i64, scratch_operands = 0 : i64, tpu.core_type = #tpu.core_type<tc>, window_params = [{transform_indices = @transform_0, window_bounds = array<i64: 16, 16384>}, {transform_indices = @transform_1, window_bounds = array<i64: 8, 16384>}, {pipeline_mode = #tpu.pipeline_mode<synchronous>, transform_indices = @transform_2, window_bounds = array<i64: 8, 8>}, {transform_indices = @transform_3, window_bounds = array<i64: 8, 16384>}]} {
    %get3A = arith.constant 0 : index
    %get3A_0 = arith.constant 0 : index
    %get3A_1 = vector.load %arg2[%get3A, %get3A_0] : memref<8x16384xf32, #tpu.memory_space<vmem>>, vector<1x16384xf32>
    %get3A_2 = arith.constant 1 : index
    %get3A_3 = arith.constant 0 : index
    %get3A_4 = vector.load %arg2[%get3A_2, %get3A_3] : memref<8x16384xf32, #tpu.memory_space<vmem>>, vector<1x16384xf32>
    %get3A_5 = arith.constant 0 : index
    %get3A_6 = arith.constant 0 : index
    %get3A_7 = vector.load %arg1[%get3A_5, %get3A_6] : memref<16x16384xf32, #tpu.memory_space<vmem>>, vector<1x16384xf32>
    %get3A_8 = arith.constant 2 : index
    %get3A_9 = arith.constant 0 : index
    %get3A_10 = vector.load %arg3[%get3A_8, %get3A_9] : memref<8x8xf32, #tpu.memory_space<vmem>>, vector<1x1xf32>
    %get3A_11 = vector.extract %get3A_10[0, 0] : f32 from vector<1x1xf32>
    %mul3A = vector.broadcast %get3A_11 : f32 to vector<1x16384xf32>
    %mul3A_12 = arith.mulf %get3A_7, %mul3A : vector<1x16384xf32>
    %get3A_13 = arith.constant 0 : index
    %get3A_14 = arith.constant 0 : index
    %get3A_15 = vector.load %arg3[%get3A_13, %get3A_14] : memref<8x8xf32, #tpu.memory_space<vmem>>, vector<1x1xf32>
    %get3A_16 = vector.extract %get3A_15[0, 0] : f32 from vector<1x1xf32>
    %add3A = vector.broadcast %get3A_16 : f32 to vector<1x16384xf32>
    %add3A_17 = arith.addf %mul3A_12, %add3A : vector<1x16384xf32>
    %get3A_18 = arith.constant 1 : index
    %get3A_19 = arith.constant 0 : index
    %get3A_20 = vector.load %arg1[%get3A_18, %get3A_19] : memref<16x16384xf32, #tpu.memory_space<vmem>>, vector<1x16384xf32>
    %get3A_21 = arith.constant 3 : index
    %get3A_22 = arith.constant 0 : index
    %get3A_23 = vector.load %arg3[%get3A_21, %get3A_22] : memref<8x8xf32, #tpu.memory_space<vmem>>, vector<1x1xf32>
    %get3A_24 = vector.extract %get3A_23[0, 0] : f32 from vector<1x1xf32>
    %mul3A_25 = vector.broadcast %get3A_24 : f32 to vector<1x16384xf32>
    %mul3A_26 = arith.mulf %get3A_20, %mul3A_25 : vector<1x16384xf32>
    %get3A_27 = arith.constant 1 : index
    %get3A_28 = arith.constant 0 : index
    %get3A_29 = vector.load %arg3[%get3A_27, %get3A_28] : memref<8x8xf32, #tpu.memory_space<vmem>>, vector<1x1xf32>
    %get3A_30 = vector.extract %get3A_29[0, 0] : f32 from vector<1x1xf32>
    %add3A_31 = vector.broadcast %get3A_30 : f32 to vector<1x16384xf32>
    %add3A_32 = arith.addf %mul3A_26, %add3A_31 : vector<1x16384xf32>
    %sub3A = arith.subf %get3A_4, %add3A_32 : vector<1x16384xf32>
    %abs3A = math.absf %sub3A : vector<1x16384xf32>
    %mul3A_33 = arith.constant 3.000000e+00 : f32
    %mul3A_34 = vector.broadcast %mul3A_33 : f32 to vector<1x16384xf32>
    %mul3A_35 = arith.mulf %mul3A_34, %add3A_17 : vector<1x16384xf32>
    %cos3A = math.cos %abs3A : vector<1x16384xf32>
    %mul3A_36 = arith.mulf %mul3A_35, %cos3A : vector<1x16384xf32>
    %div3A = arith.divf %mul3A_36, %get3A_1 : vector<1x16384xf32>
    %max3A = arith.constant 0.000000e+00 : f32
    %max3A_37 = vector.broadcast %max3A : f32 to vector<1x16384xf32>
    %max3A_38 = arith.maximumf %div3A, %max3A_37 : vector<1x16384xf32>
    %swap3A = arith.constant 0 : index
    %swap3A_39 = arith.constant 0 : index
    %swap3A_40 = vector.load %arg4[%swap3A, %swap3A_39] : memref<8x16384xf32, #tpu.memory_space<vmem>>, vector<1x16384xf32>
    tpu.vector_store %arg4[%swap3A, %swap3A_39], %max3A_38 {strides = array<i32>} : memref<8x16384xf32, #tpu.memory_space<vmem>>, vector<1x16384xf32>,
    %get3A_41 = arith.constant 2 : index
    %get3A_42 = arith.constant 0 : index
    %get3A_43 = vector.load %arg1[%get3A_41, %get3A_42] : memref<16x16384xf32, #tpu.memory_space<vmem>>, vector<1x16384xf32>
    %get3A_44 = arith.constant 2 : index
    %get3A_45 = arith.constant 0 : index
    %get3A_46 = vector.load %arg3[%get3A_44, %get3A_45] : memref<8x8xf32, #tpu.memory_space<vmem>>, vector<1x1xf32>
    %get3A_47 = vector.extract %get3A_46[0, 0] : f32 from vector<1x1xf32>
    %mul3A_48 = vector.broadcast %get3A_47 : f32 to vector<1x16384xf32>
    %mul3A_49 = arith.mulf %get3A_43, %mul3A_48 : vector<1x16384xf32>
    %get3A_50 = arith.constant 0 : index
    %get3A_51 = arith.constant 0 : index
    %get3A_52 = vector.load %arg3[%get3A_50, %get3A_51] : memref<8x8xf32, #tpu.memory_space<vmem>>, vector<1x1xf32>
    %get3A_53 = vector.extract %get3A_52[0, 0] : f32 from vector<1x1xf32>
    %add3A_54 = vector.broadcast %get3A_53 : f32 to vector<1x16384xf32>
    %add3A_55 = arith.addf %mul3A_49, %add3A_54 : vector<1x16384xf32>
    %get3A_56 = arith.constant 3 : index
    %get3A_57 = arith.constant 0 : index
    %get3A_58 = vector.load %arg1[%get3A_56, %get3A_57] : memref<16x16384xf32, #tpu.memory_space<vmem>>, vector<1x16384xf32>
    %get3A_59 = arith.constant 3 : index
    %get3A_60 = arith.constant 0 : index
    %get3A_61 = vector.load %arg3[%get3A_59, %get3A_60] : memref<8x8xf32, #tpu.memory_space<vmem>>, vector<1x1xf32>
    %get3A_62 = vector.extract %get3A_61[0, 0] : f32 from vector<1x1xf32>
    %mul3A_63 = vector.broadcast %get3A_62 : f32 to vector<1x16384xf32>
    %mul3A_64 = arith.mulf %get3A_58, %mul3A_63 : vector<1x16384xf32>
    %get3A_65 = arith.constant 1 : index
    %get3A_66 = arith.constant 0 : index
    %get3A_67 = vector.load %arg3[%get3A_65, %get3A_66] : memref<8x8xf32, #tpu.memory_space<vmem>>, vector<1x1xf32>
    %get3A_68 = vector.extract %get3A_67[0, 0] : f32 from vector<1x1xf32>
    %add3A_69 = vector.broadcast %get3A_68 : f32 to vector<1x16384xf32>
    %add3A_70 = arith.addf %mul3A_64, %add3A_69 : vector<1x16384xf32>
    %sub3A_71 = arith.subf %get3A_4, %add3A_70 : vector<1x16384xf32>
    %abs3A_72 = math.absf %sub3A_71 : vector<1x16384xf32>
    %mul3A_73 = arith.constant 3.000000e+00 : f32
    %mul3A_74 = vector.broadcast %mul3A_73 : f32 to vector<1x16384xf32>
    %mul3A_75 = arith.mulf %mul3A_74, %add3A_55 : vector<1x16384xf32>
    %cos3A_76 = math.cos %abs3A_72 : vector<1x16384xf32>
    %mul3A_77 = arith.mulf %mul3A_75, %cos3A_76 : vector<1x16384xf32>
    %div3A_78 = arith.divf %mul3A_77, %get3A_1 : vector<1x16384xf32>
    %max3A_79 = arith.constant 0.000000e+00 : f32
    %max3A_80 = vector.broadcast %max3A_79 : f32 to vector<1x16384xf32>
    %max3A_81 = arith.maximumf %div3A_78, %max3A_80 : vector<1x16384xf32>
    %swap3A_82 = arith.constant 1 : index
    %swap3A_83 = arith.constant 0 : index
    %swap3A_84 = vector.load %arg4[%swap3A_82, %swap3A_83] : memref<8x16384xf32, #tpu.memory_space<vmem>>, vector<1x16384xf32>
    tpu.vector_store %arg4[%swap3A_82, %swap3A_83], %max3A_81 {strides = array<i32>} : memref<8x16384xf32, #tpu.memory_space<vmem>>, vector<1x16384xf32>,
    %get3A_85 = arith.constant 4 : index
    %get3A_86 = arith.constant 0 : index
    %get3A_87 = vector.load %arg1[%get3A_85, %get3A_86] : memref<16x16384xf32, #tpu.memory_space<vmem>>, vector<1x16384xf32>
    %get3A_88 = arith.constant 2 : index
    %get3A_89 = arith.constant 0 : index
    %get3A_90 = vector.load %arg3[%get3A_88, %get3A_89] : memref<8x8xf32, #tpu.memory_space<vmem>>, vector<1x1xf32>
    %get3A_91 = vector.extract %get3A_90[0, 0] : f32 from vector<1x1xf32>
    %mul3A_92 = vector.broadcast %get3A_91 : f32 to vector<1x16384xf32>
    %mul3A_93 = arith.mulf %get3A_87, %mul3A_92 : vector<1x16384xf32>
    %get3A_94 = arith.constant 0 : index
    %get3A_95 = arith.constant 0 : index
    %get3A_96 = vector.load %arg3[%get3A_94, %get3A_95] : memref<8x8xf32, #tpu.memory_space<vmem>>, vector<1x1xf32>
    %get3A_97 = vector.extract %get3A_96[0, 0] : f32 from vector<1x1xf32>
    %add3A_98 = vector.broadcast %get3A_97 : f32 to vector<1x16384xf32>
    %add3A_99 = arith.addf %mul3A_93, %add3A_98 : vector<1x16384xf32>
    %get3A_100 = arith.constant 5 : index
    %get3A_101 = arith.constant 0 : index
    %get3A_102 = vector.load %arg1[%get3A_100, %get3A_101] : memref<16x16384xf32, #tpu.memory_space<vmem>>, vector<1x16384xf32>
    %get3A_103 = arith.constant 3 : index
    %get3A_104 = arith.constant 0 : index
    %get3A_105 = vector.load %arg3[%get3A_103, %get3A_104] : memref<8x8xf32, #tpu.memory_space<vmem>>, vector<1x1xf32>
    %get3A_106 = vector.extract %get3A_105[0, 0] : f32 from vector<1x1xf32>
    %mul3A_107 = vector.broadcast %get3A_106 : f32 to vector<1x16384xf32>
    %mul3A_108 = arith.mulf %get3A_102, %mul3A_107 : vector<1x16384xf32>
    %get3A_109 = arith.constant 1 : index
    %get3A_110 = arith.constant 0 : index
    %get3A_111 = vector.load %arg3[%get3A_109, %get3A_110] : memref<8x8xf32, #tpu.memory_space<vmem>>, vector<1x1xf32>
    %get3A_112 = vector.extract %get3A_111[0, 0] : f32 from vector<1x1xf32>
    %add3A_113 = vector.broadcast %get3A_112 : f32 to vector<1x16384xf32>
    %add3A_114 = arith.addf %mul3A_108, %add3A_113 : vector<1x16384xf32>
    %sub3A_115 = arith.subf %get3A_4, %add3A_114 : vector<1x16384xf32>
    %abs3A_116 = math.absf %sub3A_115 : vector<1x16384xf32>
    %mul3A_117 = arith.constant 3.000000e+00 : f32
    %mul3A_118 = vector.broadcast %mul3A_117 : f32 to vector<1x16384xf32>
    %mul3A_119 = arith.mulf %mul3A_118, %add3A_99 : vector<1x16384xf32>
    %cos3A_120 = math.cos %abs3A_116 : vector<1x16384xf32>
    %mul3A_121 = arith.mulf %mul3A_119, %cos3A_120 : vector<1x16384xf32>
    %div3A_122 = arith.divf %mul3A_121, %get3A_1 : vector<1x16384xf32>
    %max3A_123 = arith.constant 0.000000e+00 : f32
    %max3A_124 = vector.broadcast %max3A_123 : f32 to vector<1x16384xf32>
    %max3A_125 = arith.maximumf %div3A_122, %max3A_124 : vector<1x16384xf32>
    %swap3A_126 = arith.constant 2 : index
    %swap3A_127 = arith.constant 0 : index
    %swap3A_128 = vector.load %arg4[%swap3A_126, %swap3A_127] : memref<8x16384xf32, #tpu.memory_space<vmem>>, vector<1x16384xf32>
    tpu.vector_store %arg4[%swap3A_126, %swap3A_127], %max3A_125 {strides = array<i32>} : memref<8x16384xf32, #tpu.memory_space<vmem>>, vector<1x16384xf32>,
    %get3A_129 = arith.constant 6 : index
    %get3A_130 = arith.constant 0 : index
    %get3A_131 = vector.load %arg1[%get3A_129, %get3A_130] : memref<16x16384xf32, #tpu.memory_space<vmem>>, vector<1x16384xf32>
    %get3A_132 = arith.constant 2 : index
    %get3A_133 = arith.constant 0 : index
    %get3A_134 = vector.load %arg3[%get3A_132, %get3A_133] : memref<8x8xf32, #tpu.memory_space<vmem>>, vector<1x1xf32>
    %get3A_135 = vector.extract %get3A_134[0, 0] : f32 from vector<1x1xf32>
    %mul3A_136 = vector.broadcast %get3A_135 : f32 to vector<1x16384xf32>
    %mul3A_137 = arith.mulf %get3A_131, %mul3A_136 : vector<1x16384xf32>
    %get3A_138 = arith.constant 0 : index
    %get3A_139 = arith.constant 0 : index
    %get3A_140 = vector.load %arg3[%get3A_138, %get3A_139] : memref<8x8xf32, #tpu.memory_space<vmem>>, vector<1x1xf32>
    %get3A_141 = vector.extract %get3A_140[0, 0] : f32 from vector<1x1xf32>
    %add3A_142 = vector.broadcast %get3A_141 : f32 to vector<1x16384xf32>
    %add3A_143 = arith.addf %mul3A_137, %add3A_142 : vector<1x16384xf32>
    %get3A_144 = arith.constant 7 : index
    %get3A_145 = arith.constant 0 : index
    %get3A_146 = vector.load %arg1[%get3A_144, %get3A_145] : memref<16x16384xf32, #tpu.memory_space<vmem>>, vector<1x16384xf32>
    %get3A_147 = arith.constant 3 : index
    %get3A_148 = arith.constant 0 : index
    %get3A_149 = vector.load %arg3[%get3A_147, %get3A_148] : memref<8x8xf32, #tpu.memory_space<vmem>>, vector<1x1xf32>
    %get3A_150 = vector.extract %get3A_149[0, 0] : f32 from vector<1x1xf32>
    %mul3A_151 = vector.broadcast %get3A_150 : f32 to vector<1x16384xf32>
    %mul3A_152 = arith.mulf %get3A_146, %mul3A_151 : vector<1x16384xf32>
    %get3A_153 = arith.constant 1 : index
    %get3A_154 = arith.constant 0 : index
    %get3A_155 = vector.load %arg3[%get3A_153, %get3A_154] : memref<8x8xf32, #tpu.memory_space<vmem>>, vector<1x1xf32>
    %get3A_156 = vector.extract %get3A_155[0, 0] : f32 from vector<1x1xf32>
    %add3A_157 = vector.broadcast %get3A_156 : f32 to vector<1x16384xf32>
    %add3A_158 = arith.addf %mul3A_152, %add3A_157 : vector<1x16384xf32>
    %sub3A_159 = arith.subf %get3A_4, %add3A_158 : vector<1x16384xf32>
    %abs3A_160 = math.absf %sub3A_159 : vector<1x16384xf32>
    %mul3A_161 = arith.constant 3.000000e+00 : f32
    %mul3A_162 = vector.broadcast %mul3A_161 : f32 to vector<1x16384xf32>
    %mul3A_163 = arith.mulf %mul3A_162, %add3A_143 : vector<1x16384xf32>
    %cos3A_164 = math.cos %abs3A_160 : vector<1x16384xf32>
    %mul3A_165 = arith.mulf %mul3A_163, %cos3A_164 : vector<1x16384xf32>
    %div3A_166 = arith.divf %mul3A_165, %get3A_1 : vector<1x16384xf32>
    %max3A_167 = arith.constant 0.000000e+00 : f32
    %max3A_168 = vector.broadcast %max3A_167 : f32 to vector<1x16384xf32>
    %max3A_169 = arith.maximumf %div3A_166, %max3A_168 : vector<1x16384xf32>
    %swap3A_170 = arith.constant 3 : index
    %swap3A_171 = arith.constant 0 : index
    %swap3A_172 = vector.load %arg4[%swap3A_170, %swap3A_171] : memref<8x16384xf32, #tpu.memory_space<vmem>>, vector<1x16384xf32>
    tpu.vector_store %arg4[%swap3A_170, %swap3A_171], %max3A_169 {strides = array<i32>} : memref<8x16384xf32, #tpu.memory_space<vmem>>, vector<1x16384xf32>,
    %get3A_173 = arith.constant 4 : index
    %get3A_174 = arith.constant 0 : index
    %get3A_175 = vector.load %arg3[%get3A_173, %get3A_174] : memref<8x8xf32, #tpu.memory_space<vmem>>, vector<1x1xf32>
    %get3A_176 = vector.extract %get3A_175[0, 0] : f32 from vector<1x1xf32>
    %sub3A_177 = vector.broadcast %get3A_176 : f32 to vector<1x16384xf32>
    %sub3A_178 = arith.subf %get3A_1, %sub3A_177 : vector<1x16384xf32>
    %get3A_179 = arith.constant 6 : index
    %get3A_180 = arith.constant 0 : index
    %get3A_181 = vector.load %arg3[%get3A_179, %get3A_180] : memref<8x8xf32, #tpu.memory_space<vmem>>, vector<1x1xf32>
    %get3A_182 = vector.extract %get3A_181[0, 0] : f32 from vector<1x1xf32>
    %div3A_183 = vector.broadcast %get3A_182 : f32 to vector<1x16384xf32>
    %div3A_184 = arith.divf %sub3A_178, %div3A_183 : vector<1x16384xf32>
    %swap3A_185 = arith.constant 4 : index
    %swap3A_186 = arith.constant 0 : index
    %swap3A_187 = vector.load %arg4[%swap3A_185, %swap3A_186] : memref<8x16384xf32, #tpu.memory_space<vmem>>, vector<1x16384xf32>
    tpu.vector_store %arg4[%swap3A_185, %swap3A_186], %div3A_184 {strides = array<i32>} : memref<8x16384xf32, #tpu.memory_space<vmem>>, vector<1x16384xf32>,
    %get3A_188 = arith.constant 5 : index
    %get3A_189 = arith.constant 0 : index
    %get3A_190 = vector.load %arg3[%get3A_188, %get3A_189] : memref<8x8xf32, #tpu.memory_space<vmem>>, vector<1x1xf32>
    %get3A_191 = vector.extract %get3A_190[0, 0] : f32 from vector<1x1xf32>
    %sub3A_192 = vector.broadcast %get3A_191 : f32 to vector<1x16384xf32>
    %sub3A_193 = arith.subf %get3A_4, %sub3A_192 : vector<1x16384xf32>
    %get3A_194 = arith.constant 7 : index
    %get3A_195 = arith.constant 0 : index
    %get3A_196 = vector.load %arg3[%get3A_194, %get3A_195] : memref<8x8xf32, #tpu.memory_space<vmem>>, vector<1x1xf32>
    %get3A_197 = vector.extract %get3A_196[0, 0] : f32 from vector<1x1xf32>
    %div3A_198 = vector.broadcast %get3A_197 : f32 to vector<1x16384xf32>
    %div3A_199 = arith.divf %sub3A_193, %div3A_198 : vector<1x16384xf32>
    %swap3A_200 = arith.constant 5 : index
    %swap3A_201 = arith.constant 0 : index
    %swap3A_202 = vector.load %arg4[%swap3A_200, %swap3A_201] : memref<8x16384xf32, #tpu.memory_space<vmem>>, vector<1x16384xf32>
    tpu.vector_store %arg4[%swap3A_200, %swap3A_201], %div3A_199 {strides = array<i32>} : memref<8x16384xf32, #tpu.memory_space<vmem>>, vector<1x16384xf32>,
    %broadcast_in_dim3A = arith.constant 1.000000e+00 : f32
    %broadcast_in_dim3A_203 = vector.broadcast %broadcast_in_dim3A : f32 to vector<1x16384xf32>
    %swap3A_204 = arith.constant 6 : index
    %swap3A_205 = arith.constant 0 : index
    %swap3A_206 = vector.load %arg4[%swap3A_204, %swap3A_205] : memref<8x16384xf32, #tpu.memory_space<vmem>>, vector<1x16384xf32>
    tpu.vector_store %arg4[%swap3A_204, %swap3A_205], %broadcast_in_dim3A_203 {strides = array<i32>} : memref<8x16384xf32, #tpu.memory_space<vmem>>, vector<1x16384xf32>,
    %broadcast_in_dim3A_207 = arith.constant 0.000000e+00 : f32
    %broadcast_in_dim3A_208 = vector.broadcast %broadcast_in_dim3A_207 : f32 to vector<1x16384xf32>
    %swap3A_209 = arith.constant 7 : index
    %swap3A_210 = arith.constant 0 : index
    %swap3A_211 = vector.load %arg4[%swap3A_209, %swap3A_210] : memref<8x16384xf32, #tpu.memory_space<vmem>>, vector<1x16384xf32>
    tpu.vector_store %arg4[%swap3A_209, %swap3A_210], %broadcast_in_dim3A_208 {strides = array<i32>} : memref<8x16384xf32, #tpu.memory_space<vmem>>, vector<1x16384xf32>,
    return
  }
  func.func @transform_0(%arg0: i32) -> (i32, i32) {
    %c0_i32 = arith.constant 0 : i32
    %c0_i32_0 = arith.constant 0 : i32
    return %c0_i32, %arg0 : i32, i32
  }
  func.func @transform_1(%arg0: i32) -> (i32, i32) {
    %c0_i32 = arith.constant 0 : i32
    %c0_i32_0 = arith.constant 0 : i32
    return %c0_i32, %arg0 : i32, i32
  }
  func.func @transform_2(%arg0: i32) -> (i32, i32) {
    %c0_i32 = arith.constant 0 : i32
    %c0_i32_0 = arith.constant 0 : i32
    %c0_i32_1 = arith.constant 0 : i32
    return %c0_i32, %c0_i32_0 : i32, i32
  }
  func.func @transform_3(%arg0: i32) -> (i32, i32) {
    %c0_i32 = arith.constant 0 : i32
    %c0_i32_0 = arith.constant 0 : i32
    return %c0_i32, %arg0 : i32, i32
  }
}

module attributes {stable_mosaic.version = 14 : i64} {
  func.func @_edge_body(%arg0: i32, %arg1: memref<2048x128xf32, #tpu.memory_space<vmem>>, %arg2: memref<2048x128xf32, #tpu.memory_space<vmem>>, %arg3: memref<2048x32xf32, #tpu.memory_space<vmem>>, %arg4: memref<8x32xf32, #tpu.memory_space<vmem>>, %arg5: memref<8x128xf32, #tpu.memory_space<vmem>>, %arg6: memref<32x32xf32, #tpu.memory_space<vmem>>, %arg7: memref<2048x128xf32, #tpu.memory_space<vmem>>) attributes {dimension_semantics = [#tpu.dimension_semantics<arbitrary>], iteration_bounds = array<i64: 20>, scalar_prefetch = 0 : i64, scratch_operands = 0 : i64, tpu.core_type = #tpu.core_type<tc>, window_params = [{transform_indices = @transform_0, window_bounds = array<i64: 2048, 128>}, {transform_indices = @transform_1, window_bounds = array<i64: 2048, 128>}, {transform_indices = @transform_2, window_bounds = array<i64: 2048, 32>}, {pipeline_mode = #tpu.pipeline_mode<synchronous>, transform_indices = @transform_3, window_bounds = array<i64: 8, 32>}, {pipeline_mode = #tpu.pipeline_mode<synchronous>, transform_indices = @transform_4, window_bounds = array<i64: 8, 128>}, {pipeline_mode = #tpu.pipeline_mode<synchronous>, transform_indices = @transform_5, window_bounds = array<i64: 32, 32>}, {transform_indices = @transform_6, window_bounds = array<i64: 2048, 128>}]} {
    %get3A = arith.constant 0 : index
    %get3A_0 = arith.constant 0 : index
    %get3A_1 = vector.load %arg1[%get3A, %get3A_0] : memref<2048x128xf32, #tpu.memory_space<vmem>>, vector<2048x128xf32>
    %get3A_2 = arith.constant 0 : index
    %get3A_3 = arith.constant 0 : index
    %get3A_4 = vector.load %arg2[%get3A_2, %get3A_3] : memref<2048x128xf32, #tpu.memory_space<vmem>>, vector<2048x128xf32>
    %add3A = arith.addf %get3A_1, %get3A_4 : vector<2048x128xf32>
    %get3A_5 = arith.constant 0 : index
    %get3A_6 = arith.constant 0 : index
    %get3A_7 = vector.load %arg3[%get3A_5, %get3A_6] : memref<2048x32xf32, #tpu.memory_space<vmem>>, vector<2048x8xf32>
    %get3A_8 = arith.constant 0 : index
    %get3A_9 = arith.constant 0 : index
    %get3A_10 = vector.load %arg4[%get3A_8, %get3A_9] : memref<8x32xf32, #tpu.memory_space<vmem>>, vector<8x32xf32>
    %dot_general3A = arith.constant dense<0.000000e+00> : vector<2048x32xf32>
    %dot_general3A_11 = tpu.matmul %get3A_7, %get3A_10, %dot_general3A {dimension_numbers = #tpu.dot_dimension_numbers<[1], [0], [0], [1], [0, 0, 1, 1], [], []>, precision = #tpu.contract_precision<fp32>, transpose_lhs_hint = false} : vector<2048x8xf32>, vector<8x32xf32>, vector<2048x32xf32> -> vector<2048x32xf32>
    %get3A_12 = arith.constant 0 : index
    %get3A_13 = arith.constant 8 : index
    %get3A_14 = vector.load %arg3[%get3A_12, %get3A_13] : memref<2048x32xf32, #tpu.memory_space<vmem>>, vector<2048x8xf32>
    %get3A_15 = arith.constant 0 : index
    %get3A_16 = arith.constant 0 : index
    %get3A_17 = vector.load %arg4[%get3A_15, %get3A_16] : memref<8x32xf32, #tpu.memory_space<vmem>>, vector<8x32xf32>
    %dot_general3A_18 = arith.constant dense<0.000000e+00> : vector<2048x32xf32>
    %dot_general3A_19 = tpu.matmul %get3A_14, %get3A_17, %dot_general3A_18 {dimension_numbers = #tpu.dot_dimension_numbers<[1], [0], [0], [1], [0, 0, 1, 1], [], []>, precision = #tpu.contract_precision<fp32>, transpose_lhs_hint = false} : vector<2048x8xf32>, vector<8x32xf32>, vector<2048x32xf32> -> vector<2048x32xf32>
    %get3A_20 = arith.constant 0 : index
    %get3A_21 = arith.constant 16 : index
    %get3A_22 = vector.load %arg3[%get3A_20, %get3A_21] : memref<2048x32xf32, #tpu.memory_space<vmem>>, vector<2048x8xf32>
    %get3A_23 = arith.constant 0 : index
    %get3A_24 = arith.constant 0 : index
    %get3A_25 = vector.load %arg4[%get3A_23, %get3A_24] : memref<8x32xf32, #tpu.memory_space<vmem>>, vector<8x32xf32>
    %dot_general3A_26 = arith.constant dense<0.000000e+00> : vector<2048x32xf32>
    %dot_general3A_27 = tpu.matmul %get3A_22, %get3A_25, %dot_general3A_26 {dimension_numbers = #tpu.dot_dimension_numbers<[1], [0], [0], [1], [0, 0, 1, 1], [], []>, precision = #tpu.contract_precision<fp32>, transpose_lhs_hint = false} : vector<2048x8xf32>, vector<8x32xf32>, vector<2048x32xf32> -> vector<2048x32xf32>
    %get3A_28 = arith.constant 0 : index
    %get3A_29 = arith.constant 24 : index
    %get3A_30 = vector.load %arg3[%get3A_28, %get3A_29] : memref<2048x32xf32, #tpu.memory_space<vmem>>, vector<2048x8xf32>
    %get3A_31 = arith.constant 0 : index
    %get3A_32 = arith.constant 0 : index
    %get3A_33 = vector.load %arg4[%get3A_31, %get3A_32] : memref<8x32xf32, #tpu.memory_space<vmem>>, vector<8x32xf32>
    %dot_general3A_34 = arith.constant dense<0.000000e+00> : vector<2048x32xf32>
    %dot_general3A_35 = tpu.matmul %get3A_30, %get3A_33, %dot_general3A_34 {dimension_numbers = #tpu.dot_dimension_numbers<[1], [0], [0], [1], [0, 0, 1, 1], [], []>, precision = #tpu.contract_precision<fp32>, transpose_lhs_hint = false} : vector<2048x8xf32>, vector<8x32xf32>, vector<2048x32xf32> -> vector<2048x32xf32>
    %concatenate3A = tpu.concatenate %dot_general3A_11, %dot_general3A_19, %dot_general3A_27, %dot_general3A_35 in 1 : vector<2048x32xf32>, vector<2048x32xf32>, vector<2048x32xf32>, vector<2048x32xf32> -> vector<2048x128xf32>
    %add3A_36 = arith.addf %add3A, %concatenate3A : vector<2048x128xf32>
    %logistic3A = arith.negf %add3A_36 : vector<2048x128xf32>
    %logistic3A_37 = math.exp %logistic3A : vector<2048x128xf32>
    %logistic3A_38 = arith.constant 1.000000e+00 : f32
    %logistic3A_39 = vector.broadcast %logistic3A_38 : f32 to vector<2048x128xf32>
    %logistic3A_40 = arith.addf %logistic3A_39, %logistic3A_37 : vector<2048x128xf32>
    %logistic3A_41 = arith.divf %logistic3A_39, %logistic3A_40 : vector<2048x128xf32>
    %slice3A = vector.extract_strided_slice %logistic3A_41 {offsets = [0, 0], sizes = [2048, 32], strides = [1, 1]} : vector<2048x128xf32> to vector<2048x32xf32>
    %get3A_42 = arith.constant 0 : index
    %get3A_43 = arith.constant 0 : index
    %get3A_44 = vector.load %arg6[%get3A_42, %get3A_43] : memref<32x32xf32, #tpu.memory_space<vmem>>, vector<32x32xf32>
    %dot_general3A_45 = arith.constant dense<0.000000e+00> : vector<2048x32xf32>
    %dot_general3A_46 = tpu.matmul %slice3A, %get3A_44, %dot_general3A_45 {dimension_numbers = #tpu.dot_dimension_numbers<[1], [0], [0], [1], [0, 0, 1, 1], [], []>, precision = #tpu.contract_precision<fp32>, transpose_lhs_hint = false} : vector<2048x32xf32>, vector<32x32xf32>, vector<2048x32xf32> -> vector<2048x32xf32>
    %slice3A_47 = vector.extract_strided_slice %logistic3A_41 {offsets = [0, 32], sizes = [2048, 32], strides = [1, 1]} : vector<2048x128xf32> to vector<2048x32xf32>
    %get3A_48 = arith.constant 0 : index
    %get3A_49 = arith.constant 0 : index
    %get3A_50 = vector.load %arg6[%get3A_48, %get3A_49] : memref<32x32xf32, #tpu.memory_space<vmem>>, vector<32x32xf32>
    %dot_general3A_51 = arith.constant dense<0.000000e+00> : vector<2048x32xf32>
    %dot_general3A_52 = tpu.matmul %slice3A_47, %get3A_50, %dot_general3A_51 {dimension_numbers = #tpu.dot_dimension_numbers<[1], [0], [0], [1], [0, 0, 1, 1], [], []>, precision = #tpu.contract_precision<fp32>, transpose_lhs_hint = false} : vector<2048x32xf32>, vector<32x32xf32>, vector<2048x32xf32> -> vector<2048x32xf32>
    %slice3A_53 = vector.extract_strided_slice %logistic3A_41 {offsets = [0, 64], sizes = [2048, 32], strides = [1, 1]} : vector<2048x128xf32> to vector<2048x32xf32>
    %get3A_54 = arith.constant 0 : index
    %get3A_55 = arith.constant 0 : index
    %get3A_56 = vector.load %arg6[%get3A_54, %get3A_55] : memref<32x32xf32, #tpu.memory_space<vmem>>, vector<32x32xf32>
    %dot_general3A_57 = arith.constant dense<0.000000e+00> : vector<2048x32xf32>
    %dot_general3A_58 = tpu.matmul %slice3A_53, %get3A_56, %dot_general3A_57 {dimension_numbers = #tpu.dot_dimension_numbers<[1], [0], [0], [1], [0, 0, 1, 1], [], []>, precision = #tpu.contract_precision<fp32>, transpose_lhs_hint = false} : vector<2048x32xf32>, vector<32x32xf32>, vector<2048x32xf32> -> vector<2048x32xf32>
    %slice3A_59 = vector.extract_strided_slice %logistic3A_41 {offsets = [0, 96], sizes = [2048, 32], strides = [1, 1]} : vector<2048x128xf32> to vector<2048x32xf32>
    %get3A_60 = arith.constant 0 : index
    %get3A_61 = arith.constant 0 : index
    %get3A_62 = vector.load %arg6[%get3A_60, %get3A_61] : memref<32x32xf32, #tpu.memory_space<vmem>>, vector<32x32xf32>
    %dot_general3A_63 = arith.constant dense<0.000000e+00> : vector<2048x32xf32>
    %dot_general3A_64 = tpu.matmul %slice3A_59, %get3A_62, %dot_general3A_63 {dimension_numbers = #tpu.dot_dimension_numbers<[1], [0], [0], [1], [0, 0, 1, 1], [], []>, precision = #tpu.contract_precision<fp32>, transpose_lhs_hint = false} : vector<2048x32xf32>, vector<32x32xf32>, vector<2048x32xf32> -> vector<2048x32xf32>
    %concatenate3A_65 = tpu.concatenate %dot_general3A_46, %dot_general3A_52, %dot_general3A_58, %dot_general3A_64 in 1 : vector<2048x32xf32>, vector<2048x32xf32>, vector<2048x32xf32>, vector<2048x32xf32> -> vector<2048x128xf32>
    %get3A_66 = arith.constant 4 : index
    %get3A_67 = arith.constant 0 : index
    %get3A_68 = vector.load %arg5[%get3A_66, %get3A_67] : memref<8x128xf32, #tpu.memory_space<vmem>>, vector<1x128xf32>
    %add3A_69 = vector.broadcast %get3A_68 : vector<1x128xf32> to vector<2048x128xf32>
    %add3A_70 = arith.addf %concatenate3A_65, %add3A_69 : vector<2048x128xf32>
    %logistic3A_71 = arith.negf %add3A_70 : vector<2048x128xf32>
    %logistic3A_72 = math.exp %logistic3A_71 : vector<2048x128xf32>
    %logistic3A_73 = arith.constant 1.000000e+00 : f32
    %logistic3A_74 = vector.broadcast %logistic3A_73 : f32 to vector<2048x128xf32>
    %logistic3A_75 = arith.addf %logistic3A_74, %logistic3A_72 : vector<2048x128xf32>
    %logistic3A_76 = arith.divf %logistic3A_74, %logistic3A_75 : vector<2048x128xf32>
    %swap3A = arith.constant 0 : index
    %swap3A_77 = arith.constant 0 : index
    %swap3A_78 = vector.load %arg7[%swap3A, %swap3A_77] : memref<2048x128xf32, #tpu.memory_space<vmem>>, vector<2048x128xf32>
    tpu.vector_store %arg7[%swap3A, %swap3A_77], %logistic3A_76 {strides = array<i32>} : memref<2048x128xf32, #tpu.memory_space<vmem>>, vector<2048x128xf32>,
    return
  }
  func.func @transform_0(%arg0: i32) -> (i32, i32) {
    %c0_i32 = arith.constant 0 : i32
    %c0_i32_0 = arith.constant 0 : i32
    return %arg0, %c0_i32 : i32, i32
  }
  func.func @transform_1(%arg0: i32) -> (i32, i32) {
    %c0_i32 = arith.constant 0 : i32
    %c0_i32_0 = arith.constant 0 : i32
    return %arg0, %c0_i32 : i32, i32
  }
  func.func @transform_2(%arg0: i32) -> (i32, i32) {
    %c0_i32 = arith.constant 0 : i32
    %c0_i32_0 = arith.constant 0 : i32
    return %arg0, %c0_i32 : i32, i32
  }
  func.func @transform_3(%arg0: i32) -> (i32, i32) {
    %c0_i32 = arith.constant 0 : i32
    %c0_i32_0 = arith.constant 0 : i32
    %c0_i32_1 = arith.constant 0 : i32
    return %c0_i32, %c0_i32_0 : i32, i32
  }
  func.func @transform_4(%arg0: i32) -> (i32, i32) {
    %c0_i32 = arith.constant 0 : i32
    %c0_i32_0 = arith.constant 0 : i32
    %c0_i32_1 = arith.constant 0 : i32
    return %c0_i32, %c0_i32_0 : i32, i32
  }
  func.func @transform_5(%arg0: i32) -> (i32, i32) {
    %c0_i32 = arith.constant 0 : i32
    %c0_i32_0 = arith.constant 0 : i32
    %c0_i32_1 = arith.constant 0 : i32
    return %c0_i32, %c0_i32_0 : i32, i32
  }
  func.func @transform_6(%arg0: i32) -> (i32, i32) {
    %c0_i32 = arith.constant 0 : i32
    %c0_i32_0 = arith.constant 0 : i32
    return %arg0, %c0_i32 : i32, i32
  }
}

module attributes {stable_mosaic.version = 14 : i64} {
  func.func @_node_body(%arg0: i32, %arg1: memref<2x2x2048x32xf32, #tpu.memory_space<vmem>>, %arg2: memref<2048x8xf32, #tpu.memory_space<vmem>>, %arg3: memref<2048x128xf32, #tpu.memory_space<vmem>>, %arg4: memref<2048x32xf32, #tpu.memory_space<vmem>>, %arg5: memref<2048x32xf32, #tpu.memory_space<vmem>>, %arg6: memref<32x128xf32, #tpu.memory_space<vmem>>, %arg7: memref<128x128xf32, #tpu.memory_space<vmem>>, %arg8: memref<128x128xf32, #tpu.memory_space<vmem>>, %arg9: memref<128x128xf32, #tpu.memory_space<vmem>>, %arg10: memref<128x8xf32, #tpu.memory_space<vmem>>, %arg11: memref<8x128xf32, #tpu.memory_space<vmem>>, %arg12: memref<2048x8xf32, #tpu.memory_space<vmem>>, %arg13: memref<2048x32xf32, #tpu.memory_space<vmem>>, %arg14: memref<2048x32xf32, #tpu.memory_space<vmem>>) attributes {dimension_semantics = [#tpu.dimension_semantics<arbitrary>], iteration_bounds = array<i64: 5>, scalar_prefetch = 0 : i64, scratch_operands = 0 : i64, tpu.core_type = #tpu.core_type<tc>, window_params = [{transform_indices = @transform_0, window_bounds = array<i64: 2, 2, 2048, 32>}, {transform_indices = @transform_1, window_bounds = array<i64: 2048, 8>}, {transform_indices = @transform_2, window_bounds = array<i64: 2048, 128>}, {transform_indices = @transform_3, window_bounds = array<i64: 2048, 32>}, {transform_indices = @transform_4, window_bounds = array<i64: 2048, 32>}, {pipeline_mode = #tpu.pipeline_mode<synchronous>, transform_indices = @transform_5, window_bounds = array<i64: 32, 128>}, {pipeline_mode = #tpu.pipeline_mode<synchronous>, transform_indices = @transform_6, window_bounds = array<i64: 128, 128>}, {pipeline_mode = #tpu.pipeline_mode<synchronous>, transform_indices = @transform_7, window_bounds = array<i64: 128, 128>}, {pipeline_mode = #tpu.pipeline_mode<synchronous>, transform_indices = @transform_8, window_bounds = array<i64: 128, 128>}, {pipeline_mode = #tpu.pipeline_mode<synchronous>, transform_indices = @transform_9, window_bounds = array<i64: 128, 8>}, {pipeline_mode = #tpu.pipeline_mode<synchronous>, transform_indices = @transform_10, window_bounds = array<i64: 8, 128>}, {transform_indices = @transform_11, window_bounds = array<i64: 2048, 8>}, {transform_indices = @transform_12, window_bounds = array<i64: 2048, 32>}, {transform_indices = @transform_13, window_bounds = array<i64: 2048, 32>}]} {
    %get3A = arith.constant 0 : index
    %get3A_0 = arith.constant 0 : index
    %get3A_1 = arith.constant 0 : index
    %get3A_2 = arith.constant 0 : index
    %get3A_3 = vector.load %arg1[%get3A, %get3A_0, %get3A_1, %get3A_2] : memref<2x2x2048x32xf32, #tpu.memory_space<vmem>>, vector<1x1x2048x32xf32>
    %get3A_4 = vector.shape_cast %get3A_3 : vector<1x1x2048x32xf32> to vector<2048x32xf32>
    %get3A_5 = arith.constant 1 : index
    %get3A_6 = arith.constant 0 : index
    %get3A_7 = arith.constant 0 : index
    %get3A_8 = arith.constant 0 : index
    %get3A_9 = vector.load %arg1[%get3A_5, %get3A_6, %get3A_7, %get3A_8] : memref<2x2x2048x32xf32, #tpu.memory_space<vmem>>, vector<1x1x2048x32xf32>
    %get3A_10 = vector.shape_cast %get3A_9 : vector<1x1x2048x32xf32> to vector<2048x32xf32>
    %add3A = arith.addf %get3A_4, %get3A_10 : vector<2048x32xf32>
    %get3A_11 = arith.constant 0 : index
    %get3A_12 = arith.constant 1 : index
    %get3A_13 = arith.constant 0 : index
    %get3A_14 = arith.constant 0 : index
    %get3A_15 = vector.load %arg1[%get3A_11, %get3A_12, %get3A_13, %get3A_14] : memref<2x2x2048x32xf32, #tpu.memory_space<vmem>>, vector<1x1x2048x32xf32>
    %get3A_16 = vector.shape_cast %get3A_15 : vector<1x1x2048x32xf32> to vector<2048x32xf32>
    %get3A_17 = arith.constant 1 : index
    %get3A_18 = arith.constant 1 : index
    %get3A_19 = arith.constant 0 : index
    %get3A_20 = arith.constant 0 : index
    %get3A_21 = vector.load %arg1[%get3A_17, %get3A_18, %get3A_19, %get3A_20] : memref<2x2x2048x32xf32, #tpu.memory_space<vmem>>, vector<1x1x2048x32xf32>
    %get3A_22 = vector.shape_cast %get3A_21 : vector<1x1x2048x32xf32> to vector<2048x32xf32>
    %add3A_23 = arith.addf %get3A_16, %get3A_22 : vector<2048x32xf32>
    %sub3A = arith.subf %add3A, %add3A_23 : vector<2048x32xf32>
    %get3A_24 = arith.constant 0 : index
    %get3A_25 = arith.constant 0 : index
    %get3A_26 = vector.load %arg6[%get3A_24, %get3A_25] : memref<32x128xf32, #tpu.memory_space<vmem>>, vector<32x128xf32>
    %dot_general3A = arith.constant dense<0.000000e+00> : vector<2048x128xf32>
    %dot_general3A_27 = tpu.matmul %sub3A, %get3A_26, %dot_general3A {dimension_numbers = #tpu.dot_dimension_numbers<[1], [0], [0], [1], [0, 0, 1, 1], [], []>, transpose_lhs_hint = false} : vector<2048x32xf32>, vector<32x128xf32>, vector<2048x128xf32> -> vector<2048x128xf32>
    %get3A_28 = arith.constant 0 : index
    %get3A_29 = arith.constant 0 : index
    %get3A_30 = vector.load %arg11[%get3A_28, %get3A_29] : memref<8x128xf32, #tpu.memory_space<vmem>>, vector<1x128xf32>
    %add3A_31 = vector.broadcast %get3A_30 : vector<1x128xf32> to vector<2048x128xf32>
    %add3A_32 = arith.addf %dot_general3A_27, %add3A_31 : vector<2048x128xf32>
    %logistic3A = arith.negf %add3A_32 : vector<2048x128xf32>
    %logistic3A_33 = math.exp %logistic3A : vector<2048x128xf32>
    %logistic3A_34 = arith.constant 1.000000e+00 : f32
    %logistic3A_35 = vector.broadcast %logistic3A_34 : f32 to vector<2048x128xf32>
    %logistic3A_36 = arith.addf %logistic3A_35, %logistic3A_33 : vector<2048x128xf32>
    %logistic3A_37 = arith.divf %logistic3A_35, %logistic3A_36 : vector<2048x128xf32>
    %get3A_38 = arith.constant 0 : index
    %get3A_39 = arith.constant 0 : index
    %get3A_40 = vector.load %arg2[%get3A_38, %get3A_39] : memref<2048x8xf32, #tpu.memory_space<vmem>>, vector<2048x1xf32>
    %get3A_41 = arith.constant 0 : index
    %get3A_42 = arith.constant 0 : index
    %get3A_43 = vector.load %arg7[%get3A_41, %get3A_42] : memref<128x128xf32, #tpu.memory_space<vmem>>, vector<128x128xf32>
    %dot_general3A_44 = arith.constant dense<0.000000e+00> : vector<2048x128xf32>
    %dot_general3A_45 = tpu.matmul %logistic3A_37, %get3A_43, %dot_general3A_44 {dimension_numbers = #tpu.dot_dimension_numbers<[1], [0], [0], [1], [0, 0, 1, 1], [], []>, transpose_lhs_hint = false} : vector<2048x128xf32>, vector<128x128xf32>, vector<2048x128xf32> -> vector<2048x128xf32>
    %get3A_46 = arith.constant 5 : index
    %get3A_47 = arith.constant 0 : index
    %get3A_48 = vector.load %arg11[%get3A_46, %get3A_47] : memref<8x128xf32, #tpu.memory_space<vmem>>, vector<1x128xf32>
    %mul3A = vector.broadcast %get3A_40 : vector<2048x1xf32> to vector<2048x128xf32>
    %mul3A_49 = vector.broadcast %get3A_48 : vector<1x128xf32> to vector<2048x128xf32>
    %mul3A_50 = arith.mulf %mul3A, %mul3A_49 : vector<2048x128xf32>
    %add3A_51 = arith.addf %dot_general3A_45, %mul3A_50 : vector<2048x128xf32>
    %get3A_52 = arith.constant 0 : index
    %get3A_53 = arith.constant 0 : index
    %get3A_54 = vector.load %arg3[%get3A_52, %get3A_53] : memref<2048x128xf32, #tpu.memory_space<vmem>>, vector<2048x128xf32>
    %add3A_55 = arith.addf %add3A_51, %get3A_54 : vector<2048x128xf32>
    %get3A_56 = arith.constant 1 : index
    %get3A_57 = arith.constant 0 : index
    %get3A_58 = vector.load %arg11[%get3A_56, %get3A_57] : memref<8x128xf32, #tpu.memory_space<vmem>>, vector<1x128xf32>
    %add3A_59 = vector.broadcast %get3A_58 : vector<1x128xf32> to vector<2048x128xf32>
    %add3A_60 = arith.addf %add3A_55, %add3A_59 : vector<2048x128xf32>
    %logistic3A_61 = arith.negf %add3A_60 : vector<2048x128xf32>
    %logistic3A_62 = math.exp %logistic3A_61 : vector<2048x128xf32>
    %logistic3A_63 = arith.constant 1.000000e+00 : f32
    %logistic3A_64 = vector.broadcast %logistic3A_63 : f32 to vector<2048x128xf32>
    %logistic3A_65 = arith.addf %logistic3A_64, %logistic3A_62 : vector<2048x128xf32>
    %logistic3A_66 = arith.divf %logistic3A_64, %logistic3A_65 : vector<2048x128xf32>
    %get3A_67 = arith.constant 0 : index
    %get3A_68 = arith.constant 0 : index
    %get3A_69 = vector.load %arg8[%get3A_67, %get3A_68] : memref<128x128xf32, #tpu.memory_space<vmem>>, vector<128x128xf32>
    %dot_general3A_70 = arith.constant dense<0.000000e+00> : vector<2048x128xf32>
    %dot_general3A_71 = tpu.matmul %logistic3A_66, %get3A_69, %dot_general3A_70 {dimension_numbers = #tpu.dot_dimension_numbers<[1], [0], [0], [1], [0, 0, 1, 1], [], []>, transpose_lhs_hint = false} : vector<2048x128xf32>, vector<128x128xf32>, vector<2048x128xf32> -> vector<2048x128xf32>
    %get3A_72 = arith.constant 2 : index
    %get3A_73 = arith.constant 0 : index
    %get3A_74 = vector.load %arg11[%get3A_72, %get3A_73] : memref<8x128xf32, #tpu.memory_space<vmem>>, vector<1x128xf32>
    %add3A_75 = vector.broadcast %get3A_74 : vector<1x128xf32> to vector<2048x128xf32>
    %add3A_76 = arith.addf %dot_general3A_71, %add3A_75 : vector<2048x128xf32>
    %logistic3A_77 = arith.negf %add3A_76 : vector<2048x128xf32>
    %logistic3A_78 = math.exp %logistic3A_77 : vector<2048x128xf32>
    %logistic3A_79 = arith.constant 1.000000e+00 : f32
    %logistic3A_80 = vector.broadcast %logistic3A_79 : f32 to vector<2048x128xf32>
    %logistic3A_81 = arith.addf %logistic3A_80, %logistic3A_78 : vector<2048x128xf32>
    %logistic3A_82 = arith.divf %logistic3A_80, %logistic3A_81 : vector<2048x128xf32>
    %get3A_83 = arith.constant 0 : index
    %get3A_84 = arith.constant 0 : index
    %get3A_85 = vector.load %arg9[%get3A_83, %get3A_84] : memref<128x128xf32, #tpu.memory_space<vmem>>, vector<128x128xf32>
    %dot_general3A_86 = arith.constant dense<0.000000e+00> : vector<2048x128xf32>
    %dot_general3A_87 = tpu.matmul %logistic3A_82, %get3A_85, %dot_general3A_86 {dimension_numbers = #tpu.dot_dimension_numbers<[1], [0], [0], [1], [0, 0, 1, 1], [], []>, transpose_lhs_hint = false} : vector<2048x128xf32>, vector<128x128xf32>, vector<2048x128xf32> -> vector<2048x128xf32>
    %get3A_88 = arith.constant 3 : index
    %get3A_89 = arith.constant 0 : index
    %get3A_90 = vector.load %arg11[%get3A_88, %get3A_89] : memref<8x128xf32, #tpu.memory_space<vmem>>, vector<1x128xf32>
    %add3A_91 = vector.broadcast %get3A_90 : vector<1x128xf32> to vector<2048x128xf32>
    %add3A_92 = arith.addf %dot_general3A_87, %add3A_91 : vector<2048x128xf32>
    %logistic3A_93 = arith.negf %add3A_92 : vector<2048x128xf32>
    %logistic3A_94 = math.exp %logistic3A_93 : vector<2048x128xf32>
    %logistic3A_95 = arith.constant 1.000000e+00 : f32
    %logistic3A_96 = vector.broadcast %logistic3A_95 : f32 to vector<2048x128xf32>
    %logistic3A_97 = arith.addf %logistic3A_96, %logistic3A_94 : vector<2048x128xf32>
    %logistic3A_98 = arith.divf %logistic3A_96, %logistic3A_97 : vector<2048x128xf32>
    %get3A_99 = arith.constant 0 : index
    %get3A_100 = arith.constant 0 : index
    %get3A_101 = vector.load %arg10[%get3A_99, %get3A_100] : memref<128x8xf32, #tpu.memory_space<vmem>>, vector<128x8xf32>
    %dot_general3A_102 = arith.constant dense<0.000000e+00> : vector<2048x8xf32>
    %dot_general3A_103 = tpu.matmul %logistic3A_98, %get3A_101, %dot_general3A_102 {dimension_numbers = #tpu.dot_dimension_numbers<[1], [0], [0], [1], [0, 0, 1, 1], [], []>, transpose_lhs_hint = false} : vector<2048x128xf32>, vector<128x8xf32>, vector<2048x8xf32> -> vector<2048x8xf32>
    %get3A_104 = arith.constant 4 : index
    %get3A_105 = arith.constant 0 : index
    %get3A_106 = vector.load %arg11[%get3A_104, %get3A_105] : memref<8x128xf32, #tpu.memory_space<vmem>>, vector<1x8xf32>
    %add3A_107 = vector.broadcast %get3A_106 : vector<1x8xf32> to vector<2048x8xf32>
    %add3A_108 = arith.addf %dot_general3A_103, %add3A_107 : vector<2048x8xf32>
    %swap3A = arith.constant 0 : index
    %swap3A_109 = arith.constant 0 : index
    %swap3A_110 = vector.load %arg12[%swap3A, %swap3A_109] : memref<2048x8xf32, #tpu.memory_space<vmem>>, vector<2048x8xf32>
    tpu.vector_store %arg12[%swap3A, %swap3A_109], %add3A_108 {strides = array<i32>} : memref<2048x8xf32, #tpu.memory_space<vmem>>, vector<2048x8xf32>,
    %slice3A = vector.extract_strided_slice %add3A_108 {offsets = [0, 0], sizes = [2048, 1], strides = [1, 1]} : vector<2048x8xf32> to vector<2048x1xf32>
    %get3A_111 = arith.constant 0 : index
    %get3A_112 = arith.constant 0 : index
    %get3A_113 = vector.load %arg4[%get3A_111, %get3A_112] : memref<2048x32xf32, #tpu.memory_space<vmem>>, vector<2048x32xf32>
    %get3A_114 = arith.constant 6 : index
    %get3A_115 = arith.constant 0 : index
    %get3A_116 = vector.load %arg11[%get3A_114, %get3A_115] : memref<8x128xf32, #tpu.memory_space<vmem>>, vector<1x32xf32>
    %mul3A_117 = vector.broadcast %slice3A : vector<2048x1xf32> to vector<2048x32xf32>
    %mul3A_118 = vector.broadcast %get3A_116 : vector<1x32xf32> to vector<2048x32xf32>
    %mul3A_119 = arith.mulf %mul3A_117, %mul3A_118 : vector<2048x32xf32>
    %add3A_120 = arith.addf %get3A_113, %mul3A_119 : vector<2048x32xf32>
    %swap3A_121 = arith.constant 0 : index
    %swap3A_122 = arith.constant 0 : index
    %swap3A_123 = vector.load %arg13[%swap3A_121, %swap3A_122] : memref<2048x32xf32, #tpu.memory_space<vmem>>, vector<2048x32xf32>
    tpu.vector_store %arg13[%swap3A_121, %swap3A_122], %add3A_120 {strides = array<i32>} : memref<2048x32xf32, #tpu.memory_space<vmem>>, vector<2048x32xf32>,
    %get3A_124 = arith.constant 0 : index
    %get3A_125 = arith.constant 0 : index
    %get3A_126 = vector.load %arg5[%get3A_124, %get3A_125] : memref<2048x32xf32, #tpu.memory_space<vmem>>, vector<2048x32xf32>
    %get3A_127 = arith.constant 7 : index
    %get3A_128 = arith.constant 0 : index
    %get3A_129 = vector.load %arg11[%get3A_127, %get3A_128] : memref<8x128xf32, #tpu.memory_space<vmem>>, vector<1x32xf32>
    %mul3A_130 = vector.broadcast %slice3A : vector<2048x1xf32> to vector<2048x32xf32>
    %mul3A_131 = vector.broadcast %get3A_129 : vector<1x32xf32> to vector<2048x32xf32>
    %mul3A_132 = arith.mulf %mul3A_130, %mul3A_131 : vector<2048x32xf32>
    %add3A_133 = arith.addf %get3A_126, %mul3A_132 : vector<2048x32xf32>
    %swap3A_134 = arith.constant 0 : index
    %swap3A_135 = arith.constant 0 : index
    %swap3A_136 = vector.load %arg14[%swap3A_134, %swap3A_135] : memref<2048x32xf32, #tpu.memory_space<vmem>>, vector<2048x32xf32>
    tpu.vector_store %arg14[%swap3A_134, %swap3A_135], %add3A_133 {strides = array<i32>} : memref<2048x32xf32, #tpu.memory_space<vmem>>, vector<2048x32xf32>,
    return
  }
  func.func @transform_0(%arg0: i32) -> (i32, i32, i32, i32) {
    %c0_i32 = arith.constant 0 : i32
    %c0_i32_0 = arith.constant 0 : i32
    %c0_i32_1 = arith.constant 0 : i32
    %c0_i32_2 = arith.constant 0 : i32
    return %c0_i32, %c0_i32_0, %arg0, %c0_i32_1 : i32, i32, i32, i32
  }
  func.func @transform_1(%arg0: i32) -> (i32, i32) {
    %c0_i32 = arith.constant 0 : i32
    %c0_i32_0 = arith.constant 0 : i32
    return %arg0, %c0_i32 : i32, i32
  }
  func.func @transform_2(%arg0: i32) -> (i32, i32) {
    %c0_i32 = arith.constant 0 : i32
    %c0_i32_0 = arith.constant 0 : i32
    return %arg0, %c0_i32 : i32, i32
  }
  func.func @transform_3(%arg0: i32) -> (i32, i32) {
    %c0_i32 = arith.constant 0 : i32
    %c0_i32_0 = arith.constant 0 : i32
    return %arg0, %c0_i32 : i32, i32
  }
  func.func @transform_4(%arg0: i32) -> (i32, i32) {
    %c0_i32 = arith.constant 0 : i32
    %c0_i32_0 = arith.constant 0 : i32
    return %arg0, %c0_i32 : i32, i32
  }
  func.func @transform_5(%arg0: i32) -> (i32, i32) {
    %c0_i32 = arith.constant 0 : i32
    %c0_i32_0 = arith.constant 0 : i32
    %c0_i32_1 = arith.constant 0 : i32
    return %c0_i32, %c0_i32_0 : i32, i32
  }
  func.func @transform_6(%arg0: i32) -> (i32, i32) {
    %c0_i32 = arith.constant 0 : i32
    %c0_i32_0 = arith.constant 0 : i32
    %c0_i32_1 = arith.constant 0 : i32
    return %c0_i32, %c0_i32_0 : i32, i32
  }
  func.func @transform_7(%arg0: i32) -> (i32, i32) {
    %c0_i32 = arith.constant 0 : i32
    %c0_i32_0 = arith.constant 0 : i32
    %c0_i32_1 = arith.constant 0 : i32
    return %c0_i32, %c0_i32_0 : i32, i32
  }
  func.func @transform_8(%arg0: i32) -> (i32, i32) {
    %c0_i32 = arith.constant 0 : i32
    %c0_i32_0 = arith.constant 0 : i32
    %c0_i32_1 = arith.constant 0 : i32
    return %c0_i32, %c0_i32_0 : i32, i32
  }
  func.func @transform_9(%arg0: i32) -> (i32, i32) {
    %c0_i32 = arith.constant 0 : i32
    %c0_i32_0 = arith.constant 0 : i32
    %c0_i32_1 = arith.constant 0 : i32
    return %c0_i32, %c0_i32_0 : i32, i32
  }
  func.func @transform_10(%arg0: i32) -> (i32, i32) {
    %c0_i32 = arith.constant 0 : i32
    %c0_i32_0 = arith.constant 0 : i32
    %c0_i32_1 = arith.constant 0 : i32
    return %c0_i32, %c0_i32_0 : i32, i32
  }
  func.func @transform_11(%arg0: i32) -> (i32, i32) {
    %c0_i32 = arith.constant 0 : i32
    %c0_i32_0 = arith.constant 0 : i32
    return %arg0, %c0_i32 : i32, i32
  }
  func.func @transform_12(%arg0: i32) -> (i32, i32) {
    %c0_i32 = arith.constant 0 : i32
    %c0_i32_0 = arith.constant 0 : i32
    return %arg0, %c0_i32 : i32, i32
  }
  func.func @transform_13(%arg0: i32) -> (i32, i32) {
    %c0_i32 = arith.constant 0 : i32
    %c0_i32_0 = arith.constant 0 : i32
    return %arg0, %c0_i32 : i32, i32
  }
}

module attributes {stable_mosaic.version = 14 : i64} {
  func.func @_node_body(%arg0: i32, %arg1: memref<2x2x2048x32xf32, #tpu.memory_space<vmem>>, %arg2: memref<2048x8xf32, #tpu.memory_space<vmem>>, %arg3: memref<2048x128xf32, #tpu.memory_space<vmem>>, %arg4: memref<2048x32xf32, #tpu.memory_space<vmem>>, %arg5: memref<2048x32xf32, #tpu.memory_space<vmem>>, %arg6: memref<32x128xf32, #tpu.memory_space<vmem>>, %arg7: memref<128x128xf32, #tpu.memory_space<vmem>>, %arg8: memref<128x128xf32, #tpu.memory_space<vmem>>, %arg9: memref<128x128xf32, #tpu.memory_space<vmem>>, %arg10: memref<128x8xf32, #tpu.memory_space<vmem>>, %arg11: memref<8x128xf32, #tpu.memory_space<vmem>>, %arg12: memref<2048x8xf32, #tpu.memory_space<vmem>>, %arg13: memref<2048x32xf32, #tpu.memory_space<vmem>>, %arg14: memref<2048x32xf32, #tpu.memory_space<vmem>>) attributes {dimension_semantics = [#tpu.dimension_semantics<arbitrary>], iteration_bounds = array<i64: 5>, scalar_prefetch = 0 : i64, scratch_operands = 0 : i64, tpu.core_type = #tpu.core_type<tc>, window_params = [{transform_indices = @transform_0, window_bounds = array<i64: 2, 2, 2048, 32>}, {transform_indices = @transform_1, window_bounds = array<i64: 2048, 8>}, {transform_indices = @transform_2, window_bounds = array<i64: 2048, 128>}, {transform_indices = @transform_3, window_bounds = array<i64: 2048, 32>}, {transform_indices = @transform_4, window_bounds = array<i64: 2048, 32>}, {pipeline_mode = #tpu.pipeline_mode<synchronous>, transform_indices = @transform_5, window_bounds = array<i64: 32, 128>}, {pipeline_mode = #tpu.pipeline_mode<synchronous>, transform_indices = @transform_6, window_bounds = array<i64: 128, 128>}, {pipeline_mode = #tpu.pipeline_mode<synchronous>, transform_indices = @transform_7, window_bounds = array<i64: 128, 128>}, {pipeline_mode = #tpu.pipeline_mode<synchronous>, transform_indices = @transform_8, window_bounds = array<i64: 128, 128>}, {pipeline_mode = #tpu.pipeline_mode<synchronous>, transform_indices = @transform_9, window_bounds = array<i64: 128, 8>}, {pipeline_mode = #tpu.pipeline_mode<synchronous>, transform_indices = @transform_10, window_bounds = array<i64: 8, 128>}, {transform_indices = @transform_11, window_bounds = array<i64: 2048, 8>}, {transform_indices = @transform_12, window_bounds = array<i64: 2048, 32>}, {transform_indices = @transform_13, window_bounds = array<i64: 2048, 32>}]} {
    %get3A = arith.constant 0 : index
    %get3A_0 = arith.constant 0 : index
    %get3A_1 = arith.constant 0 : index
    %get3A_2 = arith.constant 0 : index
    %get3A_3 = vector.load %arg1[%get3A, %get3A_0, %get3A_1, %get3A_2] : memref<2x2x2048x32xf32, #tpu.memory_space<vmem>>, vector<1x1x2048x32xf32>
    %get3A_4 = vector.shape_cast %get3A_3 : vector<1x1x2048x32xf32> to vector<2048x32xf32>
    %get3A_5 = arith.constant 1 : index
    %get3A_6 = arith.constant 0 : index
    %get3A_7 = arith.constant 0 : index
    %get3A_8 = arith.constant 0 : index
    %get3A_9 = vector.load %arg1[%get3A_5, %get3A_6, %get3A_7, %get3A_8] : memref<2x2x2048x32xf32, #tpu.memory_space<vmem>>, vector<1x1x2048x32xf32>
    %get3A_10 = vector.shape_cast %get3A_9 : vector<1x1x2048x32xf32> to vector<2048x32xf32>
    %add3A = arith.addf %get3A_4, %get3A_10 : vector<2048x32xf32>
    %get3A_11 = arith.constant 0 : index
    %get3A_12 = arith.constant 1 : index
    %get3A_13 = arith.constant 0 : index
    %get3A_14 = arith.constant 0 : index
    %get3A_15 = vector.load %arg1[%get3A_11, %get3A_12, %get3A_13, %get3A_14] : memref<2x2x2048x32xf32, #tpu.memory_space<vmem>>, vector<1x1x2048x32xf32>
    %get3A_16 = vector.shape_cast %get3A_15 : vector<1x1x2048x32xf32> to vector<2048x32xf32>
    %get3A_17 = arith.constant 1 : index
    %get3A_18 = arith.constant 1 : index
    %get3A_19 = arith.constant 0 : index
    %get3A_20 = arith.constant 0 : index
    %get3A_21 = vector.load %arg1[%get3A_17, %get3A_18, %get3A_19, %get3A_20] : memref<2x2x2048x32xf32, #tpu.memory_space<vmem>>, vector<1x1x2048x32xf32>
    %get3A_22 = vector.shape_cast %get3A_21 : vector<1x1x2048x32xf32> to vector<2048x32xf32>
    %add3A_23 = arith.addf %get3A_16, %get3A_22 : vector<2048x32xf32>
    %sub3A = arith.subf %add3A, %add3A_23 : vector<2048x32xf32>
    %get3A_24 = arith.constant 0 : index
    %get3A_25 = arith.constant 0 : index
    %get3A_26 = vector.load %arg6[%get3A_24, %get3A_25] : memref<32x128xf32, #tpu.memory_space<vmem>>, vector<32x128xf32>
    %dot_general3A = arith.constant dense<0.000000e+00> : vector<2048x128xf32>
    %dot_general3A_27 = tpu.matmul %sub3A, %get3A_26, %dot_general3A {dimension_numbers = #tpu.dot_dimension_numbers<[1], [0], [0], [1], [0, 0, 1, 1], [], []>, transpose_lhs_hint = false} : vector<2048x32xf32>, vector<32x128xf32>, vector<2048x128xf32> -> vector<2048x128xf32>
    %get3A_28 = arith.constant 0 : index
    %get3A_29 = arith.constant 0 : index
    %get3A_30 = vector.load %arg11[%get3A_28, %get3A_29] : memref<8x128xf32, #tpu.memory_space<vmem>>, vector<1x128xf32>
    %add3A_31 = vector.broadcast %get3A_30 : vector<1x128xf32> to vector<2048x128xf32>
    %add3A_32 = arith.addf %dot_general3A_27, %add3A_31 : vector<2048x128xf32>
    %logistic3A = arith.negf %add3A_32 : vector<2048x128xf32>
    %logistic3A_33 = math.exp %logistic3A : vector<2048x128xf32>
    %logistic3A_34 = arith.constant 1.000000e+00 : f32
    %logistic3A_35 = vector.broadcast %logistic3A_34 : f32 to vector<2048x128xf32>
    %logistic3A_36 = arith.addf %logistic3A_35, %logistic3A_33 : vector<2048x128xf32>
    %logistic3A_37 = arith.divf %logistic3A_35, %logistic3A_36 : vector<2048x128xf32>
    %get3A_38 = arith.constant 0 : index
    %get3A_39 = arith.constant 0 : index
    %get3A_40 = vector.load %arg2[%get3A_38, %get3A_39] : memref<2048x8xf32, #tpu.memory_space<vmem>>, vector<2048x1xf32>
    %get3A_41 = arith.constant 0 : index
    %get3A_42 = arith.constant 0 : index
    %get3A_43 = vector.load %arg7[%get3A_41, %get3A_42] : memref<128x128xf32, #tpu.memory_space<vmem>>, vector<128x128xf32>
    %dot_general3A_44 = arith.constant dense<0.000000e+00> : vector<2048x128xf32>
    %dot_general3A_45 = tpu.matmul %logistic3A_37, %get3A_43, %dot_general3A_44 {dimension_numbers = #tpu.dot_dimension_numbers<[1], [0], [0], [1], [0, 0, 1, 1], [], []>, transpose_lhs_hint = false} : vector<2048x128xf32>, vector<128x128xf32>, vector<2048x128xf32> -> vector<2048x128xf32>
    %get3A_46 = arith.constant 5 : index
    %get3A_47 = arith.constant 0 : index
    %get3A_48 = vector.load %arg11[%get3A_46, %get3A_47] : memref<8x128xf32, #tpu.memory_space<vmem>>, vector<1x128xf32>
    %mul3A = vector.broadcast %get3A_40 : vector<2048x1xf32> to vector<2048x128xf32>
    %mul3A_49 = vector.broadcast %get3A_48 : vector<1x128xf32> to vector<2048x128xf32>
    %mul3A_50 = arith.mulf %mul3A, %mul3A_49 : vector<2048x128xf32>
    %add3A_51 = arith.addf %dot_general3A_45, %mul3A_50 : vector<2048x128xf32>
    %get3A_52 = arith.constant 0 : index
    %get3A_53 = arith.constant 0 : index
    %get3A_54 = vector.load %arg3[%get3A_52, %get3A_53] : memref<2048x128xf32, #tpu.memory_space<vmem>>, vector<2048x128xf32>
    %add3A_55 = arith.addf %add3A_51, %get3A_54 : vector<2048x128xf32>
    %get3A_56 = arith.constant 1 : index
    %get3A_57 = arith.constant 0 : index
    %get3A_58 = vector.load %arg11[%get3A_56, %get3A_57] : memref<8x128xf32, #tpu.memory_space<vmem>>, vector<1x128xf32>
    %add3A_59 = vector.broadcast %get3A_58 : vector<1x128xf32> to vector<2048x128xf32>
    %add3A_60 = arith.addf %add3A_55, %add3A_59 : vector<2048x128xf32>
    %logistic3A_61 = arith.negf %add3A_60 : vector<2048x128xf32>
    %logistic3A_62 = math.exp %logistic3A_61 : vector<2048x128xf32>
    %logistic3A_63 = arith.constant 1.000000e+00 : f32
    %logistic3A_64 = vector.broadcast %logistic3A_63 : f32 to vector<2048x128xf32>
    %logistic3A_65 = arith.addf %logistic3A_64, %logistic3A_62 : vector<2048x128xf32>
    %logistic3A_66 = arith.divf %logistic3A_64, %logistic3A_65 : vector<2048x128xf32>
    %get3A_67 = arith.constant 0 : index
    %get3A_68 = arith.constant 0 : index
    %get3A_69 = vector.load %arg8[%get3A_67, %get3A_68] : memref<128x128xf32, #tpu.memory_space<vmem>>, vector<128x128xf32>
    %dot_general3A_70 = arith.constant dense<0.000000e+00> : vector<2048x128xf32>
    %dot_general3A_71 = tpu.matmul %logistic3A_66, %get3A_69, %dot_general3A_70 {dimension_numbers = #tpu.dot_dimension_numbers<[1], [0], [0], [1], [0, 0, 1, 1], [], []>, transpose_lhs_hint = false} : vector<2048x128xf32>, vector<128x128xf32>, vector<2048x128xf32> -> vector<2048x128xf32>
    %get3A_72 = arith.constant 2 : index
    %get3A_73 = arith.constant 0 : index
    %get3A_74 = vector.load %arg11[%get3A_72, %get3A_73] : memref<8x128xf32, #tpu.memory_space<vmem>>, vector<1x128xf32>
    %add3A_75 = vector.broadcast %get3A_74 : vector<1x128xf32> to vector<2048x128xf32>
    %add3A_76 = arith.addf %dot_general3A_71, %add3A_75 : vector<2048x128xf32>
    %logistic3A_77 = arith.negf %add3A_76 : vector<2048x128xf32>
    %logistic3A_78 = math.exp %logistic3A_77 : vector<2048x128xf32>
    %logistic3A_79 = arith.constant 1.000000e+00 : f32
    %logistic3A_80 = vector.broadcast %logistic3A_79 : f32 to vector<2048x128xf32>
    %logistic3A_81 = arith.addf %logistic3A_80, %logistic3A_78 : vector<2048x128xf32>
    %logistic3A_82 = arith.divf %logistic3A_80, %logistic3A_81 : vector<2048x128xf32>
    %get3A_83 = arith.constant 0 : index
    %get3A_84 = arith.constant 0 : index
    %get3A_85 = vector.load %arg9[%get3A_83, %get3A_84] : memref<128x128xf32, #tpu.memory_space<vmem>>, vector<128x128xf32>
    %dot_general3A_86 = arith.constant dense<0.000000e+00> : vector<2048x128xf32>
    %dot_general3A_87 = tpu.matmul %logistic3A_82, %get3A_85, %dot_general3A_86 {dimension_numbers = #tpu.dot_dimension_numbers<[1], [0], [0], [1], [0, 0, 1, 1], [], []>, transpose_lhs_hint = false} : vector<2048x128xf32>, vector<128x128xf32>, vector<2048x128xf32> -> vector<2048x128xf32>
    %get3A_88 = arith.constant 3 : index
    %get3A_89 = arith.constant 0 : index
    %get3A_90 = vector.load %arg11[%get3A_88, %get3A_89] : memref<8x128xf32, #tpu.memory_space<vmem>>, vector<1x128xf32>
    %add3A_91 = vector.broadcast %get3A_90 : vector<1x128xf32> to vector<2048x128xf32>
    %add3A_92 = arith.addf %dot_general3A_87, %add3A_91 : vector<2048x128xf32>
    %logistic3A_93 = arith.negf %add3A_92 : vector<2048x128xf32>
    %logistic3A_94 = math.exp %logistic3A_93 : vector<2048x128xf32>
    %logistic3A_95 = arith.constant 1.000000e+00 : f32
    %logistic3A_96 = vector.broadcast %logistic3A_95 : f32 to vector<2048x128xf32>
    %logistic3A_97 = arith.addf %logistic3A_96, %logistic3A_94 : vector<2048x128xf32>
    %logistic3A_98 = arith.divf %logistic3A_96, %logistic3A_97 : vector<2048x128xf32>
    %get3A_99 = arith.constant 0 : index
    %get3A_100 = arith.constant 0 : index
    %get3A_101 = vector.load %arg10[%get3A_99, %get3A_100] : memref<128x8xf32, #tpu.memory_space<vmem>>, vector<128x8xf32>
    %dot_general3A_102 = arith.constant dense<0.000000e+00> : vector<2048x8xf32>
    %dot_general3A_103 = tpu.matmul %logistic3A_98, %get3A_101, %dot_general3A_102 {dimension_numbers = #tpu.dot_dimension_numbers<[1], [0], [0], [1], [0, 0, 1, 1], [], []>, transpose_lhs_hint = false} : vector<2048x128xf32>, vector<128x8xf32>, vector<2048x8xf32> -> vector<2048x8xf32>
    %get3A_104 = arith.constant 4 : index
    %get3A_105 = arith.constant 0 : index
    %get3A_106 = vector.load %arg11[%get3A_104, %get3A_105] : memref<8x128xf32, #tpu.memory_space<vmem>>, vector<1x8xf32>
    %add3A_107 = vector.broadcast %get3A_106 : vector<1x8xf32> to vector<2048x8xf32>
    %add3A_108 = arith.addf %dot_general3A_103, %add3A_107 : vector<2048x8xf32>
    %swap3A = arith.constant 0 : index
    %swap3A_109 = arith.constant 0 : index
    %swap3A_110 = vector.load %arg12[%swap3A, %swap3A_109] : memref<2048x8xf32, #tpu.memory_space<vmem>>, vector<2048x8xf32>
    tpu.vector_store %arg12[%swap3A, %swap3A_109], %add3A_108 {strides = array<i32>} : memref<2048x8xf32, #tpu.memory_space<vmem>>, vector<2048x8xf32>,
    %slice3A = vector.extract_strided_slice %add3A_108 {offsets = [0, 0], sizes = [2048, 1], strides = [1, 1]} : vector<2048x8xf32> to vector<2048x1xf32>
    %get3A_111 = arith.constant 0 : index
    %get3A_112 = arith.constant 0 : index
    %get3A_113 = vector.load %arg4[%get3A_111, %get3A_112] : memref<2048x32xf32, #tpu.memory_space<vmem>>, vector<2048x32xf32>
    %get3A_114 = arith.constant 6 : index
    %get3A_115 = arith.constant 0 : index
    %get3A_116 = vector.load %arg11[%get3A_114, %get3A_115] : memref<8x128xf32, #tpu.memory_space<vmem>>, vector<1x32xf32>
    %mul3A_117 = vector.broadcast %slice3A : vector<2048x1xf32> to vector<2048x32xf32>
    %mul3A_118 = vector.broadcast %get3A_116 : vector<1x32xf32> to vector<2048x32xf32>
    %mul3A_119 = arith.mulf %mul3A_117, %mul3A_118 : vector<2048x32xf32>
    %add3A_120 = arith.addf %get3A_113, %mul3A_119 : vector<2048x32xf32>
    %swap3A_121 = arith.constant 0 : index
    %swap3A_122 = arith.constant 0 : index
    %swap3A_123 = vector.load %arg13[%swap3A_121, %swap3A_122] : memref<2048x32xf32, #tpu.memory_space<vmem>>, vector<2048x32xf32>
    tpu.vector_store %arg13[%swap3A_121, %swap3A_122], %add3A_120 {strides = array<i32>} : memref<2048x32xf32, #tpu.memory_space<vmem>>, vector<2048x32xf32>,
    %get3A_124 = arith.constant 0 : index
    %get3A_125 = arith.constant 0 : index
    %get3A_126 = vector.load %arg5[%get3A_124, %get3A_125] : memref<2048x32xf32, #tpu.memory_space<vmem>>, vector<2048x32xf32>
    %get3A_127 = arith.constant 7 : index
    %get3A_128 = arith.constant 0 : index
    %get3A_129 = vector.load %arg11[%get3A_127, %get3A_128] : memref<8x128xf32, #tpu.memory_space<vmem>>, vector<1x32xf32>
    %mul3A_130 = vector.broadcast %slice3A : vector<2048x1xf32> to vector<2048x32xf32>
    %mul3A_131 = vector.broadcast %get3A_129 : vector<1x32xf32> to vector<2048x32xf32>
    %mul3A_132 = arith.mulf %mul3A_130, %mul3A_131 : vector<2048x32xf32>
    %add3A_133 = arith.addf %get3A_126, %mul3A_132 : vector<2048x32xf32>
    %swap3A_134 = arith.constant 0 : index
    %swap3A_135 = arith.constant 0 : index
    %swap3A_136 = vector.load %arg14[%swap3A_134, %swap3A_135] : memref<2048x32xf32, #tpu.memory_space<vmem>>, vector<2048x32xf32>
    tpu.vector_store %arg14[%swap3A_134, %swap3A_135], %add3A_133 {strides = array<i32>} : memref<2048x32xf32, #tpu.memory_space<vmem>>, vector<2048x32xf32>,
    return
  }
  func.func @transform_0(%arg0: i32) -> (i32, i32, i32, i32) {
    %c0_i32 = arith.constant 0 : i32
    %c0_i32_0 = arith.constant 0 : i32
    %c0_i32_1 = arith.constant 0 : i32
    %c0_i32_2 = arith.constant 0 : i32
    return %c0_i32, %c0_i32_0, %arg0, %c0_i32_1 : i32, i32, i32, i32
  }
  func.func @transform_1(%arg0: i32) -> (i32, i32) {
    %c0_i32 = arith.constant 0 : i32
    %c0_i32_0 = arith.constant 0 : i32
    return %arg0, %c0_i32 : i32, i32
  }
  func.func @transform_2(%arg0: i32) -> (i32, i32) {
    %c0_i32 = arith.constant 0 : i32
    %c0_i32_0 = arith.constant 0 : i32
    return %arg0, %c0_i32 : i32, i32
  }
  func.func @transform_3(%arg0: i32) -> (i32, i32) {
    %c0_i32 = arith.constant 0 : i32
    %c0_i32_0 = arith.constant 0 : i32
    return %arg0, %c0_i32 : i32, i32
  }
  func.func @transform_4(%arg0: i32) -> (i32, i32) {
    %c0_i32 = arith.constant 0 : i32
    %c0_i32_0 = arith.constant 0 : i32
    return %arg0, %c0_i32 : i32, i32
  }
  func.func @transform_5(%arg0: i32) -> (i32, i32) {
    %c0_i32 = arith.constant 0 : i32
    %c0_i32_0 = arith.constant 0 : i32
    %c0_i32_1 = arith.constant 0 : i32
    return %c0_i32, %c0_i32_0 : i32, i32
  }
  func.func @transform_6(%arg0: i32) -> (i32, i32) {
    %c0_i32 = arith.constant 0 : i32
    %c0_i32_0 = arith.constant 0 : i32
    %c0_i32_1 = arith.constant 0 : i32
    return %c0_i32, %c0_i32_0 : i32, i32
  }
  func.func @transform_7(%arg0: i32) -> (i32, i32) {
    %c0_i32 = arith.constant 0 : i32
    %c0_i32_0 = arith.constant 0 : i32
    %c0_i32_1 = arith.constant 0 : i32
    return %c0_i32, %c0_i32_0 : i32, i32
  }
  func.func @transform_8(%arg0: i32) -> (i32, i32) {
    %c0_i32 = arith.constant 0 : i32
    %c0_i32_0 = arith.constant 0 : i32
    %c0_i32_1 = arith.constant 0 : i32
    return %c0_i32, %c0_i32_0 : i32, i32
  }
  func.func @transform_9(%arg0: i32) -> (i32, i32) {
    %c0_i32 = arith.constant 0 : i32
    %c0_i32_0 = arith.constant 0 : i32
    %c0_i32_1 = arith.constant 0 : i32
    return %c0_i32, %c0_i32_0 : i32, i32
  }
  func.func @transform_10(%arg0: i32) -> (i32, i32) {
    %c0_i32 = arith.constant 0 : i32
    %c0_i32_0 = arith.constant 0 : i32
    %c0_i32_1 = arith.constant 0 : i32
    return %c0_i32, %c0_i32_0 : i32, i32
  }
  func.func @transform_11(%arg0: i32) -> (i32, i32) {
    %c0_i32 = arith.constant 0 : i32
    %c0_i32_0 = arith.constant 0 : i32
    return %arg0, %c0_i32 : i32, i32
  }
  func.func @transform_12(%arg0: i32) -> (i32, i32) {
    %c0_i32 = arith.constant 0 : i32
    %c0_i32_0 = arith.constant 0 : i32
    return %arg0, %c0_i32 : i32, i32
  }
  func.func @transform_13(%arg0: i32) -> (i32, i32) {
    %c0_i32 = arith.constant 0 : i32
    %c0_i32_0 = arith.constant 0 : i32
    return %arg0, %c0_i32 : i32, i32
  }
}

</mosaic_0001>

<sc_bundles>
// kernel: kernel.21.cloned.1.call-start
scs
__scs_entry_jumppad:
0x0: {  	(pc) =	sbr.rel $0x88, $3  }
0x1: {  	(tag) =	ssettag $0x0;
	lr =	simm.s32 $0x1  }
0x2: {  	[smem:$0x3F8D] =	sst lr;
	_ =	strace $0xD0000000  }
0x3: {  	_ = 	snop  }
0x4: {  	_ = 	snop  }
0x5: {  	_ = 	snop  }
0x6: {  	_ = 	snop  }
0x7: {  	_ = 	snop  }
__scs_overlays_trampoline_lowered:
0x8: {  	[smem:$0x3F9C] =	sst s0  }
0x9: {  	[smem:$0x3F9D] =	sst s1  }
0xa: {  	[smem:$0x3F9E] =	sst s2  }
0xb: {  	[smem:$0x3F9F] =	sst s3  }
0xc: {  	[smem:$0x3FA0] =	sst s4  }
0xd: {  	[smem:$0x3FA1] =	sst s5  }
0xe: {  	[smem:$0x3FA2] =	sst s6  }
0xf: {  	[smem:$0x3FA3] =	sst s7  }
0x10: {  	[smem:$0x3FA4] =	sst s8  }
0x11: {  	[smem:$0x3FA5] =	sst s9;
	s0 =	simm.s32 @!p0 $0x0  }
0x12: {  	s1 =	sld [smem:$0x3F8B];
	s0 =	simm.s32 @p0 $0x1  }
0x13: {  	[smem:$0x3FA6] =	sst s0;
	s0 =	simm.s32 @!p1 $0x0  }
0x14: {  	s2 =	sld [smem:$0x3F8A];
	s0 =	simm.s32 @p1 $0x1  }
0x15: {  	[smem:$0x3FA7] =	sst s0;
	s0 =	simm.s32 @!p2 $0x0  }
0x16: {  	s3 =	sld [smem:$0x3FDB];
	s0 =	simm.s32 @p2 $0x1  }
0x17: {  	s4 =	simm.s32 $0x1BF5;
	[smem:$0x3FA9] =	sst s0  }
0x18: {  	s0 =	sld [smem:$0x3F8C];
	_ =	swait.ge [sflag:s4], $0x0  }
0x19: {  	s7 =	sld [smem:$0x3F8D]  }
0x1a: {  	s8 =	sadd.s32 $0xFFFFE003, lr  }
0x1b: {  	s9 =	sadd.s32 $0xFFFFFEF7, lr;
	s5 =	simm.s32 $0xFFFFFFFF;
	p2 =	slt.u32 s8, $0xFFFFF086  }
0x1c: {  	p1 =	slt.u32 s9, $0xF7A;
	s5 =	simm.s32 @!p2 $0x0  }
0x1d: {  	s5 =	simm.s32 @p1 $0x1;
	p0 =	seq.s32 s7, s2  }
0x1e: {  	s7 =	smul.u32 @!p0 $0xF7A, s2;
	p2 =	seq.s32 @!p0 s5, $0x0  }
0x1f: {  	s9 =	smul.u32 $0xF7A, s1;
	s8 =	simm.s32 @!p0 $0x1BF5;
	p2 =	por !p2, p0  }
0x20: {  	[sflag:s8] =	ssyncset.s32 @!p0 $0xFFFFF086;
	s6 =	sadd.s32 @!p0 s3, s7;
	s7 =	simm.s32 @!p0 $0x108  }
0x21: {  	s3 =	sadd.s32 s3, s9;
	s6 =	sadd.s32 @!p0 $0x88, s6;
	s7 =	simm.s32 @p2 $0x1082  }
0x22: {  	[simem:s7], [sflag:s8] =	dma.local @!p0 [hbm:s6], $0xF7A  }
0x23: {  	s9 =	sor.u32 $0xD0000000, s2;
	s6 =	simm.s32 $0x108;
	_ =	swait.ge @!p0 [sflag:s8], $0x0  }
0x24: {  	s3 =	sadd.s32 $0x88, s3;
	s6 =	simm.s32 @!p1 $0x1082;
	[sflag:s4] =	ssyncset.s32 $0xFFFFF086  }
0x25: {  	[simem:s6], [sflag:s4] =	dma.local [hbm:s3], $0xF7A  }
0x26: {  	[smem:$0x3F8D] =	sst s1;
	(tag) =	ssettag s2;
	_ =	strace s9  }
0x27: {  	s1 =	sld [smem:$0x3F9D]  }
0x28: {  	s2 =	sld [smem:$0x3F9E]  }
0x29: {  	s4 =	sld [smem:$0x3FA0]  }
0x2a: {  	p0 =	seq.s32 s5, $0x0;
	s5 =	sld [smem:$0x3FA1]  }
0x2b: {  	s6 =	sld [smem:$0x3FA2]  }
0x2c: {  	s7 =	sld [smem:$0x3FA3]  }
0x2d: {  	s3 =	simm.s32 $0x108;
	s8 =	sld [smem:$0x3FA4]  }
0x2e: {  	s3 =	simm.s32 @!p0 $0x1082;
	s9 =	sld [smem:$0x3FA5]  }
0x2f: {  	lr =	sadd.s32 s0, s3;
	s0 =	sld [smem:$0x3F9C]  }
0x30: {  	s3 =	sld [smem:$0x3F9F]  }
0x31: {  	[smem:$0x3FA8] =	sst s10  }
0x32: {  	s10 =	sld [smem:$0x3FA6];
	_ =	sdelay $0x3  }
0x33: {  	p0 =	seq.s32 s10, $0x1;
	s10 =	sld [smem:$0x3FA8];
	_ =	sdelay $0x3  }
0x34: {  	[smem:$0x3FA8] =	sst s10  }
0x35: {  	s10 =	sld [smem:$0x3FA7];
	_ =	sdelay $0x3  }
0x36: {  	p1 =	seq.s32 s10, $0x1;
	s10 =	sld [smem:$0x3FA8];
	_ =	sdelay $0x3  }
0x37: {  	[smem:$0x3FA8] =	sst s10  }
0x38: {  	s10 =	sld [smem:$0x3FA9]  }
0x39: {  	_ = 	snop;
	(pc) =	sbr.ind lr, $3  }
0x3a: {  	_ = 	snop  }
0x3b: {  	_ = 	snop  }
0x3c: {  	p2 =	seq.s32 s10, $0x1;
	s10 =	sld [smem:$0x3FA8]  }
0x3d: {  	_ =	shalt  }
0x3e: {  	_ =	shalt  }
0x3f: {  	_ =	shalt  }
0x40: {  	_ =	shalt  }
0x41: {  	_ =	shalt  }
0x42: {  	_ =	shalt  }
0x43: {  	_ =	shalt  }
0x44: {  	_ =	shalt  }
0x45: {  	_ =	shalt  }
0x46: {  	_ =	shalt  }
0x47: {  	_ =	shalt  }
0x48: {  	_ =	shalt  }
0x49: {  	_ =	shalt  }
0x4a: {  	_ =	shalt  }
0x4b: {  	_ =	shalt  }
0x4c: {  	_ =	shalt  }
0x4d: {  	_ =	shalt  }
0x4e: {  	_ =	shalt  }
0x4f: {  	_ =	shalt  }
0x50: {  	_ =	shalt  }
0x51: {  	_ =	shalt  }
0x52: {  	_ =	shalt  }
0x53: {  	_ =	shalt  }
0x54: {  	_ =	shalt  }
0x55: {  	_ =	shalt  }
0x56: {  	_ =	shalt  }
0x57: {  	_ =	shalt  }
0x58: {  	_ =	shalt  }
0x59: {  	_ =	shalt  }
0x5a: {  	_ =	shalt  }
0x5b: {  	_ =	shalt  }
0x5c: {  	_ =	shalt  }
0x5d: {  	_ =	shalt  }
0x5e: {  	_ =	shalt  }
0x5f: {  	_ =	shalt  }
0x60: {  	_ =	shalt  }
0x61: {  	_ =	shalt  }
0x62: {  	_ =	shalt  }
0x63: {  	_ =	shalt  }
0x64: {  	_ =	shalt  }
0x65: {  	_ =	shalt  }
0x66: {  	_ =	shalt  }
0x67: {  	_ =	shalt  }
0x68: {  	_ =	shalt  }
0x69: {  	_ =	shalt  }
0x6a: {  	_ =	shalt  }
0x6b: {  	_ =	shalt  }
0x6c: {  	_ =	shalt  }
0x6d: {  	_ =	shalt  }
0x6e: {  	_ =	shalt  }
0x6f: {  	_ =	shalt  }
0x70: {  	_ =	shalt  }
0x71: {  	_ =	shalt  }
0x72: {  	_ =	shalt  }
0x73: {  	_ =	shalt  }
0x74: {  	_ =	shalt  }
0x75: {  	_ =	shalt  }
0x76: {  	_ =	shalt  }
0x77: {  	_ =	shalt  }
0x78: {  	_ =	shalt  }
0x79: {  	_ =	shalt  }
0x7a: {  	_ =	shalt  }
0x7b: {  	_ =	shalt  }
0x7c: {  	_ =	shalt  }
0x7d: {  	_ =	shalt  }
0x7e: {  	_ =	shalt  }
0x7f: {  	_ =	shalt  }
0x80: {  	_ =	shalt  }
0x81: {  	_ =	shalt  }
0x82: {  	_ =	shalt  }
0x83: {  	_ =	shalt  }
0x84: {  	_ =	shalt  }
0x85: {  	_ =	shalt  }
0x86: {  	_ =	shalt  }
0x87: {  	_ =	shalt  }
.Lfunc_end0:
.L_simem_size_0:
called_computation_lowered:
.L_overlay_start_0:
0x88: {  	s2 =	sld [smem:$0x3FD9]  }
0x89: {  	s3 =	sld [smem:$0x3FFE];
	_ =	sdelay $0x1  }
0x8a: {  	s1 =	srdreg.scid  }
0x8b: {  	s0 =	sand.u32 $0x1, s1  }
0x8c: {  	s16 =	sshll.u32 s0, $0xA;
	s2 =	sadd.s32 s3, s2  }
0x8d: {  	s2 =	sadd.s32 s2, s16  }
0x8e: {  	[smem:$0x3FB4] =	sst s2  }
0x8f: {  	_ = 	snop  }
0x90: {  	(tm) =	ssettm $0x1  }
0x91: {  	s17 =	sld [smem:$0x3FFB];
	_ =	sdelay $0x3  }
0x92: {  	_ =	strace s17  }
0x93: {  	s2 =	sld [smem:$0x3FFC];
	_ =	sdelay $0x3  }
0x94: {  	_ =	strace s2  }
0x95: {  	s2 =	sld [smem:$0x3FFD];
	_ =	sdelay $0x3  }
0x96: {  	_ =	strace s2  }
0x97: {  	_ =	strace $0x8FFFFFFF  }
0x98: {  	s18 =	sld [smem:$0x3FDB];
	_ =	sdelay $0x1  }
0x99: {  	s19 =	simm.s32 $_scs_section_size  }
0x9a: {  	s4 =	simm.s32 $_size__tile_overlayer_lowered;
	s5 =	simm.s32 $_tile_overlayer_lowered  }
0x9b: {  	s22 =	simm.s32 $0x1BFF;
	s21 =	sshll.u32 s5, $0x1;
	s2 =	sadd.s32 s19, s18  }
0x9c: {  	s6 =	simm.s32 $0x0;
	s20 =	sshll.u32 s4, $0x1;
	s4 =	sadd.s32 s21, s2  }
0x9d: {  	[timem:s6], [sflag:s22] =	dma.local [hbm:s4], s20  }
0x9e: {  	_ =	swait.ge [sflag:s22], s20  }
0x9f: {  	s3 =	ssub.s32 $0x0, s20;
	[sflag:s22] =	ssyncset.done $0x0  }
0xa0: {  	[sflag:s22] =	ssyncadd.s32 s3;
	_ =	sdelay $0x1  }
0xa1: {  	s23 =	simm.s32 $0x1B8B  }
0xa2: {  	_ =	swait.ge [sflag:s23], $0x1  }
0xa3: {  	[sflag:s23] =	ssyncset.done $0x0  }
0xa4: {  	s25 =	simm.s32 $0x1B8E;
	s24 =	sld [smem:$0x3FFE];
	[sflag:s23] =	ssyncadd.s32 $0xFFFFFFFF  }
0xa5: {  	s26 =	simm.s32 $execute0_lowered;
	[smem:$0x3FD2] =	sst s25  }
0xa6: {  	s4 =	sshll.u32 s26, $0x1;
	_ =	strace $0x80000046;
	[dreg:$0x1] =	wrdreg $0xFFFFFFFF  }
0xa7: {  	s28 =	simm.s32 $_size_execute0_lowered;
	s2 =	sadd.s32 s2, s4;
	[dreg:$0x0] =	wrdreg $0x0  }
0xa8: {  	s4 =	sshll.u32 s28, $0x1;
	[dreg:$0x2] =	wrdreg s2  }
0xa9: {  	[dreg:$0x3] =	wrdreg s4  }
0xaa: {  	[dreg:$0x4] =	wrdreg $0xC0  }
0xab: {  	_ =	task [dreg:s6], $0x5FFFF  }
0xac: {  	[dreg:$0x1] =	wrdreg $0xFFFFFFFF  }
0xad: {  	[dreg:$0x0] =	wrdreg $0x60  }
0xae: {  	[dreg:$0x2] =	wrdreg s24  }
0xaf: {  	[dreg:$0x3] =	wrdreg $0x9  }
0xb0: {  	_ =	task.clear_ibuf [dreg:s6], $0x4FFFF;
	_ =	strace $0x90000046  }
0xb1: {  	s29 =	simm.s32 $0x9;
	_ =	strace $0x80000048  }
0xb2: {  	_ =	swait.ge [sflag:s29], $0x1  }
0xb3: {  	[sflag:s29] =	ssyncadd.s32 $0xFFFFFFFF  }
0xb4: {  	_ =	strace $0x90000048  }
0xb5: {  	_ =	sfence  }
0xb6: {  	s30 =	sld [smem:$0x0];
	_ =	sdelay $0x2  }
0xb7: {  	s31 =	sshll.u32 s1, $0xD;
	s1 =	sshrl.u32 s1, $0x2  }
0xb8: {  	s3 =	sand.u32 $0x4000, s31;
	s1 =	sadd.s32 s1, s30  }
0xb9: {  	s0 =	sor.u32 s3, s0;
	s1 =	sshll.u32 s1, $0x11  }
0xba: {  	s0 =	sor.u32 s1, s0  }
0xbb: {  	s0 =	sadd.s32 $0x8F2B, s0  }
0xbc: {  	[sflag:s0] =	ssyncadd.remote.s32 $0x1  }
0xbd: {  	_ =	sfence.sel $0xFFFF  }
0xbe: {  	[dreg:$0x0] =	wrdreg $0xFFFFFFFF;
	(pc) =	sbr.abs _section_cstart, $3  }
0xbf: {  	[dreg:$0x1] =	wrdreg $0xFFFFFFFF  }
0xc0: {  	_ =	task.clear_ibuf [dreg:s6], $0x2FFFF;
	_ =	strace $0x9FFFFFFF  }
0xc1: {  	(tm) =	ssettm $0x7FFFFFFF  }
tec
execute0_lowered:
.L_overlay_start_1:
0x0: {  	(tag) =	ssettag $0x1  }
0x1: {  	s1 =	srdreg.scid;
	s0 =	stileid.u32  }
0x2: {  	s16 =	sand.u32 $0x1, s1;
	s26 =	sshll.u32 s0, $0x1  }
0x3: {  	s8 =	sor.u32 s16, s26  }
0x4: {  	s9 =	rddreg [dreg:$0x0];
	s17 =	smul.u32 $0x1400, s8  }
0x5: {  	s2 =	simm.s32 $0x0;
	s1 =	rddreg [dreg:$0x1]  }
0x6: {  	[smem:$0x7FF] =	sst s2;
	s15 =	sadd.s32 $0xEC00, s9;
	s3 =	sshrl.u32 s17, $0x3  }
0x7: {  	_ =	strace $0x80000047;
	s4 =	sadd.s32 s15, s3;
	s3 =	simm.s32 $0x2  }
0x8: {  	[tilespmem:s2], [sflag:$0x2] =	stream.linear.gather [hbm4b:s4+s2], $0x400, $0x38;
	[tilespmem:$0x4400] =	vst v63  }
0x9: {  	_ =	swait.ge [sflag:s3], $0x400  }
0xa: {  	s6 =	simm.s32 $0x400;
	[sflag:s3] =	ssyncset.done $0x0  }
0xb: {  	s7 =	simm.s32 $0x1;
	s5 =	sadd.s32 $0x9C00, s9;
	[sflag:s3] =	ssyncadd.s32 $0xFFFFFC00  }
0xc: {  	[tilespmem:s6], [sflag:$0x1] =	stream.indirect.gather [hbm4b:s5+s6], $0x10, s2, s6, $0xb8;
	[tilespmem:$0x4400] =	vst v63  }
0xd: {  	s8 =	smul.u32 $0x2800, s8;
	_ =	swait.ge [sflag:s7], $0x4000  }
0xe: {  	s18 =	sadd.s32 $0x13C00, s9;
	[sflag:s7] =	ssyncset.done $0x0  }
0xf: {  	s8 =	sadd.s32 s18, s8;
	[sflag:s7] =	ssyncadd.s32 $0xFFFFC000  }
0x10: {  	[hbm4b:s8+s2] =	stream.linear.scatter [tilespmem:s6], [sflag:$0x2], $0x4000, $0x38;
	[tilespmem:$0x4400] =	vst v63  }
0x11: {  	s10 =	sadd.s32 $0x400, s17;
	_ =	swait.ge [sflag:s3], $0x4000  }
0x12: {  	s28 =	sshrl.u32 s10, $0x3;
	[sflag:s3] =	ssyncset.done $0x0  }
0x13: {  	s9 =	sadd.s32 s15, s28;
	[sflag:s3] =	ssyncadd.s32 $0xFFFFC000  }
0x14: {  	[tilespmem:s2], [sflag:$0x2] =	stream.linear.gather [hbm4b:s9+s2], $0x400, $0x38;
	[tilespmem:$0x4400] =	vst v63  }
0x15: {  	_ =	swait.ge [sflag:s3], $0x400  }
0x16: {  	[sflag:s3] =	ssyncset.done $0x0  }
0x17: {  	[sflag:s3] =	ssyncadd.s32 $0xFFFFFC00  }
0x18: {  	[tilespmem:s6], [sflag:$0x1] =	stream.indirect.gather [hbm4b:s5+s6], $0x10, s2, s6, $0xb8;
	[tilespmem:$0x4400] =	vst v63  }
0x19: {  	_ =	swait.ge [sflag:s7], $0x4000  }
0x1a: {  	s10 =	sshll.u32 s10, $0x1;
	[sflag:s7] =	ssyncset.done $0x0  }
0x1b: {  	s10 =	sadd.s32 s18, s10;
	[sflag:s7] =	ssyncadd.s32 $0xFFFFC000  }
0x1c: {  	[hbm4b:s10+s2] =	stream.linear.scatter [tilespmem:s6], [sflag:$0x2], $0x4000, $0x38;
	[tilespmem:$0x4400] =	vst v63  }
0x1d: {  	s12 =	sadd.s32 $0x800, s17;
	_ =	swait.ge [sflag:s3], $0x4000  }
0x1e: {  	s11 =	sshrl.u32 s12, $0x3;
	[sflag:s3] =	ssyncset.done $0x0  }
0x1f: {  	s11 =	sadd.s32 s15, s11;
	[sflag:s3] =	ssyncadd.s32 $0xFFFFC000  }
0x20: {  	[tilespmem:s2], [sflag:$0x2] =	stream.linear.gather [hbm4b:s11+s2], $0x400, $0x38;
	[tilespmem:$0x4400] =	vst v63  }
0x21: {  	_ =	swait.ge [sflag:s3], $0x400  }
0x22: {  	[sflag:s3] =	ssyncset.done $0x0  }
0x23: {  	[sflag:s3] =	ssyncadd.s32 $0xFFFFFC00  }
0x24: {  	[tilespmem:s6], [sflag:$0x1] =	stream.indirect.gather [hbm4b:s5+s6], $0x10, s2, s6, $0xb8;
	[tilespmem:$0x4400] =	vst v63  }
0x25: {  	_ =	swait.ge [sflag:s7], $0x4000  }
0x26: {  	s12 =	sshll.u32 s12, $0x1;
	[sflag:s7] =	ssyncset.done $0x0  }
0x27: {  	s12 =	sadd.s32 s18, s12;
	[sflag:s7] =	ssyncadd.s32 $0xFFFFC000  }
0x28: {  	[hbm4b:s12+s2] =	stream.linear.scatter [tilespmem:s6], [sflag:$0x2], $0x4000, $0x38;
	[tilespmem:$0x4400] =	vst v63  }
0x29: {  	s14 =	sadd.s32 $0xC00, s17;
	_ =	swait.ge [sflag:s3], $0x4000  }
0x2a: {  	s13 =	sshrl.u32 s14, $0x3;
	[sflag:s3] =	ssyncset.done $0x0  }
0x2b: {  	s13 =	sadd.s32 s15, s13;
	[sflag:s3] =	ssyncadd.s32 $0xFFFFC000  }
0x2c: {  	[tilespmem:s2], [sflag:$0x2] =	stream.linear.gather [hbm4b:s13+s2], $0x400, $0x38;
	[tilespmem:$0x4400] =	vst v63  }
0x2d: {  	_ =	swait.ge [sflag:s3], $0x400  }
0x2e: {  	[sflag:s3] =	ssyncset.done $0x0  }
0x2f: {  	[sflag:s3] =	ssyncadd.s32 $0xFFFFFC00  }
0x30: {  	[tilespmem:s6], [sflag:$0x1] =	stream.indirect.gather [hbm4b:s5+s6], $0x10, s2, s6, $0xb8;
	[tilespmem:$0x4400] =	vst v63  }
0x31: {  	_ =	swait.ge [sflag:s7], $0x4000  }
0x32: {  	s14 =	sshll.u32 s14, $0x1;
	[sflag:s7] =	ssyncset.done $0x0  }
0x33: {  	s14 =	sadd.s32 s18, s14;
	[sflag:s7] =	ssyncadd.s32 $0xFFFFC000  }
0x34: {  	[hbm4b:s14+s2] =	stream.linear.scatter [tilespmem:s6], [sflag:$0x2], $0x4000, $0x38;
	[tilespmem:$0x4400] =	vst v63  }
0x35: {  	s17 =	sadd.s32 $0x1000, s17;
	_ =	swait.ge [sflag:s3], $0x4000  }
0x36: {  	s19 =	sshrl.u32 s17, $0x3;
	[sflag:s3] =	ssyncset.done $0x0  }
0x37: {  	s16 =	ssub.s32 $0x2, s16;
	s15 =	sadd.s32 s15, s19;
	[sflag:s3] =	ssyncadd.s32 $0xFFFFC000  }
0x38: {  	[tilespmem:s2], [sflag:$0x2] =	stream.linear.gather [hbm4b:s15+s2], $0x400, $0x38;
	[tilespmem:$0x4400] =	vst v63  }
0x39: {  	s29 =	sshrl.u32 s16, $0x1;
	_ =	swait.ge [sflag:s3], $0x400  }
0x3a: {  	s19 =	ssub.s32 s16, s29;
	[sflag:s3] =	ssyncset.done $0x0  }
0x3b: {  	s31 =	smax.u32 s19, $0x1;
	[sflag:s3] =	ssyncadd.s32 $0xFFFFFC00  }
0x3c: {  	[tilespmem:s6], [sflag:$0x1] =	stream.indirect.gather [hbm4b:s5+s6], $0x10, s2, s6, $0xb8;
	[tilespmem:$0x4400] =	vst v63  }
0x3d: {  	p0 =	sne.s32 s31, $0x1;
	_ =	swait.ge [sflag:s7], $0x4000  }
.Ltmp0:
0x3e: {  	s30 =	sshll.u32 s17, $0x1;
	[sflag:s7] =	ssyncset.done $0x0;
	(pc) =	sbr.rel @!p0 .LBB2_2-.Ltmp0, $4  }
0x3f: {  	s16 =	sadd.s32 s18, s30;
	[sflag:s7] =	ssyncadd.s32 $0xFFFFC000  }
0x40: {  	[hbm4b:s16+s2] =	stream.linear.scatter [tilespmem:s6], [sflag:$0x2], $0x4000, $0x38;
	[tilespmem:$0x4400] =	vst v63  }
0x41: {  	_ =	swait.ge [sflag:s3], $0x4000  }
0x42: {  	s17 =	sadd.s32 $0xFFFFFFFF, s31;
	[sflag:s3] =	ssyncset.done $0x0  }
.LBB2_1:
0x43: {  	p0 =	sne.s32 s17, $0x1;
	s17 =	sadd.s32 $0xFFFFFFFF, s17;
	[sflag:s3] =	ssyncadd.s32 $0xFFFFC000  }
0x44: {  	[tilespmem:s2], [sflag:$0x2] =	stream.linear.gather [hbm4b:s4+s2], $0x400, $0x38;
	[tilespmem:$0x4400] =	vst v63  }
0x45: {  	_ =	swait.ge [sflag:s3], $0x400  }
0x46: {  	[sflag:s3] =	ssyncset.done $0x0  }
0x47: {  	[sflag:s3] =	ssyncadd.s32 $0xFFFFFC00  }
0x48: {  	[tilespmem:s6], [sflag:$0x1] =	stream.indirect.gather [hbm4b:s5+s6], $0x10, s2, s6, $0xb8;
	[tilespmem:$0x4400] =	vst v63  }
0x49: {  	_ =	swait.ge [sflag:s7], $0x4000  }
0x4a: {  	[sflag:s7] =	ssyncset.done $0x0  }
0x4b: {  	[sflag:s7] =	ssyncadd.s32 $0xFFFFC000  }
0x4c: {  	[hbm4b:s8+s2] =	stream.linear.scatter [tilespmem:s6], [sflag:$0x2], $0x4000, $0x38;
	[tilespmem:$0x4400] =	vst v63  }
0x4d: {  	_ =	swait.ge [sflag:s3], $0x4000  }
0x4e: {  	[sflag:s3] =	ssyncset.done $0x0  }
0x4f: {  	[sflag:s3] =	ssyncadd.s32 $0xFFFFC000  }
0x50: {  	[tilespmem:s2], [sflag:$0x2] =	stream.linear.gather [hbm4b:s9+s2], $0x400, $0x38;
	[tilespmem:$0x4400] =	vst v63  }
0x51: {  	_ =	swait.ge [sflag:s3], $0x400  }
0x52: {  	[sflag:s3] =	ssyncset.done $0x0  }
0x53: {  	[sflag:s3] =	ssyncadd.s32 $0xFFFFFC00  }
0x54: {  	[tilespmem:s6], [sflag:$0x1] =	stream.indirect.gather [hbm4b:s5+s6], $0x10, s2, s6, $0xb8;
	[tilespmem:$0x4400] =	vst v63  }
0x55: {  	_ =	swait.ge [sflag:s7], $0x4000  }
0x56: {  	[sflag:s7] =	ssyncset.done $0x0  }
0x57: {  	[sflag:s7] =	ssyncadd.s32 $0xFFFFC000  }
0x58: {  	[hbm4b:s10+s2] =	stream.linear.scatter [tilespmem:s6], [sflag:$0x2], $0x4000, $0x38;
	[tilespmem:$0x4400] =	vst v63  }
0x59: {  	_ =	swait.ge [sflag:s3], $0x4000  }
0x5a: {  	[sflag:s3] =	ssyncset.done $0x0  }
0x5b: {  	[sflag:s3] =	ssyncadd.s32 $0xFFFFC000  }
0x5c: {  	[tilespmem:s2], [sflag:$0x2] =	stream.linear.gather [hbm4b:s11+s2], $0x400, $0x38;
	[tilespmem:$0x4400] =	vst v63  }
0x5d: {  	_ =	swait.ge [sflag:s3], $0x400  }
0x5e: {  	[sflag:s3] =	ssyncset.done $0x0  }
0x5f: {  	[sflag:s3] =	ssyncadd.s32 $0xFFFFFC00  }
0x60: {  	[tilespmem:s6], [sflag:$0x1] =	stream.indirect.gather [hbm4b:s5+s6], $0x10, s2, s6, $0xb8;
	[tilespmem:$0x4400] =	vst v63  }
0x61: {  	_ =	swait.ge [sflag:s7], $0x4000  }
0x62: {  	[sflag:s7] =	ssyncset.done $0x0  }
0x63: {  	[sflag:s7] =	ssyncadd.s32 $0xFFFFC000  }
0x64: {  	[hbm4b:s12+s2] =	stream.linear.scatter [tilespmem:s6], [sflag:$0x2], $0x4000, $0x38;
	[tilespmem:$0x4400] =	vst v63  }
0x65: {  	_ =	swait.ge [sflag:s3], $0x4000  }
0x66: {  	[sflag:s3] =	ssyncset.done $0x0  }
0x67: {  	[sflag:s3] =	ssyncadd.s32 $0xFFFFC000  }
0x68: {  	[tilespmem:s2], [sflag:$0x2] =	stream.linear.gather [hbm4b:s13+s2], $0x400, $0x38;
	[tilespmem:$0x4400] =	vst v63  }
0x69: {  	_ =	swait.ge [sflag:s3], $0x400  }
0x6a: {  	[sflag:s3] =	ssyncset.done $0x0  }
0x6b: {  	[sflag:s3] =	ssyncadd.s32 $0xFFFFFC00  }
0x6c: {  	[tilespmem:s6], [sflag:$0x1] =	stream.indirect.gather [hbm4b:s5+s6], $0x10, s2, s6, $0xb8;
	[tilespmem:$0x4400] =	vst v63  }
0x6d: {  	_ =	swait.ge [sflag:s7], $0x4000  }
0x6e: {  	[sflag:s7] =	ssyncset.done $0x0  }
0x6f: {  	[sflag:s7] =	ssyncadd.s32 $0xFFFFC000  }
0x70: {  	[hbm4b:s14+s2] =	stream.linear.scatter [tilespmem:s6], [sflag:$0x2], $0x4000, $0x38;
	[tilespmem:$0x4400] =	vst v63  }
0x71: {  	_ =	swait.ge [sflag:s3], $0x4000  }
0x72: {  	[sflag:s3] =	ssyncset.done $0x0  }
0x73: {  	[sflag:s3] =	ssyncadd.s32 $0xFFFFC000  }
0x74: {  	[tilespmem:s2], [sflag:$0x2] =	stream.linear.gather [hbm4b:s15+s2], $0x400, $0x38;
	[tilespmem:$0x4400] =	vst v63  }
0x75: {  	_ =	swait.ge [sflag:s3], $0x400  }
0x76: {  	[sflag:s3] =	ssyncset.done $0x0  }
0x77: {  	[sflag:s3] =	ssyncadd.s32 $0xFFFFFC00  }
0x78: {  	[tilespmem:s6], [sflag:$0x1] =	stream.indirect.gather [hbm4b:s5+s6], $0x10, s2, s6, $0xb8;
	[tilespmem:$0x4400] =	vst v63  }
0x79: {  	_ =	swait.ge [sflag:s7], $0x4000  }
.Ltmp1:
0x7a: {  	[sflag:s7] =	ssyncset.done $0x0;
	(pc) =	sbr.rel @p0 .LBB2_1-.Ltmp1, $4  }
0x7b: {  	[sflag:s7] =	ssyncadd.s32 $0xFFFFC000  }
0x7c: {  	[hbm4b:s16+s2] =	stream.linear.scatter [tilespmem:s6], [sflag:$0x2], $0x4000, $0x38;
	[tilespmem:$0x4400] =	vst v63  }
0x7d: {  	_ =	swait.ge [sflag:s3], $0x4000  }
0x7e: {  	[sflag:s3] =	ssyncset.done $0x0  }
.LBB2_2:
0x7f: {  	[sflag:s3] =	ssyncadd.s32 $0xFFFFC000  }
0x80: {  	_ =	sfence.sel $0x180000  }
0x81: {  	[bflag:$0x0] =	sbarrier.arrive $0xFFFF  }
0x82: {  	p0 =	sne.s32 s0, $0x0;
	_ =	strace $0x90000047  }
0x83: {  	s0 =	sadd.s32 @!p0 $0x100000, s1;
	[bflag:$0x2] =	sbarrier.arrive $0xFFFF  }
0x84: {  	[sflag:s0] =	ssyncadd.tile.s32 @!p0 $0x1;
	_ =	shalt  }
.Lfunc_end2:
_tile_overlayer_lowered:
.L_overlay_start_2:
0x85: {  	(tag) =	ssettag $0x2  }
0x86: {  	s0 =	rddreg [dreg:$0x0];
	s2 =	stileid.u32  }
0x87: {  	s1 =	rddreg [dreg:$0x1];
	p0 =	sne.s32 s2, $0x0  }
0x88: {  	s3 =	rddreg [dreg:$0x2];
	[bflag:$0x3] =	sbarrier.arrive $0xFFFF;
	s2 =	simm.s32 @!p0 $0x1C02  }
0x89: {  	[timem:s3], [sflag:s2] =	dma.local @!p0 [hbm:s0], s1  }
0x8a: {  	s0 =	simm.s32 @!p0 $0x2  }
0x8b: {  	_ =	swait.ge @!p0 [sflag:s0], s1  }
0x8c: {  	s1 =	ssub.s32 @!p0 $0x0, s1;
	[sflag:s0] =	ssyncset.done @!p0 $0x0  }
0x8d: {  	[sflag:s0] =	ssyncadd.s32 @!p0 s1  }
0x8e: {  	[bflag:$0x3] =	sbarrier.arrive $0xFFFF  }
0x8f: {  	_ =	shalt  }

// kernel: kernel.24.cloned.1.call-start
scs
__scs_entry_jumppad:
0x0: {  	(pc) =	sbr.rel $0x88, $3  }
0x1: {  	(tag) =	ssettag $0x0;
	lr =	simm.s32 $0x1  }
0x2: {  	[smem:$0x3F8D] =	sst lr;
	_ =	strace $0xD0000000  }
0x3: {  	_ = 	snop  }
0x4: {  	_ = 	snop  }
0x5: {  	_ = 	snop  }
0x6: {  	_ = 	snop  }
0x7: {  	_ = 	snop  }
__scs_overlays_trampoline_lowered:
0x8: {  	[smem:$0x3F9C] =	sst s0  }
0x9: {  	[smem:$0x3F9D] =	sst s1  }
0xa: {  	[smem:$0x3F9E] =	sst s2  }
0xb: {  	[smem:$0x3F9F] =	sst s3  }
0xc: {  	[smem:$0x3FA0] =	sst s4  }
0xd: {  	[smem:$0x3FA1] =	sst s5  }
0xe: {  	[smem:$0x3FA2] =	sst s6  }
0xf: {  	[smem:$0x3FA3] =	sst s7  }
0x10: {  	[smem:$0x3FA4] =	sst s8  }
0x11: {  	[smem:$0x3FA5] =	sst s9;
	s0 =	simm.s32 @!p0 $0x0  }
0x12: {  	s1 =	sld [smem:$0x3F8B];
	s0 =	simm.s32 @p0 $0x1  }
0x13: {  	[smem:$0x3FA6] =	sst s0;
	s0 =	simm.s32 @!p1 $0x0  }
0x14: {  	s2 =	sld [smem:$0x3F8A];
	s0 =	simm.s32 @p1 $0x1  }
0x15: {  	[smem:$0x3FA7] =	sst s0;
	s0 =	simm.s32 @!p2 $0x0  }
0x16: {  	s3 =	sld [smem:$0x3FDB];
	s0 =	simm.s32 @p2 $0x1  }
0x17: {  	s4 =	simm.s32 $0x1BF5;
	[smem:$0x3FA9] =	sst s0  }
0x18: {  	s0 =	sld [smem:$0x3F8C];
	_ =	swait.ge [sflag:s4], $0x0  }
0x19: {  	s7 =	sld [smem:$0x3F8D]  }
0x1a: {  	s8 =	sadd.s32 $0xFFFFE003, lr  }
0x1b: {  	s9 =	sadd.s32 $0xFFFFFEF7, lr;
	s5 =	simm.s32 $0xFFFFFFFF;
	p2 =	slt.u32 s8, $0xFFFFF086  }
0x1c: {  	p1 =	slt.u32 s9, $0xF7A;
	s5 =	simm.s32 @!p2 $0x0  }
0x1d: {  	s5 =	simm.s32 @p1 $0x1;
	p0 =	seq.s32 s7, s2  }
0x1e: {  	s7 =	smul.u32 @!p0 $0xF7A, s2;
	p2 =	seq.s32 @!p0 s5, $0x0  }
0x1f: {  	s9 =	smul.u32 $0xF7A, s1;
	s8 =	simm.s32 @!p0 $0x1BF5;
	p2 =	por !p2, p0  }
0x20: {  	[sflag:s8] =	ssyncset.s32 @!p0 $0xFFFFF086;
	s6 =	sadd.s32 @!p0 s3, s7;
	s7 =	simm.s32 @!p0 $0x108  }
0x21: {  	s3 =	sadd.s32 s3, s9;
	s6 =	sadd.s32 @!p0 $0x88, s6;
	s7 =	simm.s32 @p2 $0x1082  }
0x22: {  	[simem:s7], [sflag:s8] =	dma.local @!p0 [hbm:s6], $0xF7A  }
0x23: {  	s9 =	sor.u32 $0xD0000000, s2;
	s6 =	simm.s32 $0x108;
	_ =	swait.ge @!p0 [sflag:s8], $0x0  }
0x24: {  	s3 =	sadd.s32 $0x88, s3;
	s6 =	simm.s32 @!p1 $0x1082;
	[sflag:s4] =	ssyncset.s32 $0xFFFFF086  }
0x25: {  	[simem:s6], [sflag:s4] =	dma.local [hbm:s3], $0xF7A  }
0x26: {  	[smem:$0x3F8D] =	sst s1;
	(tag) =	ssettag s2;
	_ =	strace s9  }
0x27: {  	s1 =	sld [smem:$0x3F9D]  }
0x28: {  	s2 =	sld [smem:$0x3F9E]  }
0x29: {  	s4 =	sld [smem:$0x3FA0]  }
0x2a: {  	p0 =	seq.s32 s5, $0x0;
	s5 =	sld [smem:$0x3FA1]  }
0x2b: {  	s6 =	sld [smem:$0x3FA2]  }
0x2c: {  	s7 =	sld [smem:$0x3FA3]  }
0x2d: {  	s3 =	simm.s32 $0x108;
	s8 =	sld [smem:$0x3FA4]  }
0x2e: {  	s3 =	simm.s32 @!p0 $0x1082;
	s9 =	sld [smem:$0x3FA5]  }
0x2f: {  	lr =	sadd.s32 s0, s3;
	s0 =	sld [smem:$0x3F9C]  }
0x30: {  	s3 =	sld [smem:$0x3F9F]  }
0x31: {  	[smem:$0x3FA8] =	sst s10  }
0x32: {  	s10 =	sld [smem:$0x3FA6];
	_ =	sdelay $0x3  }
0x33: {  	p0 =	seq.s32 s10, $0x1;
	s10 =	sld [smem:$0x3FA8];
	_ =	sdelay $0x3  }
0x34: {  	[smem:$0x3FA8] =	sst s10  }
0x35: {  	s10 =	sld [smem:$0x3FA7];
	_ =	sdelay $0x3  }
0x36: {  	p1 =	seq.s32 s10, $0x1;
	s10 =	sld [smem:$0x3FA8];
	_ =	sdelay $0x3  }
0x37: {  	[smem:$0x3FA8] =	sst s10  }
0x38: {  	s10 =	sld [smem:$0x3FA9]  }
0x39: {  	_ = 	snop;
	(pc) =	sbr.ind lr, $3  }
0x3a: {  	_ = 	snop  }
0x3b: {  	_ = 	snop  }
0x3c: {  	p2 =	seq.s32 s10, $0x1;
	s10 =	sld [smem:$0x3FA8]  }
0x3d: {  	_ =	shalt  }
0x3e: {  	_ =	shalt  }
0x3f: {  	_ =	shalt  }
0x40: {  	_ =	shalt  }
0x41: {  	_ =	shalt  }
0x42: {  	_ =	shalt  }
0x43: {  	_ =	shalt  }
0x44: {  	_ =	shalt  }
0x45: {  	_ =	shalt  }
0x46: {  	_ =	shalt  }
0x47: {  	_ =	shalt  }
0x48: {  	_ =	shalt  }
0x49: {  	_ =	shalt  }
0x4a: {  	_ =	shalt  }
0x4b: {  	_ =	shalt  }
0x4c: {  	_ =	shalt  }
0x4d: {  	_ =	shalt  }
0x4e: {  	_ =	shalt  }
0x4f: {  	_ =	shalt  }
0x50: {  	_ =	shalt  }
0x51: {  	_ =	shalt  }
0x52: {  	_ =	shalt  }
0x53: {  	_ =	shalt  }
0x54: {  	_ =	shalt  }
0x55: {  	_ =	shalt  }
0x56: {  	_ =	shalt  }
0x57: {  	_ =	shalt  }
0x58: {  	_ =	shalt  }
0x59: {  	_ =	shalt  }
0x5a: {  	_ =	shalt  }
0x5b: {  	_ =	shalt  }
0x5c: {  	_ =	shalt  }
0x5d: {  	_ =	shalt  }
0x5e: {  	_ =	shalt  }
0x5f: {  	_ =	shalt  }
0x60: {  	_ =	shalt  }
0x61: {  	_ =	shalt  }
0x62: {  	_ =	shalt  }
0x63: {  	_ =	shalt  }
0x64: {  	_ =	shalt  }
0x65: {  	_ =	shalt  }
0x66: {  	_ =	shalt  }
0x67: {  	_ =	shalt  }
0x68: {  	_ =	shalt  }
0x69: {  	_ =	shalt  }
0x6a: {  	_ =	shalt  }
0x6b: {  	_ =	shalt  }
0x6c: {  	_ =	shalt  }
0x6d: {  	_ =	shalt  }
0x6e: {  	_ =	shalt  }
0x6f: {  	_ =	shalt  }
0x70: {  	_ =	shalt  }
0x71: {  	_ =	shalt  }
0x72: {  	_ =	shalt  }
0x73: {  	_ =	shalt  }
0x74: {  	_ =	shalt  }
0x75: {  	_ =	shalt  }
0x76: {  	_ =	shalt  }
0x77: {  	_ =	shalt  }
0x78: {  	_ =	shalt  }
0x79: {  	_ =	shalt  }
0x7a: {  	_ =	shalt  }
0x7b: {  	_ =	shalt  }
0x7c: {  	_ =	shalt  }
0x7d: {  	_ =	shalt  }
0x7e: {  	_ =	shalt  }
0x7f: {  	_ =	shalt  }
0x80: {  	_ =	shalt  }
0x81: {  	_ =	shalt  }
0x82: {  	_ =	shalt  }
0x83: {  	_ =	shalt  }
0x84: {  	_ =	shalt  }
0x85: {  	_ =	shalt  }
0x86: {  	_ =	shalt  }
0x87: {  	_ =	shalt  }
.Lfunc_end0:
.L_simem_size_0:
called_computation.1_lowered:
.L_overlay_start_0:
0x88: {  	s2 =	sld [smem:$0x3FD9]  }
0x89: {  	s3 =	sld [smem:$0x3FFE];
	_ =	sdelay $0x1  }
0x8a: {  	s1 =	srdreg.scid  }
0x8b: {  	s0 =	sand.u32 $0x1, s1  }
0x8c: {  	s17 =	sshll.u32 s0, $0xA;
	s2 =	sadd.s32 s3, s2  }
0x8d: {  	s2 =	sadd.s32 s2, s17  }
0x8e: {  	[smem:$0x3FB4] =	sst s2  }
0x8f: {  	_ = 	snop  }
0x90: {  	(tm) =	ssettm $0x1  }
0x91: {  	s18 =	sld [smem:$0x3FFB];
	_ =	sdelay $0x3  }
0x92: {  	_ =	strace s18  }
0x93: {  	s2 =	sld [smem:$0x3FFC];
	_ =	sdelay $0x3  }
0x94: {  	_ =	strace s2  }
0x95: {  	s2 =	sld [smem:$0x3FFD];
	_ =	sdelay $0x3  }
0x96: {  	_ =	strace s2  }
0x97: {  	_ =	strace $0x8FFFFFFF  }
0x98: {  	s19 =	sld [smem:$0x3FDB];
	_ =	sdelay $0x1  }
0x99: {  	s20 =	simm.s32 $_scs_section_size  }
0x9a: {  	s4 =	simm.s32 $_size__tile_overlayer_lowered;
	s5 =	simm.s32 $_tile_overlayer_lowered  }
0x9b: {  	s6 =	simm.s32 $0x1BFF;
	s21 =	sshll.u32 s5, $0x1;
	s3 =	sadd.s32 s20, s19  }
0x9c: {  	s22 =	simm.s32 $0x0;
	s4 =	sshll.u32 s4, $0x1;
	s5 =	sadd.s32 s21, s3  }
0x9d: {  	[timem:s22], [sflag:s6] =	dma.local [hbm:s5], s4  }
0x9e: {  	_ =	swait.ge [sflag:s6], s4  }
0x9f: {  	s4 =	ssub.s32 $0x0, s4;
	[sflag:s6] =	ssyncset.done $0x0  }
0xa0: {  	[sflag:s6] =	ssyncadd.s32 s4;
	_ =	sdelay $0x1  }
0xa1: {  	s23 =	simm.s32 $0x1B8B  }
0xa2: {  	_ =	swait.ge [sflag:s23], $0x1  }
0xa3: {  	[sflag:s23] =	ssyncset.done $0x0  }
0xa4: {  	[sflag:s23] =	ssyncadd.s32 $0xFFFFFFFF  }
0xa5: {  	s4 =	sld [smem:$0x0]  }
0xa6: {  	s5 =	sand.u32 $0xFFFFFFFE, s1  }
0xa7: {  	p0 =	sne.s32 s1, s5  }
0xa8: {  	s5 =	sshll.u32 @p0 s5, $0xE  }
0xa9: {  	s5 =	sadd.s32 @p0 $0x11B8D, s5;
	s6 =	sshll.u32 @p0 s4, $0x11  }
0xaa: {  	s5 =	sor.u32 @p0 s6, s5  }
0xab: {  	[sflag:s5] =	ssyncadd.remote.s32 @p0 $0x1;
	_ =	sdelay $0x1  }
0xac: {  	s5 =	simm.s32 @p0 $0x1B8D  }
0xad: {  	_ =	swait.eq @p0 [sflag:s5], $0x1  }
0xae: {  	[sflag:s5] =	ssyncadd.s32 @p0 $0xFFFFFFFF  }
0xaf: {  	s6 =	sshll.u32 @!p0 s1, $0xE  }
0xb0: {  	s6 =	sor.u32 @!p0 $0x4000, s6;
	s5 =	simm.s32 @!p0 $0x1B8D  }
0xb1: {  	s4 =	sshll.u32 @!p0 s4, $0x11;
	s6 =	sadd.s32 @!p0 $0x11B8D, s6;
	_ =	swait.eq @!p0 [sflag:s5], $0x1  }
0xb2: {  	s4 =	sor.u32 @!p0 s4, s6;
	[sflag:s5] =	ssyncadd.s32 @!p0 $0xFFFFFFFF  }
0xb3: {  	s25 =	simm.s32 $0x1B8E;
	s24 =	sld [smem:$0x3FFE];
	[sflag:s4] =	ssyncadd.remote.s32 @!p0 $0x1  }
0xb4: {  	s26 =	simm.s32 $execute0_lowered;
	[smem:$0x3FD2] =	sst s25  }
0xb5: {  	s5 =	sshll.u32 s26, $0x1;
	_ =	strace $0x80000049;
	[dreg:$0x1] =	wrdreg $0xFFFFFFFF  }
0xb6: {  	s28 =	simm.s32 $_size_execute0_lowered;
	s3 =	sadd.s32 s3, s5;
	[dreg:$0x0] =	wrdreg $0x0  }
0xb7: {  	s5 =	sshll.u32 s28, $0x1;
	[dreg:$0x2] =	wrdreg s3  }
0xb8: {  	[dreg:$0x3] =	wrdreg s5  }
0xb9: {  	[dreg:$0x4] =	wrdreg $0xC0  }
0xba: {  	_ =	task [dreg:s22], $0x5FFFF  }
0xbb: {  	[dreg:$0x1] =	wrdreg $0xFFFFFFFF  }
0xbc: {  	[dreg:$0x0] =	wrdreg $0x60  }
0xbd: {  	[dreg:$0x2] =	wrdreg s24  }
0xbe: {  	[dreg:$0x3] =	wrdreg $0xA  }
0xbf: {  	_ =	task.clear_ibuf [dreg:s22], $0x4FFFF;
	_ =	strace $0x90000049  }
0xc0: {  	s29 =	simm.s32 $0xA;
	_ =	strace $0x8000004B  }
0xc1: {  	_ =	swait.ge [sflag:s29], $0x1  }
0xc2: {  	[sflag:s29] =	ssyncadd.s32 $0xFFFFFFFF  }
0xc3: {  	_ =	strace $0x9000004B  }
0xc4: {  	_ =	sfence  }
0xc5: {  	s30 =	sld [smem:$0x0];
	_ =	sdelay $0x2  }
0xc6: {  	s31 =	sshll.u32 s1, $0xD;
	s1 =	sshrl.u32 s1, $0x2  }
0xc7: {  	s4 =	sand.u32 $0x4000, s31;
	s1 =	sadd.s32 s1, s30  }
0xc8: {  	s0 =	sor.u32 s4, s0;
	s1 =	sshll.u32 s1, $0x11  }
0xc9: {  	s0 =	sor.u32 s1, s0  }
0xca: {  	s0 =	sadd.s32 $0x8F2B, s0  }
0xcb: {  	[sflag:s0] =	ssyncadd.remote.s32 $0x1  }
0xcc: {  	_ =	sfence.sel $0xFFFF  }
0xcd: {  	[dreg:$0x0] =	wrdreg $0xFFFFFFFF;
	(pc) =	sbr.abs _section_cstart, $3  }
0xce: {  	[dreg:$0x1] =	wrdreg $0xFFFFFFFF  }
0xcf: {  	_ =	task.clear_ibuf [dreg:s22], $0x2FFFF;
	_ =	strace $0x9FFFFFFF  }
0xd0: {  	(tm) =	ssettm $0x7FFFFFFF  }
0xd1: {  	_ =	shalt  }
tec
execute0_lowered:
.L_overlay_start_1:
0x0: {  	(tag) =	ssettag $0x1  }
0x1: {  	s1 =	srdreg.scid  }
0x2: {  	s0 =	stileid.u32;
	s5 =	rddreg [dreg:$0x0];
	s2 =	simm.s32 $0x0  }
0x3: {  	s11 =	simm.s32 $0x400;
	s12 =	simm.s32 $0x800;
	s13 =	simm.s32 $0x8800  }
0x4: {  	s14 =	simm.s32 $0x1;
	s15 =	simm.s32 $0x2;
	s4 =	smul.u32 $0x2800, s0  }
0x5: {  	s3 =	sand.u32 $0x1, s1;
	s1 =	rddreg [dreg:$0x1];
	s29 =	smul.u32 $0xA000, s0  }
0x6: {  	s16 =	simm.s32 $0x0;
	[smem:$0x7FF] =	sst s2;
	s6 =	smul.u32 $0x1400, s3  }
0x7: {  	_ =	strace $0x8000004A;
	s7 =	ssub.s32 $0x2, s3;
	s8 =	smul.u32 $0x5000, s3  }
0x8: {  	s3 =	sadd.s32 $0x186000, s5;
	s10 =	sshrl.u32 s7, $0x1;
	s4 =	sadd.s32 s6, s4  }
0x9: {  	s6 =	sadd.s32 s29, s5;
	s30 =	ssub.s32 s7, s10;
	s4 =	sshrl.u32 s4, $0x3  }
0xa: {  	s10 =	simm.s32 $0x3;
	s31 =	sadd.s32 s8, s6;
	s9 =	sadd.s32 s4, s5  }
0xb: {  	s4 =	sadd.s32 $0x17C000, s5;
	s5 =	smax.u32 s30, $0x1;
	s6 =	sadd.s32 $0x35C000, s31  }
0xc: {  	s7 =	sadd.s32 $0x195000, s31;
	s8 =	sadd.s32 $0x190000, s9;
	s9 =	sadd.s32 $0xEC00, s9  }
.LBB2_1:
0xd: {  	s17 =	sadd.s32 $0x0, s9  }
0xe: {  	[tilespmem:s2], [sflag:$0x3] =	stream.linear.gather [hbm4b:s17+s2], $0x400, $0x38;
	[tilespmem:$0x10800] =	vst v63  }
0xf: {  	_ =	swait.ge [sflag:s10], $0x400  }
0x10: {  	[sflag:s10] =	ssyncset.done $0x0  }
0x11: {  	s31 =	sadd.s32 $0x0, s8;
	[sflag:s10] =	ssyncadd.s32 $0xFFFFFC00  }
0x12: {  	[tilespmem:s11], [sflag:$0x3] =	stream.linear.gather [hbm4b:s31+s2], $0x400, $0x38;
	[tilespmem:$0x10800] =	vst v63  }
0x13: {  	_ =	swait.ge [sflag:s10], $0x400  }
0x14: {  	[sflag:s10] =	ssyncset.done $0x0  }
0x15: {  	[sflag:s10] =	ssyncadd.s32 $0xFFFFFC00  }
0x16: {  	[tilespmem:s12], [sflag:$0x1] =	stream.indirect.gather [hbm4b:s3+s11], $0x20, s2, s11, $0xb8;
	[tilespmem:$0x10800] =	vst v63  }
0x17: {  	_ = 	snop  }
0x18: {  	[tilespmem:s13], [sflag:$0x2] =	stream.indirect.gather [hbm4b:s4+s11], $0x20, s11, s11, $0xb8;
	[tilespmem:$0x10800] =	vst v63  }
0x19: {  	_ =	swait.ge [sflag:s14], $0x8000  }
0x1a: {  	[sflag:s14] =	ssyncset.done $0x0  }
0x1b: {  	[sflag:s14] =	ssyncadd.s32 $0xFFFF8000  }
0x1c: {  	_ =	swait.ge [sflag:s15], $0x8000  }
0x1d: {  	[sflag:s15] =	ssyncset.done $0x0  }
0x1e: {  	[sflag:s15] =	ssyncadd.s32 $0xFFFF8000  }
0x1f: {  	[hbm4b:s7+s2] =	stream.linear.scatter [tilespmem:s12], [sflag:$0x3], $0x8000, $0x38;
	[tilespmem:$0x10800] =	vst v63  }
0x20: {  	_ =	swait.ge [sflag:s10], $0x8000  }
0x21: {  	[sflag:s10] =	ssyncset.done $0x0  }
0x22: {  	[sflag:s10] =	ssyncadd.s32 $0xFFFF8000  }
0x23: {  	[hbm4b:s6+s2] =	stream.linear.scatter [tilespmem:s13], [sflag:$0x3], $0x8000, $0x38;
	[tilespmem:$0x10800] =	vst v63  }
0x24: {  	s19 =	simm.s32 $0x80;
	s20 =	simm.s32 $0x100;
	_ =	swait.ge [sflag:s10], $0x8000  }
0x25: {  	s18 =	sadd.s32 $0x1000, s7;
	s17 =	sadd.s32 $0x1000, s6;
	[sflag:s10] =	ssyncset.done $0x0  }
.LBB2_2:
0x26: {  	s21 =	sadd.s32 s19, s9  }
0x27: {  	[sflag:s10] =	ssyncadd.s32 $0xFFFF8000;
	s22 =	smov.u32 s20;
	s23 =	sadd.s32 $0x80, s20  }
0x28: {  	[tilespmem:s2], [sflag:$0x3] =	stream.linear.gather [hbm4b:s21+s2], $0x400, $0x38;
	[tilespmem:$0x10800] =	vst v63  }
0x29: {  	p0 =	sne.s32 s20, $0x200;
	_ =	swait.ge [sflag:s10], $0x400  }
0x2a: {  	[sflag:s10] =	ssyncset.done $0x0  }
0x2b: {  	s20 =	sadd.s32 s19, s8;
	s19 =	smov.u32 s22;
	[sflag:s10] =	ssyncadd.s32 $0xFFFFFC00  }
0x2c: {  	[tilespmem:s11], [sflag:$0x3] =	stream.linear.gather [hbm4b:s20+s2], $0x400, $0x38;
	[tilespmem:$0x10800] =	vst v63  }
0x2d: {  	_ =	swait.ge [sflag:s10], $0x400  }
0x2e: {  	[sflag:s10] =	ssyncset.done $0x0  }
0x2f: {  	[sflag:s10] =	ssyncadd.s32 $0xFFFFFC00  }
0x30: {  	[tilespmem:s12], [sflag:$0x1] =	stream.indirect.gather [hbm4b:s3+s11], $0x20, s2, s11, $0xb8;
	[tilespmem:$0x10800] =	vst v63  }
0x31: {  	_ = 	snop  }
0x32: {  	[tilespmem:s13], [sflag:$0x2] =	stream.indirect.gather [hbm4b:s4+s11], $0x20, s11, s11, $0xb8;
	[tilespmem:$0x10800] =	vst v63  }
0x33: {  	_ =	swait.ge [sflag:s14], $0x8000  }
0x34: {  	[sflag:s14] =	ssyncset.done $0x0  }
0x35: {  	[sflag:s14] =	ssyncadd.s32 $0xFFFF8000  }
0x36: {  	_ =	swait.ge [sflag:s15], $0x8000  }
0x37: {  	[sflag:s15] =	ssyncset.done $0x0  }
0x38: {  	[sflag:s15] =	ssyncadd.s32 $0xFFFF8000  }
0x39: {  	[hbm4b:s18+s2] =	stream.linear.scatter [tilespmem:s12], [sflag:$0x3], $0x8000, $0x38;
	[tilespmem:$0x10800] =	vst v63  }
0x3a: {  	_ =	swait.ge [sflag:s10], $0x8000  }
.Ltmp0:
0x3b: {  	[sflag:s10] =	ssyncset.done $0x0;
	(pc) =	sbr.rel @p0 .LBB2_2-.Ltmp0, $4  }
0x3c: {  	[sflag:s10] =	ssyncadd.s32 $0xFFFF8000  }
0x3d: {  	[hbm4b:s17+s2] =	stream.linear.scatter [tilespmem:s13], [sflag:$0x3], $0x8000, $0x38;
	[tilespmem:$0x10800] =	vst v63  }
0x3e: {  	s20 =	smov.u32 s23;
	_ =	swait.ge [sflag:s10], $0x8000  }
0x3f: {  	s18 =	sadd.s32 $0x1000, s18;
	s17 =	sadd.s32 $0x1000, s17;
	[sflag:s10] =	ssyncset.done $0x0  }
0x40: {  	s20 =	sadd.s32 s19, s9;
	[sflag:s10] =	ssyncadd.s32 $0xFFFF8000  }
0x41: {  	[tilespmem:s2], [sflag:$0x3] =	stream.linear.gather [hbm4b:s20+s2], $0x400, $0x38;
	[tilespmem:$0x10800] =	vst v63  }
0x42: {  	_ =	swait.ge [sflag:s10], $0x400  }
0x43: {  	[sflag:s10] =	ssyncset.done $0x0  }
0x44: {  	s31 =	sadd.s32 s19, s8;
	[sflag:s10] =	ssyncadd.s32 $0xFFFFFC00  }
0x45: {  	[tilespmem:s11], [sflag:$0x3] =	stream.linear.gather [hbm4b:s31+s2], $0x400, $0x38;
	[tilespmem:$0x10800] =	vst v63  }
0x46: {  	_ =	swait.ge [sflag:s10], $0x400  }
0x47: {  	[sflag:s10] =	ssyncset.done $0x0  }
0x48: {  	[sflag:s10] =	ssyncadd.s32 $0xFFFFFC00  }
0x49: {  	[tilespmem:s12], [sflag:$0x1] =	stream.indirect.gather [hbm4b:s3+s11], $0x20, s2, s11, $0xb8;
	[tilespmem:$0x10800] =	vst v63  }
0x4a: {  	_ = 	snop  }
0x4b: {  	[tilespmem:s13], [sflag:$0x2] =	stream.indirect.gather [hbm4b:s4+s11], $0x20, s11, s11, $0xb8;
	[tilespmem:$0x10800] =	vst v63  }
0x4c: {  	_ =	swait.ge [sflag:s14], $0x8000  }
0x4d: {  	[sflag:s14] =	ssyncset.done $0x0  }
0x4e: {  	[sflag:s14] =	ssyncadd.s32 $0xFFFF8000  }
0x4f: {  	_ =	swait.ge [sflag:s15], $0x8000  }
0x50: {  	[sflag:s15] =	ssyncset.done $0x0  }
0x51: {  	[sflag:s15] =	ssyncadd.s32 $0xFFFF8000  }
0x52: {  	[hbm4b:s18+s2] =	stream.linear.scatter [tilespmem:s12], [sflag:$0x3], $0x8000, $0x38;
	[tilespmem:$0x10800] =	vst v63  }
0x53: {  	s16 =	sadd.s32 $0x1, s16;
	_ =	swait.ge [sflag:s10], $0x8000  }
0x54: {  	p0 =	sne.s32 s16, s5;
	[sflag:s10] =	ssyncset.done $0x0  }
.Ltmp1:
0x55: {  	[sflag:s10] =	ssyncadd.s32 $0xFFFF8000;
	(pc) =	sbr.rel @p0 .LBB2_1-.Ltmp1, $4  }
0x56: {  	[hbm4b:s17+s2] =	stream.linear.scatter [tilespmem:s13], [sflag:$0x3], $0x8000, $0x38;
	[tilespmem:$0x10800] =	vst v63  }
0x57: {  	_ =	swait.ge [sflag:s10], $0x8000  }
0x58: {  	[sflag:s10] =	ssyncset.done $0x0  }
0x59: {  	[sflag:s10] =	ssyncadd.s32 $0xFFFF8000  }
0x5a: {  	_ =	sfence.sel $0x180000  }
0x5b: {  	[bflag:$0x0] =	sbarrier.arrive $0xFFFF  }
0x5c: {  	p0 =	sne.s32 s0, $0x0;
	_ =	strace $0x9000004A  }
0x5d: {  	s0 =	sadd.s32 @!p0 $0x100000, s1;
	[bflag:$0x2] =	sbarrier.arrive $0xFFFF  }
0x5e: {  	[sflag:s0] =	ssyncadd.tile.s32 @!p0 $0x1;
	_ =	shalt  }
.Lfunc_end2:
_tile_overlayer_lowered:
.L_overlay_start_2:
0x5f: {  	(tag) =	ssettag $0x2  }
0x60: {  	s0 =	rddreg [dreg:$0x0];
	s2 =	stileid.u32  }
0x61: {  	s1 =	rddreg [dreg:$0x1];
	p0 =	sne.s32 s2, $0x0  }
0x62: {  	s3 =	rddreg [dreg:$0x2];
	[bflag:$0x3] =	sbarrier.arrive $0xFFFF;
	s2 =	simm.s32 @!p0 $0x1C03  }
0x63: {  	[timem:s3], [sflag:s2] =	dma.local @!p0 [hbm:s0], s1  }
0x64: {  	s0 =	simm.s32 @!p0 $0x3  }
0x65: {  	_ =	swait.ge @!p0 [sflag:s0], s1  }
0x66: {  	s1 =	ssub.s32 @!p0 $0x0, s1;
	[sflag:s0] =	ssyncset.done @!p0 $0x0  }
0x67: {  	[sflag:s0] =	ssyncadd.s32 @!p0 s1  }
0x68: {  	[bflag:$0x3] =	sbarrier.arrive $0xFFFF  }
0x69: {  	_ =	shalt  }

// kernel: kernel.27.cloned.1.call-start
scs
__scs_entry_jumppad:
0x0: {  	(pc) =	sbr.rel $0x88, $3  }
0x1: {  	(tag) =	ssettag $0x0;
	lr =	simm.s32 $0x1  }
0x2: {  	[smem:$0x3F8D] =	sst lr;
	_ =	strace $0xD0000000  }
0x3: {  	_ = 	snop  }
0x4: {  	_ = 	snop  }
0x5: {  	_ = 	snop  }
0x6: {  	_ = 	snop  }
0x7: {  	_ = 	snop  }
__scs_overlays_trampoline_lowered:
0x8: {  	[smem:$0x3F9C] =	sst s0  }
0x9: {  	[smem:$0x3F9D] =	sst s1  }
0xa: {  	[smem:$0x3F9E] =	sst s2  }
0xb: {  	[smem:$0x3F9F] =	sst s3  }
0xc: {  	[smem:$0x3FA0] =	sst s4  }
0xd: {  	[smem:$0x3FA1] =	sst s5  }
0xe: {  	[smem:$0x3FA2] =	sst s6  }
0xf: {  	[smem:$0x3FA3] =	sst s7  }
0x10: {  	[smem:$0x3FA4] =	sst s8  }
0x11: {  	[smem:$0x3FA5] =	sst s9;
	s0 =	simm.s32 @!p0 $0x0  }
0x12: {  	s1 =	sld [smem:$0x3F8B];
	s0 =	simm.s32 @p0 $0x1  }
0x13: {  	[smem:$0x3FA6] =	sst s0;
	s0 =	simm.s32 @!p1 $0x0  }
0x14: {  	s2 =	sld [smem:$0x3F8A];
	s0 =	simm.s32 @p1 $0x1  }
0x15: {  	[smem:$0x3FA7] =	sst s0;
	s0 =	simm.s32 @!p2 $0x0  }
0x16: {  	s3 =	sld [smem:$0x3FDB];
	s0 =	simm.s32 @p2 $0x1  }
0x17: {  	s4 =	simm.s32 $0x1BF5;
	[smem:$0x3FA9] =	sst s0  }
0x18: {  	s0 =	sld [smem:$0x3F8C];
	_ =	swait.ge [sflag:s4], $0x0  }
0x19: {  	s7 =	sld [smem:$0x3F8D]  }
0x1a: {  	s8 =	sadd.s32 $0xFFFFE003, lr  }
0x1b: {  	s9 =	sadd.s32 $0xFFFFFEF7, lr;
	s5 =	simm.s32 $0xFFFFFFFF;
	p2 =	slt.u32 s8, $0xFFFFF086  }
0x1c: {  	p1 =	slt.u32 s9, $0xF7A;
	s5 =	simm.s32 @!p2 $0x0  }
0x1d: {  	s5 =	simm.s32 @p1 $0x1;
	p0 =	seq.s32 s7, s2  }
0x1e: {  	s7 =	smul.u32 @!p0 $0xF7A, s2;
	p2 =	seq.s32 @!p0 s5, $0x0  }
0x1f: {  	s9 =	smul.u32 $0xF7A, s1;
	s8 =	simm.s32 @!p0 $0x1BF5;
	p2 =	por !p2, p0  }
0x20: {  	[sflag:s8] =	ssyncset.s32 @!p0 $0xFFFFF086;
	s6 =	sadd.s32 @!p0 s3, s7;
	s7 =	simm.s32 @!p0 $0x108  }
0x21: {  	s3 =	sadd.s32 s3, s9;
	s6 =	sadd.s32 @!p0 $0x88, s6;
	s7 =	simm.s32 @p2 $0x1082  }
0x22: {  	[simem:s7], [sflag:s8] =	dma.local @!p0 [hbm:s6], $0xF7A  }
0x23: {  	s9 =	sor.u32 $0xD0000000, s2;
	s6 =	simm.s32 $0x108;
	_ =	swait.ge @!p0 [sflag:s8], $0x0  }
0x24: {  	s3 =	sadd.s32 $0x88, s3;
	s6 =	simm.s32 @!p1 $0x1082;
	[sflag:s4] =	ssyncset.s32 $0xFFFFF086  }
0x25: {  	[simem:s6], [sflag:s4] =	dma.local [hbm:s3], $0xF7A  }
0x26: {  	[smem:$0x3F8D] =	sst s1;
	(tag) =	ssettag s2;
	_ =	strace s9  }
0x27: {  	s1 =	sld [smem:$0x3F9D]  }
0x28: {  	s2 =	sld [smem:$0x3F9E]  }
0x29: {  	s4 =	sld [smem:$0x3FA0]  }
0x2a: {  	p0 =	seq.s32 s5, $0x0;
	s5 =	sld [smem:$0x3FA1]  }
0x2b: {  	s6 =	sld [smem:$0x3FA2]  }
0x2c: {  	s7 =	sld [smem:$0x3FA3]  }
0x2d: {  	s3 =	simm.s32 $0x108;
	s8 =	sld [smem:$0x3FA4]  }
0x2e: {  	s3 =	simm.s32 @!p0 $0x1082;
	s9 =	sld [smem:$0x3FA5]  }
0x2f: {  	lr =	sadd.s32 s0, s3;
	s0 =	sld [smem:$0x3F9C]  }
0x30: {  	s3 =	sld [smem:$0x3F9F]  }
0x31: {  	[smem:$0x3FA8] =	sst s10  }
0x32: {  	s10 =	sld [smem:$0x3FA6];
	_ =	sdelay $0x3  }
0x33: {  	p0 =	seq.s32 s10, $0x1;
	s10 =	sld [smem:$0x3FA8];
	_ =	sdelay $0x3  }
0x34: {  	[smem:$0x3FA8] =	sst s10  }
0x35: {  	s10 =	sld [smem:$0x3FA7];
	_ =	sdelay $0x3  }
0x36: {  	p1 =	seq.s32 s10, $0x1;
	s10 =	sld [smem:$0x3FA8];
	_ =	sdelay $0x3  }
0x37: {  	[smem:$0x3FA8] =	sst s10  }
0x38: {  	s10 =	sld [smem:$0x3FA9]  }
0x39: {  	_ = 	snop;
	(pc) =	sbr.ind lr, $3  }
0x3a: {  	_ = 	snop  }
0x3b: {  	_ = 	snop  }
0x3c: {  	p2 =	seq.s32 s10, $0x1;
	s10 =	sld [smem:$0x3FA8]  }
0x3d: {  	_ =	shalt  }
0x3e: {  	_ =	shalt  }
0x3f: {  	_ =	shalt  }
0x40: {  	_ =	shalt  }
0x41: {  	_ =	shalt  }
0x42: {  	_ =	shalt  }
0x43: {  	_ =	shalt  }
0x44: {  	_ =	shalt  }
0x45: {  	_ =	shalt  }
0x46: {  	_ =	shalt  }
0x47: {  	_ =	shalt  }
0x48: {  	_ =	shalt  }
0x49: {  	_ =	shalt  }
0x4a: {  	_ =	shalt  }
0x4b: {  	_ =	shalt  }
0x4c: {  	_ =	shalt  }
0x4d: {  	_ =	shalt  }
0x4e: {  	_ =	shalt  }
0x4f: {  	_ =	shalt  }
0x50: {  	_ =	shalt  }
0x51: {  	_ =	shalt  }
0x52: {  	_ =	shalt  }
0x53: {  	_ =	shalt  }
0x54: {  	_ =	shalt  }
0x55: {  	_ =	shalt  }
0x56: {  	_ =	shalt  }
0x57: {  	_ =	shalt  }
0x58: {  	_ =	shalt  }
0x59: {  	_ =	shalt  }
0x5a: {  	_ =	shalt  }
0x5b: {  	_ =	shalt  }
0x5c: {  	_ =	shalt  }
0x5d: {  	_ =	shalt  }
0x5e: {  	_ =	shalt  }
0x5f: {  	_ =	shalt  }
0x60: {  	_ =	shalt  }
0x61: {  	_ =	shalt  }
0x62: {  	_ =	shalt  }
0x63: {  	_ =	shalt  }
0x64: {  	_ =	shalt  }
0x65: {  	_ =	shalt  }
0x66: {  	_ =	shalt  }
0x67: {  	_ =	shalt  }
0x68: {  	_ =	shalt  }
0x69: {  	_ =	shalt  }
0x6a: {  	_ =	shalt  }
0x6b: {  	_ =	shalt  }
0x6c: {  	_ =	shalt  }
0x6d: {  	_ =	shalt  }
0x6e: {  	_ =	shalt  }
0x6f: {  	_ =	shalt  }
0x70: {  	_ =	shalt  }
0x71: {  	_ =	shalt  }
0x72: {  	_ =	shalt  }
0x73: {  	_ =	shalt  }
0x74: {  	_ =	shalt  }
0x75: {  	_ =	shalt  }
0x76: {  	_ =	shalt  }
0x77: {  	_ =	shalt  }
0x78: {  	_ =	shalt  }
0x79: {  	_ =	shalt  }
0x7a: {  	_ =	shalt  }
0x7b: {  	_ =	shalt  }
0x7c: {  	_ =	shalt  }
0x7d: {  	_ =	shalt  }
0x7e: {  	_ =	shalt  }
0x7f: {  	_ =	shalt  }
0x80: {  	_ =	shalt  }
0x81: {  	_ =	shalt  }
0x82: {  	_ =	shalt  }
0x83: {  	_ =	shalt  }
0x84: {  	_ =	shalt  }
0x85: {  	_ =	shalt  }
0x86: {  	_ =	shalt  }
0x87: {  	_ =	shalt  }
.Lfunc_end0:
.L_simem_size_0:
called_computation.2_lowered:
.L_overlay_start_0:
0x88: {  	s2 =	sld [smem:$0x3FD9]  }
0x89: {  	s3 =	sld [smem:$0x3FFE];
	_ =	sdelay $0x1  }
0x8a: {  	s1 =	srdreg.scid  }
0x8b: {  	s0 =	sand.u32 $0x1, s1  }
0x8c: {  	s16 =	sshll.u32 s0, $0xA;
	s2 =	sadd.s32 s3, s2  }
0x8d: {  	s2 =	sadd.s32 s2, s16  }
0x8e: {  	[smem:$0x3FB4] =	sst s2  }
0x8f: {  	_ = 	snop  }
0x90: {  	(tm) =	ssettm $0x1  }
0x91: {  	s17 =	sld [smem:$0x3FFB];
	_ =	sdelay $0x3  }
0x92: {  	_ =	strace s17  }
0x93: {  	s2 =	sld [smem:$0x3FFC];
	_ =	sdelay $0x3  }
0x94: {  	_ =	strace s2  }
0x95: {  	s2 =	sld [smem:$0x3FFD];
	_ =	sdelay $0x3  }
0x96: {  	_ =	strace s2  }
0x97: {  	_ =	strace $0x8FFFFFFF  }
0x98: {  	s18 =	sld [smem:$0x3FDB];
	_ =	sdelay $0x1  }
0x99: {  	s19 =	simm.s32 $_scs_section_size  }
0x9a: {  	s4 =	simm.s32 $_size__tile_overlayer_lowered;
	s5 =	simm.s32 $_tile_overlayer_lowered  }
0x9b: {  	s22 =	simm.s32 $0x1BFF;
	s21 =	sshll.u32 s5, $0x1;
	s2 =	sadd.s32 s19, s18  }
0x9c: {  	s6 =	simm.s32 $0x0;
	s20 =	sshll.u32 s4, $0x1;
	s4 =	sadd.s32 s21, s2  }
0x9d: {  	[timem:s6], [sflag:s22] =	dma.local [hbm:s4], s20  }
0x9e: {  	_ =	swait.ge [sflag:s22], s20  }
0x9f: {  	s3 =	ssub.s32 $0x0, s20;
	[sflag:s22] =	ssyncset.done $0x0  }
0xa0: {  	[sflag:s22] =	ssyncadd.s32 s3;
	_ =	sdelay $0x1  }
0xa1: {  	s23 =	simm.s32 $0x1B8B  }
0xa2: {  	_ =	swait.ge [sflag:s23], $0x1  }
0xa3: {  	[sflag:s23] =	ssyncset.done $0x0  }
0xa4: {  	s25 =	simm.s32 $0x1B8E;
	s24 =	sld [smem:$0x3FFE];
	[sflag:s23] =	ssyncadd.s32 $0xFFFFFFFF  }
0xa5: {  	s26 =	simm.s32 $execute0_lowered;
	[smem:$0x3FD2] =	sst s25  }
0xa6: {  	s4 =	sshll.u32 s26, $0x1;
	_ =	strace $0x8000004C;
	[dreg:$0x1] =	wrdreg $0xFFFFFFFF  }
0xa7: {  	s28 =	simm.s32 $_size_execute0_lowered;
	s2 =	sadd.s32 s2, s4;
	[dreg:$0x0] =	wrdreg $0x0  }
0xa8: {  	s4 =	sshll.u32 s28, $0x1;
	[dreg:$0x2] =	wrdreg s2  }
0xa9: {  	[dreg:$0x3] =	wrdreg s4  }
0xaa: {  	[dreg:$0x4] =	wrdreg $0xC0  }
0xab: {  	_ =	task [dreg:s6], $0x5FFFF  }
0xac: {  	[dreg:$0x1] =	wrdreg $0xFFFFFFFF  }
0xad: {  	[dreg:$0x0] =	wrdreg $0x60  }
0xae: {  	[dreg:$0x2] =	wrdreg s24  }
0xaf: {  	[dreg:$0x3] =	wrdreg $0x88000  }
0xb0: {  	[dreg:$0x4] =	wrdreg $0xD8000  }
0xb1: {  	[dreg:$0x5] =	wrdreg $0x9  }
0xb2: {  	_ =	task.clear_ibuf [dreg:s6], $0x6FFFF;
	_ =	strace $0x9000004C  }
0xb3: {  	s29 =	simm.s32 $0x9;
	_ =	strace $0x8000004E  }
0xb4: {  	_ =	swait.ge [sflag:s29], $0x1  }
0xb5: {  	[sflag:s29] =	ssyncadd.s32 $0xFFFFFFFF  }
0xb6: {  	_ =	strace $0x9000004E  }
0xb7: {  	_ =	sfence  }
0xb8: {  	s30 =	sld [smem:$0x0];
	_ =	sdelay $0x2  }
0xb9: {  	s31 =	sshll.u32 s1, $0xD;
	s1 =	sshrl.u32 s1, $0x2  }
0xba: {  	s3 =	sand.u32 $0x4000, s31;
	s1 =	sadd.s32 s1, s30  }
0xbb: {  	s0 =	sor.u32 s3, s0;
	s1 =	sshll.u32 s1, $0x11  }
0xbc: {  	s0 =	sor.u32 s1, s0  }
0xbd: {  	s0 =	sadd.s32 $0x8F2B, s0  }
0xbe: {  	[sflag:s0] =	ssyncadd.remote.s32 $0x1  }
0xbf: {  	_ =	sfence.sel $0xFFFF  }
0xc0: {  	[dreg:$0x0] =	wrdreg $0xFFFFFFFF;
	(pc) =	sbr.abs _section_cstart, $3  }
0xc1: {  	[dreg:$0x1] =	wrdreg $0xFFFFFFFF  }
0xc2: {  	_ =	task.clear_ibuf [dreg:s6], $0x2FFFF;
	_ =	strace $0x9FFFFFFF  }
0xc3: {  	(tm) =	ssettm $0x7FFFFFFF  }
tec
execute0_lowered:
.L_overlay_start_1:
0x0: {  	(tag) =	ssettag $0x1  }
0x1: {  	s5 =	rddreg [dreg:$0x0]  }
0x2: {  	s0 =	srdreg.scid;
	s1 =	rddreg [dreg:$0x1]  }
0x3: {  	s14 =	stileid.u32;
	s2 =	rddreg [dreg:$0x2]  }
0x4: {  	s3 =	simm.s32 $0x0;
	s13 =	simm.s32 $0x400;
	s4 =	smul.u32 $0x2800, s14  }
0x5: {  	s15 =	simm.s32 $0x800;
	s19 =	simm.s32 $0x0;
	s8 =	smul.u32 $0xA000, s14  }
0x6: {  	s6 =	sand.u32 $0x1, s0;
	s0 =	rddreg [dreg:$0x3];
	s9 =	smul.u32 $0x5000, s14  }
0x7: {  	[smem:$0x7FF] =	sst s3;
	p0 =	sne.s32 s14, $0x0;
	s7 =	smul.u32 $0x1400, s6  }
0x8: {  	s16 =	sshll.u32 s14, $0x6;
	s14 =	simm.s32 $0x1;
	s30 =	smul.u32 $0xA0000, s6  }
0x9: {  	_ =	strace $0x8000004D;
	s11 =	ssub.s32 $0x2, s6;
	s12 =	smul.u32 $0x5000, s6  }
0xa: {  	s16 =	sor.u32 $0x1C01, s16;
	s8 =	sadd.s32 s8, s5;
	s31 =	sshrl.u32 s11, $0x1  }
0xb: {  	s17 =	sadd.s32 s9, s1;
	s18 =	sadd.s32 s9, s2;
	s4 =	sadd.s32 s7, s4  }
0xc: {  	s7 =	sadd.s32 s9, s30;
	s11 =	ssub.s32 s11, s31;
	s8 =	sadd.s32 s12, s8  }
0xd: {  	s12 =	sshrl.u32 @!p0 s2, $0x3;
	s17 =	sshrl.u32 s17, $0x3;
	s18 =	sshrl.u32 s18, $0x3  }
0xe: {  	s4 =	sshrl.u32 s4, $0x3;
	s7 =	sshrl.u32 s7, $0x3;
	s8 =	sadd.s32 $0x195000, s8  }
0xf: {  	s10 =	sadd.s32 s4, s5;
	s4 =	sadd.s32 $0x17C000, s5;
	s7 =	sadd.s32 s7, s5  }
0x10: {  	s5 =	sadd.s32 $0x235800, s7;
	s6 =	sadd.s32 $0x23F800, s7;
	s7 =	smax.u32 s11, $0x1  }
0x11: {  	s9 =	sadd.s32 $0xEC00, s10;
	s10 =	sadd.s32 $0x190000, s10;
	s11 =	sshrl.u32 @!p0 s1, $0x3  }
.LBB2_1:
0x12: {  	s20 =	simm.s32 @!p0 $0x1C01;
	s21 =	simm.s32 @!p0 $0x1  }
0x13: {  	[spmem:s11], [sflag:s20] =	dma.local @!p0 [hbm:s4], $0xA000  }
0x14: {  	_ =	swait.ge @!p0 [sflag:s21], $0xA000  }
0x15: {  	[sflag:s21] =	ssyncset.done @!p0 $0x0  }
0x16: {  	[sflag:s21] =	ssyncadd.s32 @!p0 $0xFFFF6000  }
0x17: {  	[spmem:s12], [sflag:s20] =	dma.local @!p0 [hbm:s4], $0xA000  }
0x18: {  	_ =	swait.ge @!p0 [sflag:s21], $0xA000  }
0x19: {  	[sflag:s21] =	ssyncset.done @!p0 $0x0  }
0x1a: {  	[sflag:s21] =	ssyncadd.s32 @!p0 $0xFFFF6000  }
0x1b: {  	s30 =	sadd.s32 $0x0, s10;
	[bflag:$0x0] =	sbarrier.arrive $0xFFFF  }
0x1c: {  	[tilespmem:s13], [sflag:$0x1] =	stream.linear.gather [hbm4b:s30+s3], $0x400, $0x38;
	[tilespmem:$0x12800] =	vst v63  }
0x1d: {  	_ =	swait.ge [sflag:s14], $0x400  }
0x1e: {  	[sflag:s14] =	ssyncset.done $0x0  }
0x1f: {  	s31 =	sadd.s32 $0x0, s9;
	[sflag:s14] =	ssyncadd.s32 $0xFFFFFC00  }
0x20: {  	[tilespmem:s3], [sflag:$0x1] =	stream.linear.gather [hbm4b:s31+s3], $0x400, $0x38;
	[tilespmem:$0x12800] =	vst v63  }
0x21: {  	_ =	swait.ge [sflag:s14], $0x400  }
0x22: {  	[sflag:s14] =	ssyncset.done $0x0  }
0x23: {  	[sflag:s14] =	ssyncadd.s32 $0xFFFFFC00  }
0x24: {  	[tilespmem:s15], [sflag:$0x1] =	stream.linear.gather [hbm4b:s8+s3], $0x8000, $0x38;
	[tilespmem:$0x12800] =	vst v63  }
0x25: {  	_ =	swait.ge [sflag:s14], $0x8000  }
0x26: {  	[sflag:s14] =	ssyncset.done $0x0  }
0x27: {  	[sflag:s14] =	ssyncadd.s32 $0xFFFF8000  }
0x28: {  	[spmem:s1] =	stream.indirect.scatter.add.f32 [tilespmem:s15], [sflag:$0x1], $0x20, s13, s13, $0xb8;
	[tilespmem:$0x12800] =	vst v63  }
0x29: {  	_ =	swait.ge [sflag:s14], $0x8000  }
0x2a: {  	[sflag:s14] =	ssyncset.done $0x0  }
0x2b: {  	[sflag:s14] =	ssyncadd.s32 $0xFFFF8000  }
0x2c: {  	[spmem:s2] =	stream.indirect.scatter.add.f32 [tilespmem:s15], [sflag:$0x1], $0x20, s3, s13, $0xb8;
	[tilespmem:$0x12800] =	vst v63  }
0x2d: {  	s22 =	simm.s32 $0x100;
	_ =	swait.ge [sflag:s14], $0x8000  }
0x2e: {  	s20 =	sadd.s32 $0x1000, s8;
	s21 =	simm.s32 $0x80;
	[sflag:s14] =	ssyncset.done $0x0  }
.LBB2_2:
0x2f: {  	s23 =	sadd.s32 s21, s10  }
0x30: {  	[sflag:s14] =	ssyncadd.s32 $0xFFFF8000;
	s24 =	smov.u32 s22;
	s25 =	sadd.s32 $0x80, s22  }
0x31: {  	[tilespmem:s13], [sflag:$0x1] =	stream.linear.gather [hbm4b:s23+s3], $0x400, $0x38;
	[tilespmem:$0x12800] =	vst v63  }
0x32: {  	p1 =	sne.s32 s22, $0x200;
	_ =	swait.ge [sflag:s14], $0x400  }
0x33: {  	[sflag:s14] =	ssyncset.done $0x0  }
0x34: {  	s22 =	sadd.s32 s21, s9;
	s21 =	smov.u32 s24;
	[sflag:s14] =	ssyncadd.s32 $0xFFFFFC00  }
0x35: {  	[tilespmem:s3], [sflag:$0x1] =	stream.linear.gather [hbm4b:s22+s3], $0x400, $0x38;
	[tilespmem:$0x12800] =	vst v63  }
0x36: {  	_ =	swait.ge [sflag:s14], $0x400  }
0x37: {  	[sflag:s14] =	ssyncset.done $0x0  }
0x38: {  	[sflag:s14] =	ssyncadd.s32 $0xFFFFFC00  }
0x39: {  	[tilespmem:s15], [sflag:$0x1] =	stream.linear.gather [hbm4b:s20+s3], $0x8000, $0x38;
	[tilespmem:$0x12800] =	vst v63  }
0x3a: {  	_ =	swait.ge [sflag:s14], $0x8000  }
0x3b: {  	[sflag:s14] =	ssyncset.done $0x0  }
0x3c: {  	[sflag:s14] =	ssyncadd.s32 $0xFFFF8000  }
0x3d: {  	[spmem:s1] =	stream.indirect.scatter.add.f32 [tilespmem:s15], [sflag:$0x1], $0x20, s13, s13, $0xb8;
	[tilespmem:$0x12800] =	vst v63  }
0x3e: {  	_ =	swait.ge [sflag:s14], $0x8000  }
.Ltmp0:
0x3f: {  	[sflag:s14] =	ssyncset.done $0x0;
	(pc) =	sbr.rel @p1 .LBB2_2-.Ltmp0, $4  }
0x40: {  	[sflag:s14] =	ssyncadd.s32 $0xFFFF8000  }
0x41: {  	[spmem:s2] =	stream.indirect.scatter.add.f32 [tilespmem:s15], [sflag:$0x1], $0x20, s3, s13, $0xb8;
	[tilespmem:$0x12800] =	vst v63  }
0x42: {  	_ =	swait.ge [sflag:s14], $0x8000  }
0x43: {  	s22 =	smov.u32 s25;
	s20 =	sadd.s32 $0x1000, s20;
	[sflag:s14] =	ssyncset.done $0x0  }
0x44: {  	s22 =	sadd.s32 s21, s10;
	[sflag:s14] =	ssyncadd.s32 $0xFFFF8000  }
0x45: {  	[tilespmem:s13], [sflag:$0x1] =	stream.linear.gather [hbm4b:s22+s3], $0x400, $0x38;
	[tilespmem:$0x12800] =	vst v63  }
0x46: {  	_ =	swait.ge [sflag:s14], $0x400  }
0x47: {  	[sflag:s14] =	ssyncset.done $0x0  }
0x48: {  	s31 =	sadd.s32 s21, s9;
	[sflag:s14] =	ssyncadd.s32 $0xFFFFFC00  }
0x49: {  	[tilespmem:s3], [sflag:$0x1] =	stream.linear.gather [hbm4b:s31+s3], $0x400, $0x38;
	[tilespmem:$0x12800] =	vst v63  }
0x4a: {  	_ =	swait.ge [sflag:s14], $0x400  }
0x4b: {  	[sflag:s14] =	ssyncset.done $0x0  }
0x4c: {  	[sflag:s14] =	ssyncadd.s32 $0xFFFFFC00  }
0x4d: {  	[tilespmem:s15], [sflag:$0x1] =	stream.linear.gather [hbm4b:s20+s3], $0x8000, $0x38;
	[tilespmem:$0x12800] =	vst v63  }
0x4e: {  	_ =	swait.ge [sflag:s14], $0x8000  }
0x4f: {  	[sflag:s14] =	ssyncset.done $0x0  }
0x50: {  	[sflag:s14] =	ssyncadd.s32 $0xFFFF8000  }
0x51: {  	[spmem:s1] =	stream.indirect.scatter.add.f32 [tilespmem:s15], [sflag:$0x1], $0x20, s13, s13, $0xb8;
	[tilespmem:$0x12800] =	vst v63  }
0x52: {  	_ =	swait.ge [sflag:s14], $0x8000  }
0x53: {  	[sflag:s14] =	ssyncset.done $0x0  }
0x54: {  	[sflag:s14] =	ssyncadd.s32 $0xFFFF8000  }
0x55: {  	[spmem:s2] =	stream.indirect.scatter.add.f32 [tilespmem:s15], [sflag:$0x1], $0x20, s3, s13, $0xb8;
	[tilespmem:$0x12800] =	vst v63  }
0x56: {  	_ =	swait.ge [sflag:s14], $0x8000  }
0x57: {  	[sflag:s14] =	ssyncset.done $0x0  }
0x58: {  	[sflag:s14] =	ssyncadd.s32 $0xFFFF8000  }
0x59: {  	[bflag:$0x0] =	sbarrier.arrive $0xFFFF  }
0x5a: {  	[hbm:s5], [sflag:s16] =	dma.local [spmem:s17], $0xA00  }
0x5b: {  	s19 =	sadd.s32 $0x1, s19;
	_ =	swait.ge [sflag:s14], $0xA00  }
0x5c: {  	p1 =	sne.s32 s19, s7;
	[sflag:s14] =	ssyncset.done $0x0  }
.Ltmp1:
0x5d: {  	[sflag:s14] =	ssyncadd.s32 $0xFFFFF600;
	(pc) =	sbr.rel @p1 .LBB2_1-.Ltmp1, $4  }
0x5e: {  	[hbm:s6], [sflag:s16] =	dma.local [spmem:s18], $0xA00  }
0x5f: {  	_ =	swait.ge [sflag:s14], $0xA00  }
0x60: {  	[sflag:s14] =	ssyncset.done $0x0  }
0x61: {  	[sflag:s14] =	ssyncadd.s32 $0xFFFFF600  }
0x62: {  	_ =	sfence.sel $0x180000  }
0x63: {  	[bflag:$0x0] =	sbarrier.arrive $0xFFFF  }
0x64: {  	_ =	strace $0x9000004D  }
0x65: {  	s0 =	sadd.s32 @!p0 $0x100000, s0;
	[bflag:$0x2] =	sbarrier.arrive $0xFFFF  }
0x66: {  	[sflag:s0] =	ssyncadd.tile.s32 @!p0 $0x1;
	_ =	shalt  }
.Lfunc_end2:
_tile_overlayer_lowered:
.L_overlay_start_2:
0x67: {  	(tag) =	ssettag $0x2  }
0x68: {  	s0 =	rddreg [dreg:$0x0];
	s2 =	stileid.u32  }
0x69: {  	s1 =	rddreg [dreg:$0x1];
	p0 =	sne.s32 s2, $0x0  }
0x6a: {  	s3 =	rddreg [dreg:$0x2];
	[bflag:$0x3] =	sbarrier.arrive $0xFFFF;
	s2 =	simm.s32 @!p0 $0x1C01  }
0x6b: {  	[timem:s3], [sflag:s2] =	dma.local @!p0 [hbm:s0], s1  }
0x6c: {  	s0 =	simm.s32 @!p0 $0x1  }
0x6d: {  	_ =	swait.ge @!p0 [sflag:s0], s1  }
0x6e: {  	s1 =	ssub.s32 @!p0 $0x0, s1;
	[sflag:s0] =	ssyncset.done @!p0 $0x0  }
0x6f: {  	[sflag:s0] =	ssyncadd.s32 @!p0 s1  }
0x70: {  	[bflag:$0x3] =	sbarrier.arrive $0xFFFF  }
0x71: {  	_ =	shalt  }

// kernel: kernel.30.cloned.1.call-start
scs
__scs_entry_jumppad:
0x0: {  	(pc) =	sbr.rel $0x88, $3  }
0x1: {  	(tag) =	ssettag $0x0;
	lr =	simm.s32 $0x1  }
0x2: {  	[smem:$0x3F8D] =	sst lr;
	_ =	strace $0xD0000000  }
0x3: {  	_ = 	snop  }
0x4: {  	_ = 	snop  }
0x5: {  	_ = 	snop  }
0x6: {  	_ = 	snop  }
0x7: {  	_ = 	snop  }
__scs_overlays_trampoline_lowered:
0x8: {  	[smem:$0x3F9C] =	sst s0  }
0x9: {  	[smem:$0x3F9D] =	sst s1  }
0xa: {  	[smem:$0x3F9E] =	sst s2  }
0xb: {  	[smem:$0x3F9F] =	sst s3  }
0xc: {  	[smem:$0x3FA0] =	sst s4  }
0xd: {  	[smem:$0x3FA1] =	sst s5  }
0xe: {  	[smem:$0x3FA2] =	sst s6  }
0xf: {  	[smem:$0x3FA3] =	sst s7  }
0x10: {  	[smem:$0x3FA4] =	sst s8  }
0x11: {  	[smem:$0x3FA5] =	sst s9;
	s0 =	simm.s32 @!p0 $0x0  }
0x12: {  	s1 =	sld [smem:$0x3F8B];
	s0 =	simm.s32 @p0 $0x1  }
0x13: {  	[smem:$0x3FA6] =	sst s0;
	s0 =	simm.s32 @!p1 $0x0  }
0x14: {  	s2 =	sld [smem:$0x3F8A];
	s0 =	simm.s32 @p1 $0x1  }
0x15: {  	[smem:$0x3FA7] =	sst s0;
	s0 =	simm.s32 @!p2 $0x0  }
0x16: {  	s3 =	sld [smem:$0x3FDB];
	s0 =	simm.s32 @p2 $0x1  }
0x17: {  	s4 =	simm.s32 $0x1BF5;
	[smem:$0x3FA9] =	sst s0  }
0x18: {  	s0 =	sld [smem:$0x3F8C];
	_ =	swait.ge [sflag:s4], $0x0  }
0x19: {  	s7 =	sld [smem:$0x3F8D]  }
0x1a: {  	s8 =	sadd.s32 $0xFFFFE003, lr  }
0x1b: {  	s9 =	sadd.s32 $0xFFFFFEF7, lr;
	s5 =	simm.s32 $0xFFFFFFFF;
	p2 =	slt.u32 s8, $0xFFFFF086  }
0x1c: {  	p1 =	slt.u32 s9, $0xF7A;
	s5 =	simm.s32 @!p2 $0x0  }
0x1d: {  	s5 =	simm.s32 @p1 $0x1;
	p0 =	seq.s32 s7, s2  }
0x1e: {  	s7 =	smul.u32 @!p0 $0xF7A, s2;
	p2 =	seq.s32 @!p0 s5, $0x0  }
0x1f: {  	s9 =	smul.u32 $0xF7A, s1;
	s8 =	simm.s32 @!p0 $0x1BF5;
	p2 =	por !p2, p0  }
0x20: {  	[sflag:s8] =	ssyncset.s32 @!p0 $0xFFFFF086;
	s6 =	sadd.s32 @!p0 s3, s7;
	s7 =	simm.s32 @!p0 $0x108  }
0x21: {  	s3 =	sadd.s32 s3, s9;
	s6 =	sadd.s32 @!p0 $0x88, s6;
	s7 =	simm.s32 @p2 $0x1082  }
0x22: {  	[simem:s7], [sflag:s8] =	dma.local @!p0 [hbm:s6], $0xF7A  }
0x23: {  	s9 =	sor.u32 $0xD0000000, s2;
	s6 =	simm.s32 $0x108;
	_ =	swait.ge @!p0 [sflag:s8], $0x0  }
0x24: {  	s3 =	sadd.s32 $0x88, s3;
	s6 =	simm.s32 @!p1 $0x1082;
	[sflag:s4] =	ssyncset.s32 $0xFFFFF086  }
0x25: {  	[simem:s6], [sflag:s4] =	dma.local [hbm:s3], $0xF7A  }
0x26: {  	[smem:$0x3F8D] =	sst s1;
	(tag) =	ssettag s2;
	_ =	strace s9  }
0x27: {  	s1 =	sld [smem:$0x3F9D]  }
0x28: {  	s2 =	sld [smem:$0x3F9E]  }
0x29: {  	s4 =	sld [smem:$0x3FA0]  }
0x2a: {  	p0 =	seq.s32 s5, $0x0;
	s5 =	sld [smem:$0x3FA1]  }
0x2b: {  	s6 =	sld [smem:$0x3FA2]  }
0x2c: {  	s7 =	sld [smem:$0x3FA3]  }
0x2d: {  	s3 =	simm.s32 $0x108;
	s8 =	sld [smem:$0x3FA4]  }
0x2e: {  	s3 =	simm.s32 @!p0 $0x1082;
	s9 =	sld [smem:$0x3FA5]  }
0x2f: {  	lr =	sadd.s32 s0, s3;
	s0 =	sld [smem:$0x3F9C]  }
0x30: {  	s3 =	sld [smem:$0x3F9F]  }
0x31: {  	[smem:$0x3FA8] =	sst s10  }
0x32: {  	s10 =	sld [smem:$0x3FA6];
	_ =	sdelay $0x3  }
0x33: {  	p0 =	seq.s32 s10, $0x1;
	s10 =	sld [smem:$0x3FA8];
	_ =	sdelay $0x3  }
0x34: {  	[smem:$0x3FA8] =	sst s10  }
0x35: {  	s10 =	sld [smem:$0x3FA7];
	_ =	sdelay $0x3  }
0x36: {  	p1 =	seq.s32 s10, $0x1;
	s10 =	sld [smem:$0x3FA8];
	_ =	sdelay $0x3  }
0x37: {  	[smem:$0x3FA8] =	sst s10  }
0x38: {  	s10 =	sld [smem:$0x3FA9]  }
0x39: {  	_ = 	snop;
	(pc) =	sbr.ind lr, $3  }
0x3a: {  	_ = 	snop  }
0x3b: {  	_ = 	snop  }
0x3c: {  	p2 =	seq.s32 s10, $0x1;
	s10 =	sld [smem:$0x3FA8]  }
0x3d: {  	_ =	shalt  }
0x3e: {  	_ =	shalt  }
0x3f: {  	_ =	shalt  }
0x40: {  	_ =	shalt  }
0x41: {  	_ =	shalt  }
0x42: {  	_ =	shalt  }
0x43: {  	_ =	shalt  }
0x44: {  	_ =	shalt  }
0x45: {  	_ =	shalt  }
0x46: {  	_ =	shalt  }
0x47: {  	_ =	shalt  }
0x48: {  	_ =	shalt  }
0x49: {  	_ =	shalt  }
0x4a: {  	_ =	shalt  }
0x4b: {  	_ =	shalt  }
0x4c: {  	_ =	shalt  }
0x4d: {  	_ =	shalt  }
0x4e: {  	_ =	shalt  }
0x4f: {  	_ =	shalt  }
0x50: {  	_ =	shalt  }
0x51: {  	_ =	shalt  }
0x52: {  	_ =	shalt  }
0x53: {  	_ =	shalt  }
0x54: {  	_ =	shalt  }
0x55: {  	_ =	shalt  }
0x56: {  	_ =	shalt  }
0x57: {  	_ =	shalt  }
0x58: {  	_ =	shalt  }
0x59: {  	_ =	shalt  }
0x5a: {  	_ =	shalt  }
0x5b: {  	_ =	shalt  }
0x5c: {  	_ =	shalt  }
0x5d: {  	_ =	shalt  }
0x5e: {  	_ =	shalt  }
0x5f: {  	_ =	shalt  }
0x60: {  	_ =	shalt  }
0x61: {  	_ =	shalt  }
0x62: {  	_ =	shalt  }
0x63: {  	_ =	shalt  }
0x64: {  	_ =	shalt  }
0x65: {  	_ =	shalt  }
0x66: {  	_ =	shalt  }
0x67: {  	_ =	shalt  }
0x68: {  	_ =	shalt  }
0x69: {  	_ =	shalt  }
0x6a: {  	_ =	shalt  }
0x6b: {  	_ =	shalt  }
0x6c: {  	_ =	shalt  }
0x6d: {  	_ =	shalt  }
0x6e: {  	_ =	shalt  }
0x6f: {  	_ =	shalt  }
0x70: {  	_ =	shalt  }
0x71: {  	_ =	shalt  }
0x72: {  	_ =	shalt  }
0x73: {  	_ =	shalt  }
0x74: {  	_ =	shalt  }
0x75: {  	_ =	shalt  }
0x76: {  	_ =	shalt  }
0x77: {  	_ =	shalt  }
0x78: {  	_ =	shalt  }
0x79: {  	_ =	shalt  }
0x7a: {  	_ =	shalt  }
0x7b: {  	_ =	shalt  }
0x7c: {  	_ =	shalt  }
0x7d: {  	_ =	shalt  }
0x7e: {  	_ =	shalt  }
0x7f: {  	_ =	shalt  }
0x80: {  	_ =	shalt  }
0x81: {  	_ =	shalt  }
0x82: {  	_ =	shalt  }
0x83: {  	_ =	shalt  }
0x84: {  	_ =	shalt  }
0x85: {  	_ =	shalt  }
0x86: {  	_ =	shalt  }
0x87: {  	_ =	shalt  }
.Lfunc_end0:
.L_simem_size_0:
called_computation.3_lowered:
.L_overlay_start_0:
0x88: {  	s2 =	sld [smem:$0x3FD9]  }
0x89: {  	s3 =	sld [smem:$0x3FFE];
	_ =	sdelay $0x1  }
0x8a: {  	s1 =	srdreg.scid  }
0x8b: {  	s0 =	sand.u32 $0x1, s1  }
0x8c: {  	s16 =	sshll.u32 s0, $0xA;
	s2 =	sadd.s32 s3, s2  }
0x8d: {  	s2 =	sadd.s32 s2, s16  }
0x8e: {  	[smem:$0x3FB4] =	sst s2  }
0x8f: {  	_ = 	snop  }
0x90: {  	(tm) =	ssettm $0x1  }
0x91: {  	s17 =	sld [smem:$0x3FFB];
	_ =	sdelay $0x3  }
0x92: {  	_ =	strace s17  }
0x93: {  	s2 =	sld [smem:$0x3FFC];
	_ =	sdelay $0x3  }
0x94: {  	_ =	strace s2  }
0x95: {  	s2 =	sld [smem:$0x3FFD];
	_ =	sdelay $0x3  }
0x96: {  	_ =	strace s2  }
0x97: {  	_ =	strace $0x8FFFFFFF  }
0x98: {  	s18 =	sld [smem:$0x3FDB];
	_ =	sdelay $0x1  }
0x99: {  	s19 =	simm.s32 $_scs_section_size  }
0x9a: {  	s4 =	simm.s32 $_size__tile_overlayer_lowered;
	s5 =	simm.s32 $_tile_overlayer_lowered  }
0x9b: {  	s22 =	simm.s32 $0x1BFF;
	s21 =	sshll.u32 s5, $0x1;
	s2 =	sadd.s32 s19, s18  }
0x9c: {  	s6 =	simm.s32 $0x0;
	s20 =	sshll.u32 s4, $0x1;
	s4 =	sadd.s32 s21, s2  }
0x9d: {  	[timem:s6], [sflag:s22] =	dma.local [hbm:s4], s20  }
0x9e: {  	_ =	swait.ge [sflag:s22], s20  }
0x9f: {  	s3 =	ssub.s32 $0x0, s20;
	[sflag:s22] =	ssyncset.done $0x0  }
0xa0: {  	[sflag:s22] =	ssyncadd.s32 s3;
	_ =	sdelay $0x1  }
0xa1: {  	s23 =	simm.s32 $0x1B8B  }
0xa2: {  	_ =	swait.ge [sflag:s23], $0x1  }
0xa3: {  	[sflag:s23] =	ssyncset.done $0x0  }
0xa4: {  	s25 =	simm.s32 $0x1B8E;
	s24 =	sld [smem:$0x3FFE];
	[sflag:s23] =	ssyncadd.s32 $0xFFFFFFFF  }
0xa5: {  	s26 =	simm.s32 $execute0_lowered;
	[smem:$0x3FD2] =	sst s25  }
0xa6: {  	s4 =	sshll.u32 s26, $0x1;
	_ =	strace $0x8000004F;
	[dreg:$0x1] =	wrdreg $0xFFFFFFFF  }
0xa7: {  	s28 =	simm.s32 $_size_execute0_lowered;
	s2 =	sadd.s32 s2, s4;
	[dreg:$0x0] =	wrdreg $0x0  }
0xa8: {  	s4 =	sshll.u32 s28, $0x1;
	[dreg:$0x2] =	wrdreg s2  }
0xa9: {  	[dreg:$0x3] =	wrdreg s4  }
0xaa: {  	[dreg:$0x4] =	wrdreg $0xC0  }
0xab: {  	_ =	task [dreg:s6], $0x5FFFF  }
0xac: {  	[dreg:$0x1] =	wrdreg $0xFFFFFFFF  }
0xad: {  	[dreg:$0x0] =	wrdreg $0x60  }
0xae: {  	[dreg:$0x2] =	wrdreg s24  }
0xaf: {  	[dreg:$0x3] =	wrdreg $0x9  }
0xb0: {  	_ =	task.clear_ibuf [dreg:s6], $0x4FFFF;
	_ =	strace $0x9000004F  }
0xb1: {  	s29 =	simm.s32 $0x9;
	_ =	strace $0x80000051  }
0xb2: {  	_ =	swait.ge [sflag:s29], $0x1  }
0xb3: {  	[sflag:s29] =	ssyncadd.s32 $0xFFFFFFFF  }
0xb4: {  	_ =	strace $0x90000051  }
0xb5: {  	_ =	sfence  }
0xb6: {  	s30 =	sld [smem:$0x0];
	_ =	sdelay $0x2  }
0xb7: {  	s31 =	sshll.u32 s1, $0xD;
	s1 =	sshrl.u32 s1, $0x2  }
0xb8: {  	s3 =	sand.u32 $0x4000, s31;
	s1 =	sadd.s32 s1, s30  }
0xb9: {  	s0 =	sor.u32 s3, s0;
	s1 =	sshll.u32 s1, $0x11  }
0xba: {  	s0 =	sor.u32 s1, s0  }
0xbb: {  	s0 =	sadd.s32 $0x8F2B, s0  }
0xbc: {  	[sflag:s0] =	ssyncadd.remote.s32 $0x1  }
0xbd: {  	_ =	sfence.sel $0xFFFF  }
0xbe: {  	[dreg:$0x0] =	wrdreg $0xFFFFFFFF;
	(pc) =	sbr.abs _section_cstart, $3  }
0xbf: {  	[dreg:$0x1] =	wrdreg $0xFFFFFFFF  }
0xc0: {  	_ =	task.clear_ibuf [dreg:s6], $0x2FFFF;
	_ =	strace $0x9FFFFFFF  }
0xc1: {  	(tm) =	ssettm $0x7FFFFFFF  }
tec
execute0_lowered:
.L_overlay_start_1:
0x0: {  	(tag) =	ssettag $0x1  }
0x1: {  	s1 =	srdreg.scid  }
0x2: {  	s0 =	stileid.u32;
	s5 =	rddreg [dreg:$0x0];
	s2 =	simm.s32 $0x0  }
0x3: {  	s11 =	simm.s32 $0x400;
	s12 =	simm.s32 $0x800;
	s13 =	simm.s32 $0x8800  }
0x4: {  	s14 =	simm.s32 $0x1;
	s15 =	simm.s32 $0x2;
	s4 =	smul.u32 $0x2800, s0  }
0x5: {  	s3 =	sand.u32 $0x1, s1;
	s1 =	rddreg [dreg:$0x1];
	s29 =	smul.u32 $0xA000, s0  }
0x6: {  	s16 =	simm.s32 $0x0;
	[smem:$0x7FF] =	sst s2;
	s6 =	smul.u32 $0x1400, s3  }
0x7: {  	_ =	strace $0x80000050;
	s7 =	ssub.s32 $0x2, s3;
	s8 =	smul.u32 $0x5000, s3  }
0x8: {  	s3 =	sadd.s32 $0x13C00, s5;
	s10 =	sshrl.u32 s7, $0x1;
	s4 =	sadd.s32 s6, s4  }
0x9: {  	s6 =	sadd.s32 s29, s5;
	s30 =	ssub.s32 s7, s10;
	s4 =	sshrl.u32 s4, $0x3  }
0xa: {  	s10 =	simm.s32 $0x3;
	s31 =	sadd.s32 s8, s6;
	s9 =	sadd.s32 s4, s5  }
0xb: {  	s4 =	sadd.s32 $0x186000, s5;
	s5 =	smax.u32 s30, $0x1;
	s6 =	sadd.s32 $0x35C000, s31  }
0xc: {  	s7 =	sadd.s32 $0x195000, s31;
	s8 =	sadd.s32 $0x190000, s9;
	s9 =	sadd.s32 $0xEC00, s9  }
.LBB2_1:
0xd: {  	s17 =	sadd.s32 $0x0, s9  }
0xe: {  	[tilespmem:s2], [sflag:$0x3] =	stream.linear.gather [hbm4b:s17+s2], $0x400, $0x38;
	[tilespmem:$0x10800] =	vst v63  }
0xf: {  	_ =	swait.ge [sflag:s10], $0x400  }
0x10: {  	[sflag:s10] =	ssyncset.done $0x0  }
0x11: {  	s31 =	sadd.s32 $0x0, s8;
	[sflag:s10] =	ssyncadd.s32 $0xFFFFFC00  }
0x12: {  	[tilespmem:s11], [sflag:$0x3] =	stream.linear.gather [hbm4b:s31+s2], $0x400, $0x38;
	[tilespmem:$0x10800] =	vst v63  }
0x13: {  	_ =	swait.ge [sflag:s10], $0x400  }
0x14: {  	[sflag:s10] =	ssyncset.done $0x0  }
0x15: {  	[sflag:s10] =	ssyncadd.s32 $0xFFFFFC00  }
0x16: {  	[tilespmem:s12], [sflag:$0x1] =	stream.indirect.gather [hbm4b:s3+s11], $0x20, s2, s11, $0xb8;
	[tilespmem:$0x10800] =	vst v63  }
0x17: {  	_ = 	snop  }
0x18: {  	[tilespmem:s13], [sflag:$0x2] =	stream.indirect.gather [hbm4b:s4+s11], $0x20, s11, s11, $0xb8;
	[tilespmem:$0x10800] =	vst v63  }
0x19: {  	_ =	swait.ge [sflag:s14], $0x8000  }
0x1a: {  	[sflag:s14] =	ssyncset.done $0x0  }
0x1b: {  	[sflag:s14] =	ssyncadd.s32 $0xFFFF8000  }
0x1c: {  	_ =	swait.ge [sflag:s15], $0x8000  }
0x1d: {  	[sflag:s15] =	ssyncset.done $0x0  }
0x1e: {  	[sflag:s15] =	ssyncadd.s32 $0xFFFF8000  }
0x1f: {  	[hbm4b:s7+s2] =	stream.linear.scatter [tilespmem:s12], [sflag:$0x3], $0x8000, $0x38;
	[tilespmem:$0x10800] =	vst v63  }
0x20: {  	_ =	swait.ge [sflag:s10], $0x8000  }
0x21: {  	[sflag:s10] =	ssyncset.done $0x0  }
0x22: {  	[sflag:s10] =	ssyncadd.s32 $0xFFFF8000  }
0x23: {  	[hbm4b:s6+s2] =	stream.linear.scatter [tilespmem:s13], [sflag:$0x3], $0x8000, $0x38;
	[tilespmem:$0x10800] =	vst v63  }
0x24: {  	s19 =	simm.s32 $0x80;
	s20 =	simm.s32 $0x100;
	_ =	swait.ge [sflag:s10], $0x8000  }
0x25: {  	s18 =	sadd.s32 $0x1000, s7;
	s17 =	sadd.s32 $0x1000, s6;
	[sflag:s10] =	ssyncset.done $0x0  }
.LBB2_2:
0x26: {  	s21 =	sadd.s32 s19, s9  }
0x27: {  	[sflag:s10] =	ssyncadd.s32 $0xFFFF8000;
	s22 =	smov.u32 s20;
	s23 =	sadd.s32 $0x80, s20  }
0x28: {  	[tilespmem:s2], [sflag:$0x3] =	stream.linear.gather [hbm4b:s21+s2], $0x400, $0x38;
	[tilespmem:$0x10800] =	vst v63  }
0x29: {  	p0 =	sne.s32 s20, $0x200;
	_ =	swait.ge [sflag:s10], $0x400  }
0x2a: {  	[sflag:s10] =	ssyncset.done $0x0  }
0x2b: {  	s20 =	sadd.s32 s19, s8;
	s19 =	smov.u32 s22;
	[sflag:s10] =	ssyncadd.s32 $0xFFFFFC00  }
0x2c: {  	[tilespmem:s11], [sflag:$0x3] =	stream.linear.gather [hbm4b:s20+s2], $0x400, $0x38;
	[tilespmem:$0x10800] =	vst v63  }
0x2d: {  	_ =	swait.ge [sflag:s10], $0x400  }
0x2e: {  	[sflag:s10] =	ssyncset.done $0x0  }
0x2f: {  	[sflag:s10] =	ssyncadd.s32 $0xFFFFFC00  }
0x30: {  	[tilespmem:s12], [sflag:$0x1] =	stream.indirect.gather [hbm4b:s3+s11], $0x20, s2, s11, $0xb8;
	[tilespmem:$0x10800] =	vst v63  }
0x31: {  	_ = 	snop  }
0x32: {  	[tilespmem:s13], [sflag:$0x2] =	stream.indirect.gather [hbm4b:s4+s11], $0x20, s11, s11, $0xb8;
	[tilespmem:$0x10800] =	vst v63  }
0x33: {  	_ =	swait.ge [sflag:s14], $0x8000  }
0x34: {  	[sflag:s14] =	ssyncset.done $0x0  }
0x35: {  	[sflag:s14] =	ssyncadd.s32 $0xFFFF8000  }
0x36: {  	_ =	swait.ge [sflag:s15], $0x8000  }
0x37: {  	[sflag:s15] =	ssyncset.done $0x0  }
0x38: {  	[sflag:s15] =	ssyncadd.s32 $0xFFFF8000  }
0x39: {  	[hbm4b:s18+s2] =	stream.linear.scatter [tilespmem:s12], [sflag:$0x3], $0x8000, $0x38;
	[tilespmem:$0x10800] =	vst v63  }
0x3a: {  	_ =	swait.ge [sflag:s10], $0x8000  }
.Ltmp0:
0x3b: {  	[sflag:s10] =	ssyncset.done $0x0;
	(pc) =	sbr.rel @p0 .LBB2_2-.Ltmp0, $4  }
0x3c: {  	[sflag:s10] =	ssyncadd.s32 $0xFFFF8000  }
0x3d: {  	[hbm4b:s17+s2] =	stream.linear.scatter [tilespmem:s13], [sflag:$0x3], $0x8000, $0x38;
	[tilespmem:$0x10800] =	vst v63  }
0x3e: {  	s20 =	smov.u32 s23;
	_ =	swait.ge [sflag:s10], $0x8000  }
0x3f: {  	s18 =	sadd.s32 $0x1000, s18;
	s17 =	sadd.s32 $0x1000, s17;
	[sflag:s10] =	ssyncset.done $0x0  }
0x40: {  	s20 =	sadd.s32 s19, s9;
	[sflag:s10] =	ssyncadd.s32 $0xFFFF8000  }
0x41: {  	[tilespmem:s2], [sflag:$0x3] =	stream.linear.gather [hbm4b:s20+s2], $0x400, $0x38;
	[tilespmem:$0x10800] =	vst v63  }
0x42: {  	_ =	swait.ge [sflag:s10], $0x400  }
0x43: {  	[sflag:s10] =	ssyncset.done $0x0  }
0x44: {  	s31 =	sadd.s32 s19, s8;
	[sflag:s10] =	ssyncadd.s32 $0xFFFFFC00  }
0x45: {  	[tilespmem:s11], [sflag:$0x3] =	stream.linear.gather [hbm4b:s31+s2], $0x400, $0x38;
	[tilespmem:$0x10800] =	vst v63  }
0x46: {  	_ =	swait.ge [sflag:s10], $0x400  }
0x47: {  	[sflag:s10] =	ssyncset.done $0x0  }
0x48: {  	[sflag:s10] =	ssyncadd.s32 $0xFFFFFC00  }
0x49: {  	[tilespmem:s12], [sflag:$0x1] =	stream.indirect.gather [hbm4b:s3+s11], $0x20, s2, s11, $0xb8;
	[tilespmem:$0x10800] =	vst v63  }
0x4a: {  	_ = 	snop  }
0x4b: {  	[tilespmem:s13], [sflag:$0x2] =	stream.indirect.gather [hbm4b:s4+s11], $0x20, s11, s11, $0xb8;
	[tilespmem:$0x10800] =	vst v63  }
0x4c: {  	_ =	swait.ge [sflag:s14], $0x8000  }
0x4d: {  	[sflag:s14] =	ssyncset.done $0x0  }
0x4e: {  	[sflag:s14] =	ssyncadd.s32 $0xFFFF8000  }
0x4f: {  	_ =	swait.ge [sflag:s15], $0x8000  }
0x50: {  	[sflag:s15] =	ssyncset.done $0x0  }
0x51: {  	[sflag:s15] =	ssyncadd.s32 $0xFFFF8000  }
0x52: {  	[hbm4b:s18+s2] =	stream.linear.scatter [tilespmem:s12], [sflag:$0x3], $0x8000, $0x38;
	[tilespmem:$0x10800] =	vst v63  }
0x53: {  	s16 =	sadd.s32 $0x1, s16;
	_ =	swait.ge [sflag:s10], $0x8000  }
0x54: {  	p0 =	sne.s32 s16, s5;
	[sflag:s10] =	ssyncset.done $0x0  }
.Ltmp1:
0x55: {  	[sflag:s10] =	ssyncadd.s32 $0xFFFF8000;
	(pc) =	sbr.rel @p0 .LBB2_1-.Ltmp1, $4  }
0x56: {  	[hbm4b:s17+s2] =	stream.linear.scatter [tilespmem:s13], [sflag:$0x3], $0x8000, $0x38;
	[tilespmem:$0x10800] =	vst v63  }
0x57: {  	_ =	swait.ge [sflag:s10], $0x8000  }
0x58: {  	[sflag:s10] =	ssyncset.done $0x0  }
0x59: {  	[sflag:s10] =	ssyncadd.s32 $0xFFFF8000  }
0x5a: {  	_ =	sfence.sel $0x180000  }
0x5b: {  	[bflag:$0x0] =	sbarrier.arrive $0xFFFF  }
0x5c: {  	p0 =	sne.s32 s0, $0x0;
	_ =	strace $0x90000050  }
0x5d: {  	s0 =	sadd.s32 @!p0 $0x100000, s1;
	[bflag:$0x2] =	sbarrier.arrive $0xFFFF  }
0x5e: {  	[sflag:s0] =	ssyncadd.tile.s32 @!p0 $0x1;
	_ =	shalt  }
.Lfunc_end2:
_tile_overlayer_lowered:
.L_overlay_start_2:
0x5f: {  	(tag) =	ssettag $0x2  }
0x60: {  	s0 =	rddreg [dreg:$0x0];
	s2 =	stileid.u32  }
0x61: {  	s1 =	rddreg [dreg:$0x1];
	p0 =	sne.s32 s2, $0x0  }
0x62: {  	s3 =	rddreg [dreg:$0x2];
	[bflag:$0x3] =	sbarrier.arrive $0xFFFF;
	s2 =	simm.s32 @!p0 $0x1C03  }
0x63: {  	[timem:s3], [sflag:s2] =	dma.local @!p0 [hbm:s0], s1  }
0x64: {  	s0 =	simm.s32 @!p0 $0x3  }
0x65: {  	_ =	swait.ge @!p0 [sflag:s0], s1  }
0x66: {  	s1 =	ssub.s32 @!p0 $0x0, s1;
	[sflag:s0] =	ssyncset.done @!p0 $0x0  }
0x67: {  	[sflag:s0] =	ssyncadd.s32 @!p0 s1  }
0x68: {  	[bflag:$0x3] =	sbarrier.arrive $0xFFFF  }
0x69: {  	_ =	shalt  }

// kernel: kernel.33.cloned.1.call-start
scs
__scs_entry_jumppad:
0x0: {  	(pc) =	sbr.rel $0x88, $3  }
0x1: {  	(tag) =	ssettag $0x0;
	lr =	simm.s32 $0x1  }
0x2: {  	[smem:$0x3F8D] =	sst lr;
	_ =	strace $0xD0000000  }
0x3: {  	_ = 	snop  }
0x4: {  	_ = 	snop  }
0x5: {  	_ = 	snop  }
0x6: {  	_ = 	snop  }
0x7: {  	_ = 	snop  }
__scs_overlays_trampoline_lowered:
0x8: {  	[smem:$0x3F9C] =	sst s0  }
0x9: {  	[smem:$0x3F9D] =	sst s1  }
0xa: {  	[smem:$0x3F9E] =	sst s2  }
0xb: {  	[smem:$0x3F9F] =	sst s3  }
0xc: {  	[smem:$0x3FA0] =	sst s4  }
0xd: {  	[smem:$0x3FA1] =	sst s5  }
0xe: {  	[smem:$0x3FA2] =	sst s6  }
0xf: {  	[smem:$0x3FA3] =	sst s7  }
0x10: {  	[smem:$0x3FA4] =	sst s8  }
0x11: {  	[smem:$0x3FA5] =	sst s9;
	s0 =	simm.s32 @!p0 $0x0  }
0x12: {  	s1 =	sld [smem:$0x3F8B];
	s0 =	simm.s32 @p0 $0x1  }
0x13: {  	[smem:$0x3FA6] =	sst s0;
	s0 =	simm.s32 @!p1 $0x0  }
0x14: {  	s2 =	sld [smem:$0x3F8A];
	s0 =	simm.s32 @p1 $0x1  }
0x15: {  	[smem:$0x3FA7] =	sst s0;
	s0 =	simm.s32 @!p2 $0x0  }
0x16: {  	s3 =	sld [smem:$0x3FDB];
	s0 =	simm.s32 @p2 $0x1  }
0x17: {  	s4 =	simm.s32 $0x1BF5;
	[smem:$0x3FA9] =	sst s0  }
0x18: {  	s0 =	sld [smem:$0x3F8C];
	_ =	swait.ge [sflag:s4], $0x0  }
0x19: {  	s7 =	sld [smem:$0x3F8D]  }
0x1a: {  	s8 =	sadd.s32 $0xFFFFE003, lr  }
0x1b: {  	s9 =	sadd.s32 $0xFFFFFEF7, lr;
	s5 =	simm.s32 $0xFFFFFFFF;
	p2 =	slt.u32 s8, $0xFFFFF086  }
0x1c: {  	p1 =	slt.u32 s9, $0xF7A;
	s5 =	simm.s32 @!p2 $0x0  }
0x1d: {  	s5 =	simm.s32 @p1 $0x1;
	p0 =	seq.s32 s7, s2  }
0x1e: {  	s7 =	smul.u32 @!p0 $0xF7A, s2;
	p2 =	seq.s32 @!p0 s5, $0x0  }
0x1f: {  	s9 =	smul.u32 $0xF7A, s1;
	s8 =	simm.s32 @!p0 $0x1BF5;
	p2 =	por !p2, p0  }
0x20: {  	[sflag:s8] =	ssyncset.s32 @!p0 $0xFFFFF086;
	s6 =	sadd.s32 @!p0 s3, s7;
	s7 =	simm.s32 @!p0 $0x108  }
0x21: {  	s3 =	sadd.s32 s3, s9;
	s6 =	sadd.s32 @!p0 $0x88, s6;
	s7 =	simm.s32 @p2 $0x1082  }
0x22: {  	[simem:s7], [sflag:s8] =	dma.local @!p0 [hbm:s6], $0xF7A  }
0x23: {  	s9 =	sor.u32 $0xD0000000, s2;
	s6 =	simm.s32 $0x108;
	_ =	swait.ge @!p0 [sflag:s8], $0x0  }
0x24: {  	s3 =	sadd.s32 $0x88, s3;
	s6 =	simm.s32 @!p1 $0x1082;
	[sflag:s4] =	ssyncset.s32 $0xFFFFF086  }
0x25: {  	[simem:s6], [sflag:s4] =	dma.local [hbm:s3], $0xF7A  }
0x26: {  	[smem:$0x3F8D] =	sst s1;
	(tag) =	ssettag s2;
	_ =	strace s9  }
0x27: {  	s1 =	sld [smem:$0x3F9D]  }
0x28: {  	s2 =	sld [smem:$0x3F9E]  }
0x29: {  	s4 =	sld [smem:$0x3FA0]  }
0x2a: {  	p0 =	seq.s32 s5, $0x0;
	s5 =	sld [smem:$0x3FA1]  }
0x2b: {  	s6 =	sld [smem:$0x3FA2]  }
0x2c: {  	s7 =	sld [smem:$0x3FA3]  }
0x2d: {  	s3 =	simm.s32 $0x108;
	s8 =	sld [smem:$0x3FA4]  }
0x2e: {  	s3 =	simm.s32 @!p0 $0x1082;
	s9 =	sld [smem:$0x3FA5]  }
0x2f: {  	lr =	sadd.s32 s0, s3;
	s0 =	sld [smem:$0x3F9C]  }
0x30: {  	s3 =	sld [smem:$0x3F9F]  }
0x31: {  	[smem:$0x3FA8] =	sst s10  }
0x32: {  	s10 =	sld [smem:$0x3FA6];
	_ =	sdelay $0x3  }
0x33: {  	p0 =	seq.s32 s10, $0x1;
	s10 =	sld [smem:$0x3FA8];
	_ =	sdelay $0x3  }
0x34: {  	[smem:$0x3FA8] =	sst s10  }
0x35: {  	s10 =	sld [smem:$0x3FA7];
	_ =	sdelay $0x3  }
0x36: {  	p1 =	seq.s32 s10, $0x1;
	s10 =	sld [smem:$0x3FA8];
	_ =	sdelay $0x3  }
0x37: {  	[smem:$0x3FA8] =	sst s10  }
0x38: {  	s10 =	sld [smem:$0x3FA9]  }
0x39: {  	_ = 	snop;
	(pc) =	sbr.ind lr, $3  }
0x3a: {  	_ = 	snop  }
0x3b: {  	_ = 	snop  }
0x3c: {  	p2 =	seq.s32 s10, $0x1;
	s10 =	sld [smem:$0x3FA8]  }
0x3d: {  	_ =	shalt  }
0x3e: {  	_ =	shalt  }
0x3f: {  	_ =	shalt  }
0x40: {  	_ =	shalt  }
0x41: {  	_ =	shalt  }
0x42: {  	_ =	shalt  }
0x43: {  	_ =	shalt  }
0x44: {  	_ =	shalt  }
0x45: {  	_ =	shalt  }
0x46: {  	_ =	shalt  }
0x47: {  	_ =	shalt  }
0x48: {  	_ =	shalt  }
0x49: {  	_ =	shalt  }
0x4a: {  	_ =	shalt  }
0x4b: {  	_ =	shalt  }
0x4c: {  	_ =	shalt  }
0x4d: {  	_ =	shalt  }
0x4e: {  	_ =	shalt  }
0x4f: {  	_ =	shalt  }
0x50: {  	_ =	shalt  }
0x51: {  	_ =	shalt  }
0x52: {  	_ =	shalt  }
0x53: {  	_ =	shalt  }
0x54: {  	_ =	shalt  }
0x55: {  	_ =	shalt  }
0x56: {  	_ =	shalt  }
0x57: {  	_ =	shalt  }
0x58: {  	_ =	shalt  }
0x59: {  	_ =	shalt  }
0x5a: {  	_ =	shalt  }
0x5b: {  	_ =	shalt  }
0x5c: {  	_ =	shalt  }
0x5d: {  	_ =	shalt  }
0x5e: {  	_ =	shalt  }
0x5f: {  	_ =	shalt  }
0x60: {  	_ =	shalt  }
0x61: {  	_ =	shalt  }
0x62: {  	_ =	shalt  }
0x63: {  	_ =	shalt  }
0x64: {  	_ =	shalt  }
0x65: {  	_ =	shalt  }
0x66: {  	_ =	shalt  }
0x67: {  	_ =	shalt  }
0x68: {  	_ =	shalt  }
0x69: {  	_ =	shalt  }
0x6a: {  	_ =	shalt  }
0x6b: {  	_ =	shalt  }
0x6c: {  	_ =	shalt  }
0x6d: {  	_ =	shalt  }
0x6e: {  	_ =	shalt  }
0x6f: {  	_ =	shalt  }
0x70: {  	_ =	shalt  }
0x71: {  	_ =	shalt  }
0x72: {  	_ =	shalt  }
0x73: {  	_ =	shalt  }
0x74: {  	_ =	shalt  }
0x75: {  	_ =	shalt  }
0x76: {  	_ =	shalt  }
0x77: {  	_ =	shalt  }
0x78: {  	_ =	shalt  }
0x79: {  	_ =	shalt  }
0x7a: {  	_ =	shalt  }
0x7b: {  	_ =	shalt  }
0x7c: {  	_ =	shalt  }
0x7d: {  	_ =	shalt  }
0x7e: {  	_ =	shalt  }
0x7f: {  	_ =	shalt  }
0x80: {  	_ =	shalt  }
0x81: {  	_ =	shalt  }
0x82: {  	_ =	shalt  }
0x83: {  	_ =	shalt  }
0x84: {  	_ =	shalt  }
0x85: {  	_ =	shalt  }
0x86: {  	_ =	shalt  }
0x87: {  	_ =	shalt  }
.Lfunc_end0:
.L_simem_size_0:
called_computation.4_lowered:
.L_overlay_start_0:
0x88: {  	s2 =	sld [smem:$0x3FD9]  }
0x89: {  	s3 =	sld [smem:$0x3FFE];
	_ =	sdelay $0x1  }
0x8a: {  	s1 =	srdreg.scid  }
0x8b: {  	s0 =	sand.u32 $0x1, s1  }
0x8c: {  	s16 =	sshll.u32 s0, $0xA;
	s2 =	sadd.s32 s3, s2  }
0x8d: {  	s2 =	sadd.s32 s2, s16  }
0x8e: {  	[smem:$0x3FB4] =	sst s2  }
0x8f: {  	_ = 	snop  }
0x90: {  	(tm) =	ssettm $0x1  }
0x91: {  	s17 =	sld [smem:$0x3FFB];
	_ =	sdelay $0x3  }
0x92: {  	_ =	strace s17  }
0x93: {  	s2 =	sld [smem:$0x3FFC];
	_ =	sdelay $0x3  }
0x94: {  	_ =	strace s2  }
0x95: {  	s2 =	sld [smem:$0x3FFD];
	_ =	sdelay $0x3  }
0x96: {  	_ =	strace s2  }
0x97: {  	_ =	strace $0x8FFFFFFF  }
0x98: {  	s18 =	sld [smem:$0x3FDB];
	_ =	sdelay $0x1  }
0x99: {  	s19 =	simm.s32 $_scs_section_size  }
0x9a: {  	s4 =	simm.s32 $_size__tile_overlayer_lowered;
	s5 =	simm.s32 $_tile_overlayer_lowered  }
0x9b: {  	s22 =	simm.s32 $0x1BFF;
	s21 =	sshll.u32 s5, $0x1;
	s2 =	sadd.s32 s19, s18  }
0x9c: {  	s6 =	simm.s32 $0x0;
	s20 =	sshll.u32 s4, $0x1;
	s4 =	sadd.s32 s21, s2  }
0x9d: {  	[timem:s6], [sflag:s22] =	dma.local [hbm:s4], s20  }
0x9e: {  	_ =	swait.ge [sflag:s22], s20  }
0x9f: {  	s3 =	ssub.s32 $0x0, s20;
	[sflag:s22] =	ssyncset.done $0x0  }
0xa0: {  	[sflag:s22] =	ssyncadd.s32 s3;
	_ =	sdelay $0x1  }
0xa1: {  	s23 =	simm.s32 $0x1B8B  }
0xa2: {  	_ =	swait.ge [sflag:s23], $0x1  }
0xa3: {  	[sflag:s23] =	ssyncset.done $0x0  }
0xa4: {  	s25 =	simm.s32 $0x1B8E;
	s24 =	sld [smem:$0x3FFE];
	[sflag:s23] =	ssyncadd.s32 $0xFFFFFFFF  }
0xa5: {  	s26 =	simm.s32 $execute0_lowered;
	[smem:$0x3FD2] =	sst s25  }
0xa6: {  	s4 =	sshll.u32 s26, $0x1;
	_ =	strace $0x80000052;
	[dreg:$0x1] =	wrdreg $0xFFFFFFFF  }
0xa7: {  	s28 =	simm.s32 $_size_execute0_lowered;
	s2 =	sadd.s32 s2, s4;
	[dreg:$0x0] =	wrdreg $0x0  }
0xa8: {  	s4 =	sshll.u32 s28, $0x1;
	[dreg:$0x2] =	wrdreg s2  }
0xa9: {  	[dreg:$0x3] =	wrdreg s4  }
0xaa: {  	[dreg:$0x4] =	wrdreg $0xC0  }
0xab: {  	_ =	task [dreg:s6], $0x5FFFF  }
0xac: {  	[dreg:$0x1] =	wrdreg $0xFFFFFFFF  }
0xad: {  	[dreg:$0x0] =	wrdreg $0x60  }
0xae: {  	[dreg:$0x2] =	wrdreg s24  }
0xaf: {  	[dreg:$0x3] =	wrdreg $0x88000  }
0xb0: {  	[dreg:$0x4] =	wrdreg $0xD8000  }
0xb1: {  	[dreg:$0x5] =	wrdreg $0x9  }
0xb2: {  	_ =	task.clear_ibuf [dreg:s6], $0x6FFFF;
	_ =	strace $0x90000052  }
0xb3: {  	s29 =	simm.s32 $0x9;
	_ =	strace $0x80000054  }
0xb4: {  	_ =	swait.ge [sflag:s29], $0x1  }
0xb5: {  	[sflag:s29] =	ssyncadd.s32 $0xFFFFFFFF  }
0xb6: {  	_ =	strace $0x90000054  }
0xb7: {  	_ =	sfence  }
0xb8: {  	s30 =	sld [smem:$0x0];
	_ =	sdelay $0x2  }
0xb9: {  	s31 =	sshll.u32 s1, $0xD;
	s1 =	sshrl.u32 s1, $0x2  }
0xba: {  	s3 =	sand.u32 $0x4000, s31;
	s1 =	sadd.s32 s1, s30  }
0xbb: {  	s0 =	sor.u32 s3, s0;
	s1 =	sshll.u32 s1, $0x11  }
0xbc: {  	s0 =	sor.u32 s1, s0  }
0xbd: {  	s0 =	sadd.s32 $0x8F2B, s0  }
0xbe: {  	[sflag:s0] =	ssyncadd.remote.s32 $0x1  }
0xbf: {  	_ =	sfence.sel $0xFFFF  }
0xc0: {  	[dreg:$0x0] =	wrdreg $0xFFFFFFFF;
	(pc) =	sbr.abs _section_cstart, $3  }
0xc1: {  	[dreg:$0x1] =	wrdreg $0xFFFFFFFF  }
0xc2: {  	_ =	task.clear_ibuf [dreg:s6], $0x2FFFF;
	_ =	strace $0x9FFFFFFF  }
0xc3: {  	(tm) =	ssettm $0x7FFFFFFF  }
tec
execute0_lowered:
.L_overlay_start_1:
0x0: {  	(tag) =	ssettag $0x1  }
0x1: {  	s5 =	rddreg [dreg:$0x0]  }
0x2: {  	s0 =	srdreg.scid;
	s1 =	rddreg [dreg:$0x1]  }
0x3: {  	s14 =	stileid.u32;
	s2 =	rddreg [dreg:$0x2]  }
0x4: {  	s3 =	simm.s32 $0x0;
	s13 =	simm.s32 $0x400;
	s4 =	smul.u32 $0x2800, s14  }
0x5: {  	s15 =	simm.s32 $0x800;
	s19 =	simm.s32 $0x0;
	s8 =	smul.u32 $0xA000, s14  }
0x6: {  	s6 =	sand.u32 $0x1, s0;
	s0 =	rddreg [dreg:$0x3];
	s9 =	smul.u32 $0x5000, s14  }
0x7: {  	[smem:$0x7FF] =	sst s3;
	p0 =	sne.s32 s14, $0x0;
	s7 =	smul.u32 $0x1400, s6  }
0x8: {  	s16 =	sshll.u32 s14, $0x6;
	s14 =	simm.s32 $0x1;
	s30 =	smul.u32 $0xA0000, s6  }
0x9: {  	_ =	strace $0x80000053;
	s11 =	ssub.s32 $0x2, s6;
	s12 =	smul.u32 $0x5000, s6  }
0xa: {  	s16 =	sor.u32 $0x1C01, s16;
	s8 =	sadd.s32 s8, s5;
	s31 =	sshrl.u32 s11, $0x1  }
0xb: {  	s17 =	sadd.s32 s9, s1;
	s18 =	sadd.s32 s9, s2;
	s4 =	sadd.s32 s7, s4  }
0xc: {  	s7 =	sadd.s32 s9, s30;
	s11 =	ssub.s32 s11, s31;
	s8 =	sadd.s32 s12, s8  }
0xd: {  	s12 =	sshrl.u32 @!p0 s2, $0x3;
	s17 =	sshrl.u32 s17, $0x3;
	s18 =	sshrl.u32 s18, $0x3  }
0xe: {  	s4 =	sshrl.u32 s4, $0x3;
	s7 =	sshrl.u32 s7, $0x3;
	s8 =	sadd.s32 $0x195000, s8  }
0xf: {  	s10 =	sadd.s32 s4, s5;
	s4 =	sadd.s32 $0x17C000, s5;
	s7 =	sadd.s32 s7, s5  }
0x10: {  	s5 =	sadd.s32 $0x13C00, s7;
	s6 =	sadd.s32 $0x1DC00, s7;
	s7 =	smax.u32 s11, $0x1  }
0x11: {  	s9 =	sadd.s32 $0xEC00, s10;
	s10 =	sadd.s32 $0x190000, s10;
	s11 =	sshrl.u32 @!p0 s1, $0x3  }
.LBB2_1:
0x12: {  	s20 =	simm.s32 @!p0 $0x1C01;
	s21 =	simm.s32 @!p0 $0x1  }
0x13: {  	[spmem:s11], [sflag:s20] =	dma.local @!p0 [hbm:s4], $0xA000  }
0x14: {  	_ =	swait.ge @!p0 [sflag:s21], $0xA000  }
0x15: {  	[sflag:s21] =	ssyncset.done @!p0 $0x0  }
0x16: {  	[sflag:s21] =	ssyncadd.s32 @!p0 $0xFFFF6000  }
0x17: {  	[spmem:s12], [sflag:s20] =	dma.local @!p0 [hbm:s4], $0xA000  }
0x18: {  	_ =	swait.ge @!p0 [sflag:s21], $0xA000  }
0x19: {  	[sflag:s21] =	ssyncset.done @!p0 $0x0  }
0x1a: {  	[sflag:s21] =	ssyncadd.s32 @!p0 $0xFFFF6000  }
0x1b: {  	s30 =	sadd.s32 $0x0, s10;
	[bflag:$0x0] =	sbarrier.arrive $0xFFFF  }
0x1c: {  	[tilespmem:s13], [sflag:$0x1] =	stream.linear.gather [hbm4b:s30+s3], $0x400, $0x38;
	[tilespmem:$0x12800] =	vst v63  }
0x1d: {  	_ =	swait.ge [sflag:s14], $0x400  }
0x1e: {  	[sflag:s14] =	ssyncset.done $0x0  }
0x1f: {  	s31 =	sadd.s32 $0x0, s9;
	[sflag:s14] =	ssyncadd.s32 $0xFFFFFC00  }
0x20: {  	[tilespmem:s3], [sflag:$0x1] =	stream.linear.gather [hbm4b:s31+s3], $0x400, $0x38;
	[tilespmem:$0x12800] =	vst v63  }
0x21: {  	_ =	swait.ge [sflag:s14], $0x400  }
0x22: {  	[sflag:s14] =	ssyncset.done $0x0  }
0x23: {  	[sflag:s14] =	ssyncadd.s32 $0xFFFFFC00  }
0x24: {  	[tilespmem:s15], [sflag:$0x1] =	stream.linear.gather [hbm4b:s8+s3], $0x8000, $0x38;
	[tilespmem:$0x12800] =	vst v63  }
0x25: {  	_ =	swait.ge [sflag:s14], $0x8000  }
0x26: {  	[sflag:s14] =	ssyncset.done $0x0  }
0x27: {  	[sflag:s14] =	ssyncadd.s32 $0xFFFF8000  }
0x28: {  	[spmem:s1] =	stream.indirect.scatter.add.f32 [tilespmem:s15], [sflag:$0x1], $0x20, s13, s13, $0xb8;
	[tilespmem:$0x12800] =	vst v63  }
0x29: {  	_ =	swait.ge [sflag:s14], $0x8000  }
0x2a: {  	[sflag:s14] =	ssyncset.done $0x0  }
0x2b: {  	[sflag:s14] =	ssyncadd.s32 $0xFFFF8000  }
0x2c: {  	[spmem:s2] =	stream.indirect.scatter.add.f32 [tilespmem:s15], [sflag:$0x1], $0x20, s3, s13, $0xb8;
	[tilespmem:$0x12800] =	vst v63  }
0x2d: {  	s22 =	simm.s32 $0x100;
	_ =	swait.ge [sflag:s14], $0x8000  }
0x2e: {  	s20 =	sadd.s32 $0x1000, s8;
	s21 =	simm.s32 $0x80;
	[sflag:s14] =	ssyncset.done $0x0  }
.LBB2_2:
0x2f: {  	s23 =	sadd.s32 s21, s10  }
0x30: {  	[sflag:s14] =	ssyncadd.s32 $0xFFFF8000;
	s24 =	smov.u32 s22;
	s25 =	sadd.s32 $0x80, s22  }
0x31: {  	[tilespmem:s13], [sflag:$0x1] =	stream.linear.gather [hbm4b:s23+s3], $0x400, $0x38;
	[tilespmem:$0x12800] =	vst v63  }
0x32: {  	p1 =	sne.s32 s22, $0x200;
	_ =	swait.ge [sflag:s14], $0x400  }
0x33: {  	[sflag:s14] =	ssyncset.done $0x0  }
0x34: {  	s22 =	sadd.s32 s21, s9;
	s21 =	smov.u32 s24;
	[sflag:s14] =	ssyncadd.s32 $0xFFFFFC00  }
0x35: {  	[tilespmem:s3], [sflag:$0x1] =	stream.linear.gather [hbm4b:s22+s3], $0x400, $0x38;
	[tilespmem:$0x12800] =	vst v63  }
0x36: {  	_ =	swait.ge [sflag:s14], $0x400  }
0x37: {  	[sflag:s14] =	ssyncset.done $0x0  }
0x38: {  	[sflag:s14] =	ssyncadd.s32 $0xFFFFFC00  }
0x39: {  	[tilespmem:s15], [sflag:$0x1] =	stream.linear.gather [hbm4b:s20+s3], $0x8000, $0x38;
	[tilespmem:$0x12800] =	vst v63  }
0x3a: {  	_ =	swait.ge [sflag:s14], $0x8000  }
0x3b: {  	[sflag:s14] =	ssyncset.done $0x0  }
0x3c: {  	[sflag:s14] =	ssyncadd.s32 $0xFFFF8000  }
0x3d: {  	[spmem:s1] =	stream.indirect.scatter.add.f32 [tilespmem:s15], [sflag:$0x1], $0x20, s13, s13, $0xb8;
	[tilespmem:$0x12800] =	vst v63  }
0x3e: {  	_ =	swait.ge [sflag:s14], $0x8000  }
.Ltmp0:
0x3f: {  	[sflag:s14] =	ssyncset.done $0x0;
	(pc) =	sbr.rel @p1 .LBB2_2-.Ltmp0, $4  }
0x40: {  	[sflag:s14] =	ssyncadd.s32 $0xFFFF8000  }
0x41: {  	[spmem:s2] =	stream.indirect.scatter.add.f32 [tilespmem:s15], [sflag:$0x1], $0x20, s3, s13, $0xb8;
	[tilespmem:$0x12800] =	vst v63  }
0x42: {  	_ =	swait.ge [sflag:s14], $0x8000  }
0x43: {  	s22 =	smov.u32 s25;
	s20 =	sadd.s32 $0x1000, s20;
	[sflag:s14] =	ssyncset.done $0x0  }
0x44: {  	s22 =	sadd.s32 s21, s10;
	[sflag:s14] =	ssyncadd.s32 $0xFFFF8000  }
0x45: {  	[tilespmem:s13], [sflag:$0x1] =	stream.linear.gather [hbm4b:s22+s3], $0x400, $0x38;
	[tilespmem:$0x12800] =	vst v63  }
0x46: {  	_ =	swait.ge [sflag:s14], $0x400  }
0x47: {  	[sflag:s14] =	ssyncset.done $0x0  }
0x48: {  	s31 =	sadd.s32 s21, s9;
	[sflag:s14] =	ssyncadd.s32 $0xFFFFFC00  }
0x49: {  	[tilespmem:s3], [sflag:$0x1] =	stream.linear.gather [hbm4b:s31+s3], $0x400, $0x38;
	[tilespmem:$0x12800] =	vst v63  }
0x4a: {  	_ =	swait.ge [sflag:s14], $0x400  }
0x4b: {  	[sflag:s14] =	ssyncset.done $0x0  }
0x4c: {  	[sflag:s14] =	ssyncadd.s32 $0xFFFFFC00  }
0x4d: {  	[tilespmem:s15], [sflag:$0x1] =	stream.linear.gather [hbm4b:s20+s3], $0x8000, $0x38;
	[tilespmem:$0x12800] =	vst v63  }
0x4e: {  	_ =	swait.ge [sflag:s14], $0x8000  }
0x4f: {  	[sflag:s14] =	ssyncset.done $0x0  }
0x50: {  	[sflag:s14] =	ssyncadd.s32 $0xFFFF8000  }
0x51: {  	[spmem:s1] =	stream.indirect.scatter.add.f32 [tilespmem:s15], [sflag:$0x1], $0x20, s13, s13, $0xb8;
	[tilespmem:$0x12800] =	vst v63  }
0x52: {  	_ =	swait.ge [sflag:s14], $0x8000  }
0x53: {  	[sflag:s14] =	ssyncset.done $0x0  }
0x54: {  	[sflag:s14] =	ssyncadd.s32 $0xFFFF8000  }
0x55: {  	[spmem:s2] =	stream.indirect.scatter.add.f32 [tilespmem:s15], [sflag:$0x1], $0x20, s3, s13, $0xb8;
	[tilespmem:$0x12800] =	vst v63  }
0x56: {  	_ =	swait.ge [sflag:s14], $0x8000  }
0x57: {  	[sflag:s14] =	ssyncset.done $0x0  }
0x58: {  	[sflag:s14] =	ssyncadd.s32 $0xFFFF8000  }
0x59: {  	[bflag:$0x0] =	sbarrier.arrive $0xFFFF  }
0x5a: {  	[hbm:s5], [sflag:s16] =	dma.local [spmem:s17], $0xA00  }
0x5b: {  	s19 =	sadd.s32 $0x1, s19;
	_ =	swait.ge [sflag:s14], $0xA00  }
0x5c: {  	p1 =	sne.s32 s19, s7;
	[sflag:s14] =	ssyncset.done $0x0  }
.Ltmp1:
0x5d: {  	[sflag:s14] =	ssyncadd.s32 $0xFFFFF600;
	(pc) =	sbr.rel @p1 .LBB2_1-.Ltmp1, $4  }
0x5e: {  	[hbm:s6], [sflag:s16] =	dma.local [spmem:s18], $0xA00  }
0x5f: {  	_ =	swait.ge [sflag:s14], $0xA00  }
0x60: {  	[sflag:s14] =	ssyncset.done $0x0  }
0x61: {  	[sflag:s14] =	ssyncadd.s32 $0xFFFFF600  }
0x62: {  	_ =	sfence.sel $0x180000  }
0x63: {  	[bflag:$0x0] =	sbarrier.arrive $0xFFFF  }
0x64: {  	_ =	strace $0x90000053  }
0x65: {  	s0 =	sadd.s32 @!p0 $0x100000, s0;
	[bflag:$0x2] =	sbarrier.arrive $0xFFFF  }
0x66: {  	[sflag:s0] =	ssyncadd.tile.s32 @!p0 $0x1;
	_ =	shalt  }
.Lfunc_end2:
_tile_overlayer_lowered:
.L_overlay_start_2:
0x67: {  	(tag) =	ssettag $0x2  }
0x68: {  	s0 =	rddreg [dreg:$0x0];
	s2 =	stileid.u32  }
0x69: {  	s1 =	rddreg [dreg:$0x1];
	p0 =	sne.s32 s2, $0x0  }
0x6a: {  	s3 =	rddreg [dreg:$0x2];
	[bflag:$0x3] =	sbarrier.arrive $0xFFFF;
	s2 =	simm.s32 @!p0 $0x1C01  }
0x6b: {  	[timem:s3], [sflag:s2] =	dma.local @!p0 [hbm:s0], s1  }
0x6c: {  	s0 =	simm.s32 @!p0 $0x1  }
0x6d: {  	_ =	swait.ge @!p0 [sflag:s0], s1  }
0x6e: {  	s1 =	ssub.s32 @!p0 $0x0, s1;
	[sflag:s0] =	ssyncset.done @!p0 $0x0  }
0x6f: {  	[sflag:s0] =	ssyncadd.s32 @!p0 s1  }
0x70: {  	[bflag:$0x3] =	sbarrier.arrive $0xFFFF  }
0x71: {  	_ =	shalt  }

// kernel: kernel.36.cloned.1.call-start
scs
__scs_entry_jumppad:
0x0: {  	(pc) =	sbr.rel $0x88, $3  }
0x1: {  	(tag) =	ssettag $0x0;
	lr =	simm.s32 $0x1  }
0x2: {  	[smem:$0x3F8D] =	sst lr;
	_ =	strace $0xD0000000  }
0x3: {  	_ = 	snop  }
0x4: {  	_ = 	snop  }
0x5: {  	_ = 	snop  }
0x6: {  	_ = 	snop  }
0x7: {  	_ = 	snop  }
__scs_overlays_trampoline_lowered:
0x8: {  	[smem:$0x3F9C] =	sst s0  }
0x9: {  	[smem:$0x3F9D] =	sst s1  }
0xa: {  	[smem:$0x3F9E] =	sst s2  }
0xb: {  	[smem:$0x3F9F] =	sst s3  }
0xc: {  	[smem:$0x3FA0] =	sst s4  }
0xd: {  	[smem:$0x3FA1] =	sst s5  }
0xe: {  	[smem:$0x3FA2] =	sst s6  }
0xf: {  	[smem:$0x3FA3] =	sst s7  }
0x10: {  	[smem:$0x3FA4] =	sst s8  }
0x11: {  	[smem:$0x3FA5] =	sst s9;
	s0 =	simm.s32 @!p0 $0x0  }
0x12: {  	s1 =	sld [smem:$0x3F8B];
	s0 =	simm.s32 @p0 $0x1  }
0x13: {  	[smem:$0x3FA6] =	sst s0;
	s0 =	simm.s32 @!p1 $0x0  }
0x14: {  	s2 =	sld [smem:$0x3F8A];
	s0 =	simm.s32 @p1 $0x1  }
0x15: {  	[smem:$0x3FA7] =	sst s0;
	s0 =	simm.s32 @!p2 $0x0  }
0x16: {  	s3 =	sld [smem:$0x3FDB];
	s0 =	simm.s32 @p2 $0x1  }
0x17: {  	s4 =	simm.s32 $0x1BF5;
	[smem:$0x3FA9] =	sst s0  }
0x18: {  	s0 =	sld [smem:$0x3F8C];
	_ =	swait.ge [sflag:s4], $0x0  }
0x19: {  	s7 =	sld [smem:$0x3F8D]  }
0x1a: {  	s8 =	sadd.s32 $0xFFFFE003, lr  }
0x1b: {  	s9 =	sadd.s32 $0xFFFFFEF7, lr;
	s5 =	simm.s32 $0xFFFFFFFF;
	p2 =	slt.u32 s8, $0xFFFFF086  }
0x1c: {  	p1 =	slt.u32 s9, $0xF7A;
	s5 =	simm.s32 @!p2 $0x0  }
0x1d: {  	s5 =	simm.s32 @p1 $0x1;
	p0 =	seq.s32 s7, s2  }
0x1e: {  	s7 =	smul.u32 @!p0 $0xF7A, s2;
	p2 =	seq.s32 @!p0 s5, $0x0  }
0x1f: {  	s9 =	smul.u32 $0xF7A, s1;
	s8 =	simm.s32 @!p0 $0x1BF5;
	p2 =	por !p2, p0  }
0x20: {  	[sflag:s8] =	ssyncset.s32 @!p0 $0xFFFFF086;
	s6 =	sadd.s32 @!p0 s3, s7;
	s7 =	simm.s32 @!p0 $0x108  }
0x21: {  	s3 =	sadd.s32 s3, s9;
	s6 =	sadd.s32 @!p0 $0x88, s6;
	s7 =	simm.s32 @p2 $0x1082  }
0x22: {  	[simem:s7], [sflag:s8] =	dma.local @!p0 [hbm:s6], $0xF7A  }
0x23: {  	s9 =	sor.u32 $0xD0000000, s2;
	s6 =	simm.s32 $0x108;
	_ =	swait.ge @!p0 [sflag:s8], $0x0  }
0x24: {  	s3 =	sadd.s32 $0x88, s3;
	s6 =	simm.s32 @!p1 $0x1082;
	[sflag:s4] =	ssyncset.s32 $0xFFFFF086  }
0x25: {  	[simem:s6], [sflag:s4] =	dma.local [hbm:s3], $0xF7A  }
0x26: {  	[smem:$0x3F8D] =	sst s1;
	(tag) =	ssettag s2;
	_ =	strace s9  }
0x27: {  	s1 =	sld [smem:$0x3F9D]  }
0x28: {  	s2 =	sld [smem:$0x3F9E]  }
0x29: {  	s4 =	sld [smem:$0x3FA0]  }
0x2a: {  	p0 =	seq.s32 s5, $0x0;
	s5 =	sld [smem:$0x3FA1]  }
0x2b: {  	s6 =	sld [smem:$0x3FA2]  }
0x2c: {  	s7 =	sld [smem:$0x3FA3]  }
0x2d: {  	s3 =	simm.s32 $0x108;
	s8 =	sld [smem:$0x3FA4]  }
0x2e: {  	s3 =	simm.s32 @!p0 $0x1082;
	s9 =	sld [smem:$0x3FA5]  }
0x2f: {  	lr =	sadd.s32 s0, s3;
	s0 =	sld [smem:$0x3F9C]  }
0x30: {  	s3 =	sld [smem:$0x3F9F]  }
0x31: {  	[smem:$0x3FA8] =	sst s10  }
0x32: {  	s10 =	sld [smem:$0x3FA6];
	_ =	sdelay $0x3  }
0x33: {  	p0 =	seq.s32 s10, $0x1;
	s10 =	sld [smem:$0x3FA8];
	_ =	sdelay $0x3  }
0x34: {  	[smem:$0x3FA8] =	sst s10  }
0x35: {  	s10 =	sld [smem:$0x3FA7];
	_ =	sdelay $0x3  }
0x36: {  	p1 =	seq.s32 s10, $0x1;
	s10 =	sld [smem:$0x3FA8];
	_ =	sdelay $0x3  }
0x37: {  	[smem:$0x3FA8] =	sst s10  }
0x38: {  	s10 =	sld [smem:$0x3FA9]  }
0x39: {  	_ = 	snop;
	(pc) =	sbr.ind lr, $3  }
0x3a: {  	_ = 	snop  }
0x3b: {  	_ = 	snop  }
0x3c: {  	p2 =	seq.s32 s10, $0x1;
	s10 =	sld [smem:$0x3FA8]  }
0x3d: {  	_ =	shalt  }
0x3e: {  	_ =	shalt  }
0x3f: {  	_ =	shalt  }
0x40: {  	_ =	shalt  }
0x41: {  	_ =	shalt  }
0x42: {  	_ =	shalt  }
0x43: {  	_ =	shalt  }
0x44: {  	_ =	shalt  }
0x45: {  	_ =	shalt  }
0x46: {  	_ =	shalt  }
0x47: {  	_ =	shalt  }
0x48: {  	_ =	shalt  }
0x49: {  	_ =	shalt  }
0x4a: {  	_ =	shalt  }
0x4b: {  	_ =	shalt  }
0x4c: {  	_ =	shalt  }
0x4d: {  	_ =	shalt  }
0x4e: {  	_ =	shalt  }
0x4f: {  	_ =	shalt  }
0x50: {  	_ =	shalt  }
0x51: {  	_ =	shalt  }
0x52: {  	_ =	shalt  }
0x53: {  	_ =	shalt  }
0x54: {  	_ =	shalt  }
0x55: {  	_ =	shalt  }
0x56: {  	_ =	shalt  }
0x57: {  	_ =	shalt  }
0x58: {  	_ =	shalt  }
0x59: {  	_ =	shalt  }
0x5a: {  	_ =	shalt  }
0x5b: {  	_ =	shalt  }
0x5c: {  	_ =	shalt  }
0x5d: {  	_ =	shalt  }
0x5e: {  	_ =	shalt  }
0x5f: {  	_ =	shalt  }
0x60: {  	_ =	shalt  }
0x61: {  	_ =	shalt  }
0x62: {  	_ =	shalt  }
0x63: {  	_ =	shalt  }
0x64: {  	_ =	shalt  }
0x65: {  	_ =	shalt  }
0x66: {  	_ =	shalt  }
0x67: {  	_ =	shalt  }
0x68: {  	_ =	shalt  }
0x69: {  	_ =	shalt  }
0x6a: {  	_ =	shalt  }
0x6b: {  	_ =	shalt  }
0x6c: {  	_ =	shalt  }
0x6d: {  	_ =	shalt  }
0x6e: {  	_ =	shalt  }
0x6f: {  	_ =	shalt  }
0x70: {  	_ =	shalt  }
0x71: {  	_ =	shalt  }
0x72: {  	_ =	shalt  }
0x73: {  	_ =	shalt  }
0x74: {  	_ =	shalt  }
0x75: {  	_ =	shalt  }
0x76: {  	_ =	shalt  }
0x77: {  	_ =	shalt  }
0x78: {  	_ =	shalt  }
0x79: {  	_ =	shalt  }
0x7a: {  	_ =	shalt  }
0x7b: {  	_ =	shalt  }
0x7c: {  	_ =	shalt  }
0x7d: {  	_ =	shalt  }
0x7e: {  	_ =	shalt  }
0x7f: {  	_ =	shalt  }
0x80: {  	_ =	shalt  }
0x81: {  	_ =	shalt  }
0x82: {  	_ =	shalt  }
0x83: {  	_ =	shalt  }
0x84: {  	_ =	shalt  }
0x85: {  	_ =	shalt  }
0x86: {  	_ =	shalt  }
0x87: {  	_ =	shalt  }
.Lfunc_end0:
.L_simem_size_0:
called_computation.5_lowered:
.L_overlay_start_0:
0x88: {  	s2 =	sld [smem:$0x3FD9]  }
0x89: {  	s3 =	sld [smem:$0x3FFE];
	_ =	sdelay $0x1  }
0x8a: {  	s1 =	srdreg.scid  }
0x8b: {  	s0 =	sand.u32 $0x1, s1  }
0x8c: {  	s16 =	sshll.u32 s0, $0xA;
	s2 =	sadd.s32 s3, s2  }
0x8d: {  	s2 =	sadd.s32 s2, s16  }
0x8e: {  	[smem:$0x3FB4] =	sst s2  }
0x8f: {  	_ = 	snop  }
0x90: {  	(tm) =	ssettm $0x1  }
0x91: {  	s17 =	sld [smem:$0x3FFB];
	_ =	sdelay $0x3  }
0x92: {  	_ =	strace s17  }
0x93: {  	s2 =	sld [smem:$0x3FFC];
	_ =	sdelay $0x3  }
0x94: {  	_ =	strace s2  }
0x95: {  	s2 =	sld [smem:$0x3FFD];
	_ =	sdelay $0x3  }
0x96: {  	_ =	strace s2  }
0x97: {  	_ =	strace $0x8FFFFFFF  }
0x98: {  	s18 =	sld [smem:$0x3FDB];
	_ =	sdelay $0x1  }
0x99: {  	s19 =	simm.s32 $_scs_section_size  }
0x9a: {  	s4 =	simm.s32 $_size__tile_overlayer_lowered;
	s5 =	simm.s32 $_tile_overlayer_lowered  }
0x9b: {  	s22 =	simm.s32 $0x1BFF;
	s21 =	sshll.u32 s5, $0x1;
	s2 =	sadd.s32 s19, s18  }
0x9c: {  	s6 =	simm.s32 $0x0;
	s20 =	sshll.u32 s4, $0x1;
	s4 =	sadd.s32 s21, s2  }
0x9d: {  	[timem:s6], [sflag:s22] =	dma.local [hbm:s4], s20  }
0x9e: {  	_ =	swait.ge [sflag:s22], s20  }
0x9f: {  	s3 =	ssub.s32 $0x0, s20;
	[sflag:s22] =	ssyncset.done $0x0  }
0xa0: {  	[sflag:s22] =	ssyncadd.s32 s3;
	_ =	sdelay $0x1  }
0xa1: {  	s23 =	simm.s32 $0x1B8B  }
0xa2: {  	_ =	swait.ge [sflag:s23], $0x1  }
0xa3: {  	[sflag:s23] =	ssyncset.done $0x0  }
0xa4: {  	s25 =	simm.s32 $0x1B8E;
	s24 =	sld [smem:$0x3FFE];
	[sflag:s23] =	ssyncadd.s32 $0xFFFFFFFF  }
0xa5: {  	s26 =	simm.s32 $execute0_lowered;
	[smem:$0x3FD2] =	sst s25  }
0xa6: {  	s4 =	sshll.u32 s26, $0x1;
	_ =	strace $0x80000055;
	[dreg:$0x1] =	wrdreg $0xFFFFFFFF  }
0xa7: {  	s28 =	simm.s32 $_size_execute0_lowered;
	s2 =	sadd.s32 s2, s4;
	[dreg:$0x0] =	wrdreg $0x0  }
0xa8: {  	s4 =	sshll.u32 s28, $0x1;
	[dreg:$0x2] =	wrdreg s2  }
0xa9: {  	[dreg:$0x3] =	wrdreg s4  }
0xaa: {  	[dreg:$0x4] =	wrdreg $0xC0  }
0xab: {  	_ =	task [dreg:s6], $0x5FFFF  }
0xac: {  	[dreg:$0x1] =	wrdreg $0xFFFFFFFF  }
0xad: {  	[dreg:$0x0] =	wrdreg $0x60  }
0xae: {  	[dreg:$0x2] =	wrdreg s24  }
0xaf: {  	[dreg:$0x3] =	wrdreg $0x9  }
0xb0: {  	_ =	task.clear_ibuf [dreg:s6], $0x4FFFF;
	_ =	strace $0x90000055  }
0xb1: {  	s29 =	simm.s32 $0x9;
	_ =	strace $0x80000057  }
0xb2: {  	_ =	swait.ge [sflag:s29], $0x1  }
0xb3: {  	[sflag:s29] =	ssyncadd.s32 $0xFFFFFFFF  }
0xb4: {  	_ =	strace $0x90000057  }
0xb5: {  	_ =	sfence  }
0xb6: {  	s30 =	sld [smem:$0x0];
	_ =	sdelay $0x2  }
0xb7: {  	s31 =	sshll.u32 s1, $0xD;
	s1 =	sshrl.u32 s1, $0x2  }
0xb8: {  	s3 =	sand.u32 $0x4000, s31;
	s1 =	sadd.s32 s1, s30  }
0xb9: {  	s0 =	sor.u32 s3, s0;
	s1 =	sshll.u32 s1, $0x11  }
0xba: {  	s0 =	sor.u32 s1, s0  }
0xbb: {  	s0 =	sadd.s32 $0x8F2B, s0  }
0xbc: {  	[sflag:s0] =	ssyncadd.remote.s32 $0x1  }
0xbd: {  	_ =	sfence.sel $0xFFFF  }
0xbe: {  	[dreg:$0x0] =	wrdreg $0xFFFFFFFF;
	(pc) =	sbr.abs _section_cstart, $3  }
0xbf: {  	[dreg:$0x1] =	wrdreg $0xFFFFFFFF  }
0xc0: {  	_ =	task.clear_ibuf [dreg:s6], $0x2FFFF;
	_ =	strace $0x9FFFFFFF  }
0xc1: {  	(tm) =	ssettm $0x7FFFFFFF  }
tec
execute0_lowered:
.L_overlay_start_1:
0x0: {  	(tag) =	ssettag $0x1  }
0x1: {  	s1 =	srdreg.scid  }
0x2: {  	s0 =	stileid.u32;
	s5 =	rddreg [dreg:$0x0];
	s2 =	simm.s32 $0x0  }
0x3: {  	s11 =	simm.s32 $0x400;
	s12 =	simm.s32 $0x800;
	s13 =	simm.s32 $0x8800  }
0x4: {  	s14 =	simm.s32 $0x1;
	s15 =	simm.s32 $0x2;
	s4 =	smul.u32 $0x2800, s0  }
0x5: {  	s3 =	sand.u32 $0x1, s1;
	s1 =	rddreg [dreg:$0x1];
	s29 =	smul.u32 $0xA000, s0  }
0x6: {  	s16 =	simm.s32 $0x0;
	[smem:$0x7FF] =	sst s2;
	s6 =	smul.u32 $0x1400, s3  }
0x7: {  	_ =	strace $0x80000056;
	s7 =	ssub.s32 $0x2, s3;
	s8 =	smul.u32 $0x5000, s3  }
0x8: {  	s3 =	sadd.s32 $0x235800, s5;
	s10 =	sshrl.u32 s7, $0x1;
	s4 =	sadd.s32 s6, s4  }
0x9: {  	s6 =	sadd.s32 s29, s5;
	s30 =	ssub.s32 s7, s10;
	s4 =	sshrl.u32 s4, $0x3  }
0xa: {  	s10 =	simm.s32 $0x3;
	s31 =	sadd.s32 s8, s6;
	s9 =	sadd.s32 s4, s5  }
0xb: {  	s4 =	sadd.s32 $0x186000, s5;
	s5 =	smax.u32 s30, $0x1;
	s6 =	sadd.s32 $0x13C00, s31  }
0xc: {  	s7 =	sadd.s32 $0x195000, s31;
	s8 =	sadd.s32 $0x190000, s9;
	s9 =	sadd.s32 $0xEC00, s9  }
.LBB2_1:
0xd: {  	s17 =	sadd.s32 $0x0, s9  }
0xe: {  	[tilespmem:s2], [sflag:$0x3] =	stream.linear.gather [hbm4b:s17+s2], $0x400, $0x38;
	[tilespmem:$0x10800] =	vst v63  }
0xf: {  	_ =	swait.ge [sflag:s10], $0x400  }
0x10: {  	[sflag:s10] =	ssyncset.done $0x0  }
0x11: {  	s31 =	sadd.s32 $0x0, s8;
	[sflag:s10] =	ssyncadd.s32 $0xFFFFFC00  }
0x12: {  	[tilespmem:s11], [sflag:$0x3] =	stream.linear.gather [hbm4b:s31+s2], $0x400, $0x38;
	[tilespmem:$0x10800] =	vst v63  }
0x13: {  	_ =	swait.ge [sflag:s10], $0x400  }
0x14: {  	[sflag:s10] =	ssyncset.done $0x0  }
0x15: {  	[sflag:s10] =	ssyncadd.s32 $0xFFFFFC00  }
0x16: {  	[tilespmem:s12], [sflag:$0x1] =	stream.indirect.gather [hbm4b:s3+s11], $0x20, s2, s11, $0xb8;
	[tilespmem:$0x10800] =	vst v63  }
0x17: {  	_ = 	snop  }
0x18: {  	[tilespmem:s13], [sflag:$0x2] =	stream.indirect.gather [hbm4b:s4+s11], $0x20, s11, s11, $0xb8;
	[tilespmem:$0x10800] =	vst v63  }
0x19: {  	_ =	swait.ge [sflag:s14], $0x8000  }
0x1a: {  	[sflag:s14] =	ssyncset.done $0x0  }
0x1b: {  	[sflag:s14] =	ssyncadd.s32 $0xFFFF8000  }
0x1c: {  	_ =	swait.ge [sflag:s15], $0x8000  }
0x1d: {  	[sflag:s15] =	ssyncset.done $0x0  }
0x1e: {  	[sflag:s15] =	ssyncadd.s32 $0xFFFF8000  }
0x1f: {  	[hbm4b:s7+s2] =	stream.linear.scatter [tilespmem:s12], [sflag:$0x3], $0x8000, $0x38;
	[tilespmem:$0x10800] =	vst v63  }
0x20: {  	_ =	swait.ge [sflag:s10], $0x8000  }
0x21: {  	[sflag:s10] =	ssyncset.done $0x0  }
0x22: {  	[sflag:s10] =	ssyncadd.s32 $0xFFFF8000  }
0x23: {  	[hbm4b:s6+s2] =	stream.linear.scatter [tilespmem:s13], [sflag:$0x3], $0x8000, $0x38;
	[tilespmem:$0x10800] =	vst v63  }
0x24: {  	s19 =	simm.s32 $0x80;
	s20 =	simm.s32 $0x100;
	_ =	swait.ge [sflag:s10], $0x8000  }
0x25: {  	s18 =	sadd.s32 $0x1000, s7;
	s17 =	sadd.s32 $0x1000, s6;
	[sflag:s10] =	ssyncset.done $0x0  }
.LBB2_2:
0x26: {  	s21 =	sadd.s32 s19, s9  }
0x27: {  	[sflag:s10] =	ssyncadd.s32 $0xFFFF8000;
	s22 =	smov.u32 s20;
	s23 =	sadd.s32 $0x80, s20  }
0x28: {  	[tilespmem:s2], [sflag:$0x3] =	stream.linear.gather [hbm4b:s21+s2], $0x400, $0x38;
	[tilespmem:$0x10800] =	vst v63  }
0x29: {  	p0 =	sne.s32 s20, $0x200;
	_ =	swait.ge [sflag:s10], $0x400  }
0x2a: {  	[sflag:s10] =	ssyncset.done $0x0  }
0x2b: {  	s20 =	sadd.s32 s19, s8;
	s19 =	smov.u32 s22;
	[sflag:s10] =	ssyncadd.s32 $0xFFFFFC00  }
0x2c: {  	[tilespmem:s11], [sflag:$0x3] =	stream.linear.gather [hbm4b:s20+s2], $0x400, $0x38;
	[tilespmem:$0x10800] =	vst v63  }
0x2d: {  	_ =	swait.ge [sflag:s10], $0x400  }
0x2e: {  	[sflag:s10] =	ssyncset.done $0x0  }
0x2f: {  	[sflag:s10] =	ssyncadd.s32 $0xFFFFFC00  }
0x30: {  	[tilespmem:s12], [sflag:$0x1] =	stream.indirect.gather [hbm4b:s3+s11], $0x20, s2, s11, $0xb8;
	[tilespmem:$0x10800] =	vst v63  }
0x31: {  	_ = 	snop  }
0x32: {  	[tilespmem:s13], [sflag:$0x2] =	stream.indirect.gather [hbm4b:s4+s11], $0x20, s11, s11, $0xb8;
	[tilespmem:$0x10800] =	vst v63  }
0x33: {  	_ =	swait.ge [sflag:s14], $0x8000  }
0x34: {  	[sflag:s14] =	ssyncset.done $0x0  }
0x35: {  	[sflag:s14] =	ssyncadd.s32 $0xFFFF8000  }
0x36: {  	_ =	swait.ge [sflag:s15], $0x8000  }
0x37: {  	[sflag:s15] =	ssyncset.done $0x0  }
0x38: {  	[sflag:s15] =	ssyncadd.s32 $0xFFFF8000  }
0x39: {  	[hbm4b:s18+s2] =	stream.linear.scatter [tilespmem:s12], [sflag:$0x3], $0x8000, $0x38;
	[tilespmem:$0x10800] =	vst v63  }
0x3a: {  	_ =	swait.ge [sflag:s10], $0x8000  }
.Ltmp0:
0x3b: {  	[sflag:s10] =	ssyncset.done $0x0;
	(pc) =	sbr.rel @p0 .LBB2_2-.Ltmp0, $4  }
0x3c: {  	[sflag:s10] =	ssyncadd.s32 $0xFFFF8000  }
0x3d: {  	[hbm4b:s17+s2] =	stream.linear.scatter [tilespmem:s13], [sflag:$0x3], $0x8000, $0x38;
	[tilespmem:$0x10800] =	vst v63  }
0x3e: {  	s20 =	smov.u32 s23;
	_ =	swait.ge [sflag:s10], $0x8000  }
0x3f: {  	s18 =	sadd.s32 $0x1000, s18;
	s17 =	sadd.s32 $0x1000, s17;
	[sflag:s10] =	ssyncset.done $0x0  }
0x40: {  	s20 =	sadd.s32 s19, s9;
	[sflag:s10] =	ssyncadd.s32 $0xFFFF8000  }
0x41: {  	[tilespmem:s2], [sflag:$0x3] =	stream.linear.gather [hbm4b:s20+s2], $0x400, $0x38;
	[tilespmem:$0x10800] =	vst v63  }
0x42: {  	_ =	swait.ge [sflag:s10], $0x400  }
0x43: {  	[sflag:s10] =	ssyncset.done $0x0  }
0x44: {  	s31 =	sadd.s32 s19, s8;
	[sflag:s10] =	ssyncadd.s32 $0xFFFFFC00  }
0x45: {  	[tilespmem:s11], [sflag:$0x3] =	stream.linear.gather [hbm4b:s31+s2], $0x400, $0x38;
	[tilespmem:$0x10800] =	vst v63  }
0x46: {  	_ =	swait.ge [sflag:s10], $0x400  }
0x47: {  	[sflag:s10] =	ssyncset.done $0x0  }
0x48: {  	[sflag:s10] =	ssyncadd.s32 $0xFFFFFC00  }
0x49: {  	[tilespmem:s12], [sflag:$0x1] =	stream.indirect.gather [hbm4b:s3+s11], $0x20, s2, s11, $0xb8;
	[tilespmem:$0x10800] =	vst v63  }
0x4a: {  	_ = 	snop  }
0x4b: {  	[tilespmem:s13], [sflag:$0x2] =	stream.indirect.gather [hbm4b:s4+s11], $0x20, s11, s11, $0xb8;
	[tilespmem:$0x10800] =	vst v63  }
0x4c: {  	_ =	swait.ge [sflag:s14], $0x8000  }
0x4d: {  	[sflag:s14] =	ssyncset.done $0x0  }
0x4e: {  	[sflag:s14] =	ssyncadd.s32 $0xFFFF8000  }
0x4f: {  	_ =	swait.ge [sflag:s15], $0x8000  }
0x50: {  	[sflag:s15] =	ssyncset.done $0x0  }
0x51: {  	[sflag:s15] =	ssyncadd.s32 $0xFFFF8000  }
0x52: {  	[hbm4b:s18+s2] =	stream.linear.scatter [tilespmem:s12], [sflag:$0x3], $0x8000, $0x38;
	[tilespmem:$0x10800] =	vst v63  }
0x53: {  	s16 =	sadd.s32 $0x1, s16;
	_ =	swait.ge [sflag:s10], $0x8000  }
0x54: {  	p0 =	sne.s32 s16, s5;
	[sflag:s10] =	ssyncset.done $0x0  }
.Ltmp1:
0x55: {  	[sflag:s10] =	ssyncadd.s32 $0xFFFF8000;
	(pc) =	sbr.rel @p0 .LBB2_1-.Ltmp1, $4  }
0x56: {  	[hbm4b:s17+s2] =	stream.linear.scatter [tilespmem:s13], [sflag:$0x3], $0x8000, $0x38;
	[tilespmem:$0x10800] =	vst v63  }
0x57: {  	_ =	swait.ge [sflag:s10], $0x8000  }
0x58: {  	[sflag:s10] =	ssyncset.done $0x0  }
0x59: {  	[sflag:s10] =	ssyncadd.s32 $0xFFFF8000  }
0x5a: {  	_ =	sfence.sel $0x180000  }
0x5b: {  	[bflag:$0x0] =	sbarrier.arrive $0xFFFF  }
0x5c: {  	p0 =	sne.s32 s0, $0x0;
	_ =	strace $0x90000056  }
0x5d: {  	s0 =	sadd.s32 @!p0 $0x100000, s1;
	[bflag:$0x2] =	sbarrier.arrive $0xFFFF  }
0x5e: {  	[sflag:s0] =	ssyncadd.tile.s32 @!p0 $0x1;
	_ =	shalt  }
.Lfunc_end2:
_tile_overlayer_lowered:
.L_overlay_start_2:
0x5f: {  	(tag) =	ssettag $0x2  }
0x60: {  	s0 =	rddreg [dreg:$0x0];
	s2 =	stileid.u32  }
0x61: {  	s1 =	rddreg [dreg:$0x1];
	p0 =	sne.s32 s2, $0x0  }
0x62: {  	s3 =	rddreg [dreg:$0x2];
	[bflag:$0x3] =	sbarrier.arrive $0xFFFF;
	s2 =	simm.s32 @!p0 $0x1C03  }
0x63: {  	[timem:s3], [sflag:s2] =	dma.local @!p0 [hbm:s0], s1  }
0x64: {  	s0 =	simm.s32 @!p0 $0x3  }
0x65: {  	_ =	swait.ge @!p0 [sflag:s0], s1  }
0x66: {  	s1 =	ssub.s32 @!p0 $0x0, s1;
	[sflag:s0] =	ssyncset.done @!p0 $0x0  }
0x67: {  	[sflag:s0] =	ssyncadd.s32 @!p0 s1  }
0x68: {  	[bflag:$0x3] =	sbarrier.arrive $0xFFFF  }
0x69: {  	_ =	shalt  }

// kernel: kernel.39.cloned.1.call-start
scs
__scs_entry_jumppad:
0x0: {  	(pc) =	sbr.rel $0x88, $3  }
0x1: {  	(tag) =	ssettag $0x0;
	lr =	simm.s32 $0x1  }
0x2: {  	[smem:$0x3F8D] =	sst lr;
	_ =	strace $0xD0000000  }
0x3: {  	_ = 	snop  }
0x4: {  	_ = 	snop  }
0x5: {  	_ = 	snop  }
0x6: {  	_ = 	snop  }
0x7: {  	_ = 	snop  }
__scs_overlays_trampoline_lowered:
0x8: {  	[smem:$0x3F9C] =	sst s0  }
0x9: {  	[smem:$0x3F9D] =	sst s1  }
0xa: {  	[smem:$0x3F9E] =	sst s2  }
0xb: {  	[smem:$0x3F9F] =	sst s3  }
0xc: {  	[smem:$0x3FA0] =	sst s4  }
0xd: {  	[smem:$0x3FA1] =	sst s5  }
0xe: {  	[smem:$0x3FA2] =	sst s6  }
0xf: {  	[smem:$0x3FA3] =	sst s7  }
0x10: {  	[smem:$0x3FA4] =	sst s8  }
0x11: {  	[smem:$0x3FA5] =	sst s9;
	s0 =	simm.s32 @!p0 $0x0  }
0x12: {  	s1 =	sld [smem:$0x3F8B];
	s0 =	simm.s32 @p0 $0x1  }
0x13: {  	[smem:$0x3FA6] =	sst s0;
	s0 =	simm.s32 @!p1 $0x0  }
0x14: {  	s2 =	sld [smem:$0x3F8A];
	s0 =	simm.s32 @p1 $0x1  }
0x15: {  	[smem:$0x3FA7] =	sst s0;
	s0 =	simm.s32 @!p2 $0x0  }
0x16: {  	s3 =	sld [smem:$0x3FDB];
	s0 =	simm.s32 @p2 $0x1  }
0x17: {  	s4 =	simm.s32 $0x1BF5;
	[smem:$0x3FA9] =	sst s0  }
0x18: {  	s0 =	sld [smem:$0x3F8C];
	_ =	swait.ge [sflag:s4], $0x0  }
0x19: {  	s7 =	sld [smem:$0x3F8D]  }
0x1a: {  	s8 =	sadd.s32 $0xFFFFE003, lr  }
0x1b: {  	s9 =	sadd.s32 $0xFFFFFEF7, lr;
	s5 =	simm.s32 $0xFFFFFFFF;
	p2 =	slt.u32 s8, $0xFFFFF086  }
0x1c: {  	p1 =	slt.u32 s9, $0xF7A;
	s5 =	simm.s32 @!p2 $0x0  }
0x1d: {  	s5 =	simm.s32 @p1 $0x1;
	p0 =	seq.s32 s7, s2  }
0x1e: {  	s7 =	smul.u32 @!p0 $0xF7A, s2;
	p2 =	seq.s32 @!p0 s5, $0x0  }
0x1f: {  	s9 =	smul.u32 $0xF7A, s1;
	s8 =	simm.s32 @!p0 $0x1BF5;
	p2 =	por !p2, p0  }
0x20: {  	[sflag:s8] =	ssyncset.s32 @!p0 $0xFFFFF086;
	s6 =	sadd.s32 @!p0 s3, s7;
	s7 =	simm.s32 @!p0 $0x108  }
0x21: {  	s3 =	sadd.s32 s3, s9;
	s6 =	sadd.s32 @!p0 $0x88, s6;
	s7 =	simm.s32 @p2 $0x1082  }
0x22: {  	[simem:s7], [sflag:s8] =	dma.local @!p0 [hbm:s6], $0xF7A  }
0x23: {  	s9 =	sor.u32 $0xD0000000, s2;
	s6 =	simm.s32 $0x108;
	_ =	swait.ge @!p0 [sflag:s8], $0x0  }
0x24: {  	s3 =	sadd.s32 $0x88, s3;
	s6 =	simm.s32 @!p1 $0x1082;
	[sflag:s4] =	ssyncset.s32 $0xFFFFF086  }
0x25: {  	[simem:s6], [sflag:s4] =	dma.local [hbm:s3], $0xF7A  }
0x26: {  	[smem:$0x3F8D] =	sst s1;
	(tag) =	ssettag s2;
	_ =	strace s9  }
0x27: {  	s1 =	sld [smem:$0x3F9D]  }
0x28: {  	s2 =	sld [smem:$0x3F9E]  }
0x29: {  	s4 =	sld [smem:$0x3FA0]  }
0x2a: {  	p0 =	seq.s32 s5, $0x0;
	s5 =	sld [smem:$0x3FA1]  }
0x2b: {  	s6 =	sld [smem:$0x3FA2]  }
0x2c: {  	s7 =	sld [smem:$0x3FA3]  }
0x2d: {  	s3 =	simm.s32 $0x108;
	s8 =	sld [smem:$0x3FA4]  }
0x2e: {  	s3 =	simm.s32 @!p0 $0x1082;
	s9 =	sld [smem:$0x3FA5]  }
0x2f: {  	lr =	sadd.s32 s0, s3;
	s0 =	sld [smem:$0x3F9C]  }
0x30: {  	s3 =	sld [smem:$0x3F9F]  }
0x31: {  	[smem:$0x3FA8] =	sst s10  }
0x32: {  	s10 =	sld [smem:$0x3FA6];
	_ =	sdelay $0x3  }
0x33: {  	p0 =	seq.s32 s10, $0x1;
	s10 =	sld [smem:$0x3FA8];
	_ =	sdelay $0x3  }
0x34: {  	[smem:$0x3FA8] =	sst s10  }
0x35: {  	s10 =	sld [smem:$0x3FA7];
	_ =	sdelay $0x3  }
0x36: {  	p1 =	seq.s32 s10, $0x1;
	s10 =	sld [smem:$0x3FA8];
	_ =	sdelay $0x3  }
0x37: {  	[smem:$0x3FA8] =	sst s10  }
0x38: {  	s10 =	sld [smem:$0x3FA9]  }
0x39: {  	_ = 	snop;
	(pc) =	sbr.ind lr, $3  }
0x3a: {  	_ = 	snop  }
0x3b: {  	_ = 	snop  }
0x3c: {  	p2 =	seq.s32 s10, $0x1;
	s10 =	sld [smem:$0x3FA8]  }
0x3d: {  	_ =	shalt  }
0x3e: {  	_ =	shalt  }
0x3f: {  	_ =	shalt  }
0x40: {  	_ =	shalt  }
0x41: {  	_ =	shalt  }
0x42: {  	_ =	shalt  }
0x43: {  	_ =	shalt  }
0x44: {  	_ =	shalt  }
0x45: {  	_ =	shalt  }
0x46: {  	_ =	shalt  }
0x47: {  	_ =	shalt  }
0x48: {  	_ =	shalt  }
0x49: {  	_ =	shalt  }
0x4a: {  	_ =	shalt  }
0x4b: {  	_ =	shalt  }
0x4c: {  	_ =	shalt  }
0x4d: {  	_ =	shalt  }
0x4e: {  	_ =	shalt  }
0x4f: {  	_ =	shalt  }
0x50: {  	_ =	shalt  }
0x51: {  	_ =	shalt  }
0x52: {  	_ =	shalt  }
0x53: {  	_ =	shalt  }
0x54: {  	_ =	shalt  }
0x55: {  	_ =	shalt  }
0x56: {  	_ =	shalt  }
0x57: {  	_ =	shalt  }
0x58: {  	_ =	shalt  }
0x59: {  	_ =	shalt  }
0x5a: {  	_ =	shalt  }
0x5b: {  	_ =	shalt  }
0x5c: {  	_ =	shalt  }
0x5d: {  	_ =	shalt  }
0x5e: {  	_ =	shalt  }
0x5f: {  	_ =	shalt  }
0x60: {  	_ =	shalt  }
0x61: {  	_ =	shalt  }
0x62: {  	_ =	shalt  }
0x63: {  	_ =	shalt  }
0x64: {  	_ =	shalt  }
0x65: {  	_ =	shalt  }
0x66: {  	_ =	shalt  }
0x67: {  	_ =	shalt  }
0x68: {  	_ =	shalt  }
0x69: {  	_ =	shalt  }
0x6a: {  	_ =	shalt  }
0x6b: {  	_ =	shalt  }
0x6c: {  	_ =	shalt  }
0x6d: {  	_ =	shalt  }
0x6e: {  	_ =	shalt  }
0x6f: {  	_ =	shalt  }
0x70: {  	_ =	shalt  }
0x71: {  	_ =	shalt  }
0x72: {  	_ =	shalt  }
0x73: {  	_ =	shalt  }
0x74: {  	_ =	shalt  }
0x75: {  	_ =	shalt  }
0x76: {  	_ =	shalt  }
0x77: {  	_ =	shalt  }
0x78: {  	_ =	shalt  }
0x79: {  	_ =	shalt  }
0x7a: {  	_ =	shalt  }
0x7b: {  	_ =	shalt  }
0x7c: {  	_ =	shalt  }
0x7d: {  	_ =	shalt  }
0x7e: {  	_ =	shalt  }
0x7f: {  	_ =	shalt  }
0x80: {  	_ =	shalt  }
0x81: {  	_ =	shalt  }
0x82: {  	_ =	shalt  }
0x83: {  	_ =	shalt  }
0x84: {  	_ =	shalt  }
0x85: {  	_ =	shalt  }
0x86: {  	_ =	shalt  }
0x87: {  	_ =	shalt  }
.Lfunc_end0:
.L_simem_size_0:
called_computation.6_lowered:
.L_overlay_start_0:
0x88: {  	s2 =	sld [smem:$0x3FD9]  }
0x89: {  	s3 =	sld [smem:$0x3FFE];
	_ =	sdelay $0x1  }
0x8a: {  	s1 =	srdreg.scid  }
0x8b: {  	s0 =	sand.u32 $0x1, s1  }
0x8c: {  	s16 =	sshll.u32 s0, $0xA;
	s2 =	sadd.s32 s3, s2  }
0x8d: {  	s2 =	sadd.s32 s2, s16  }
0x8e: {  	[smem:$0x3FB4] =	sst s2  }
0x8f: {  	_ = 	snop  }
0x90: {  	(tm) =	ssettm $0x1  }
0x91: {  	s17 =	sld [smem:$0x3FFB];
	_ =	sdelay $0x3  }
0x92: {  	_ =	strace s17  }
0x93: {  	s2 =	sld [smem:$0x3FFC];
	_ =	sdelay $0x3  }
0x94: {  	_ =	strace s2  }
0x95: {  	s2 =	sld [smem:$0x3FFD];
	_ =	sdelay $0x3  }
0x96: {  	_ =	strace s2  }
0x97: {  	_ =	strace $0x8FFFFFFF  }
0x98: {  	s18 =	sld [smem:$0x3FDB];
	_ =	sdelay $0x1  }
0x99: {  	s19 =	simm.s32 $_scs_section_size  }
0x9a: {  	s4 =	simm.s32 $_size__tile_overlayer_lowered;
	s5 =	simm.s32 $_tile_overlayer_lowered  }
0x9b: {  	s22 =	simm.s32 $0x1BFF;
	s21 =	sshll.u32 s5, $0x1;
	s2 =	sadd.s32 s19, s18  }
0x9c: {  	s6 =	simm.s32 $0x0;
	s20 =	sshll.u32 s4, $0x1;
	s4 =	sadd.s32 s21, s2  }
0x9d: {  	[timem:s6], [sflag:s22] =	dma.local [hbm:s4], s20  }
0x9e: {  	_ =	swait.ge [sflag:s22], s20  }
0x9f: {  	s3 =	ssub.s32 $0x0, s20;
	[sflag:s22] =	ssyncset.done $0x0  }
0xa0: {  	[sflag:s22] =	ssyncadd.s32 s3;
	_ =	sdelay $0x1  }
0xa1: {  	s23 =	simm.s32 $0x1B8B  }
0xa2: {  	_ =	swait.ge [sflag:s23], $0x1  }
0xa3: {  	[sflag:s23] =	ssyncset.done $0x0  }
0xa4: {  	s25 =	simm.s32 $0x1B8E;
	s24 =	sld [smem:$0x3FFE];
	[sflag:s23] =	ssyncadd.s32 $0xFFFFFFFF  }
0xa5: {  	s26 =	simm.s32 $execute0_lowered;
	[smem:$0x3FD2] =	sst s25  }
0xa6: {  	s4 =	sshll.u32 s26, $0x1;
	_ =	strace $0x80000058;
	[dreg:$0x1] =	wrdreg $0xFFFFFFFF  }
0xa7: {  	s28 =	simm.s32 $_size_execute0_lowered;
	s2 =	sadd.s32 s2, s4;
	[dreg:$0x0] =	wrdreg $0x0  }
0xa8: {  	s4 =	sshll.u32 s28, $0x1;
	[dreg:$0x2] =	wrdreg s2  }
0xa9: {  	[dreg:$0x3] =	wrdreg s4  }
0xaa: {  	[dreg:$0x4] =	wrdreg $0xC0  }
0xab: {  	_ =	task [dreg:s6], $0x5FFFF  }
0xac: {  	[dreg:$0x1] =	wrdreg $0xFFFFFFFF  }
0xad: {  	[dreg:$0x0] =	wrdreg $0x60  }
0xae: {  	[dreg:$0x2] =	wrdreg s24  }
0xaf: {  	[dreg:$0x3] =	wrdreg $0x88000  }
0xb0: {  	[dreg:$0x4] =	wrdreg $0xD8000  }
0xb1: {  	[dreg:$0x5] =	wrdreg $0x9  }
0xb2: {  	_ =	task.clear_ibuf [dreg:s6], $0x6FFFF;
	_ =	strace $0x90000058  }
0xb3: {  	s29 =	simm.s32 $0x9;
	_ =	strace $0x8000005A  }
0xb4: {  	_ =	swait.ge [sflag:s29], $0x1  }
0xb5: {  	[sflag:s29] =	ssyncadd.s32 $0xFFFFFFFF  }
0xb6: {  	_ =	strace $0x9000005A  }
0xb7: {  	_ =	sfence  }
0xb8: {  	s30 =	sld [smem:$0x0];
	_ =	sdelay $0x2  }
0xb9: {  	s31 =	sshll.u32 s1, $0xD;
	s1 =	sshrl.u32 s1, $0x2  }
0xba: {  	s3 =	sand.u32 $0x4000, s31;
	s1 =	sadd.s32 s1, s30  }
0xbb: {  	s0 =	sor.u32 s3, s0;
	s1 =	sshll.u32 s1, $0x11  }
0xbc: {  	s0 =	sor.u32 s1, s0  }
0xbd: {  	s0 =	sadd.s32 $0x8F2B, s0  }
0xbe: {  	[sflag:s0] =	ssyncadd.remote.s32 $0x1  }
0xbf: {  	_ =	sfence.sel $0xFFFF  }
0xc0: {  	[dreg:$0x0] =	wrdreg $0xFFFFFFFF;
	(pc) =	sbr.abs _section_cstart, $3  }
0xc1: {  	[dreg:$0x1] =	wrdreg $0xFFFFFFFF  }
0xc2: {  	_ =	task.clear_ibuf [dreg:s6], $0x2FFFF;
	_ =	strace $0x9FFFFFFF  }
0xc3: {  	(tm) =	ssettm $0x7FFFFFFF  }
tec
execute0_lowered:
.L_overlay_start_1:
0x0: {  	(tag) =	ssettag $0x1  }
0x1: {  	s5 =	rddreg [dreg:$0x0]  }
0x2: {  	s0 =	srdreg.scid;
	s1 =	rddreg [dreg:$0x1]  }
0x3: {  	s14 =	stileid.u32;
	s2 =	rddreg [dreg:$0x2]  }
0x4: {  	s3 =	simm.s32 $0x0;
	s13 =	simm.s32 $0x400;
	s4 =	smul.u32 $0x2800, s14  }
0x5: {  	s15 =	simm.s32 $0x800;
	s19 =	simm.s32 $0x0;
	s8 =	smul.u32 $0xA000, s14  }
0x6: {  	s6 =	sand.u32 $0x1, s0;
	s0 =	rddreg [dreg:$0x3];
	s9 =	smul.u32 $0x5000, s14  }
0x7: {  	[smem:$0x7FF] =	sst s3;
	p0 =	sne.s32 s14, $0x0;
	s7 =	smul.u32 $0x1400, s6  }
0x8: {  	s16 =	sshll.u32 s14, $0x6;
	s14 =	simm.s32 $0x1;
	s30 =	smul.u32 $0xA0000, s6  }
0x9: {  	_ =	strace $0x80000059;
	s11 =	ssub.s32 $0x2, s6;
	s12 =	smul.u32 $0x5000, s6  }
0xa: {  	s16 =	sor.u32 $0x1C01, s16;
	s8 =	sadd.s32 s8, s5;
	s31 =	sshrl.u32 s11, $0x1  }
0xb: {  	s17 =	sadd.s32 s9, s1;
	s18 =	sadd.s32 s9, s2;
	s4 =	sadd.s32 s7, s4  }
0xc: {  	s7 =	sadd.s32 s9, s30;
	s11 =	ssub.s32 s11, s31;
	s8 =	sadd.s32 s12, s8  }
0xd: {  	s12 =	sshrl.u32 @!p0 s2, $0x3;
	s17 =	sshrl.u32 s17, $0x3;
	s18 =	sshrl.u32 s18, $0x3  }
0xe: {  	s4 =	sshrl.u32 s4, $0x3;
	s7 =	sshrl.u32 s7, $0x3;
	s8 =	sadd.s32 $0x195000, s8  }
0xf: {  	s10 =	sadd.s32 s4, s5;
	s4 =	sadd.s32 $0x17C000, s5;
	s7 =	sadd.s32 s7, s5  }
0x10: {  	s5 =	sadd.s32 $0x235000, s7;
	s6 =	sadd.s32 $0x23F000, s7;
	s7 =	smax.u32 s11, $0x1  }
0x11: {  	s9 =	sadd.s32 $0xEC00, s10;
	s10 =	sadd.s32 $0x190000, s10;
	s11 =	sshrl.u32 @!p0 s1, $0x3  }
.LBB2_1:
0x12: {  	s20 =	simm.s32 @!p0 $0x1C01;
	s21 =	simm.s32 @!p0 $0x1  }
0x13: {  	[spmem:s11], [sflag:s20] =	dma.local @!p0 [hbm:s4], $0xA000  }
0x14: {  	_ =	swait.ge @!p0 [sflag:s21], $0xA000  }
0x15: {  	[sflag:s21] =	ssyncset.done @!p0 $0x0  }
0x16: {  	[sflag:s21] =	ssyncadd.s32 @!p0 $0xFFFF6000  }
0x17: {  	[spmem:s12], [sflag:s20] =	dma.local @!p0 [hbm:s4], $0xA000  }
0x18: {  	_ =	swait.ge @!p0 [sflag:s21], $0xA000  }
0x19: {  	[sflag:s21] =	ssyncset.done @!p0 $0x0  }
0x1a: {  	[sflag:s21] =	ssyncadd.s32 @!p0 $0xFFFF6000  }
0x1b: {  	s30 =	sadd.s32 $0x0, s10;
	[bflag:$0x0] =	sbarrier.arrive $0xFFFF  }
0x1c: {  	[tilespmem:s13], [sflag:$0x1] =	stream.linear.gather [hbm4b:s30+s3], $0x400, $0x38;
	[tilespmem:$0x12800] =	vst v63  }
0x1d: {  	_ =	swait.ge [sflag:s14], $0x400  }
0x1e: {  	[sflag:s14] =	ssyncset.done $0x0  }
0x1f: {  	s31 =	sadd.s32 $0x0, s9;
	[sflag:s14] =	ssyncadd.s32 $0xFFFFFC00  }
0x20: {  	[tilespmem:s3], [sflag:$0x1] =	stream.linear.gather [hbm4b:s31+s3], $0x400, $0x38;
	[tilespmem:$0x12800] =	vst v63  }
0x21: {  	_ =	swait.ge [sflag:s14], $0x400  }
0x22: {  	[sflag:s14] =	ssyncset.done $0x0  }
0x23: {  	[sflag:s14] =	ssyncadd.s32 $0xFFFFFC00  }
0x24: {  	[tilespmem:s15], [sflag:$0x1] =	stream.linear.gather [hbm4b:s8+s3], $0x8000, $0x38;
	[tilespmem:$0x12800] =	vst v63  }
0x25: {  	_ =	swait.ge [sflag:s14], $0x8000  }
0x26: {  	[sflag:s14] =	ssyncset.done $0x0  }
0x27: {  	[sflag:s14] =	ssyncadd.s32 $0xFFFF8000  }
0x28: {  	[spmem:s1] =	stream.indirect.scatter.add.f32 [tilespmem:s15], [sflag:$0x1], $0x20, s13, s13, $0xb8;
	[tilespmem:$0x12800] =	vst v63  }
0x29: {  	_ =	swait.ge [sflag:s14], $0x8000  }
0x2a: {  	[sflag:s14] =	ssyncset.done $0x0  }
0x2b: {  	[sflag:s14] =	ssyncadd.s32 $0xFFFF8000  }
0x2c: {  	[spmem:s2] =	stream.indirect.scatter.add.f32 [tilespmem:s15], [sflag:$0x1], $0x20, s3, s13, $0xb8;
	[tilespmem:$0x12800] =	vst v63  }
0x2d: {  	s22 =	simm.s32 $0x100;
	_ =	swait.ge [sflag:s14], $0x8000  }
0x2e: {  	s20 =	sadd.s32 $0x1000, s8;
	s21 =	simm.s32 $0x80;
	[sflag:s14] =	ssyncset.done $0x0  }
.LBB2_2:
0x2f: {  	s23 =	sadd.s32 s21, s10  }
0x30: {  	[sflag:s14] =	ssyncadd.s32 $0xFFFF8000;
	s24 =	smov.u32 s22;
	s25 =	sadd.s32 $0x80, s22  }
0x31: {  	[tilespmem:s13], [sflag:$0x1] =	stream.linear.gather [hbm4b:s23+s3], $0x400, $0x38;
	[tilespmem:$0x12800] =	vst v63  }
0x32: {  	p1 =	sne.s32 s22, $0x200;
	_ =	swait.ge [sflag:s14], $0x400  }
0x33: {  	[sflag:s14] =	ssyncset.done $0x0  }
0x34: {  	s22 =	sadd.s32 s21, s9;
	s21 =	smov.u32 s24;
	[sflag:s14] =	ssyncadd.s32 $0xFFFFFC00  }
0x35: {  	[tilespmem:s3], [sflag:$0x1] =	stream.linear.gather [hbm4b:s22+s3], $0x400, $0x38;
	[tilespmem:$0x12800] =	vst v63  }
0x36: {  	_ =	swait.ge [sflag:s14], $0x400  }
0x37: {  	[sflag:s14] =	ssyncset.done $0x0  }
0x38: {  	[sflag:s14] =	ssyncadd.s32 $0xFFFFFC00  }
0x39: {  	[tilespmem:s15], [sflag:$0x1] =	stream.linear.gather [hbm4b:s20+s3], $0x8000, $0x38;
	[tilespmem:$0x12800] =	vst v63  }
0x3a: {  	_ =	swait.ge [sflag:s14], $0x8000  }
0x3b: {  	[sflag:s14] =	ssyncset.done $0x0  }
0x3c: {  	[sflag:s14] =	ssyncadd.s32 $0xFFFF8000  }
0x3d: {  	[spmem:s1] =	stream.indirect.scatter.add.f32 [tilespmem:s15], [sflag:$0x1], $0x20, s13, s13, $0xb8;
	[tilespmem:$0x12800] =	vst v63  }
0x3e: {  	_ =	swait.ge [sflag:s14], $0x8000  }
.Ltmp0:
0x3f: {  	[sflag:s14] =	ssyncset.done $0x0;
	(pc) =	sbr.rel @p1 .LBB2_2-.Ltmp0, $4  }
0x40: {  	[sflag:s14] =	ssyncadd.s32 $0xFFFF8000  }
0x41: {  	[spmem:s2] =	stream.indirect.scatter.add.f32 [tilespmem:s15], [sflag:$0x1], $0x20, s3, s13, $0xb8;
	[tilespmem:$0x12800] =	vst v63  }
0x42: {  	_ =	swait.ge [sflag:s14], $0x8000  }
0x43: {  	s22 =	smov.u32 s25;
	s20 =	sadd.s32 $0x1000, s20;
	[sflag:s14] =	ssyncset.done $0x0  }
0x44: {  	s22 =	sadd.s32 s21, s10;
	[sflag:s14] =	ssyncadd.s32 $0xFFFF8000  }
0x45: {  	[tilespmem:s13], [sflag:$0x1] =	stream.linear.gather [hbm4b:s22+s3], $0x400, $0x38;
	[tilespmem:$0x12800] =	vst v63  }
0x46: {  	_ =	swait.ge [sflag:s14], $0x400  }
0x47: {  	[sflag:s14] =	ssyncset.done $0x0  }
0x48: {  	s31 =	sadd.s32 s21, s9;
	[sflag:s14] =	ssyncadd.s32 $0xFFFFFC00  }
0x49: {  	[tilespmem:s3], [sflag:$0x1] =	stream.linear.gather [hbm4b:s31+s3], $0x400, $0x38;
	[tilespmem:$0x12800] =	vst v63  }
0x4a: {  	_ =	swait.ge [sflag:s14], $0x400  }
0x4b: {  	[sflag:s14] =	ssyncset.done $0x0  }
0x4c: {  	[sflag:s14] =	ssyncadd.s32 $0xFFFFFC00  }
0x4d: {  	[tilespmem:s15], [sflag:$0x1] =	stream.linear.gather [hbm4b:s20+s3], $0x8000, $0x38;
	[tilespmem:$0x12800] =	vst v63  }
0x4e: {  	_ =	swait.ge [sflag:s14], $0x8000  }
0x4f: {  	[sflag:s14] =	ssyncset.done $0x0  }
0x50: {  	[sflag:s14] =	ssyncadd.s32 $0xFFFF8000  }
0x51: {  	[spmem:s1] =	stream.indirect.scatter.add.f32 [tilespmem:s15], [sflag:$0x1], $0x20, s13, s13, $0xb8;
	[tilespmem:$0x12800] =	vst v63  }
0x52: {  	_ =	swait.ge [sflag:s14], $0x8000  }
0x53: {  	[sflag:s14] =	ssyncset.done $0x0  }
0x54: {  	[sflag:s14] =	ssyncadd.s32 $0xFFFF8000  }
0x55: {  	[spmem:s2] =	stream.indirect.scatter.add.f32 [tilespmem:s15], [sflag:$0x1], $0x20, s3, s13, $0xb8;
	[tilespmem:$0x12800] =	vst v63  }
0x56: {  	_ =	swait.ge [sflag:s14], $0x8000  }
0x57: {  	[sflag:s14] =	ssyncset.done $0x0  }
0x58: {  	[sflag:s14] =	ssyncadd.s32 $0xFFFF8000  }
0x59: {  	[bflag:$0x0] =	sbarrier.arrive $0xFFFF  }
0x5a: {  	[hbm:s5], [sflag:s16] =	dma.local [spmem:s17], $0xA00  }
0x5b: {  	s19 =	sadd.s32 $0x1, s19;
	_ =	swait.ge [sflag:s14], $0xA00  }
0x5c: {  	p1 =	sne.s32 s19, s7;
	[sflag:s14] =	ssyncset.done $0x0  }
.Ltmp1:
0x5d: {  	[sflag:s14] =	ssyncadd.s32 $0xFFFFF600;
	(pc) =	sbr.rel @p1 .LBB2_1-.Ltmp1, $4  }
0x5e: {  	[hbm:s6], [sflag:s16] =	dma.local [spmem:s18], $0xA00  }
0x5f: {  	_ =	swait.ge [sflag:s14], $0xA00  }
0x60: {  	[sflag:s14] =	ssyncset.done $0x0  }
0x61: {  	[sflag:s14] =	ssyncadd.s32 $0xFFFFF600  }
0x62: {  	_ =	sfence.sel $0x180000  }
0x63: {  	[bflag:$0x0] =	sbarrier.arrive $0xFFFF  }
0x64: {  	_ =	strace $0x90000059  }
0x65: {  	s0 =	sadd.s32 @!p0 $0x100000, s0;
	[bflag:$0x2] =	sbarrier.arrive $0xFFFF  }
0x66: {  	[sflag:s0] =	ssyncadd.tile.s32 @!p0 $0x1;
	_ =	shalt  }
.Lfunc_end2:
_tile_overlayer_lowered:
.L_overlay_start_2:
0x67: {  	(tag) =	ssettag $0x2  }
0x68: {  	s0 =	rddreg [dreg:$0x0];
	s2 =	stileid.u32  }
0x69: {  	s1 =	rddreg [dreg:$0x1];
	p0 =	sne.s32 s2, $0x0  }
0x6a: {  	s3 =	rddreg [dreg:$0x2];
	[bflag:$0x3] =	sbarrier.arrive $0xFFFF;
	s2 =	simm.s32 @!p0 $0x1C01  }
0x6b: {  	[timem:s3], [sflag:s2] =	dma.local @!p0 [hbm:s0], s1  }
0x6c: {  	s0 =	simm.s32 @!p0 $0x1  }
0x6d: {  	_ =	swait.ge @!p0 [sflag:s0], s1  }
0x6e: {  	s1 =	ssub.s32 @!p0 $0x0, s1;
	[sflag:s0] =	ssyncset.done @!p0 $0x0  }
0x6f: {  	[sflag:s0] =	ssyncadd.s32 @!p0 s1  }
0x70: {  	[bflag:$0x3] =	sbarrier.arrive $0xFFFF  }
0x71: {  	_ =	shalt  }

// kernel: kernel.42.cloned.1.call-start
scs
__scs_entry_jumppad:
0x0: {  	(pc) =	sbr.rel $0x88, $3  }
0x1: {  	(tag) =	ssettag $0x0;
	lr =	simm.s32 $0x1  }
0x2: {  	[smem:$0x3F8D] =	sst lr;
	_ =	strace $0xD0000000  }
0x3: {  	_ = 	snop  }
0x4: {  	_ = 	snop  }
0x5: {  	_ = 	snop  }
0x6: {  	_ = 	snop  }
0x7: {  	_ = 	snop  }
__scs_overlays_trampoline_lowered:
0x8: {  	[smem:$0x3F9C] =	sst s0  }
0x9: {  	[smem:$0x3F9D] =	sst s1  }
0xa: {  	[smem:$0x3F9E] =	sst s2  }
0xb: {  	[smem:$0x3F9F] =	sst s3  }
0xc: {  	[smem:$0x3FA0] =	sst s4  }
0xd: {  	[smem:$0x3FA1] =	sst s5  }
0xe: {  	[smem:$0x3FA2] =	sst s6  }
0xf: {  	[smem:$0x3FA3] =	sst s7  }
0x10: {  	[smem:$0x3FA4] =	sst s8  }
0x11: {  	[smem:$0x3FA5] =	sst s9;
	s0 =	simm.s32 @!p0 $0x0  }
0x12: {  	s1 =	sld [smem:$0x3F8B];
	s0 =	simm.s32 @p0 $0x1  }
0x13: {  	[smem:$0x3FA6] =	sst s0;
	s0 =	simm.s32 @!p1 $0x0  }
0x14: {  	s2 =	sld [smem:$0x3F8A];
	s0 =	simm.s32 @p1 $0x1  }
0x15: {  	[smem:$0x3FA7] =	sst s0;
	s0 =	simm.s32 @!p2 $0x0  }
0x16: {  	s3 =	sld [smem:$0x3FDB];
	s0 =	simm.s32 @p2 $0x1  }
0x17: {  	s4 =	simm.s32 $0x1BF5;
	[smem:$0x3FA9] =	sst s0  }
0x18: {  	s0 =	sld [smem:$0x3F8C];
	_ =	swait.ge [sflag:s4], $0x0  }
0x19: {  	s7 =	sld [smem:$0x3F8D]  }
0x1a: {  	s8 =	sadd.s32 $0xFFFFE003, lr  }
0x1b: {  	s9 =	sadd.s32 $0xFFFFFEF7, lr;
	s5 =	simm.s32 $0xFFFFFFFF;
	p2 =	slt.u32 s8, $0xFFFFF086  }
0x1c: {  	p1 =	slt.u32 s9, $0xF7A;
	s5 =	simm.s32 @!p2 $0x0  }
0x1d: {  	s5 =	simm.s32 @p1 $0x1;
	p0 =	seq.s32 s7, s2  }
0x1e: {  	s7 =	smul.u32 @!p0 $0xF7A, s2;
	p2 =	seq.s32 @!p0 s5, $0x0  }
0x1f: {  	s9 =	smul.u32 $0xF7A, s1;
	s8 =	simm.s32 @!p0 $0x1BF5;
	p2 =	por !p2, p0  }
0x20: {  	[sflag:s8] =	ssyncset.s32 @!p0 $0xFFFFF086;
	s6 =	sadd.s32 @!p0 s3, s7;
	s7 =	simm.s32 @!p0 $0x108  }
0x21: {  	s3 =	sadd.s32 s3, s9;
	s6 =	sadd.s32 @!p0 $0x88, s6;
	s7 =	simm.s32 @p2 $0x1082  }
0x22: {  	[simem:s7], [sflag:s8] =	dma.local @!p0 [hbm:s6], $0xF7A  }
0x23: {  	s9 =	sor.u32 $0xD0000000, s2;
	s6 =	simm.s32 $0x108;
	_ =	swait.ge @!p0 [sflag:s8], $0x0  }
0x24: {  	s3 =	sadd.s32 $0x88, s3;
	s6 =	simm.s32 @!p1 $0x1082;
	[sflag:s4] =	ssyncset.s32 $0xFFFFF086  }
0x25: {  	[simem:s6], [sflag:s4] =	dma.local [hbm:s3], $0xF7A  }
0x26: {  	[smem:$0x3F8D] =	sst s1;
	(tag) =	ssettag s2;
	_ =	strace s9  }
0x27: {  	s1 =	sld [smem:$0x3F9D]  }
0x28: {  	s2 =	sld [smem:$0x3F9E]  }
0x29: {  	s4 =	sld [smem:$0x3FA0]  }
0x2a: {  	p0 =	seq.s32 s5, $0x0;
	s5 =	sld [smem:$0x3FA1]  }
0x2b: {  	s6 =	sld [smem:$0x3FA2]  }
0x2c: {  	s7 =	sld [smem:$0x3FA3]  }
0x2d: {  	s3 =	simm.s32 $0x108;
	s8 =	sld [smem:$0x3FA4]  }
0x2e: {  	s3 =	simm.s32 @!p0 $0x1082;
	s9 =	sld [smem:$0x3FA5]  }
0x2f: {  	lr =	sadd.s32 s0, s3;
	s0 =	sld [smem:$0x3F9C]  }
0x30: {  	s3 =	sld [smem:$0x3F9F]  }
0x31: {  	[smem:$0x3FA8] =	sst s10  }
0x32: {  	s10 =	sld [smem:$0x3FA6];
	_ =	sdelay $0x3  }
0x33: {  	p0 =	seq.s32 s10, $0x1;
	s10 =	sld [smem:$0x3FA8];
	_ =	sdelay $0x3  }
0x34: {  	[smem:$0x3FA8] =	sst s10  }
0x35: {  	s10 =	sld [smem:$0x3FA7];
	_ =	sdelay $0x3  }
0x36: {  	p1 =	seq.s32 s10, $0x1;
	s10 =	sld [smem:$0x3FA8];
	_ =	sdelay $0x3  }
0x37: {  	[smem:$0x3FA8] =	sst s10  }
0x38: {  	s10 =	sld [smem:$0x3FA9]  }
0x39: {  	_ = 	snop;
	(pc) =	sbr.ind lr, $3  }
0x3a: {  	_ = 	snop  }
0x3b: {  	_ = 	snop  }
0x3c: {  	p2 =	seq.s32 s10, $0x1;
	s10 =	sld [smem:$0x3FA8]  }
0x3d: {  	_ =	shalt  }
0x3e: {  	_ =	shalt  }
0x3f: {  	_ =	shalt  }
0x40: {  	_ =	shalt  }
0x41: {  	_ =	shalt  }
0x42: {  	_ =	shalt  }
0x43: {  	_ =	shalt  }
0x44: {  	_ =	shalt  }
0x45: {  	_ =	shalt  }
0x46: {  	_ =	shalt  }
0x47: {  	_ =	shalt  }
0x48: {  	_ =	shalt  }
0x49: {  	_ =	shalt  }
0x4a: {  	_ =	shalt  }
0x4b: {  	_ =	shalt  }
0x4c: {  	_ =	shalt  }
0x4d: {  	_ =	shalt  }
0x4e: {  	_ =	shalt  }
0x4f: {  	_ =	shalt  }
0x50: {  	_ =	shalt  }
0x51: {  	_ =	shalt  }
0x52: {  	_ =	shalt  }
0x53: {  	_ =	shalt  }
0x54: {  	_ =	shalt  }
0x55: {  	_ =	shalt  }
0x56: {  	_ =	shalt  }
0x57: {  	_ =	shalt  }
0x58: {  	_ =	shalt  }
0x59: {  	_ =	shalt  }
0x5a: {  	_ =	shalt  }
0x5b: {  	_ =	shalt  }
0x5c: {  	_ =	shalt  }
0x5d: {  	_ =	shalt  }
0x5e: {  	_ =	shalt  }
0x5f: {  	_ =	shalt  }
0x60: {  	_ =	shalt  }
0x61: {  	_ =	shalt  }
0x62: {  	_ =	shalt  }
0x63: {  	_ =	shalt  }
0x64: {  	_ =	shalt  }
0x65: {  	_ =	shalt  }
0x66: {  	_ =	shalt  }
0x67: {  	_ =	shalt  }
0x68: {  	_ =	shalt  }
0x69: {  	_ =	shalt  }
0x6a: {  	_ =	shalt  }
0x6b: {  	_ =	shalt  }
0x6c: {  	_ =	shalt  }
0x6d: {  	_ =	shalt  }
0x6e: {  	_ =	shalt  }
0x6f: {  	_ =	shalt  }
0x70: {  	_ =	shalt  }
0x71: {  	_ =	shalt  }
0x72: {  	_ =	shalt  }
0x73: {  	_ =	shalt  }
0x74: {  	_ =	shalt  }
0x75: {  	_ =	shalt  }
0x76: {  	_ =	shalt  }
0x77: {  	_ =	shalt  }
0x78: {  	_ =	shalt  }
0x79: {  	_ =	shalt  }
0x7a: {  	_ =	shalt  }
0x7b: {  	_ =	shalt  }
0x7c: {  	_ =	shalt  }
0x7d: {  	_ =	shalt  }
0x7e: {  	_ =	shalt  }
0x7f: {  	_ =	shalt  }
0x80: {  	_ =	shalt  }
0x81: {  	_ =	shalt  }
0x82: {  	_ =	shalt  }
0x83: {  	_ =	shalt  }
0x84: {  	_ =	shalt  }
0x85: {  	_ =	shalt  }
0x86: {  	_ =	shalt  }
0x87: {  	_ =	shalt  }
.Lfunc_end0:
.L_simem_size_0:
called_computation.7_lowered:
.L_overlay_start_0:
0x88: {  	s2 =	sld [smem:$0x3FD9]  }
0x89: {  	s3 =	sld [smem:$0x3FFE];
	_ =	sdelay $0x1  }
0x8a: {  	s1 =	srdreg.scid  }
0x8b: {  	s0 =	sand.u32 $0x1, s1  }
0x8c: {  	s16 =	sshll.u32 s0, $0xA;
	s2 =	sadd.s32 s3, s2  }
0x8d: {  	s2 =	sadd.s32 s2, s16  }
0x8e: {  	[smem:$0x3FB4] =	sst s2  }
0x8f: {  	_ = 	snop  }
0x90: {  	(tm) =	ssettm $0x1  }
0x91: {  	s17 =	sld [smem:$0x3FFB];
	_ =	sdelay $0x3  }
0x92: {  	_ =	strace s17  }
0x93: {  	s2 =	sld [smem:$0x3FFC];
	_ =	sdelay $0x3  }
0x94: {  	_ =	strace s2  }
0x95: {  	s2 =	sld [smem:$0x3FFD];
	_ =	sdelay $0x3  }
0x96: {  	_ =	strace s2  }
0x97: {  	_ =	strace $0x8FFFFFFF  }
0x98: {  	s18 =	sld [smem:$0x3FDB];
	_ =	sdelay $0x1  }
0x99: {  	s19 =	simm.s32 $_scs_section_size  }
0x9a: {  	s4 =	simm.s32 $_size__tile_overlayer_lowered;
	s5 =	simm.s32 $_tile_overlayer_lowered  }
0x9b: {  	s22 =	simm.s32 $0x1BFF;
	s21 =	sshll.u32 s5, $0x1;
	s2 =	sadd.s32 s19, s18  }
0x9c: {  	s6 =	simm.s32 $0x0;
	s20 =	sshll.u32 s4, $0x1;
	s4 =	sadd.s32 s21, s2  }
0x9d: {  	[timem:s6], [sflag:s22] =	dma.local [hbm:s4], s20  }
0x9e: {  	_ =	swait.ge [sflag:s22], s20  }
0x9f: {  	s3 =	ssub.s32 $0x0, s20;
	[sflag:s22] =	ssyncset.done $0x0  }
0xa0: {  	[sflag:s22] =	ssyncadd.s32 s3;
	_ =	sdelay $0x1  }
0xa1: {  	s23 =	simm.s32 $0x1B8B  }
0xa2: {  	_ =	swait.ge [sflag:s23], $0x1  }
0xa3: {  	[sflag:s23] =	ssyncset.done $0x0  }
0xa4: {  	s25 =	simm.s32 $0x1B8E;
	s24 =	sld [smem:$0x3FFE];
	[sflag:s23] =	ssyncadd.s32 $0xFFFFFFFF  }
0xa5: {  	s26 =	simm.s32 $execute0_lowered;
	[smem:$0x3FD2] =	sst s25  }
0xa6: {  	s4 =	sshll.u32 s26, $0x1;
	_ =	strace $0x8000005B;
	[dreg:$0x1] =	wrdreg $0xFFFFFFFF  }
0xa7: {  	s28 =	simm.s32 $_size_execute0_lowered;
	s2 =	sadd.s32 s2, s4;
	[dreg:$0x0] =	wrdreg $0x0  }
0xa8: {  	s4 =	sshll.u32 s28, $0x1;
	[dreg:$0x2] =	wrdreg s2  }
0xa9: {  	[dreg:$0x3] =	wrdreg s4  }
0xaa: {  	[dreg:$0x4] =	wrdreg $0xC0  }
0xab: {  	_ =	task [dreg:s6], $0x5FFFF  }
0xac: {  	[dreg:$0x1] =	wrdreg $0xFFFFFFFF  }
0xad: {  	[dreg:$0x0] =	wrdreg $0x60  }
0xae: {  	[dreg:$0x2] =	wrdreg s24  }
0xaf: {  	[dreg:$0x3] =	wrdreg $0x9  }
0xb0: {  	_ =	task.clear_ibuf [dreg:s6], $0x4FFFF;
	_ =	strace $0x9000005B  }
0xb1: {  	s29 =	simm.s32 $0x9;
	_ =	strace $0x8000005D  }
0xb2: {  	_ =	swait.ge [sflag:s29], $0x1  }
0xb3: {  	[sflag:s29] =	ssyncadd.s32 $0xFFFFFFFF  }
0xb4: {  	_ =	strace $0x9000005D  }
0xb5: {  	_ =	sfence  }
0xb6: {  	s30 =	sld [smem:$0x0];
	_ =	sdelay $0x2  }
0xb7: {  	s31 =	sshll.u32 s1, $0xD;
	s1 =	sshrl.u32 s1, $0x2  }
0xb8: {  	s3 =	sand.u32 $0x4000, s31;
	s1 =	sadd.s32 s1, s30  }
0xb9: {  	s0 =	sor.u32 s3, s0;
	s1 =	sshll.u32 s1, $0x11  }
0xba: {  	s0 =	sor.u32 s1, s0  }
0xbb: {  	s0 =	sadd.s32 $0x8F2B, s0  }
0xbc: {  	[sflag:s0] =	ssyncadd.remote.s32 $0x1  }
0xbd: {  	_ =	sfence.sel $0xFFFF  }
0xbe: {  	[dreg:$0x0] =	wrdreg $0xFFFFFFFF;
	(pc) =	sbr.abs _section_cstart, $3  }
0xbf: {  	[dreg:$0x1] =	wrdreg $0xFFFFFFFF  }
0xc0: {  	_ =	task.clear_ibuf [dreg:s6], $0x2FFFF;
	_ =	strace $0x9FFFFFFF  }
0xc1: {  	(tm) =	ssettm $0x7FFFFFFF  }
tec
execute0_lowered:
.L_overlay_start_1:
0x0: {  	(tag) =	ssettag $0x1  }
0x1: {  	s1 =	srdreg.scid  }
0x2: {  	s0 =	stileid.u32;
	s5 =	rddreg [dreg:$0x0];
	s2 =	simm.s32 $0x0  }
0x3: {  	s11 =	simm.s32 $0x400;
	s12 =	simm.s32 $0x800;
	s13 =	simm.s32 $0x8800  }
0x4: {  	s14 =	simm.s32 $0x1;
	s15 =	simm.s32 $0x2;
	s4 =	smul.u32 $0x2800, s0  }
0x5: {  	s3 =	sand.u32 $0x1, s1;
	s1 =	rddreg [dreg:$0x1];
	s29 =	smul.u32 $0xA000, s0  }
0x6: {  	s16 =	simm.s32 $0x0;
	[smem:$0x7FF] =	sst s2;
	s6 =	smul.u32 $0x1400, s3  }
0x7: {  	_ =	strace $0x8000005C;
	s7 =	ssub.s32 $0x2, s3;
	s8 =	smul.u32 $0x5000, s3  }
0x8: {  	s3 =	sadd.s32 $0x1BD000, s5;
	s10 =	sshrl.u32 s7, $0x1;
	s4 =	sadd.s32 s6, s4  }
0x9: {  	s6 =	sadd.s32 s29, s5;
	s30 =	ssub.s32 s7, s10;
	s4 =	sshrl.u32 s4, $0x3  }
0xa: {  	s10 =	simm.s32 $0x3;
	s31 =	sadd.s32 s8, s6;
	s9 =	sadd.s32 s4, s5  }
0xb: {  	s4 =	sadd.s32 $0x186000, s5;
	s5 =	smax.u32 s30, $0x1;
	s6 =	sadd.s32 $0x13C00, s31  }
0xc: {  	s7 =	sadd.s32 $0x1C7000, s31;
	s8 =	sadd.s32 $0x190000, s9;
	s9 =	sadd.s32 $0xEC00, s9  }
.LBB2_1:
0xd: {  	s17 =	sadd.s32 $0x0, s9  }
0xe: {  	[tilespmem:s2], [sflag:$0x3] =	stream.linear.gather [hbm4b:s17+s2], $0x400, $0x38;
	[tilespmem:$0x10800] =	vst v63  }
0xf: {  	_ =	swait.ge [sflag:s10], $0x400  }
0x10: {  	[sflag:s10] =	ssyncset.done $0x0  }
0x11: {  	s31 =	sadd.s32 $0x0, s8;
	[sflag:s10] =	ssyncadd.s32 $0xFFFFFC00  }
0x12: {  	[tilespmem:s11], [sflag:$0x3] =	stream.linear.gather [hbm4b:s31+s2], $0x400, $0x38;
	[tilespmem:$0x10800] =	vst v63  }
0x13: {  	_ =	swait.ge [sflag:s10], $0x400  }
0x14: {  	[sflag:s10] =	ssyncset.done $0x0  }
0x15: {  	[sflag:s10] =	ssyncadd.s32 $0xFFFFFC00  }
0x16: {  	[tilespmem:s12], [sflag:$0x1] =	stream.indirect.gather [hbm4b:s3+s11], $0x20, s2, s11, $0xb8;
	[tilespmem:$0x10800] =	vst v63  }
0x17: {  	_ = 	snop  }
0x18: {  	[tilespmem:s13], [sflag:$0x2] =	stream.indirect.gather [hbm4b:s4+s11], $0x20, s11, s11, $0xb8;
	[tilespmem:$0x10800] =	vst v63  }
0x19: {  	_ =	swait.ge [sflag:s14], $0x8000  }
0x1a: {  	[sflag:s14] =	ssyncset.done $0x0  }
0x1b: {  	[sflag:s14] =	ssyncadd.s32 $0xFFFF8000  }
0x1c: {  	_ =	swait.ge [sflag:s15], $0x8000  }
0x1d: {  	[sflag:s15] =	ssyncset.done $0x0  }
0x1e: {  	[sflag:s15] =	ssyncadd.s32 $0xFFFF8000  }
0x1f: {  	[hbm4b:s7+s2] =	stream.linear.scatter [tilespmem:s12], [sflag:$0x3], $0x8000, $0x38;
	[tilespmem:$0x10800] =	vst v63  }
0x20: {  	_ =	swait.ge [sflag:s10], $0x8000  }
0x21: {  	[sflag:s10] =	ssyncset.done $0x0  }
0x22: {  	[sflag:s10] =	ssyncadd.s32 $0xFFFF8000  }
0x23: {  	[hbm4b:s6+s2] =	stream.linear.scatter [tilespmem:s13], [sflag:$0x3], $0x8000, $0x38;
	[tilespmem:$0x10800] =	vst v63  }
0x24: {  	s19 =	simm.s32 $0x80;
	s20 =	simm.s32 $0x100;
	_ =	swait.ge [sflag:s10], $0x8000  }
0x25: {  	s18 =	sadd.s32 $0x1000, s7;
	s17 =	sadd.s32 $0x1000, s6;
	[sflag:s10] =	ssyncset.done $0x0  }
.LBB2_2:
0x26: {  	s21 =	sadd.s32 s19, s9  }
0x27: {  	[sflag:s10] =	ssyncadd.s32 $0xFFFF8000;
	s22 =	smov.u32 s20;
	s23 =	sadd.s32 $0x80, s20  }
0x28: {  	[tilespmem:s2], [sflag:$0x3] =	stream.linear.gather [hbm4b:s21+s2], $0x400, $0x38;
	[tilespmem:$0x10800] =	vst v63  }
0x29: {  	p0 =	sne.s32 s20, $0x200;
	_ =	swait.ge [sflag:s10], $0x400  }
0x2a: {  	[sflag:s10] =	ssyncset.done $0x0  }
0x2b: {  	s20 =	sadd.s32 s19, s8;
	s19 =	smov.u32 s22;
	[sflag:s10] =	ssyncadd.s32 $0xFFFFFC00  }
0x2c: {  	[tilespmem:s11], [sflag:$0x3] =	stream.linear.gather [hbm4b:s20+s2], $0x400, $0x38;
	[tilespmem:$0x10800] =	vst v63  }
0x2d: {  	_ =	swait.ge [sflag:s10], $0x400  }
0x2e: {  	[sflag:s10] =	ssyncset.done $0x0  }
0x2f: {  	[sflag:s10] =	ssyncadd.s32 $0xFFFFFC00  }
0x30: {  	[tilespmem:s12], [sflag:$0x1] =	stream.indirect.gather [hbm4b:s3+s11], $0x20, s2, s11, $0xb8;
	[tilespmem:$0x10800] =	vst v63  }
0x31: {  	_ = 	snop  }
0x32: {  	[tilespmem:s13], [sflag:$0x2] =	stream.indirect.gather [hbm4b:s4+s11], $0x20, s11, s11, $0xb8;
	[tilespmem:$0x10800] =	vst v63  }
0x33: {  	_ =	swait.ge [sflag:s14], $0x8000  }
0x34: {  	[sflag:s14] =	ssyncset.done $0x0  }
0x35: {  	[sflag:s14] =	ssyncadd.s32 $0xFFFF8000  }
0x36: {  	_ =	swait.ge [sflag:s15], $0x8000  }
0x37: {  	[sflag:s15] =	ssyncset.done $0x0  }
0x38: {  	[sflag:s15] =	ssyncadd.s32 $0xFFFF8000  }
0x39: {  	[hbm4b:s18+s2] =	stream.linear.scatter [tilespmem:s12], [sflag:$0x3], $0x8000, $0x38;
	[tilespmem:$0x10800] =	vst v63  }
0x3a: {  	_ =	swait.ge [sflag:s10], $0x8000  }
.Ltmp0:
0x3b: {  	[sflag:s10] =	ssyncset.done $0x0;
	(pc) =	sbr.rel @p0 .LBB2_2-.Ltmp0, $4  }
0x3c: {  	[sflag:s10] =	ssyncadd.s32 $0xFFFF8000  }
0x3d: {  	[hbm4b:s17+s2] =	stream.linear.scatter [tilespmem:s13], [sflag:$0x3], $0x8000, $0x38;
	[tilespmem:$0x10800] =	vst v63  }
0x3e: {  	s20 =	smov.u32 s23;
	_ =	swait.ge [sflag:s10], $0x8000  }
0x3f: {  	s18 =	sadd.s32 $0x1000, s18;
	s17 =	sadd.s32 $0x1000, s17;
	[sflag:s10] =	ssyncset.done $0x0  }
0x40: {  	s20 =	sadd.s32 s19, s9;
	[sflag:s10] =	ssyncadd.s32 $0xFFFF8000  }
0x41: {  	[tilespmem:s2], [sflag:$0x3] =	stream.linear.gather [hbm4b:s20+s2], $0x400, $0x38;
	[tilespmem:$0x10800] =	vst v63  }
0x42: {  	_ =	swait.ge [sflag:s10], $0x400  }
0x43: {  	[sflag:s10] =	ssyncset.done $0x0  }
0x44: {  	s31 =	sadd.s32 s19, s8;
	[sflag:s10] =	ssyncadd.s32 $0xFFFFFC00  }
0x45: {  	[tilespmem:s11], [sflag:$0x3] =	stream.linear.gather [hbm4b:s31+s2], $0x400, $0x38;
	[tilespmem:$0x10800] =	vst v63  }
0x46: {  	_ =	swait.ge [sflag:s10], $0x400  }
0x47: {  	[sflag:s10] =	ssyncset.done $0x0  }
0x48: {  	[sflag:s10] =	ssyncadd.s32 $0xFFFFFC00  }
0x49: {  	[tilespmem:s12], [sflag:$0x1] =	stream.indirect.gather [hbm4b:s3+s11], $0x20, s2, s11, $0xb8;
	[tilespmem:$0x10800] =	vst v63  }
0x4a: {  	_ = 	snop  }
0x4b: {  	[tilespmem:s13], [sflag:$0x2] =	stream.indirect.gather [hbm4b:s4+s11], $0x20, s11, s11, $0xb8;
	[tilespmem:$0x10800] =	vst v63  }
0x4c: {  	_ =	swait.ge [sflag:s14], $0x8000  }
0x4d: {  	[sflag:s14] =	ssyncset.done $0x0  }
0x4e: {  	[sflag:s14] =	ssyncadd.s32 $0xFFFF8000  }
0x4f: {  	_ =	swait.ge [sflag:s15], $0x8000  }
0x50: {  	[sflag:s15] =	ssyncset.done $0x0  }
0x51: {  	[sflag:s15] =	ssyncadd.s32 $0xFFFF8000  }
0x52: {  	[hbm4b:s18+s2] =	stream.linear.scatter [tilespmem:s12], [sflag:$0x3], $0x8000, $0x38;
	[tilespmem:$0x10800] =	vst v63  }
0x53: {  	s16 =	sadd.s32 $0x1, s16;
	_ =	swait.ge [sflag:s10], $0x8000  }
0x54: {  	p0 =	sne.s32 s16, s5;
	[sflag:s10] =	ssyncset.done $0x0  }
.Ltmp1:
0x55: {  	[sflag:s10] =	ssyncadd.s32 $0xFFFF8000;
	(pc) =	sbr.rel @p0 .LBB2_1-.Ltmp1, $4  }
0x56: {  	[hbm4b:s17+s2] =	stream.linear.scatter [tilespmem:s13], [sflag:$0x3], $0x8000, $0x38;
	[tilespmem:$0x10800] =	vst v63  }
0x57: {  	_ =	swait.ge [sflag:s10], $0x8000  }
0x58: {  	[sflag:s10] =	ssyncset.done $0x0  }
0x59: {  	[sflag:s10] =	ssyncadd.s32 $0xFFFF8000  }
0x5a: {  	_ =	sfence.sel $0x180000  }
0x5b: {  	[bflag:$0x0] =	sbarrier.arrive $0xFFFF  }
0x5c: {  	p0 =	sne.s32 s0, $0x0;
	_ =	strace $0x9000005C  }
0x5d: {  	s0 =	sadd.s32 @!p0 $0x100000, s1;
	[bflag:$0x2] =	sbarrier.arrive $0xFFFF  }
0x5e: {  	[sflag:s0] =	ssyncadd.tile.s32 @!p0 $0x1;
	_ =	shalt  }
.Lfunc_end2:
_tile_overlayer_lowered:
.L_overlay_start_2:
0x5f: {  	(tag) =	ssettag $0x2  }
0x60: {  	s0 =	rddreg [dreg:$0x0];
	s2 =	stileid.u32  }
0x61: {  	s1 =	rddreg [dreg:$0x1];
	p0 =	sne.s32 s2, $0x0  }
0x62: {  	s3 =	rddreg [dreg:$0x2];
	[bflag:$0x3] =	sbarrier.arrive $0xFFFF;
	s2 =	simm.s32 @!p0 $0x1C03  }
0x63: {  	[timem:s3], [sflag:s2] =	dma.local @!p0 [hbm:s0], s1  }
0x64: {  	s0 =	simm.s32 @!p0 $0x3  }
0x65: {  	_ =	swait.ge @!p0 [sflag:s0], s1  }
0x66: {  	s1 =	ssub.s32 @!p0 $0x0, s1;
	[sflag:s0] =	ssyncset.done @!p0 $0x0  }
0x67: {  	[sflag:s0] =	ssyncadd.s32 @!p0 s1  }
0x68: {  	[bflag:$0x3] =	sbarrier.arrive $0xFFFF  }
0x69: {  	_ =	shalt  }

// kernel: kernel.45.cloned.1.call-start
scs
__scs_entry_jumppad:
0x0: {  	(pc) =	sbr.rel $0x88, $3  }
0x1: {  	(tag) =	ssettag $0x0;
	lr =	simm.s32 $0x1  }
0x2: {  	[smem:$0x3F8D] =	sst lr;
	_ =	strace $0xD0000000  }
0x3: {  	_ = 	snop  }
0x4: {  	_ = 	snop  }
0x5: {  	_ = 	snop  }
0x6: {  	_ = 	snop  }
0x7: {  	_ = 	snop  }
__scs_overlays_trampoline_lowered:
0x8: {  	[smem:$0x3F9C] =	sst s0  }
0x9: {  	[smem:$0x3F9D] =	sst s1  }
0xa: {  	[smem:$0x3F9E] =	sst s2  }
0xb: {  	[smem:$0x3F9F] =	sst s3  }
0xc: {  	[smem:$0x3FA0] =	sst s4  }
0xd: {  	[smem:$0x3FA1] =	sst s5  }
0xe: {  	[smem:$0x3FA2] =	sst s6  }
0xf: {  	[smem:$0x3FA3] =	sst s7  }
0x10: {  	[smem:$0x3FA4] =	sst s8  }
0x11: {  	[smem:$0x3FA5] =	sst s9;
	s0 =	simm.s32 @!p0 $0x0  }
0x12: {  	s1 =	sld [smem:$0x3F8B];
	s0 =	simm.s32 @p0 $0x1  }
0x13: {  	[smem:$0x3FA6] =	sst s0;
	s0 =	simm.s32 @!p1 $0x0  }
0x14: {  	s2 =	sld [smem:$0x3F8A];
	s0 =	simm.s32 @p1 $0x1  }
0x15: {  	[smem:$0x3FA7] =	sst s0;
	s0 =	simm.s32 @!p2 $0x0  }
0x16: {  	s3 =	sld [smem:$0x3FDB];
	s0 =	simm.s32 @p2 $0x1  }
0x17: {  	s4 =	simm.s32 $0x1BF5;
	[smem:$0x3FA9] =	sst s0  }
0x18: {  	s0 =	sld [smem:$0x3F8C];
	_ =	swait.ge [sflag:s4], $0x0  }
0x19: {  	s7 =	sld [smem:$0x3F8D]  }
0x1a: {  	s8 =	sadd.s32 $0xFFFFE003, lr  }
0x1b: {  	s9 =	sadd.s32 $0xFFFFFEF7, lr;
	s5 =	simm.s32 $0xFFFFFFFF;
	p2 =	slt.u32 s8, $0xFFFFF086  }
0x1c: {  	p1 =	slt.u32 s9, $0xF7A;
	s5 =	simm.s32 @!p2 $0x0  }
0x1d: {  	s5 =	simm.s32 @p1 $0x1;
	p0 =	seq.s32 s7, s2  }
0x1e: {  	s7 =	smul.u32 @!p0 $0xF7A, s2;
	p2 =	seq.s32 @!p0 s5, $0x0  }
0x1f: {  	s9 =	smul.u32 $0xF7A, s1;
	s8 =	simm.s32 @!p0 $0x1BF5;
	p2 =	por !p2, p0  }
0x20: {  	[sflag:s8] =	ssyncset.s32 @!p0 $0xFFFFF086;
	s6 =	sadd.s32 @!p0 s3, s7;
	s7 =	simm.s32 @!p0 $0x108  }
0x21: {  	s3 =	sadd.s32 s3, s9;
	s6 =	sadd.s32 @!p0 $0x88, s6;
	s7 =	simm.s32 @p2 $0x1082  }
0x22: {  	[simem:s7], [sflag:s8] =	dma.local @!p0 [hbm:s6], $0xF7A  }
0x23: {  	s9 =	sor.u32 $0xD0000000, s2;
	s6 =	simm.s32 $0x108;
	_ =	swait.ge @!p0 [sflag:s8], $0x0  }
0x24: {  	s3 =	sadd.s32 $0x88, s3;
	s6 =	simm.s32 @!p1 $0x1082;
	[sflag:s4] =	ssyncset.s32 $0xFFFFF086  }
0x25: {  	[simem:s6], [sflag:s4] =	dma.local [hbm:s3], $0xF7A  }
0x26: {  	[smem:$0x3F8D] =	sst s1;
	(tag) =	ssettag s2;
	_ =	strace s9  }
0x27: {  	s1 =	sld [smem:$0x3F9D]  }
0x28: {  	s2 =	sld [smem:$0x3F9E]  }
0x29: {  	s4 =	sld [smem:$0x3FA0]  }
0x2a: {  	p0 =	seq.s32 s5, $0x0;
	s5 =	sld [smem:$0x3FA1]  }
0x2b: {  	s6 =	sld [smem:$0x3FA2]  }
0x2c: {  	s7 =	sld [smem:$0x3FA3]  }
0x2d: {  	s3 =	simm.s32 $0x108;
	s8 =	sld [smem:$0x3FA4]  }
0x2e: {  	s3 =	simm.s32 @!p0 $0x1082;
	s9 =	sld [smem:$0x3FA5]  }
0x2f: {  	lr =	sadd.s32 s0, s3;
	s0 =	sld [smem:$0x3F9C]  }
0x30: {  	s3 =	sld [smem:$0x3F9F]  }
0x31: {  	[smem:$0x3FA8] =	sst s10  }
0x32: {  	s10 =	sld [smem:$0x3FA6];
	_ =	sdelay $0x3  }
0x33: {  	p0 =	seq.s32 s10, $0x1;
	s10 =	sld [smem:$0x3FA8];
	_ =	sdelay $0x3  }
0x34: {  	[smem:$0x3FA8] =	sst s10  }
0x35: {  	s10 =	sld [smem:$0x3FA7];
	_ =	sdelay $0x3  }
0x36: {  	p1 =	seq.s32 s10, $0x1;
	s10 =	sld [smem:$0x3FA8];
	_ =	sdelay $0x3  }
0x37: {  	[smem:$0x3FA8] =	sst s10  }
0x38: {  	s10 =	sld [smem:$0x3FA9]  }
0x39: {  	_ = 	snop;
	(pc) =	sbr.ind lr, $3  }
0x3a: {  	_ = 	snop  }
0x3b: {  	_ = 	snop  }
0x3c: {  	p2 =	seq.s32 s10, $0x1;
	s10 =	sld [smem:$0x3FA8]  }
0x3d: {  	_ =	shalt  }
0x3e: {  	_ =	shalt  }
0x3f: {  	_ =	shalt  }
0x40: {  	_ =	shalt  }
0x41: {  	_ =	shalt  }
0x42: {  	_ =	shalt  }
0x43: {  	_ =	shalt  }
0x44: {  	_ =	shalt  }
0x45: {  	_ =	shalt  }
0x46: {  	_ =	shalt  }
0x47: {  	_ =	shalt  }
0x48: {  	_ =	shalt  }
0x49: {  	_ =	shalt  }
0x4a: {  	_ =	shalt  }
0x4b: {  	_ =	shalt  }
0x4c: {  	_ =	shalt  }
0x4d: {  	_ =	shalt  }
0x4e: {  	_ =	shalt  }
0x4f: {  	_ =	shalt  }
0x50: {  	_ =	shalt  }
0x51: {  	_ =	shalt  }
0x52: {  	_ =	shalt  }
0x53: {  	_ =	shalt  }
0x54: {  	_ =	shalt  }
0x55: {  	_ =	shalt  }
0x56: {  	_ =	shalt  }
0x57: {  	_ =	shalt  }
0x58: {  	_ =	shalt  }
0x59: {  	_ =	shalt  }
0x5a: {  	_ =	shalt  }
0x5b: {  	_ =	shalt  }
0x5c: {  	_ =	shalt  }
0x5d: {  	_ =	shalt  }
0x5e: {  	_ =	shalt  }
0x5f: {  	_ =	shalt  }
0x60: {  	_ =	shalt  }
0x61: {  	_ =	shalt  }
0x62: {  	_ =	shalt  }
0x63: {  	_ =	shalt  }
0x64: {  	_ =	shalt  }
0x65: {  	_ =	shalt  }
0x66: {  	_ =	shalt  }
0x67: {  	_ =	shalt  }
0x68: {  	_ =	shalt  }
0x69: {  	_ =	shalt  }
0x6a: {  	_ =	shalt  }
0x6b: {  	_ =	shalt  }
0x6c: {  	_ =	shalt  }
0x6d: {  	_ =	shalt  }
0x6e: {  	_ =	shalt  }
0x6f: {  	_ =	shalt  }
0x70: {  	_ =	shalt  }
0x71: {  	_ =	shalt  }
0x72: {  	_ =	shalt  }
0x73: {  	_ =	shalt  }
0x74: {  	_ =	shalt  }
0x75: {  	_ =	shalt  }
0x76: {  	_ =	shalt  }
0x77: {  	_ =	shalt  }
0x78: {  	_ =	shalt  }
0x79: {  	_ =	shalt  }
0x7a: {  	_ =	shalt  }
0x7b: {  	_ =	shalt  }
0x7c: {  	_ =	shalt  }
0x7d: {  	_ =	shalt  }
0x7e: {  	_ =	shalt  }
0x7f: {  	_ =	shalt  }
0x80: {  	_ =	shalt  }
0x81: {  	_ =	shalt  }
0x82: {  	_ =	shalt  }
0x83: {  	_ =	shalt  }
0x84: {  	_ =	shalt  }
0x85: {  	_ =	shalt  }
0x86: {  	_ =	shalt  }
0x87: {  	_ =	shalt  }
.Lfunc_end0:
.L_simem_size_0:
called_computation.8_lowered:
.L_overlay_start_0:
0x88: {  	s2 =	sld [smem:$0x3FD9]  }
0x89: {  	s3 =	sld [smem:$0x3FFE];
	_ =	sdelay $0x1  }
0x8a: {  	s1 =	srdreg.scid  }
0x8b: {  	s0 =	sand.u32 $0x1, s1  }
0x8c: {  	s16 =	sshll.u32 s0, $0xA;
	s2 =	sadd.s32 s3, s2  }
0x8d: {  	s2 =	sadd.s32 s2, s16  }
0x8e: {  	[smem:$0x3FB4] =	sst s2  }
0x8f: {  	_ = 	snop  }
0x90: {  	(tm) =	ssettm $0x1  }
0x91: {  	s17 =	sld [smem:$0x3FFB];
	_ =	sdelay $0x3  }
0x92: {  	_ =	strace s17  }
0x93: {  	s2 =	sld [smem:$0x3FFC];
	_ =	sdelay $0x3  }
0x94: {  	_ =	strace s2  }
0x95: {  	s2 =	sld [smem:$0x3FFD];
	_ =	sdelay $0x3  }
0x96: {  	_ =	strace s2  }
0x97: {  	_ =	strace $0x8FFFFFFF  }
0x98: {  	s18 =	sld [smem:$0x3FDB];
	_ =	sdelay $0x1  }
0x99: {  	s19 =	simm.s32 $_scs_section_size  }
0x9a: {  	s4 =	simm.s32 $_size__tile_overlayer_lowered;
	s5 =	simm.s32 $_tile_overlayer_lowered  }
0x9b: {  	s22 =	simm.s32 $0x1BFF;
	s21 =	sshll.u32 s5, $0x1;
	s2 =	sadd.s32 s19, s18  }
0x9c: {  	s6 =	simm.s32 $0x0;
	s20 =	sshll.u32 s4, $0x1;
	s4 =	sadd.s32 s21, s2  }
0x9d: {  	[timem:s6], [sflag:s22] =	dma.local [hbm:s4], s20  }
0x9e: {  	_ =	swait.ge [sflag:s22], s20  }
0x9f: {  	s3 =	ssub.s32 $0x0, s20;
	[sflag:s22] =	ssyncset.done $0x0  }
0xa0: {  	[sflag:s22] =	ssyncadd.s32 s3;
	_ =	sdelay $0x1  }
0xa1: {  	s23 =	simm.s32 $0x1B8B  }
0xa2: {  	_ =	swait.ge [sflag:s23], $0x1  }
0xa3: {  	[sflag:s23] =	ssyncset.done $0x0  }
0xa4: {  	s25 =	simm.s32 $0x1B8E;
	s24 =	sld [smem:$0x3FFE];
	[sflag:s23] =	ssyncadd.s32 $0xFFFFFFFF  }
0xa5: {  	s26 =	simm.s32 $execute0_lowered;
	[smem:$0x3FD2] =	sst s25  }
0xa6: {  	s4 =	sshll.u32 s26, $0x1;
	_ =	strace $0x8000005E;
	[dreg:$0x1] =	wrdreg $0xFFFFFFFF  }
0xa7: {  	s28 =	simm.s32 $_size_execute0_lowered;
	s2 =	sadd.s32 s2, s4;
	[dreg:$0x0] =	wrdreg $0x0  }
0xa8: {  	s4 =	sshll.u32 s28, $0x1;
	[dreg:$0x2] =	wrdreg s2  }
0xa9: {  	[dreg:$0x3] =	wrdreg s4  }
0xaa: {  	[dreg:$0x4] =	wrdreg $0xC0  }
0xab: {  	_ =	task [dreg:s6], $0x5FFFF  }
0xac: {  	[dreg:$0x1] =	wrdreg $0xFFFFFFFF  }
0xad: {  	[dreg:$0x0] =	wrdreg $0x60  }
0xae: {  	[dreg:$0x2] =	wrdreg s24  }
0xaf: {  	[dreg:$0x3] =	wrdreg $0x88000  }
0xb0: {  	[dreg:$0x4] =	wrdreg $0xD8000  }
0xb1: {  	[dreg:$0x5] =	wrdreg $0x9  }
0xb2: {  	_ =	task.clear_ibuf [dreg:s6], $0x6FFFF;
	_ =	strace $0x9000005E  }
0xb3: {  	s29 =	simm.s32 $0x9;
	_ =	strace $0x80000060  }
0xb4: {  	_ =	swait.ge [sflag:s29], $0x1  }
0xb5: {  	[sflag:s29] =	ssyncadd.s32 $0xFFFFFFFF  }
0xb6: {  	_ =	strace $0x90000060  }
0xb7: {  	_ =	sfence  }
0xb8: {  	s30 =	sld [smem:$0x0];
	_ =	sdelay $0x2  }
0xb9: {  	s31 =	sshll.u32 s1, $0xD;
	s1 =	sshrl.u32 s1, $0x2  }
0xba: {  	s3 =	sand.u32 $0x4000, s31;
	s1 =	sadd.s32 s1, s30  }
0xbb: {  	s0 =	sor.u32 s3, s0;
	s1 =	sshll.u32 s1, $0x11  }
0xbc: {  	s0 =	sor.u32 s1, s0  }
0xbd: {  	s0 =	sadd.s32 $0x8F2B, s0  }
0xbe: {  	[sflag:s0] =	ssyncadd.remote.s32 $0x1  }
0xbf: {  	_ =	sfence.sel $0xFFFF  }
0xc0: {  	[dreg:$0x0] =	wrdreg $0xFFFFFFFF;
	(pc) =	sbr.abs _section_cstart, $3  }
0xc1: {  	[dreg:$0x1] =	wrdreg $0xFFFFFFFF  }
0xc2: {  	_ =	task.clear_ibuf [dreg:s6], $0x2FFFF;
	_ =	strace $0x9FFFFFFF  }
0xc3: {  	(tm) =	ssettm $0x7FFFFFFF  }
tec
execute0_lowered:
.L_overlay_start_1:
0x0: {  	(tag) =	ssettag $0x1  }
0x1: {  	s5 =	rddreg [dreg:$0x0]  }
0x2: {  	s0 =	srdreg.scid;
	s1 =	rddreg [dreg:$0x1]  }
0x3: {  	s14 =	stileid.u32;
	s2 =	rddreg [dreg:$0x2]  }
0x4: {  	s3 =	simm.s32 $0x0;
	s13 =	simm.s32 $0x400;
	s4 =	smul.u32 $0x2800, s14  }
0x5: {  	s15 =	simm.s32 $0x800;
	s19 =	simm.s32 $0x0;
	s8 =	smul.u32 $0xA000, s14  }
0x6: {  	s6 =	sand.u32 $0x1, s0;
	s0 =	rddreg [dreg:$0x3];
	s9 =	smul.u32 $0x5000, s14  }
0x7: {  	[smem:$0x7FF] =	sst s3;
	p0 =	sne.s32 s14, $0x0;
	s7 =	smul.u32 $0x1400, s6  }
0x8: {  	s16 =	sshll.u32 s14, $0x6;
	s14 =	simm.s32 $0x1;
	s30 =	smul.u32 $0xA0000, s6  }
0x9: {  	_ =	strace $0x8000005F;
	s11 =	ssub.s32 $0x2, s6;
	s12 =	smul.u32 $0x5000, s6  }
0xa: {  	s16 =	sor.u32 $0x1C01, s16;
	s8 =	sadd.s32 s8, s5;
	s31 =	sshrl.u32 s11, $0x1  }
0xb: {  	s17 =	sadd.s32 s9, s1;
	s18 =	sadd.s32 s9, s2;
	s4 =	sadd.s32 s7, s4  }
0xc: {  	s7 =	sadd.s32 s9, s30;
	s11 =	ssub.s32 s11, s31;
	s8 =	sadd.s32 s12, s8  }
0xd: {  	s12 =	sshrl.u32 @!p0 s2, $0x3;
	s17 =	sshrl.u32 s17, $0x3;
	s18 =	sshrl.u32 s18, $0x3  }
0xe: {  	s4 =	sshrl.u32 s4, $0x3;
	s7 =	sshrl.u32 s7, $0x3;
	s8 =	sadd.s32 $0x1BD000, s8  }
0xf: {  	s10 =	sadd.s32 s4, s5;
	s4 =	sadd.s32 $0x17C000, s5;
	s7 =	sadd.s32 s7, s5  }
0x10: {  	s5 =	sadd.s32 $0x25D000, s7;
	s6 =	sadd.s32 $0x267000, s7;
	s7 =	smax.u32 s11, $0x1  }
0x11: {  	s9 =	sadd.s32 $0xEC00, s10;
	s10 =	sadd.s32 $0x190000, s10;
	s11 =	sshrl.u32 @!p0 s1, $0x3  }
.LBB2_1:
0x12: {  	s20 =	simm.s32 @!p0 $0x1C01;
	s21 =	simm.s32 @!p0 $0x1  }
0x13: {  	[spmem:s11], [sflag:s20] =	dma.local @!p0 [hbm:s4], $0xA000  }
0x14: {  	_ =	swait.ge @!p0 [sflag:s21], $0xA000  }
0x15: {  	[sflag:s21] =	ssyncset.done @!p0 $0x0  }
0x16: {  	[sflag:s21] =	ssyncadd.s32 @!p0 $0xFFFF6000  }
0x17: {  	[spmem:s12], [sflag:s20] =	dma.local @!p0 [hbm:s4], $0xA000  }
0x18: {  	_ =	swait.ge @!p0 [sflag:s21], $0xA000  }
0x19: {  	[sflag:s21] =	ssyncset.done @!p0 $0x0  }
0x1a: {  	[sflag:s21] =	ssyncadd.s32 @!p0 $0xFFFF6000  }
0x1b: {  	s30 =	sadd.s32 $0x0, s10;
	[bflag:$0x0] =	sbarrier.arrive $0xFFFF  }
0x1c: {  	[tilespmem:s13], [sflag:$0x1] =	stream.linear.gather [hbm4b:s30+s3], $0x400, $0x38;
	[tilespmem:$0x12800] =	vst v63  }
0x1d: {  	_ =	swait.ge [sflag:s14], $0x400  }
0x1e: {  	[sflag:s14] =	ssyncset.done $0x0  }
0x1f: {  	s31 =	sadd.s32 $0x0, s9;
	[sflag:s14] =	ssyncadd.s32 $0xFFFFFC00  }
0x20: {  	[tilespmem:s3], [sflag:$0x1] =	stream.linear.gather [hbm4b:s31+s3], $0x400, $0x38;
	[tilespmem:$0x12800] =	vst v63  }
0x21: {  	_ =	swait.ge [sflag:s14], $0x400  }
0x22: {  	[sflag:s14] =	ssyncset.done $0x0  }
0x23: {  	[sflag:s14] =	ssyncadd.s32 $0xFFFFFC00  }
0x24: {  	[tilespmem:s15], [sflag:$0x1] =	stream.linear.gather [hbm4b:s8+s3], $0x8000, $0x38;
	[tilespmem:$0x12800] =	vst v63  }
0x25: {  	_ =	swait.ge [sflag:s14], $0x8000  }
0x26: {  	[sflag:s14] =	ssyncset.done $0x0  }
0x27: {  	[sflag:s14] =	ssyncadd.s32 $0xFFFF8000  }
0x28: {  	[spmem:s1] =	stream.indirect.scatter.add.f32 [tilespmem:s15], [sflag:$0x1], $0x20, s13, s13, $0xb8;
	[tilespmem:$0x12800] =	vst v63  }
0x29: {  	_ =	swait.ge [sflag:s14], $0x8000  }
0x2a: {  	[sflag:s14] =	ssyncset.done $0x0  }
0x2b: {  	[sflag:s14] =	ssyncadd.s32 $0xFFFF8000  }
0x2c: {  	[spmem:s2] =	stream.indirect.scatter.add.f32 [tilespmem:s15], [sflag:$0x1], $0x20, s3, s13, $0xb8;
	[tilespmem:$0x12800] =	vst v63  }
0x2d: {  	s22 =	simm.s32 $0x100;
	_ =	swait.ge [sflag:s14], $0x8000  }
0x2e: {  	s20 =	sadd.s32 $0x1000, s8;
	s21 =	simm.s32 $0x80;
	[sflag:s14] =	ssyncset.done $0x0  }
.LBB2_2:
0x2f: {  	s23 =	sadd.s32 s21, s10  }
0x30: {  	[sflag:s14] =	ssyncadd.s32 $0xFFFF8000;
	s24 =	smov.u32 s22;
	s25 =	sadd.s32 $0x80, s22  }
0x31: {  	[tilespmem:s13], [sflag:$0x1] =	stream.linear.gather [hbm4b:s23+s3], $0x400, $0x38;
	[tilespmem:$0x12800] =	vst v63  }
0x32: {  	p1 =	sne.s32 s22, $0x200;
	_ =	swait.ge [sflag:s14], $0x400  }
0x33: {  	[sflag:s14] =	ssyncset.done $0x0  }
0x34: {  	s22 =	sadd.s32 s21, s9;
	s21 =	smov.u32 s24;
	[sflag:s14] =	ssyncadd.s32 $0xFFFFFC00  }
0x35: {  	[tilespmem:s3], [sflag:$0x1] =	stream.linear.gather [hbm4b:s22+s3], $0x400, $0x38;
	[tilespmem:$0x12800] =	vst v63  }
0x36: {  	_ =	swait.ge [sflag:s14], $0x400  }
0x37: {  	[sflag:s14] =	ssyncset.done $0x0  }
0x38: {  	[sflag:s14] =	ssyncadd.s32 $0xFFFFFC00  }
0x39: {  	[tilespmem:s15], [sflag:$0x1] =	stream.linear.gather [hbm4b:s20+s3], $0x8000, $0x38;
	[tilespmem:$0x12800] =	vst v63  }
0x3a: {  	_ =	swait.ge [sflag:s14], $0x8000  }
0x3b: {  	[sflag:s14] =	ssyncset.done $0x0  }
0x3c: {  	[sflag:s14] =	ssyncadd.s32 $0xFFFF8000  }
0x3d: {  	[spmem:s1] =	stream.indirect.scatter.add.f32 [tilespmem:s15], [sflag:$0x1], $0x20, s13, s13, $0xb8;
	[tilespmem:$0x12800] =	vst v63  }
0x3e: {  	_ =	swait.ge [sflag:s14], $0x8000  }
.Ltmp0:
0x3f: {  	[sflag:s14] =	ssyncset.done $0x0;
	(pc) =	sbr.rel @p1 .LBB2_2-.Ltmp0, $4  }
0x40: {  	[sflag:s14] =	ssyncadd.s32 $0xFFFF8000  }
0x41: {  	[spmem:s2] =	stream.indirect.scatter.add.f32 [tilespmem:s15], [sflag:$0x1], $0x20, s3, s13, $0xb8;
	[tilespmem:$0x12800] =	vst v63  }
0x42: {  	_ =	swait.ge [sflag:s14], $0x8000  }
0x43: {  	s22 =	smov.u32 s25;
	s20 =	sadd.s32 $0x1000, s20;
	[sflag:s14] =	ssyncset.done $0x0  }
0x44: {  	s22 =	sadd.s32 s21, s10;
	[sflag:s14] =	ssyncadd.s32 $0xFFFF8000  }
0x45: {  	[tilespmem:s13], [sflag:$0x1] =	stream.linear.gather [hbm4b:s22+s3], $0x400, $0x38;
	[tilespmem:$0x12800] =	vst v63  }
0x46: {  	_ =	swait.ge [sflag:s14], $0x400  }
0x47: {  	[sflag:s14] =	ssyncset.done $0x0  }
0x48: {  	s31 =	sadd.s32 s21, s9;
	[sflag:s14] =	ssyncadd.s32 $0xFFFFFC00  }
0x49: {  	[tilespmem:s3], [sflag:$0x1] =	stream.linear.gather [hbm4b:s31+s3], $0x400, $0x38;
	[tilespmem:$0x12800] =	vst v63  }
0x4a: {  	_ =	swait.ge [sflag:s14], $0x400  }
0x4b: {  	[sflag:s14] =	ssyncset.done $0x0  }
0x4c: {  	[sflag:s14] =	ssyncadd.s32 $0xFFFFFC00  }
0x4d: {  	[tilespmem:s15], [sflag:$0x1] =	stream.linear.gather [hbm4b:s20+s3], $0x8000, $0x38;
	[tilespmem:$0x12800] =	vst v63  }
0x4e: {  	_ =	swait.ge [sflag:s14], $0x8000  }
0x4f: {  	[sflag:s14] =	ssyncset.done $0x0  }
0x50: {  	[sflag:s14] =	ssyncadd.s32 $0xFFFF8000  }
0x51: {  	[spmem:s1] =	stream.indirect.scatter.add.f32 [tilespmem:s15], [sflag:$0x1], $0x20, s13, s13, $0xb8;
	[tilespmem:$0x12800] =	vst v63  }
0x52: {  	_ =	swait.ge [sflag:s14], $0x8000  }
0x53: {  	[sflag:s14] =	ssyncset.done $0x0  }
0x54: {  	[sflag:s14] =	ssyncadd.s32 $0xFFFF8000  }
0x55: {  	[spmem:s2] =	stream.indirect.scatter.add.f32 [tilespmem:s15], [sflag:$0x1], $0x20, s3, s13, $0xb8;
	[tilespmem:$0x12800] =	vst v63  }
0x56: {  	_ =	swait.ge [sflag:s14], $0x8000  }
0x57: {  	[sflag:s14] =	ssyncset.done $0x0  }
0x58: {  	[sflag:s14] =	ssyncadd.s32 $0xFFFF8000  }
0x59: {  	[bflag:$0x0] =	sbarrier.arrive $0xFFFF  }
0x5a: {  	[hbm:s5], [sflag:s16] =	dma.local [spmem:s17], $0xA00  }
0x5b: {  	s19 =	sadd.s32 $0x1, s19;
	_ =	swait.ge [sflag:s14], $0xA00  }
0x5c: {  	p1 =	sne.s32 s19, s7;
	[sflag:s14] =	ssyncset.done $0x0  }
.Ltmp1:
0x5d: {  	[sflag:s14] =	ssyncadd.s32 $0xFFFFF600;
	(pc) =	sbr.rel @p1 .LBB2_1-.Ltmp1, $4  }
0x5e: {  	[hbm:s6], [sflag:s16] =	dma.local [spmem:s18], $0xA00  }
0x5f: {  	_ =	swait.ge [sflag:s14], $0xA00  }
0x60: {  	[sflag:s14] =	ssyncset.done $0x0  }
0x61: {  	[sflag:s14] =	ssyncadd.s32 $0xFFFFF600  }
0x62: {  	_ =	sfence.sel $0x180000  }
0x63: {  	[bflag:$0x0] =	sbarrier.arrive $0xFFFF  }
0x64: {  	_ =	strace $0x9000005F  }
0x65: {  	s0 =	sadd.s32 @!p0 $0x100000, s0;
	[bflag:$0x2] =	sbarrier.arrive $0xFFFF  }
0x66: {  	[sflag:s0] =	ssyncadd.tile.s32 @!p0 $0x1;
	_ =	shalt  }
.Lfunc_end2:
_tile_overlayer_lowered:
.L_overlay_start_2:
0x67: {  	(tag) =	ssettag $0x2  }
0x68: {  	s0 =	rddreg [dreg:$0x0];
	s2 =	stileid.u32  }
0x69: {  	s1 =	rddreg [dreg:$0x1];
	p0 =	sne.s32 s2, $0x0  }
0x6a: {  	s3 =	rddreg [dreg:$0x2];
	[bflag:$0x3] =	sbarrier.arrive $0xFFFF;
	s2 =	simm.s32 @!p0 $0x1C01  }
0x6b: {  	[timem:s3], [sflag:s2] =	dma.local @!p0 [hbm:s0], s1  }
0x6c: {  	s0 =	simm.s32 @!p0 $0x1  }
0x6d: {  	_ =	swait.ge @!p0 [sflag:s0], s1  }
0x6e: {  	s1 =	ssub.s32 @!p0 $0x0, s1;
	[sflag:s0] =	ssyncset.done @!p0 $0x0  }
0x6f: {  	[sflag:s0] =	ssyncadd.s32 @!p0 s1  }
0x70: {  	[bflag:$0x3] =	sbarrier.arrive $0xFFFF  }
0x71: {  	_ =	shalt  }

</sc_bundles>
